<compile_context>
chip_gen: v7x
topology: tpu7x:2x2x1
jax: 0.10.2.dev20260603
libtpu: 0.0.44.dev20260713+nightly
codegen_flags: <defaults>
</compile_context>

<pallas_src>
import functools

import jax
import jax.numpy as jnp
from jax import lax
from jax.experimental import pallas as pl
from jax.experimental.pallas import tpu as pltpu
from jax.experimental.pallas import tpu_sc as plsc

_NC, _NS = 2, 16
_CHUNK = 1000


def _sc_gather_call(table, idx_flat):
    R = idx_flat.shape[0]
    W = table.shape[1]
    nw = _NC * _NS
    b_per_w = R // nw
    n_ch = b_per_w // _CHUNK
    mesh = plsc.VectorSubcoreMesh(core_axis_name="c", subcore_axis_name="s")

    @functools.partial(
        pl.kernel,
        mesh=mesh,
        out_type=jax.ShapeDtypeStruct((R, W), jnp.float32),
        scratch_types=[
            pltpu.VMEM((_CHUNK,), jnp.int32),
            pltpu.VMEM((_CHUNK, W), jnp.float32),
            pltpu.SemaphoreType.DMA,
        ],
    )
    def k(t_hbm, i_hbm, o_hbm, idx_v, rows_v, sem):
        wid = lax.axis_index("s") * _NC + lax.axis_index("c")
        base = wid * b_per_w

        @pl.loop(0, n_ch)
        def _(c):
            off = base + c * _CHUNK
            pltpu.sync_copy(i_hbm.at[pl.ds(off, _CHUNK)], idx_v)
            pltpu.async_copy(t_hbm.at[idx_v], rows_v, sem).wait()
            pltpu.sync_copy(rows_v, o_hbm.at[pl.ds(off, _CHUNK)])

    return k(table, idx_flat)


def _tc_body(g_ref, opts_ref, w1_ref, b1_ref, w2_ref, b2_ref,
             w3_ref, b3_ref, wm_ref, bias_ref, esp_ref, out_ref):
    K = g_ref.shape[0]
    NB = g_ref.shape[1]
    KC = w3_ref.shape[1]
    C = wm_ref.shape[0] // KC
    opts = opts_ref[...]
    g2 = g_ref[...].reshape(K * NB, 128)
    rel = g2[:, C:C + 16] - jnp.tile(opts, (K, 1))
    h1 = jax.nn.relu(jnp.dot(rel, w1_ref[...],
                             preferred_element_type=jnp.float32) + b1_ref[...])
    h2 = jax.nn.relu(jnp.dot(h1, w2_ref[...],
                             preferred_element_type=jnp.float32) + b2_ref[...])
    dall = jax.nn.relu(jnp.dot(h2, w3_ref[...],
                               preferred_element_type=jnp.float32) + b3_ref[...])
    d3 = dall.reshape(K, NB, KC)
    accs = [None] * (KC // 2)
    for k in range(K):
        dsp = jnp.dot(d3[k], esp_ref[...], preferred_element_type=jnp.float32)
        f = g_ref[k][:, :C]
        f2 = jnp.concatenate([f, f], axis=1)
        for j2 in range(KC // 2):
            term = f2 * dsp[:, j2 * 2 * C:(j2 + 1) * 2 * C]
            accs[j2] = term if k == 0 else accs[j2] + term
    cat = jnp.concatenate(accs, axis=1)
    out = jnp.dot(cat, wm_ref[...], preferred_element_type=jnp.float32)
    out_ref[...] = out * (1.0 / K) + bias_ref[...]


def kernel(features, input_pts, neighbor_num, output_pts, normalize, indices_,
           weight, bias, centers, l1_W, l1_b, l2_W, l2_b, l3_W, l3_b):
    B, N, C = features.shape
    K = indices_.shape[2]
    D = input_pts.shape[2]
    KC = centers.shape[1]
    H1 = l1_W.shape[0]
    OUT = weight.shape[2]
    NB = 1000

    chunks = (2000, 4000, 8000, 16000, 20000)

    feats2d = features.reshape(N, C)
    pts2d = input_pts.reshape(N, D)
    table = jnp.concatenate(
        [feats2d, pts2d, jnp.zeros((N, 128 - C - D), jnp.float32)], axis=1)
    opts16 = jnp.pad(output_pts.reshape(N, D), ((0, 0), (0, 16 - D)))
    idx2d = indices_.reshape(N, K).astype(jnp.int32)

    w1eff = l1_W.reshape(H1, D, KC).sum(-1).T
    w1p = jnp.pad(w1eff, ((0, 16 - D), (0, 0)))
    b1eff = (l1_b - (l1_W.reshape(H1, D, KC) * centers[None]).sum((1, 2)))
    wm = weight.transpose(1, 0, 2).reshape(KC * C, OUT)
    esp = jnp.kron(jnp.eye(KC, dtype=jnp.float32),
                   jnp.ones((1, C), jnp.float32))

    def make_tc_call(nch):
        return pl.pallas_call(
            _tc_body,
            grid=(nch // NB,),
            in_specs=[
                pl.BlockSpec((K, NB, 128), lambda b: (0, b, 0)),
                pl.BlockSpec((NB, 16), lambda b: (b, 0)),
                pl.BlockSpec((16, H1), lambda b: (0, 0)),
                pl.BlockSpec((1, H1), lambda b: (0, 0)),
                pl.BlockSpec((H1, KC), lambda b: (0, 0)),
                pl.BlockSpec((1, KC), lambda b: (0, 0)),
                pl.BlockSpec((KC, KC), lambda b: (0, 0)),
                pl.BlockSpec((1, KC), lambda b: (0, 0)),
                pl.BlockSpec((KC * C, OUT), lambda b: (0, 0)),
                pl.BlockSpec((1, OUT), lambda b: (0, 0)),
                pl.BlockSpec((KC, KC * C), lambda b: (0, 0)),
            ],
            out_specs=pl.BlockSpec((NB, OUT), lambda b: (b, 0)),
            out_shape=jax.ShapeDtypeStruct((nch, OUT), jnp.float32),
        )

    outs = []
    n0 = 0
    for nch in chunks:
        idx_c = lax.slice(idx2d, (n0, 0), (n0 + nch, K)).T.reshape(-1)
        g3 = _sc_gather_call(table, idx_c).reshape(K, nch, 128)
        outs.append(make_tc_call(nch)(
            g3, lax.slice(opts16, (n0, 0), (n0 + nch, 16)),
            w1p, b1eff.reshape(1, H1), l2_W.T, l2_b.reshape(1, KC),
            l3_W.T, l3_b.reshape(1, KC), wm, bias.reshape(1, OUT), esp))
        n0 += nch
    out = jnp.concatenate(outs, axis=0)

    return (out.reshape(B, N, OUT), output_pts)

# --- scband reference (transcript-rebuilt; emitter-appended) ---
"""Pipeline reference for scband-pt-conv-23914377904591 (READ-ONLY COPY).

The authoritative reference and input builder live on the scoring server;
editing this copy changes nothing except your own understanding.
"""

import jax, jax.numpy as jnp
import numpy as np
import math

B, N, K, C, KC, D, OUT = 1, 50000, 16, 64, 16, 3, 64


def setup_inputs(seed: int = 0) -> dict:
    key = jax.random.key(seed)
    ks = jax.random.split(key, 12)
    inp = {}
    inp['features'] = jax.random.normal(ks[0], (B, N, C), dtype=jnp.float32)
    inp['input_pts'] = jax.random.normal(ks[1], (B, N, D), dtype=jnp.float32)
    inp['neighbor_num'] = 16
    inp['output_pts'] = jax.random.normal(ks[2], (B, N, D), dtype=jnp.float32)
    inp['normalize'] = False
    inp['indices_'] = jax.random.randint(ks[3], (B, N, K), 0, N, dtype=jnp.int32)
    bound = math.sqrt(3.0) * math.sqrt(2.0 / (C + OUT))
    inp['weight'] = jax.random.uniform(ks[4], (C, KC, OUT), dtype=jnp.float32, minval=-bound, maxval=bound)
    inp['bias'] = jnp.zeros((OUT,), dtype=jnp.float32)
    inp['centers'] = jax.random.uniform(ks[5], (D, KC), dtype=jnp.float32, minval=-1.0, maxval=1.0)
    b1 = 1.0 / math.sqrt(D * KC)
    inp['l1_W'] = jax.random.uniform(ks[6], (2 * KC, D * KC), dtype=jnp.float32, minval=-b1, maxval=b1)
    inp['l1_b'] = jax.random.uniform(ks[7], (2 * KC,), dtype=jnp.float32, minval=-b1, maxval=b1)
    b2 = 1.0 / math.sqrt(2 * KC)
    inp['l2_W'] = jax.random.uniform(ks[8], (KC, 2 * KC), dtype=jnp.float32, minval=-b2, maxval=b2)
    inp['l2_b'] = jax.random.uniform(ks[9], (KC,), dtype=jnp.float32, minval=-b2, maxval=b2)
    b3 = 1.0 / math.sqrt(KC)
    inp['l3_W'] = jax.random.uniform(ks[10], (KC, KC), dtype=jnp.float32, minval=-b3, maxval=b3)
    inp['l3_b'] = jax.random.uniform(ks[11], (KC,), dtype=jnp.float32, minval=-b3, maxval=b3)
    return inp


def reference(features, input_pts, neighbor_num, output_pts, normalize, indices_, weight, bias, centers, l1_W, l1_b, l2_W, l2_b, l3_W, l3_b):
    batch_size = features.shape[0]
    n_pts = features.shape[1]
    add_indices = (jnp.arange(batch_size, dtype=indices_.dtype) * n_pts).reshape(-1, 1, 1)
    idx = indices_ + add_indices
    flat_feats = features.reshape(-1, features.shape[2])
    feats = flat_feats[idx]  # [B, Nout, K, C] gather
    flat_pts = input_pts.reshape(-1, input_pts.shape[2])
    pts = flat_pts[idx]  # [B, Nout, K, 3] gather
    # nn_center
    pts = pts - output_pts[:, :, None, :]
    maxi = jnp.sqrt(jnp.max(jnp.sum(pts ** 2, axis=3), axis=2))
    maxi = jnp.where(maxi == 0, 1.0, maxi)
    pts_norm = pts / maxi[:, :, None, None]
    pts = jnp.where(normalize, pts_norm, pts)
    dists = pts[..., None] - centers  # [B, Nout, K, D, KC]
    Bq, Nout, Kn = dists.shape[0], dists.shape[1], dists.shape[2]
    dists = dists.reshape(Bq, Nout, Kn, -1)
    dists = jax.nn.relu(dists @ l1_W.T + l1_b)
    dists = jax.nn.relu(dists @ l2_W.T + l2_b)
    dists = jax.nn.relu(dists @ l3_W.T + l3_b)
    fs = feats.shape  # (B, Nout, K, C)
    ft = jnp.swapaxes(feats, 2, 3)  # [B, Nout, C, K]
    ft = ft.reshape(-1, ft.shape[2], ft.shape[3])  # [B*Nout, C, K]
    dd = dists.reshape(-1, dists.shape[2], dists.shape[3])  # [B*Nout, K, KC]
    res = jnp.einsum('bck,bkj->bcj', ft, dd)  # bmm
    res = res.reshape(fs[0], fs[1], -1)  # [B, Nout, C*KC]
    res = res @ weight.reshape(-1, weight.shape[2])
    res = res / fs[2]
    res = res + bias
    return (res, output_pts)

if __name__ == "__main__":
    import jax
    _d = setup_inputs()
    print(jax.jit(kernel)(*tuple(_d.values())))

</pallas_src>

<mosaic_0001>
#map = affine_map<(d0, d1) -> (0, 0)>
#map1 = affine_map<(d0, d1) -> (0)>
module attributes {stable_mosaic.version = 14 : i64} {
  func.func @k(%arg0: i32, %arg1: i32, %arg2: memref<50000x128xf32, #tpu.memory_space<hbm>>, %arg3: memref<32000xi32, #tpu.memory_space<hbm>>, %arg4: memref<32000x128xf32, #tpu.memory_space<hbm>>, %arg5: memref<1000xi32, #tpu.memory_space<vmem>>, %arg6: memref<1000x128xf32, #tpu.memory_space<vmem>>, %arg7: memref<!tpu.dma_semaphore, #tpu.memory_space<semaphore_mem>>) attributes {dimension_semantics = [#tpu.dimension_semantics<core_parallel>, #tpu.dimension_semantics<subcore_parallel>], iteration_bounds = array<i64: 2, 16>, scalar_prefetch = 0 : i64, scratch_operands = 3 : i64, tpu.core_type = #tpu.core_type<sc_vector_subcore>, window_params = [{transform_indices = #map}, {transform_indices = #map1}, {transform_indices = #map}]} {
    %mul3A = arith.constant 2 : i32
    %mul3A_0 = arith.muli %arg1, %mul3A : i32
    %add3A = arith.addi %mul3A_0, %arg0 : i32
    %mul3A_1 = arith.constant 1000 : i32
    %mul3A_2 = arith.muli %add3A, %mul3A_1 : i32
    %scan3A = arith.constant 0 : i32
    %mul3A_3 = arith.constant 1 : i32
    %mul3A_4 = arith.muli %scan3A, %mul3A_3 : i32
    %add3A_5 = arith.constant 0 : i32
    %add3A_6 = arith.addi %add3A_5, %mul3A_4 : i32
    %mul3A_7 = arith.constant 1000 : i32
    %mul3A_8 = arith.muli %add3A_6, %mul3A_7 : i32
    %add3A_9 = arith.addi %mul3A_2, %mul3A_8 : i32
    "tpu.region"() ({
      %run_scoped3A = tpu.sem_alloc : memref<!tpu.dma_semaphore, #tpu.memory_space<semaphore_mem>>
      %dma_start3A_15 = tpu.memref_slice %arg3[%add3A_9] : memref<32000xi32, #tpu.memory_space<hbm>> -> memref<1000xi32, #tpu.memory_space<hbm>>
      %dma_start3A_16 = tpu.memref_slice %arg3[%add3A_9] : memref<32000xi32, #tpu.memory_space<hbm>> -> memref<1000xi32, #tpu.memory_space<hbm>>
      tpu.enqueue_dma source(%dma_start3A_16 : memref<1000xi32, #tpu.memory_space<hbm>>) target(%arg5 : memref<1000xi32, #tpu.memory_space<vmem>>) target_semaphore(%run_scoped3A : memref<!tpu.dma_semaphore, #tpu.memory_space<semaphore_mem>>)
      %dma_wait3A_17 = tpu.memref_slice %arg3[%add3A_9] : memref<32000xi32, #tpu.memory_space<hbm>> -> memref<1000xi32, #tpu.memory_space<hbm>>
      %dma_wait3A_18 = tpu.memref_slice %arg3[%add3A_9] : memref<32000xi32, #tpu.memory_space<hbm>> -> memref<1000xi32, #tpu.memory_space<hbm>>
      tpu.wait_dma2 semaphore(%run_scoped3A : memref<!tpu.dma_semaphore, #tpu.memory_space<semaphore_mem>>) src(%dma_wait3A_18 : memref<1000xi32, #tpu.memory_space<hbm>>) dst(%arg5 : memref<1000xi32, #tpu.memory_space<vmem>>)
      tpu.yield
    }) : () -> ()
    %dma_start3A = arith.constant 0 : i32
    %dma_start3A_10 = arith.constant 0 : i32
    %dma_start3A_11 = tpu.memref_slice %arg2[%dma_start3A, %dma_start3A_10] : memref<50000x128xf32, #tpu.memory_space<hbm>> -> memref<50000x128xf32, #tpu.memory_space<hbm>>
    tpu.enqueue_indirect_dma source(%dma_start3A_11 : memref<50000x128xf32, #tpu.memory_space<hbm>>) target(%arg6 : memref<1000x128xf32, #tpu.memory_space<vmem>>) offsets(%arg5 : memref<1000xi32, #tpu.memory_space<vmem>>) semaphore(%arg7 : memref<!tpu.dma_semaphore, #tpu.memory_space<semaphore_mem>>)
    %dma_wait3A = arith.constant 0 : i32
    %dma_wait3A_12 = arith.constant 0 : i32
    %dma_wait3A_13 = tpu.memref_slice %arg2[%dma_wait3A, %dma_wait3A_12] : memref<50000x128xf32, #tpu.memory_space<hbm>> -> memref<50000x128xf32, #tpu.memory_space<hbm>>
    tpu.wait_indirect_dma semaphore(%arg7 : memref<!tpu.dma_semaphore, #tpu.memory_space<semaphore_mem>>) src(%dma_wait3A_13 : memref<50000x128xf32, #tpu.memory_space<hbm>>) dst(%arg6 : memref<1000x128xf32, #tpu.memory_space<vmem>>)
    "tpu.region"() ({
      %run_scoped3A = tpu.sem_alloc : memref<!tpu.dma_semaphore, #tpu.memory_space<semaphore_mem>>
      %dma_start3A_15 = arith.constant 0 : i32
      %dma_start3A_16 = tpu.memref_slice %arg4[%add3A_9, %dma_start3A_15] : memref<32000x128xf32, #tpu.memory_space<hbm>> -> memref<1000x128xf32, #tpu.memory_space<hbm>>
      %dma_start3A_17 = arith.constant 0 : i32
      %dma_start3A_18 = tpu.memref_slice %arg4[%add3A_9, %dma_start3A_17] : memref<32000x128xf32, #tpu.memory_space<hbm>> -> memref<1000x128xf32, #tpu.memory_space<hbm>>
      tpu.enqueue_dma source(%arg6 : memref<1000x128xf32, #tpu.memory_space<vmem>>) target(%dma_start3A_18 : memref<1000x128xf32, #tpu.memory_space<hbm>>) target_semaphore(%run_scoped3A : memref<!tpu.dma_semaphore, #tpu.memory_space<semaphore_mem>>)
      %dma_wait3A_19 = arith.constant 0 : i32
      %dma_wait3A_20 = tpu.memref_slice %arg4[%add3A_9, %dma_wait3A_19] : memref<32000x128xf32, #tpu.memory_space<hbm>> -> memref<1000x128xf32, #tpu.memory_space<hbm>>
      %dma_wait3A_21 = arith.constant 0 : i32
      %dma_wait3A_22 = tpu.memref_slice %arg4[%add3A_9, %dma_wait3A_21] : memref<32000x128xf32, #tpu.memory_space<hbm>> -> memref<1000x128xf32, #tpu.memory_space<hbm>>
      tpu.wait_dma2 semaphore(%run_scoped3A : memref<!tpu.dma_semaphore, #tpu.memory_space<semaphore_mem>>) src(%arg6 : memref<1000x128xf32, #tpu.memory_space<vmem>>) dst(%dma_wait3A_22 : memref<1000x128xf32, #tpu.memory_space<hbm>>)
      tpu.yield
    }) : () -> ()
    %scan3A_14 = arith.constant 1 : i32
    return
  }
}

#map = affine_map<(d0, d1) -> (0, 0)>
#map1 = affine_map<(d0, d1) -> (0)>
module attributes {stable_mosaic.version = 14 : i64} {
  func.func @k(%arg0: i32, %arg1: i32, %arg2: memref<50000x128xf32, #tpu.memory_space<hbm>>, %arg3: memref<128000xi32, #tpu.memory_space<hbm>>, %arg4: memref<128000x128xf32, #tpu.memory_space<hbm>>, %arg5: memref<1000xi32, #tpu.memory_space<vmem>>, %arg6: memref<1000x128xf32, #tpu.memory_space<vmem>>, %arg7: memref<!tpu.dma_semaphore, #tpu.memory_space<semaphore_mem>>) attributes {dimension_semantics = [#tpu.dimension_semantics<core_parallel>, #tpu.dimension_semantics<subcore_parallel>], iteration_bounds = array<i64: 2, 16>, scalar_prefetch = 0 : i64, scratch_operands = 3 : i64, tpu.core_type = #tpu.core_type<sc_vector_subcore>, window_params = [{transform_indices = #map}, {transform_indices = #map1}, {transform_indices = #map}]} {
    %mul3A = arith.constant 2 : i32
    %mul3A_0 = arith.muli %arg1, %mul3A : i32
    %add3A = arith.addi %mul3A_0, %arg0 : i32
    %mul3A_1 = arith.constant 4000 : i32
    %mul3A_2 = arith.muli %add3A, %mul3A_1 : i32
    %scan3A = arith.constant 0 : i32
    %scan3A_3 = arith.constant 4 : i32
    %scan3A_4 = arith.addi %scan3A, %scan3A_3 : i32
    %scan3A_5 = arith.constant 1 : i32
    scf.for %scan3A_7 = %scan3A to %scan3A_4 step %scan3A_5  : i32 {
      %mul3A_8 = arith.constant 1 : i32
      %mul3A_9 = arith.muli %scan3A_7, %mul3A_8 : i32
      %add3A_10 = arith.constant 0 : i32
      %add3A_11 = arith.addi %add3A_10, %mul3A_9 : i32
      %mul3A_12 = arith.constant 1000 : i32
      %mul3A_13 = arith.muli %add3A_11, %mul3A_12 : i32
      %add3A_14 = arith.addi %mul3A_2, %mul3A_13 : i32
      "tpu.region"() ({
        %run_scoped3A = tpu.sem_alloc : memref<!tpu.dma_semaphore, #tpu.memory_space<semaphore_mem>>
        %dma_start3A_19 = tpu.memref_slice %arg3[%add3A_14] : memref<128000xi32, #tpu.memory_space<hbm>> -> memref<1000xi32, #tpu.memory_space<hbm>>
        %dma_start3A_20 = tpu.memref_slice %arg3[%add3A_14] : memref<128000xi32, #tpu.memory_space<hbm>> -> memref<1000xi32, #tpu.memory_space<hbm>>
        tpu.enqueue_dma source(%dma_start3A_20 : memref<1000xi32, #tpu.memory_space<hbm>>) target(%arg5 : memref<1000xi32, #tpu.memory_space<vmem>>) target_semaphore(%run_scoped3A : memref<!tpu.dma_semaphore, #tpu.memory_space<semaphore_mem>>)
        %dma_wait3A_21 = tpu.memref_slice %arg3[%add3A_14] : memref<128000xi32, #tpu.memory_space<hbm>> -> memref<1000xi32, #tpu.memory_space<hbm>>
        %dma_wait3A_22 = tpu.memref_slice %arg3[%add3A_14] : memref<128000xi32, #tpu.memory_space<hbm>> -> memref<1000xi32, #tpu.memory_space<hbm>>
        tpu.wait_dma2 semaphore(%run_scoped3A : memref<!tpu.dma_semaphore, #tpu.memory_space<semaphore_mem>>) src(%dma_wait3A_22 : memref<1000xi32, #tpu.memory_space<hbm>>) dst(%arg5 : memref<1000xi32, #tpu.memory_space<vmem>>)
        tpu.yield
      }) : () -> ()
      %dma_start3A = arith.constant 0 : i32
      %dma_start3A_15 = arith.constant 0 : i32
      %dma_start3A_16 = tpu.memref_slice %arg2[%dma_start3A, %dma_start3A_15] : memref<50000x128xf32, #tpu.memory_space<hbm>> -> memref<50000x128xf32, #tpu.memory_space<hbm>>
      tpu.enqueue_indirect_dma source(%dma_start3A_16 : memref<50000x128xf32, #tpu.memory_space<hbm>>) target(%arg6 : memref<1000x128xf32, #tpu.memory_space<vmem>>) offsets(%arg5 : memref<1000xi32, #tpu.memory_space<vmem>>) semaphore(%arg7 : memref<!tpu.dma_semaphore, #tpu.memory_space<semaphore_mem>>)
      %dma_wait3A = arith.constant 0 : i32
      %dma_wait3A_17 = arith.constant 0 : i32
      %dma_wait3A_18 = tpu.memref_slice %arg2[%dma_wait3A, %dma_wait3A_17] : memref<50000x128xf32, #tpu.memory_space<hbm>> -> memref<50000x128xf32, #tpu.memory_space<hbm>>
      tpu.wait_indirect_dma semaphore(%arg7 : memref<!tpu.dma_semaphore, #tpu.memory_space<semaphore_mem>>) src(%dma_wait3A_18 : memref<50000x128xf32, #tpu.memory_space<hbm>>) dst(%arg6 : memref<1000x128xf32, #tpu.memory_space<vmem>>)
      "tpu.region"() ({
        %run_scoped3A = tpu.sem_alloc : memref<!tpu.dma_semaphore, #tpu.memory_space<semaphore_mem>>
        %dma_start3A_19 = arith.constant 0 : i32
        %dma_start3A_20 = tpu.memref_slice %arg4[%add3A_14, %dma_start3A_19] : memref<128000x128xf32, #tpu.memory_space<hbm>> -> memref<1000x128xf32, #tpu.memory_space<hbm>>
        %dma_start3A_21 = arith.constant 0 : i32
        %dma_start3A_22 = tpu.memref_slice %arg4[%add3A_14, %dma_start3A_21] : memref<128000x128xf32, #tpu.memory_space<hbm>> -> memref<1000x128xf32, #tpu.memory_space<hbm>>
        tpu.enqueue_dma source(%arg6 : memref<1000x128xf32, #tpu.memory_space<vmem>>) target(%dma_start3A_22 : memref<1000x128xf32, #tpu.memory_space<hbm>>) target_semaphore(%run_scoped3A : memref<!tpu.dma_semaphore, #tpu.memory_space<semaphore_mem>>)
        %dma_wait3A_23 = arith.constant 0 : i32
        %dma_wait3A_24 = tpu.memref_slice %arg4[%add3A_14, %dma_wait3A_23] : memref<128000x128xf32, #tpu.memory_space<hbm>> -> memref<1000x128xf32, #tpu.memory_space<hbm>>
        %dma_wait3A_25 = arith.constant 0 : i32
        %dma_wait3A_26 = tpu.memref_slice %arg4[%add3A_14, %dma_wait3A_25] : memref<128000x128xf32, #tpu.memory_space<hbm>> -> memref<1000x128xf32, #tpu.memory_space<hbm>>
        tpu.wait_dma2 semaphore(%run_scoped3A : memref<!tpu.dma_semaphore, #tpu.memory_space<semaphore_mem>>) src(%arg6 : memref<1000x128xf32, #tpu.memory_space<vmem>>) dst(%dma_wait3A_26 : memref<1000x128xf32, #tpu.memory_space<hbm>>)
        tpu.yield
      }) : () -> ()
    }
    %scan3A_6 = arith.constant 4 : i32
    return
  }
}

#map = affine_map<(d0, d1) -> (0, 0)>
#map1 = affine_map<(d0, d1) -> (0)>
module attributes {stable_mosaic.version = 14 : i64} {
  func.func @k(%arg0: i32, %arg1: i32, %arg2: memref<50000x128xf32, #tpu.memory_space<hbm>>, %arg3: memref<320000xi32, #tpu.memory_space<hbm>>, %arg4: memref<320000x128xf32, #tpu.memory_space<hbm>>, %arg5: memref<1000xi32, #tpu.memory_space<vmem>>, %arg6: memref<1000x128xf32, #tpu.memory_space<vmem>>, %arg7: memref<!tpu.dma_semaphore, #tpu.memory_space<semaphore_mem>>) attributes {dimension_semantics = [#tpu.dimension_semantics<core_parallel>, #tpu.dimension_semantics<subcore_parallel>], iteration_bounds = array<i64: 2, 16>, scalar_prefetch = 0 : i64, scratch_operands = 3 : i64, tpu.core_type = #tpu.core_type<sc_vector_subcore>, window_params = [{transform_indices = #map}, {transform_indices = #map1}, {transform_indices = #map}]} {
    %mul3A = arith.constant 2 : i32
    %mul3A_0 = arith.muli %arg1, %mul3A : i32
    %add3A = arith.addi %mul3A_0, %arg0 : i32
    %mul3A_1 = arith.constant 10000 : i32
    %mul3A_2 = arith.muli %add3A, %mul3A_1 : i32
    %scan3A = arith.constant 0 : i32
    %scan3A_3 = arith.constant 10 : i32
    %scan3A_4 = arith.addi %scan3A, %scan3A_3 : i32
    %scan3A_5 = arith.constant 1 : i32
    scf.for %scan3A_7 = %scan3A to %scan3A_4 step %scan3A_5  : i32 {
      %mul3A_8 = arith.constant 1 : i32
      %mul3A_9 = arith.muli %scan3A_7, %mul3A_8 : i32
      %add3A_10 = arith.constant 0 : i32
      %add3A_11 = arith.addi %add3A_10, %mul3A_9 : i32
      %mul3A_12 = arith.constant 1000 : i32
      %mul3A_13 = arith.muli %add3A_11, %mul3A_12 : i32
      %add3A_14 = arith.addi %mul3A_2, %mul3A_13 : i32
      "tpu.region"() ({
        %run_scoped3A = tpu.sem_alloc : memref<!tpu.dma_semaphore, #tpu.memory_space<semaphore_mem>>
        %dma_start3A_19 = tpu.memref_slice %arg3[%add3A_14] : memref<320000xi32, #tpu.memory_space<hbm>> -> memref<1000xi32, #tpu.memory_space<hbm>>
        %dma_start3A_20 = tpu.memref_slice %arg3[%add3A_14] : memref<320000xi32, #tpu.memory_space<hbm>> -> memref<1000xi32, #tpu.memory_space<hbm>>
        tpu.enqueue_dma source(%dma_start3A_20 : memref<1000xi32, #tpu.memory_space<hbm>>) target(%arg5 : memref<1000xi32, #tpu.memory_space<vmem>>) target_semaphore(%run_scoped3A : memref<!tpu.dma_semaphore, #tpu.memory_space<semaphore_mem>>)
        %dma_wait3A_21 = tpu.memref_slice %arg3[%add3A_14] : memref<320000xi32, #tpu.memory_space<hbm>> -> memref<1000xi32, #tpu.memory_space<hbm>>
        %dma_wait3A_22 = tpu.memref_slice %arg3[%add3A_14] : memref<320000xi32, #tpu.memory_space<hbm>> -> memref<1000xi32, #tpu.memory_space<hbm>>
        tpu.wait_dma2 semaphore(%run_scoped3A : memref<!tpu.dma_semaphore, #tpu.memory_space<semaphore_mem>>) src(%dma_wait3A_22 : memref<1000xi32, #tpu.memory_space<hbm>>) dst(%arg5 : memref<1000xi32, #tpu.memory_space<vmem>>)
        tpu.yield
      }) : () -> ()
      %dma_start3A = arith.constant 0 : i32
      %dma_start3A_15 = arith.constant 0 : i32
      %dma_start3A_16 = tpu.memref_slice %arg2[%dma_start3A, %dma_start3A_15] : memref<50000x128xf32, #tpu.memory_space<hbm>> -> memref<50000x128xf32, #tpu.memory_space<hbm>>
      tpu.enqueue_indirect_dma source(%dma_start3A_16 : memref<50000x128xf32, #tpu.memory_space<hbm>>) target(%arg6 : memref<1000x128xf32, #tpu.memory_space<vmem>>) offsets(%arg5 : memref<1000xi32, #tpu.memory_space<vmem>>) semaphore(%arg7 : memref<!tpu.dma_semaphore, #tpu.memory_space<semaphore_mem>>)
      %dma_wait3A = arith.constant 0 : i32
      %dma_wait3A_17 = arith.constant 0 : i32
      %dma_wait3A_18 = tpu.memref_slice %arg2[%dma_wait3A, %dma_wait3A_17] : memref<50000x128xf32, #tpu.memory_space<hbm>> -> memref<50000x128xf32, #tpu.memory_space<hbm>>
      tpu.wait_indirect_dma semaphore(%arg7 : memref<!tpu.dma_semaphore, #tpu.memory_space<semaphore_mem>>) src(%dma_wait3A_18 : memref<50000x128xf32, #tpu.memory_space<hbm>>) dst(%arg6 : memref<1000x128xf32, #tpu.memory_space<vmem>>)
      "tpu.region"() ({
        %run_scoped3A = tpu.sem_alloc : memref<!tpu.dma_semaphore, #tpu.memory_space<semaphore_mem>>
        %dma_start3A_19 = arith.constant 0 : i32
        %dma_start3A_20 = tpu.memref_slice %arg4[%add3A_14, %dma_start3A_19] : memref<320000x128xf32, #tpu.memory_space<hbm>> -> memref<1000x128xf32, #tpu.memory_space<hbm>>
        %dma_start3A_21 = arith.constant 0 : i32
        %dma_start3A_22 = tpu.memref_slice %arg4[%add3A_14, %dma_start3A_21] : memref<320000x128xf32, #tpu.memory_space<hbm>> -> memref<1000x128xf32, #tpu.memory_space<hbm>>
        tpu.enqueue_dma source(%arg6 : memref<1000x128xf32, #tpu.memory_space<vmem>>) target(%dma_start3A_22 : memref<1000x128xf32, #tpu.memory_space<hbm>>) target_semaphore(%run_scoped3A : memref<!tpu.dma_semaphore, #tpu.memory_space<semaphore_mem>>)
        %dma_wait3A_23 = arith.constant 0 : i32
        %dma_wait3A_24 = tpu.memref_slice %arg4[%add3A_14, %dma_wait3A_23] : memref<320000x128xf32, #tpu.memory_space<hbm>> -> memref<1000x128xf32, #tpu.memory_space<hbm>>
        %dma_wait3A_25 = arith.constant 0 : i32
        %dma_wait3A_26 = tpu.memref_slice %arg4[%add3A_14, %dma_wait3A_25] : memref<320000x128xf32, #tpu.memory_space<hbm>> -> memref<1000x128xf32, #tpu.memory_space<hbm>>
        tpu.wait_dma2 semaphore(%run_scoped3A : memref<!tpu.dma_semaphore, #tpu.memory_space<semaphore_mem>>) src(%arg6 : memref<1000x128xf32, #tpu.memory_space<vmem>>) dst(%dma_wait3A_26 : memref<1000x128xf32, #tpu.memory_space<hbm>>)
        tpu.yield
      }) : () -> ()
    }
    %scan3A_6 = arith.constant 10 : i32
    return
  }
}

#map = affine_map<(d0, d1) -> (0, 0)>
#map1 = affine_map<(d0, d1) -> (0)>
module attributes {stable_mosaic.version = 14 : i64} {
  func.func @k(%arg0: i32, %arg1: i32, %arg2: memref<50000x128xf32, #tpu.memory_space<hbm>>, %arg3: memref<256000xi32, #tpu.memory_space<hbm>>, %arg4: memref<256000x128xf32, #tpu.memory_space<hbm>>, %arg5: memref<1000xi32, #tpu.memory_space<vmem>>, %arg6: memref<1000x128xf32, #tpu.memory_space<vmem>>, %arg7: memref<!tpu.dma_semaphore, #tpu.memory_space<semaphore_mem>>) attributes {dimension_semantics = [#tpu.dimension_semantics<core_parallel>, #tpu.dimension_semantics<subcore_parallel>], iteration_bounds = array<i64: 2, 16>, scalar_prefetch = 0 : i64, scratch_operands = 3 : i64, tpu.core_type = #tpu.core_type<sc_vector_subcore>, window_params = [{transform_indices = #map}, {transform_indices = #map1}, {transform_indices = #map}]} {
    %mul3A = arith.constant 2 : i32
    %mul3A_0 = arith.muli %arg1, %mul3A : i32
    %add3A = arith.addi %mul3A_0, %arg0 : i32
    %mul3A_1 = arith.constant 8000 : i32
    %mul3A_2 = arith.muli %add3A, %mul3A_1 : i32
    %scan3A = arith.constant 0 : i32
    %scan3A_3 = arith.constant 8 : i32
    %scan3A_4 = arith.addi %scan3A, %scan3A_3 : i32
    %scan3A_5 = arith.constant 1 : i32
    scf.for %scan3A_7 = %scan3A to %scan3A_4 step %scan3A_5  : i32 {
      %mul3A_8 = arith.constant 1 : i32
      %mul3A_9 = arith.muli %scan3A_7, %mul3A_8 : i32
      %add3A_10 = arith.constant 0 : i32
      %add3A_11 = arith.addi %add3A_10, %mul3A_9 : i32
      %mul3A_12 = arith.constant 1000 : i32
      %mul3A_13 = arith.muli %add3A_11, %mul3A_12 : i32
      %add3A_14 = arith.addi %mul3A_2, %mul3A_13 : i32
      "tpu.region"() ({
        %run_scoped3A = tpu.sem_alloc : memref<!tpu.dma_semaphore, #tpu.memory_space<semaphore_mem>>
        %dma_start3A_19 = tpu.memref_slice %arg3[%add3A_14] : memref<256000xi32, #tpu.memory_space<hbm>> -> memref<1000xi32, #tpu.memory_space<hbm>>
        %dma_start3A_20 = tpu.memref_slice %arg3[%add3A_14] : memref<256000xi32, #tpu.memory_space<hbm>> -> memref<1000xi32, #tpu.memory_space<hbm>>
        tpu.enqueue_dma source(%dma_start3A_20 : memref<1000xi32, #tpu.memory_space<hbm>>) target(%arg5 : memref<1000xi32, #tpu.memory_space<vmem>>) target_semaphore(%run_scoped3A : memref<!tpu.dma_semaphore, #tpu.memory_space<semaphore_mem>>)
        %dma_wait3A_21 = tpu.memref_slice %arg3[%add3A_14] : memref<256000xi32, #tpu.memory_space<hbm>> -> memref<1000xi32, #tpu.memory_space<hbm>>
        %dma_wait3A_22 = tpu.memref_slice %arg3[%add3A_14] : memref<256000xi32, #tpu.memory_space<hbm>> -> memref<1000xi32, #tpu.memory_space<hbm>>
        tpu.wait_dma2 semaphore(%run_scoped3A : memref<!tpu.dma_semaphore, #tpu.memory_space<semaphore_mem>>) src(%dma_wait3A_22 : memref<1000xi32, #tpu.memory_space<hbm>>) dst(%arg5 : memref<1000xi32, #tpu.memory_space<vmem>>)
        tpu.yield
      }) : () -> ()
      %dma_start3A = arith.constant 0 : i32
      %dma_start3A_15 = arith.constant 0 : i32
      %dma_start3A_16 = tpu.memref_slice %arg2[%dma_start3A, %dma_start3A_15] : memref<50000x128xf32, #tpu.memory_space<hbm>> -> memref<50000x128xf32, #tpu.memory_space<hbm>>
      tpu.enqueue_indirect_dma source(%dma_start3A_16 : memref<50000x128xf32, #tpu.memory_space<hbm>>) target(%arg6 : memref<1000x128xf32, #tpu.memory_space<vmem>>) offsets(%arg5 : memref<1000xi32, #tpu.memory_space<vmem>>) semaphore(%arg7 : memref<!tpu.dma_semaphore, #tpu.memory_space<semaphore_mem>>)
      %dma_wait3A = arith.constant 0 : i32
      %dma_wait3A_17 = arith.constant 0 : i32
      %dma_wait3A_18 = tpu.memref_slice %arg2[%dma_wait3A, %dma_wait3A_17] : memref<50000x128xf32, #tpu.memory_space<hbm>> -> memref<50000x128xf32, #tpu.memory_space<hbm>>
      tpu.wait_indirect_dma semaphore(%arg7 : memref<!tpu.dma_semaphore, #tpu.memory_space<semaphore_mem>>) src(%dma_wait3A_18 : memref<50000x128xf32, #tpu.memory_space<hbm>>) dst(%arg6 : memref<1000x128xf32, #tpu.memory_space<vmem>>)
      "tpu.region"() ({
        %run_scoped3A = tpu.sem_alloc : memref<!tpu.dma_semaphore, #tpu.memory_space<semaphore_mem>>
        %dma_start3A_19 = arith.constant 0 : i32
        %dma_start3A_20 = tpu.memref_slice %arg4[%add3A_14, %dma_start3A_19] : memref<256000x128xf32, #tpu.memory_space<hbm>> -> memref<1000x128xf32, #tpu.memory_space<hbm>>
        %dma_start3A_21 = arith.constant 0 : i32
        %dma_start3A_22 = tpu.memref_slice %arg4[%add3A_14, %dma_start3A_21] : memref<256000x128xf32, #tpu.memory_space<hbm>> -> memref<1000x128xf32, #tpu.memory_space<hbm>>
        tpu.enqueue_dma source(%arg6 : memref<1000x128xf32, #tpu.memory_space<vmem>>) target(%dma_start3A_22 : memref<1000x128xf32, #tpu.memory_space<hbm>>) target_semaphore(%run_scoped3A : memref<!tpu.dma_semaphore, #tpu.memory_space<semaphore_mem>>)
        %dma_wait3A_23 = arith.constant 0 : i32
        %dma_wait3A_24 = tpu.memref_slice %arg4[%add3A_14, %dma_wait3A_23] : memref<256000x128xf32, #tpu.memory_space<hbm>> -> memref<1000x128xf32, #tpu.memory_space<hbm>>
        %dma_wait3A_25 = arith.constant 0 : i32
        %dma_wait3A_26 = tpu.memref_slice %arg4[%add3A_14, %dma_wait3A_25] : memref<256000x128xf32, #tpu.memory_space<hbm>> -> memref<1000x128xf32, #tpu.memory_space<hbm>>
        tpu.wait_dma2 semaphore(%run_scoped3A : memref<!tpu.dma_semaphore, #tpu.memory_space<semaphore_mem>>) src(%arg6 : memref<1000x128xf32, #tpu.memory_space<vmem>>) dst(%dma_wait3A_26 : memref<1000x128xf32, #tpu.memory_space<hbm>>)
        tpu.yield
      }) : () -> ()
    }
    %scan3A_6 = arith.constant 8 : i32
    return
  }
}

#map = affine_map<(d0, d1) -> (0, 0)>
#map1 = affine_map<(d0, d1) -> (0)>
module attributes {stable_mosaic.version = 14 : i64} {
  func.func @k(%arg0: i32, %arg1: i32, %arg2: memref<50000x128xf32, #tpu.memory_space<hbm>>, %arg3: memref<64000xi32, #tpu.memory_space<hbm>>, %arg4: memref<64000x128xf32, #tpu.memory_space<hbm>>, %arg5: memref<1000xi32, #tpu.memory_space<vmem>>, %arg6: memref<1000x128xf32, #tpu.memory_space<vmem>>, %arg7: memref<!tpu.dma_semaphore, #tpu.memory_space<semaphore_mem>>) attributes {dimension_semantics = [#tpu.dimension_semantics<core_parallel>, #tpu.dimension_semantics<subcore_parallel>], iteration_bounds = array<i64: 2, 16>, scalar_prefetch = 0 : i64, scratch_operands = 3 : i64, tpu.core_type = #tpu.core_type<sc_vector_subcore>, window_params = [{transform_indices = #map}, {transform_indices = #map1}, {transform_indices = #map}]} {
    %mul3A = arith.constant 2 : i32
    %mul3A_0 = arith.muli %arg1, %mul3A : i32
    %add3A = arith.addi %mul3A_0, %arg0 : i32
    %mul3A_1 = arith.constant 2000 : i32
    %mul3A_2 = arith.muli %add3A, %mul3A_1 : i32
    %scan3A = arith.constant 0 : i32
    %scan3A_3 = arith.constant 2 : i32
    %scan3A_4 = arith.addi %scan3A, %scan3A_3 : i32
    %scan3A_5 = arith.constant 1 : i32
    scf.for %scan3A_7 = %scan3A to %scan3A_4 step %scan3A_5  : i32 {
      %mul3A_8 = arith.constant 1 : i32
      %mul3A_9 = arith.muli %scan3A_7, %mul3A_8 : i32
      %add3A_10 = arith.constant 0 : i32
      %add3A_11 = arith.addi %add3A_10, %mul3A_9 : i32
      %mul3A_12 = arith.constant 1000 : i32
      %mul3A_13 = arith.muli %add3A_11, %mul3A_12 : i32
      %add3A_14 = arith.addi %mul3A_2, %mul3A_13 : i32
      "tpu.region"() ({
        %run_scoped3A = tpu.sem_alloc : memref<!tpu.dma_semaphore, #tpu.memory_space<semaphore_mem>>
        %dma_start3A_19 = tpu.memref_slice %arg3[%add3A_14] : memref<64000xi32, #tpu.memory_space<hbm>> -> memref<1000xi32, #tpu.memory_space<hbm>>
        %dma_start3A_20 = tpu.memref_slice %arg3[%add3A_14] : memref<64000xi32, #tpu.memory_space<hbm>> -> memref<1000xi32, #tpu.memory_space<hbm>>
        tpu.enqueue_dma source(%dma_start3A_20 : memref<1000xi32, #tpu.memory_space<hbm>>) target(%arg5 : memref<1000xi32, #tpu.memory_space<vmem>>) target_semaphore(%run_scoped3A : memref<!tpu.dma_semaphore, #tpu.memory_space<semaphore_mem>>)
        %dma_wait3A_21 = tpu.memref_slice %arg3[%add3A_14] : memref<64000xi32, #tpu.memory_space<hbm>> -> memref<1000xi32, #tpu.memory_space<hbm>>
        %dma_wait3A_22 = tpu.memref_slice %arg3[%add3A_14] : memref<64000xi32, #tpu.memory_space<hbm>> -> memref<1000xi32, #tpu.memory_space<hbm>>
        tpu.wait_dma2 semaphore(%run_scoped3A : memref<!tpu.dma_semaphore, #tpu.memory_space<semaphore_mem>>) src(%dma_wait3A_22 : memref<1000xi32, #tpu.memory_space<hbm>>) dst(%arg5 : memref<1000xi32, #tpu.memory_space<vmem>>)
        tpu.yield
      }) : () -> ()
      %dma_start3A = arith.constant 0 : i32
      %dma_start3A_15 = arith.constant 0 : i32
      %dma_start3A_16 = tpu.memref_slice %arg2[%dma_start3A, %dma_start3A_15] : memref<50000x128xf32, #tpu.memory_space<hbm>> -> memref<50000x128xf32, #tpu.memory_space<hbm>>
      tpu.enqueue_indirect_dma source(%dma_start3A_16 : memref<50000x128xf32, #tpu.memory_space<hbm>>) target(%arg6 : memref<1000x128xf32, #tpu.memory_space<vmem>>) offsets(%arg5 : memref<1000xi32, #tpu.memory_space<vmem>>) semaphore(%arg7 : memref<!tpu.dma_semaphore, #tpu.memory_space<semaphore_mem>>)
      %dma_wait3A = arith.constant 0 : i32
      %dma_wait3A_17 = arith.constant 0 : i32
      %dma_wait3A_18 = tpu.memref_slice %arg2[%dma_wait3A, %dma_wait3A_17] : memref<50000x128xf32, #tpu.memory_space<hbm>> -> memref<50000x128xf32, #tpu.memory_space<hbm>>
      tpu.wait_indirect_dma semaphore(%arg7 : memref<!tpu.dma_semaphore, #tpu.memory_space<semaphore_mem>>) src(%dma_wait3A_18 : memref<50000x128xf32, #tpu.memory_space<hbm>>) dst(%arg6 : memref<1000x128xf32, #tpu.memory_space<vmem>>)
      "tpu.region"() ({
        %run_scoped3A = tpu.sem_alloc : memref<!tpu.dma_semaphore, #tpu.memory_space<semaphore_mem>>
        %dma_start3A_19 = arith.constant 0 : i32
        %dma_start3A_20 = tpu.memref_slice %arg4[%add3A_14, %dma_start3A_19] : memref<64000x128xf32, #tpu.memory_space<hbm>> -> memref<1000x128xf32, #tpu.memory_space<hbm>>
        %dma_start3A_21 = arith.constant 0 : i32
        %dma_start3A_22 = tpu.memref_slice %arg4[%add3A_14, %dma_start3A_21] : memref<64000x128xf32, #tpu.memory_space<hbm>> -> memref<1000x128xf32, #tpu.memory_space<hbm>>
        tpu.enqueue_dma source(%arg6 : memref<1000x128xf32, #tpu.memory_space<vmem>>) target(%dma_start3A_22 : memref<1000x128xf32, #tpu.memory_space<hbm>>) target_semaphore(%run_scoped3A : memref<!tpu.dma_semaphore, #tpu.memory_space<semaphore_mem>>)
        %dma_wait3A_23 = arith.constant 0 : i32
        %dma_wait3A_24 = tpu.memref_slice %arg4[%add3A_14, %dma_wait3A_23] : memref<64000x128xf32, #tpu.memory_space<hbm>> -> memref<1000x128xf32, #tpu.memory_space<hbm>>
        %dma_wait3A_25 = arith.constant 0 : i32
        %dma_wait3A_26 = tpu.memref_slice %arg4[%add3A_14, %dma_wait3A_25] : memref<64000x128xf32, #tpu.memory_space<hbm>> -> memref<1000x128xf32, #tpu.memory_space<hbm>>
        tpu.wait_dma2 semaphore(%run_scoped3A : memref<!tpu.dma_semaphore, #tpu.memory_space<semaphore_mem>>) src(%arg6 : memref<1000x128xf32, #tpu.memory_space<vmem>>) dst(%dma_wait3A_26 : memref<1000x128xf32, #tpu.memory_space<hbm>>)
        tpu.yield
      }) : () -> ()
    }
    %scan3A_6 = arith.constant 2 : i32
    return
  }
}

module attributes {stable_mosaic.version = 14 : i64} {
  func.func @_tc_body(%arg0: i32, %arg1: memref<16x1000x128xf32, #tpu.memory_space<vmem>>, %arg2: memref<1000x16xf32, #tpu.memory_space<vmem>>, %arg3: memref<16x32xf32, #tpu.memory_space<vmem>>, %arg4: memref<1x32xf32, #tpu.memory_space<vmem>>, %arg5: memref<32x16xf32, #tpu.memory_space<vmem>>, %arg6: memref<1x16xf32, #tpu.memory_space<vmem>>, %arg7: memref<16x16xf32, #tpu.memory_space<vmem>>, %arg8: memref<1x16xf32, #tpu.memory_space<vmem>>, %arg9: memref<1024x64xf32, #tpu.memory_space<vmem>>, %arg10: memref<1x64xf32, #tpu.memory_space<vmem>>, %arg11: memref<16x1024xf32, #tpu.memory_space<vmem>>, %arg12: memref<1000x64xf32, #tpu.memory_space<vmem>>) attributes {dimension_semantics = [#tpu.dimension_semantics<arbitrary>], iteration_bounds = array<i64: 2>, scalar_prefetch = 0 : i64, scratch_operands = 0 : i64, tpu.core_type = #tpu.core_type<tc>, window_params = [{transform_indices = @transform_0, window_bounds = array<i64: 16, 1000, 128>}, {transform_indices = @transform_1, window_bounds = array<i64: 1000, 16>}, {pipeline_mode = #tpu.pipeline_mode<synchronous>, transform_indices = @transform_2, window_bounds = array<i64: 16, 32>}, {pipeline_mode = #tpu.pipeline_mode<synchronous>, transform_indices = @transform_3, window_bounds = array<i64: 1, 32>}, {pipeline_mode = #tpu.pipeline_mode<synchronous>, transform_indices = @transform_4, window_bounds = array<i64: 32, 16>}, {pipeline_mode = #tpu.pipeline_mode<synchronous>, transform_indices = @transform_5, window_bounds = array<i64: 1, 16>}, {pipeline_mode = #tpu.pipeline_mode<synchronous>, transform_indices = @transform_6, window_bounds = array<i64: 16, 16>}, {pipeline_mode = #tpu.pipeline_mode<synchronous>, transform_indices = @transform_7, window_bounds = array<i64: 1, 16>}, {pipeline_mode = #tpu.pipeline_mode<synchronous>, transform_indices = @transform_8, window_bounds = array<i64: 1024, 64>}, {pipeline_mode = #tpu.pipeline_mode<synchronous>, transform_indices = @transform_9, window_bounds = array<i64: 1, 64>}, {pipeline_mode = #tpu.pipeline_mode<synchronous>, transform_indices = @transform_10, window_bounds = array<i64: 16, 1024>}, {transform_indices = @transform_11, window_bounds = array<i64: 1000, 64>}]} {
    %get3A = arith.constant 0 : index
    %get3A_0 = arith.constant 0 : index
    %get3A_1 = vector.load %arg2[%get3A, %get3A_0] : memref<1000x16xf32, #tpu.memory_space<vmem>>, vector<1000x16xf32>
    %get3A_2 = arith.constant 0 : index
    %get3A_3 = arith.constant 0 : index
    %get3A_4 = arith.constant 0 : index
    %get3A_5 = vector.load %arg1[%get3A_2, %get3A_3, %get3A_4] : memref<16x1000x128xf32, #tpu.memory_space<vmem>>, vector<16x1000x128xf32>
    %reshape3A = vector.shape_cast %get3A_5 : vector<16x1000x128xf32> to vector<16000x128xf32>
    %slice3A = vector.extract_strided_slice %reshape3A {offsets = [0, 64], sizes = [16000, 16], strides = [1, 1]} : vector<16000x128xf32> to vector<16000x16xf32>
    %tile3A = tpu.concatenate %get3A_1, %get3A_1, %get3A_1, %get3A_1, %get3A_1, %get3A_1, %get3A_1, %get3A_1, %get3A_1, %get3A_1, %get3A_1, %get3A_1, %get3A_1, %get3A_1, %get3A_1, %get3A_1 in 0 : vector<1000x16xf32>, vector<1000x16xf32>, vector<1000x16xf32>, vector<1000x16xf32>, vector<1000x16xf32>, vector<1000x16xf32>, vector<1000x16xf32>, vector<1000x16xf32>, vector<1000x16xf32>, vector<1000x16xf32>, vector<1000x16xf32>, vector<1000x16xf32>, vector<1000x16xf32>, vector<1000x16xf32>, vector<1000x16xf32>, vector<1000x16xf32> -> vector<16000x16xf32>
    %sub3A = arith.subf %slice3A, %tile3A : vector<16000x16xf32>
    %get3A_6 = arith.constant 0 : index
    %get3A_7 = arith.constant 0 : index
    %get3A_8 = vector.load %arg3[%get3A_6, %get3A_7] : memref<16x32xf32, #tpu.memory_space<vmem>>, vector<16x32xf32>
    %dot_general3A = arith.constant dense<0.000000e+00> : vector<16000x32xf32>
    %dot_general3A_9 = tpu.matmul %sub3A, %get3A_8, %dot_general3A {dimension_numbers = #tpu.dot_dimension_numbers<[1], [0], [0], [1], [0, 0, 1, 1], [], []>, transpose_lhs_hint = false} : vector<16000x16xf32>, vector<16x32xf32>, vector<16000x32xf32> -> vector<16000x32xf32>
    %get3A_10 = arith.constant 0 : index
    %get3A_11 = arith.constant 0 : index
    %get3A_12 = vector.load %arg4[%get3A_10, %get3A_11] : memref<1x32xf32, #tpu.memory_space<vmem>>, vector<1x32xf32>
    %add3A = vector.broadcast %get3A_12 : vector<1x32xf32> to vector<16000x32xf32>
    %add3A_13 = arith.addf %dot_general3A_9, %add3A : vector<16000x32xf32>
    %max3A = arith.constant 0.000000e+00 : f32
    %max3A_14 = vector.broadcast %max3A : f32 to vector<16000x32xf32>
    %max3A_15 = arith.maximumf %add3A_13, %max3A_14 : vector<16000x32xf32>
    %get3A_16 = arith.constant 0 : index
    %get3A_17 = arith.constant 0 : index
    %get3A_18 = vector.load %arg5[%get3A_16, %get3A_17] : memref<32x16xf32, #tpu.memory_space<vmem>>, vector<32x16xf32>
    %dot_general3A_19 = arith.constant dense<0.000000e+00> : vector<16000x16xf32>
    %dot_general3A_20 = tpu.matmul %max3A_15, %get3A_18, %dot_general3A_19 {dimension_numbers = #tpu.dot_dimension_numbers<[1], [0], [0], [1], [0, 0, 1, 1], [], []>, transpose_lhs_hint = false} : vector<16000x32xf32>, vector<32x16xf32>, vector<16000x16xf32> -> vector<16000x16xf32>
    %get3A_21 = arith.constant 0 : index
    %get3A_22 = arith.constant 0 : index
    %get3A_23 = vector.load %arg6[%get3A_21, %get3A_22] : memref<1x16xf32, #tpu.memory_space<vmem>>, vector<1x16xf32>
    %add3A_24 = vector.broadcast %get3A_23 : vector<1x16xf32> to vector<16000x16xf32>
    %add3A_25 = arith.addf %dot_general3A_20, %add3A_24 : vector<16000x16xf32>
    %max3A_26 = arith.constant 0.000000e+00 : f32
    %max3A_27 = vector.broadcast %max3A_26 : f32 to vector<16000x16xf32>
    %max3A_28 = arith.maximumf %add3A_25, %max3A_27 : vector<16000x16xf32>
    %get3A_29 = arith.constant 0 : index
    %get3A_30 = arith.constant 0 : index
    %get3A_31 = vector.load %arg7[%get3A_29, %get3A_30] : memref<16x16xf32, #tpu.memory_space<vmem>>, vector<16x16xf32>
    %dot_general3A_32 = arith.constant dense<0.000000e+00> : vector<16000x16xf32>
    %dot_general3A_33 = tpu.matmul %max3A_28, %get3A_31, %dot_general3A_32 {dimension_numbers = #tpu.dot_dimension_numbers<[1], [0], [0], [1], [0, 0, 1, 1], [], []>, transpose_lhs_hint = false} : vector<16000x16xf32>, vector<16x16xf32>, vector<16000x16xf32> -> vector<16000x16xf32>
    %get3A_34 = arith.constant 0 : index
    %get3A_35 = arith.constant 0 : index
    %get3A_36 = vector.load %arg8[%get3A_34, %get3A_35] : memref<1x16xf32, #tpu.memory_space<vmem>>, vector<1x16xf32>
    %add3A_37 = vector.broadcast %get3A_36 : vector<1x16xf32> to vector<16000x16xf32>
    %add3A_38 = arith.addf %dot_general3A_33, %add3A_37 : vector<16000x16xf32>
    %max3A_39 = arith.constant 0.000000e+00 : f32
    %max3A_40 = vector.broadcast %max3A_39 : f32 to vector<16000x16xf32>
    %max3A_41 = arith.maximumf %add3A_38, %max3A_40 : vector<16000x16xf32>
    %reshape3A_42 = vector.shape_cast %max3A_41 : vector<16000x16xf32> to vector<16x1000x16xf32>
    %slice3A_43 = vector.extract_strided_slice %reshape3A_42 {offsets = [0, 0, 0], sizes = [1, 1000, 16], strides = [1, 1, 1]} : vector<16x1000x16xf32> to vector<1x1000x16xf32>
    %squeeze3A = vector.shape_cast %slice3A_43 : vector<1x1000x16xf32> to vector<1000x16xf32>
    %get3A_44 = arith.constant 0 : index
    %get3A_45 = arith.constant 0 : index
    %get3A_46 = vector.load %arg11[%get3A_44, %get3A_45] : memref<16x1024xf32, #tpu.memory_space<vmem>>, vector<16x1024xf32>
    %dot_general3A_47 = arith.constant dense<0.000000e+00> : vector<1000x1024xf32>
    %dot_general3A_48 = tpu.matmul %squeeze3A, %get3A_46, %dot_general3A_47 {dimension_numbers = #tpu.dot_dimension_numbers<[1], [0], [0], [1], [0, 0, 1, 1], [], []>, transpose_lhs_hint = false} : vector<1000x16xf32>, vector<16x1024xf32>, vector<1000x1024xf32> -> vector<1000x1024xf32>
    %get3A_49 = arith.constant 0 : index
    %get3A_50 = arith.constant 0 : index
    %get3A_51 = arith.constant 0 : index
    %get3A_52 = vector.load %arg1[%get3A_49, %get3A_50, %get3A_51] : memref<16x1000x128xf32, #tpu.memory_space<vmem>>, vector<1x1000x128xf32>
    %get3A_53 = vector.shape_cast %get3A_52 : vector<1x1000x128xf32> to vector<1000x128xf32>
    %slice3A_54 = vector.extract_strided_slice %get3A_53 {offsets = [0, 0], sizes = [1000, 64], strides = [1, 1]} : vector<1000x128xf32> to vector<1000x64xf32>
    %concatenate3A = tpu.concatenate %slice3A_54, %slice3A_54 in 1 : vector<1000x64xf32>, vector<1000x64xf32> -> vector<1000x128xf32>
    %slice3A_55 = vector.extract_strided_slice %dot_general3A_48 {offsets = [0, 0], sizes = [1000, 128], strides = [1, 1]} : vector<1000x1024xf32> to vector<1000x128xf32>
    %mul3A = arith.mulf %concatenate3A, %slice3A_55 : vector<1000x128xf32>
    %slice3A_56 = vector.extract_strided_slice %dot_general3A_48 {offsets = [0, 128], sizes = [1000, 128], strides = [1, 1]} : vector<1000x1024xf32> to vector<1000x128xf32>
    %mul3A_57 = arith.mulf %concatenate3A, %slice3A_56 : vector<1000x128xf32>
    %slice3A_58 = vector.extract_strided_slice %dot_general3A_48 {offsets = [0, 256], sizes = [1000, 128], strides = [1, 1]} : vector<1000x1024xf32> to vector<1000x128xf32>
    %mul3A_59 = arith.mulf %concatenate3A, %slice3A_58 : vector<1000x128xf32>
    %slice3A_60 = vector.extract_strided_slice %dot_general3A_48 {offsets = [0, 384], sizes = [1000, 128], strides = [1, 1]} : vector<1000x1024xf32> to vector<1000x128xf32>
    %mul3A_61 = arith.mulf %concatenate3A, %slice3A_60 : vector<1000x128xf32>
    %slice3A_62 = vector.extract_strided_slice %dot_general3A_48 {offsets = [0, 512], sizes = [1000, 128], strides = [1, 1]} : vector<1000x1024xf32> to vector<1000x128xf32>
    %mul3A_63 = arith.mulf %concatenate3A, %slice3A_62 : vector<1000x128xf32>
    %slice3A_64 = vector.extract_strided_slice %dot_general3A_48 {offsets = [0, 640], sizes = [1000, 128], strides = [1, 1]} : vector<1000x1024xf32> to vector<1000x128xf32>
    %mul3A_65 = arith.mulf %concatenate3A, %slice3A_64 : vector<1000x128xf32>
    %slice3A_66 = vector.extract_strided_slice %dot_general3A_48 {offsets = [0, 768], sizes = [1000, 128], strides = [1, 1]} : vector<1000x1024xf32> to vector<1000x128xf32>
    %mul3A_67 = arith.mulf %concatenate3A, %slice3A_66 : vector<1000x128xf32>
    %slice3A_68 = vector.extract_strided_slice %dot_general3A_48 {offsets = [0, 896], sizes = [1000, 128], strides = [1, 1]} : vector<1000x1024xf32> to vector<1000x128xf32>
    %mul3A_69 = arith.mulf %concatenate3A, %slice3A_68 : vector<1000x128xf32>
    %slice3A_70 = vector.extract_strided_slice %reshape3A_42 {offsets = [1, 0, 0], sizes = [1, 1000, 16], strides = [1, 1, 1]} : vector<16x1000x16xf32> to vector<1x1000x16xf32>
    %squeeze3A_71 = vector.shape_cast %slice3A_70 : vector<1x1000x16xf32> to vector<1000x16xf32>
    %get3A_72 = arith.constant 0 : index
    %get3A_73 = arith.constant 0 : index
    %get3A_74 = vector.load %arg11[%get3A_72, %get3A_73] : memref<16x1024xf32, #tpu.memory_space<vmem>>, vector<16x1024xf32>
    %dot_general3A_75 = arith.constant dense<0.000000e+00> : vector<1000x1024xf32>
    %dot_general3A_76 = tpu.matmul %squeeze3A_71, %get3A_74, %dot_general3A_75 {dimension_numbers = #tpu.dot_dimension_numbers<[1], [0], [0], [1], [0, 0, 1, 1], [], []>, transpose_lhs_hint = false} : vector<1000x16xf32>, vector<16x1024xf32>, vector<1000x1024xf32> -> vector<1000x1024xf32>
    %get3A_77 = arith.constant 1 : index
    %get3A_78 = arith.constant 0 : index
    %get3A_79 = arith.constant 0 : index
    %get3A_80 = vector.load %arg1[%get3A_77, %get3A_78, %get3A_79] : memref<16x1000x128xf32, #tpu.memory_space<vmem>>, vector<1x1000x128xf32>
    %get3A_81 = vector.shape_cast %get3A_80 : vector<1x1000x128xf32> to vector<1000x128xf32>
    %slice3A_82 = vector.extract_strided_slice %get3A_81 {offsets = [0, 0], sizes = [1000, 64], strides = [1, 1]} : vector<1000x128xf32> to vector<1000x64xf32>
    %concatenate3A_83 = tpu.concatenate %slice3A_82, %slice3A_82 in 1 : vector<1000x64xf32>, vector<1000x64xf32> -> vector<1000x128xf32>
    %slice3A_84 = vector.extract_strided_slice %dot_general3A_76 {offsets = [0, 0], sizes = [1000, 128], strides = [1, 1]} : vector<1000x1024xf32> to vector<1000x128xf32>
    %mul3A_85 = arith.mulf %concatenate3A_83, %slice3A_84 : vector<1000x128xf32>
    %add3A_86 = arith.addf %mul3A, %mul3A_85 : vector<1000x128xf32>
    %slice3A_87 = vector.extract_strided_slice %dot_general3A_76 {offsets = [0, 128], sizes = [1000, 128], strides = [1, 1]} : vector<1000x1024xf32> to vector<1000x128xf32>
    %mul3A_88 = arith.mulf %concatenate3A_83, %slice3A_87 : vector<1000x128xf32>
    %add3A_89 = arith.addf %mul3A_57, %mul3A_88 : vector<1000x128xf32>
    %slice3A_90 = vector.extract_strided_slice %dot_general3A_76 {offsets = [0, 256], sizes = [1000, 128], strides = [1, 1]} : vector<1000x1024xf32> to vector<1000x128xf32>
    %mul3A_91 = arith.mulf %concatenate3A_83, %slice3A_90 : vector<1000x128xf32>
    %add3A_92 = arith.addf %mul3A_59, %mul3A_91 : vector<1000x128xf32>
    %slice3A_93 = vector.extract_strided_slice %dot_general3A_76 {offsets = [0, 384], sizes = [1000, 128], strides = [1, 1]} : vector<1000x1024xf32> to vector<1000x128xf32>
    %mul3A_94 = arith.mulf %concatenate3A_83, %slice3A_93 : vector<1000x128xf32>
    %add3A_95 = arith.addf %mul3A_61, %mul3A_94 : vector<1000x128xf32>
    %slice3A_96 = vector.extract_strided_slice %dot_general3A_76 {offsets = [0, 512], sizes = [1000, 128], strides = [1, 1]} : vector<1000x1024xf32> to vector<1000x128xf32>
    %mul3A_97 = arith.mulf %concatenate3A_83, %slice3A_96 : vector<1000x128xf32>
    %add3A_98 = arith.addf %mul3A_63, %mul3A_97 : vector<1000x128xf32>
    %slice3A_99 = vector.extract_strided_slice %dot_general3A_76 {offsets = [0, 640], sizes = [1000, 128], strides = [1, 1]} : vector<1000x1024xf32> to vector<1000x128xf32>
    %mul3A_100 = arith.mulf %concatenate3A_83, %slice3A_99 : vector<1000x128xf32>
    %add3A_101 = arith.addf %mul3A_65, %mul3A_100 : vector<1000x128xf32>
    %slice3A_102 = vector.extract_strided_slice %dot_general3A_76 {offsets = [0, 768], sizes = [1000, 128], strides = [1, 1]} : vector<1000x1024xf32> to vector<1000x128xf32>
    %mul3A_103 = arith.mulf %concatenate3A_83, %slice3A_102 : vector<1000x128xf32>
    %add3A_104 = arith.addf %mul3A_67, %mul3A_103 : vector<1000x128xf32>
    %slice3A_105 = vector.extract_strided_slice %dot_general3A_76 {offsets = [0, 896], sizes = [1000, 128], strides = [1, 1]} : vector<1000x1024xf32> to vector<1000x128xf32>
    %mul3A_106 = arith.mulf %concatenate3A_83, %slice3A_105 : vector<1000x128xf32>
    %add3A_107 = arith.addf %mul3A_69, %mul3A_106 : vector<1000x128xf32>
    %slice3A_108 = vector.extract_strided_slice %reshape3A_42 {offsets = [2, 0, 0], sizes = [1, 1000, 16], strides = [1, 1, 1]} : vector<16x1000x16xf32> to vector<1x1000x16xf32>
    %squeeze3A_109 = vector.shape_cast %slice3A_108 : vector<1x1000x16xf32> to vector<1000x16xf32>
    %get3A_110 = arith.constant 0 : index
    %get3A_111 = arith.constant 0 : index
    %get3A_112 = vector.load %arg11[%get3A_110, %get3A_111] : memref<16x1024xf32, #tpu.memory_space<vmem>>, vector<16x1024xf32>
    %dot_general3A_113 = arith.constant dense<0.000000e+00> : vector<1000x1024xf32>
    %dot_general3A_114 = tpu.matmul %squeeze3A_109, %get3A_112, %dot_general3A_113 {dimension_numbers = #tpu.dot_dimension_numbers<[1], [0], [0], [1], [0, 0, 1, 1], [], []>, transpose_lhs_hint = false} : vector<1000x16xf32>, vector<16x1024xf32>, vector<1000x1024xf32> -> vector<1000x1024xf32>
    %get3A_115 = arith.constant 2 : index
    %get3A_116 = arith.constant 0 : index
    %get3A_117 = arith.constant 0 : index
    %get3A_118 = vector.load %arg1[%get3A_115, %get3A_116, %get3A_117] : memref<16x1000x128xf32, #tpu.memory_space<vmem>>, vector<1x1000x128xf32>
    %get3A_119 = vector.shape_cast %get3A_118 : vector<1x1000x128xf32> to vector<1000x128xf32>
    %slice3A_120 = vector.extract_strided_slice %get3A_119 {offsets = [0, 0], sizes = [1000, 64], strides = [1, 1]} : vector<1000x128xf32> to vector<1000x64xf32>
    %concatenate3A_121 = tpu.concatenate %slice3A_120, %slice3A_120 in 1 : vector<1000x64xf32>, vector<1000x64xf32> -> vector<1000x128xf32>
    %slice3A_122 = vector.extract_strided_slice %dot_general3A_114 {offsets = [0, 0], sizes = [1000, 128], strides = [1, 1]} : vector<1000x1024xf32> to vector<1000x128xf32>
    %mul3A_123 = arith.mulf %concatenate3A_121, %slice3A_122 : vector<1000x128xf32>
    %add3A_124 = arith.addf %add3A_86, %mul3A_123 : vector<1000x128xf32>
    %slice3A_125 = vector.extract_strided_slice %dot_general3A_114 {offsets = [0, 128], sizes = [1000, 128], strides = [1, 1]} : vector<1000x1024xf32> to vector<1000x128xf32>
    %mul3A_126 = arith.mulf %concatenate3A_121, %slice3A_125 : vector<1000x128xf32>
    %add3A_127 = arith.addf %add3A_89, %mul3A_126 : vector<1000x128xf32>
    %slice3A_128 = vector.extract_strided_slice %dot_general3A_114 {offsets = [0, 256], sizes = [1000, 128], strides = [1, 1]} : vector<1000x1024xf32> to vector<1000x128xf32>
    %mul3A_129 = arith.mulf %concatenate3A_121, %slice3A_128 : vector<1000x128xf32>
    %add3A_130 = arith.addf %add3A_92, %mul3A_129 : vector<1000x128xf32>
    %slice3A_131 = vector.extract_strided_slice %dot_general3A_114 {offsets = [0, 384], sizes = [1000, 128], strides = [1, 1]} : vector<1000x1024xf32> to vector<1000x128xf32>
    %mul3A_132 = arith.mulf %concatenate3A_121, %slice3A_131 : vector<1000x128xf32>
    %add3A_133 = arith.addf %add3A_95, %mul3A_132 : vector<1000x128xf32>
    %slice3A_134 = vector.extract_strided_slice %dot_general3A_114 {offsets = [0, 512], sizes = [1000, 128], strides = [1, 1]} : vector<1000x1024xf32> to vector<1000x128xf32>
    %mul3A_135 = arith.mulf %concatenate3A_121, %slice3A_134 : vector<1000x128xf32>
    %add3A_136 = arith.addf %add3A_98, %mul3A_135 : vector<1000x128xf32>
    %slice3A_137 = vector.extract_strided_slice %dot_general3A_114 {offsets = [0, 640], sizes = [1000, 128], strides = [1, 1]} : vector<1000x1024xf32> to vector<1000x128xf32>
    %mul3A_138 = arith.mulf %concatenate3A_121, %slice3A_137 : vector<1000x128xf32>
    %add3A_139 = arith.addf %add3A_101, %mul3A_138 : vector<1000x128xf32>
    %slice3A_140 = vector.extract_strided_slice %dot_general3A_114 {offsets = [0, 768], sizes = [1000, 128], strides = [1, 1]} : vector<1000x1024xf32> to vector<1000x128xf32>
    %mul3A_141 = arith.mulf %concatenate3A_121, %slice3A_140 : vector<1000x128xf32>
    %add3A_142 = arith.addf %add3A_104, %mul3A_141 : vector<1000x128xf32>
    %slice3A_143 = vector.extract_strided_slice %dot_general3A_114 {offsets = [0, 896], sizes = [1000, 128], strides = [1, 1]} : vector<1000x1024xf32> to vector<1000x128xf32>
    %mul3A_144 = arith.mulf %concatenate3A_121, %slice3A_143 : vector<1000x128xf32>
    %add3A_145 = arith.addf %add3A_107, %mul3A_144 : vector<1000x128xf32>
    %slice3A_146 = vector.extract_strided_slice %reshape3A_42 {offsets = [3, 0, 0], sizes = [1, 1000, 16], strides = [1, 1, 1]} : vector<16x1000x16xf32> to vector<1x1000x16xf32>
    %squeeze3A_147 = vector.shape_cast %slice3A_146 : vector<1x1000x16xf32> to vector<1000x16xf32>
    %get3A_148 = arith.constant 0 : index
    %get3A_149 = arith.constant 0 : index
    %get3A_150 = vector.load %arg11[%get3A_148, %get3A_149] : memref<16x1024xf32, #tpu.memory_space<vmem>>, vector<16x1024xf32>
    %dot_general3A_151 = arith.constant dense<0.000000e+00> : vector<1000x1024xf32>
    %dot_general3A_152 = tpu.matmul %squeeze3A_147, %get3A_150, %dot_general3A_151 {dimension_numbers = #tpu.dot_dimension_numbers<[1], [0], [0], [1], [0, 0, 1, 1], [], []>, transpose_lhs_hint = false} : vector<1000x16xf32>, vector<16x1024xf32>, vector<1000x1024xf32> -> vector<1000x1024xf32>
    %get3A_153 = arith.constant 3 : index
    %get3A_154 = arith.constant 0 : index
    %get3A_155 = arith.constant 0 : index
    %get3A_156 = vector.load %arg1[%get3A_153, %get3A_154, %get3A_155] : memref<16x1000x128xf32, #tpu.memory_space<vmem>>, vector<1x1000x128xf32>
    %get3A_157 = vector.shape_cast %get3A_156 : vector<1x1000x128xf32> to vector<1000x128xf32>
    %slice3A_158 = vector.extract_strided_slice %get3A_157 {offsets = [0, 0], sizes = [1000, 64], strides = [1, 1]} : vector<1000x128xf32> to vector<1000x64xf32>
    %concatenate3A_159 = tpu.concatenate %slice3A_158, %slice3A_158 in 1 : vector<1000x64xf32>, vector<1000x64xf32> -> vector<1000x128xf32>
    %slice3A_160 = vector.extract_strided_slice %dot_general3A_152 {offsets = [0, 0], sizes = [1000, 128], strides = [1, 1]} : vector<1000x1024xf32> to vector<1000x128xf32>
    %mul3A_161 = arith.mulf %concatenate3A_159, %slice3A_160 : vector<1000x128xf32>
    %add3A_162 = arith.addf %add3A_124, %mul3A_161 : vector<1000x128xf32>
    %slice3A_163 = vector.extract_strided_slice %dot_general3A_152 {offsets = [0, 128], sizes = [1000, 128], strides = [1, 1]} : vector<1000x1024xf32> to vector<1000x128xf32>
    %mul3A_164 = arith.mulf %concatenate3A_159, %slice3A_163 : vector<1000x128xf32>
    %add3A_165 = arith.addf %add3A_127, %mul3A_164 : vector<1000x128xf32>
    %slice3A_166 = vector.extract_strided_slice %dot_general3A_152 {offsets = [0, 256], sizes = [1000, 128], strides = [1, 1]} : vector<1000x1024xf32> to vector<1000x128xf32>
    %mul3A_167 = arith.mulf %concatenate3A_159, %slice3A_166 : vector<1000x128xf32>
    %add3A_168 = arith.addf %add3A_130, %mul3A_167 : vector<1000x128xf32>
    %slice3A_169 = vector.extract_strided_slice %dot_general3A_152 {offsets = [0, 384], sizes = [1000, 128], strides = [1, 1]} : vector<1000x1024xf32> to vector<1000x128xf32>
    %mul3A_170 = arith.mulf %concatenate3A_159, %slice3A_169 : vector<1000x128xf32>
    %add3A_171 = arith.addf %add3A_133, %mul3A_170 : vector<1000x128xf32>
    %slice3A_172 = vector.extract_strided_slice %dot_general3A_152 {offsets = [0, 512], sizes = [1000, 128], strides = [1, 1]} : vector<1000x1024xf32> to vector<1000x128xf32>
    %mul3A_173 = arith.mulf %concatenate3A_159, %slice3A_172 : vector<1000x128xf32>
    %add3A_174 = arith.addf %add3A_136, %mul3A_173 : vector<1000x128xf32>
    %slice3A_175 = vector.extract_strided_slice %dot_general3A_152 {offsets = [0, 640], sizes = [1000, 128], strides = [1, 1]} : vector<1000x1024xf32> to vector<1000x128xf32>
    %mul3A_176 = arith.mulf %concatenate3A_159, %slice3A_175 : vector<1000x128xf32>
    %add3A_177 = arith.addf %add3A_139, %mul3A_176 : vector<1000x128xf32>
    %slice3A_178 = vector.extract_strided_slice %dot_general3A_152 {offsets = [0, 768], sizes = [1000, 128], strides = [1, 1]} : vector<1000x1024xf32> to vector<1000x128xf32>
    %mul3A_179 = arith.mulf %concatenate3A_159, %slice3A_178 : vector<1000x128xf32>
    %add3A_180 = arith.addf %add3A_142, %mul3A_179 : vector<1000x128xf32>
    %slice3A_181 = vector.extract_strided_slice %dot_general3A_152 {offsets = [0, 896], sizes = [1000, 128], strides = [1, 1]} : vector<1000x1024xf32> to vector<1000x128xf32>
    %mul3A_182 = arith.mulf %concatenate3A_159, %slice3A_181 : vector<1000x128xf32>
    %add3A_183 = arith.addf %add3A_145, %mul3A_182 : vector<1000x128xf32>
    %slice3A_184 = vector.extract_strided_slice %reshape3A_42 {offsets = [4, 0, 0], sizes = [1, 1000, 16], strides = [1, 1, 1]} : vector<16x1000x16xf32> to vector<1x1000x16xf32>
    %squeeze3A_185 = vector.shape_cast %slice3A_184 : vector<1x1000x16xf32> to vector<1000x16xf32>
    %get3A_186 = arith.constant 0 : index
    %get3A_187 = arith.constant 0 : index
    %get3A_188 = vector.load %arg11[%get3A_186, %get3A_187] : memref<16x1024xf32, #tpu.memory_space<vmem>>, vector<16x1024xf32>
    %dot_general3A_189 = arith.constant dense<0.000000e+00> : vector<1000x1024xf32>
    %dot_general3A_190 = tpu.matmul %squeeze3A_185, %get3A_188, %dot_general3A_189 {dimension_numbers = #tpu.dot_dimension_numbers<[1], [0], [0], [1], [0, 0, 1, 1], [], []>, transpose_lhs_hint = false} : vector<1000x16xf32>, vector<16x1024xf32>, vector<1000x1024xf32> -> vector<1000x1024xf32>
    %get3A_191 = arith.constant 4 : index
    %get3A_192 = arith.constant 0 : index
    %get3A_193 = arith.constant 0 : index
    %get3A_194 = vector.load %arg1[%get3A_191, %get3A_192, %get3A_193] : memref<16x1000x128xf32, #tpu.memory_space<vmem>>, vector<1x1000x128xf32>
    %get3A_195 = vector.shape_cast %get3A_194 : vector<1x1000x128xf32> to vector<1000x128xf32>
    %slice3A_196 = vector.extract_strided_slice %get3A_195 {offsets = [0, 0], sizes = [1000, 64], strides = [1, 1]} : vector<1000x128xf32> to vector<1000x64xf32>
    %concatenate3A_197 = tpu.concatenate %slice3A_196, %slice3A_196 in 1 : vector<1000x64xf32>, vector<1000x64xf32> -> vector<1000x128xf32>
    %slice3A_198 = vector.extract_strided_slice %dot_general3A_190 {offsets = [0, 0], sizes = [1000, 128], strides = [1, 1]} : vector<1000x1024xf32> to vector<1000x128xf32>
    %mul3A_199 = arith.mulf %concatenate3A_197, %slice3A_198 : vector<1000x128xf32>
    %add3A_200 = arith.addf %add3A_162, %mul3A_199 : vector<1000x128xf32>
    %slice3A_201 = vector.extract_strided_slice %dot_general3A_190 {offsets = [0, 128], sizes = [1000, 128], strides = [1, 1]} : vector<1000x1024xf32> to vector<1000x128xf32>
    %mul3A_202 = arith.mulf %concatenate3A_197, %slice3A_201 : vector<1000x128xf32>
    %add3A_203 = arith.addf %add3A_165, %mul3A_202 : vector<1000x128xf32>
    %slice3A_204 = vector.extract_strided_slice %dot_general3A_190 {offsets = [0, 256], sizes = [1000, 128], strides = [1, 1]} : vector<1000x1024xf32> to vector<1000x128xf32>
    %mul3A_205 = arith.mulf %concatenate3A_197, %slice3A_204 : vector<1000x128xf32>
    %add3A_206 = arith.addf %add3A_168, %mul3A_205 : vector<1000x128xf32>
    %slice3A_207 = vector.extract_strided_slice %dot_general3A_190 {offsets = [0, 384], sizes = [1000, 128], strides = [1, 1]} : vector<1000x1024xf32> to vector<1000x128xf32>
    %mul3A_208 = arith.mulf %concatenate3A_197, %slice3A_207 : vector<1000x128xf32>
    %add3A_209 = arith.addf %add3A_171, %mul3A_208 : vector<1000x128xf32>
    %slice3A_210 = vector.extract_strided_slice %dot_general3A_190 {offsets = [0, 512], sizes = [1000, 128], strides = [1, 1]} : vector<1000x1024xf32> to vector<1000x128xf32>
    %mul3A_211 = arith.mulf %concatenate3A_197, %slice3A_210 : vector<1000x128xf32>
    %add3A_212 = arith.addf %add3A_174, %mul3A_211 : vector<1000x128xf32>
    %slice3A_213 = vector.extract_strided_slice %dot_general3A_190 {offsets = [0, 640], sizes = [1000, 128], strides = [1, 1]} : vector<1000x1024xf32> to vector<1000x128xf32>
    %mul3A_214 = arith.mulf %concatenate3A_197, %slice3A_213 : vector<1000x128xf32>
    %add3A_215 = arith.addf %add3A_177, %mul3A_214 : vector<1000x128xf32>
    %slice3A_216 = vector.extract_strided_slice %dot_general3A_190 {offsets = [0, 768], sizes = [1000, 128], strides = [1, 1]} : vector<1000x1024xf32> to vector<1000x128xf32>
    %mul3A_217 = arith.mulf %concatenate3A_197, %slice3A_216 : vector<1000x128xf32>
    %add3A_218 = arith.addf %add3A_180, %mul3A_217 : vector<1000x128xf32>
    %slice3A_219 = vector.extract_strided_slice %dot_general3A_190 {offsets = [0, 896], sizes = [1000, 128], strides = [1, 1]} : vector<1000x1024xf32> to vector<1000x128xf32>
    %mul3A_220 = arith.mulf %concatenate3A_197, %slice3A_219 : vector<1000x128xf32>
    %add3A_221 = arith.addf %add3A_183, %mul3A_220 : vector<1000x128xf32>
    %slice3A_222 = vector.extract_strided_slice %reshape3A_42 {offsets = [5, 0, 0], sizes = [1, 1000, 16], strides = [1, 1, 1]} : vector<16x1000x16xf32> to vector<1x1000x16xf32>
    %squeeze3A_223 = vector.shape_cast %slice3A_222 : vector<1x1000x16xf32> to vector<1000x16xf32>
    %get3A_224 = arith.constant 0 : index
    %get3A_225 = arith.constant 0 : index
    %get3A_226 = vector.load %arg11[%get3A_224, %get3A_225] : memref<16x1024xf32, #tpu.memory_space<vmem>>, vector<16x1024xf32>
    %dot_general3A_227 = arith.constant dense<0.000000e+00> : vector<1000x1024xf32>
    %dot_general3A_228 = tpu.matmul %squeeze3A_223, %get3A_226, %dot_general3A_227 {dimension_numbers = #tpu.dot_dimension_numbers<[1], [0], [0], [1], [0, 0, 1, 1], [], []>, transpose_lhs_hint = false} : vector<1000x16xf32>, vector<16x1024xf32>, vector<1000x1024xf32> -> vector<1000x1024xf32>
    %get3A_229 = arith.constant 5 : index
    %get3A_230 = arith.constant 0 : index
    %get3A_231 = arith.constant 0 : index
    %get3A_232 = vector.load %arg1[%get3A_229, %get3A_230, %get3A_231] : memref<16x1000x128xf32, #tpu.memory_space<vmem>>, vector<1x1000x128xf32>
    %get3A_233 = vector.shape_cast %get3A_232 : vector<1x1000x128xf32> to vector<1000x128xf32>
    %slice3A_234 = vector.extract_strided_slice %get3A_233 {offsets = [0, 0], sizes = [1000, 64], strides = [1, 1]} : vector<1000x128xf32> to vector<1000x64xf32>
    %concatenate3A_235 = tpu.concatenate %slice3A_234, %slice3A_234 in 1 : vector<1000x64xf32>, vector<1000x64xf32> -> vector<1000x128xf32>
    %slice3A_236 = vector.extract_strided_slice %dot_general3A_228 {offsets = [0, 0], sizes = [1000, 128], strides = [1, 1]} : vector<1000x1024xf32> to vector<1000x128xf32>
    %mul3A_237 = arith.mulf %concatenate3A_235, %slice3A_236 : vector<1000x128xf32>
    %add3A_238 = arith.addf %add3A_200, %mul3A_237 : vector<1000x128xf32>
    %slice3A_239 = vector.extract_strided_slice %dot_general3A_228 {offsets = [0, 128], sizes = [1000, 128], strides = [1, 1]} : vector<1000x1024xf32> to vector<1000x128xf32>
    %mul3A_240 = arith.mulf %concatenate3A_235, %slice3A_239 : vector<1000x128xf32>
    %add3A_241 = arith.addf %add3A_203, %mul3A_240 : vector<1000x128xf32>
    %slice3A_242 = vector.extract_strided_slice %dot_general3A_228 {offsets = [0, 256], sizes = [1000, 128], strides = [1, 1]} : vector<1000x1024xf32> to vector<1000x128xf32>
    %mul3A_243 = arith.mulf %concatenate3A_235, %slice3A_242 : vector<1000x128xf32>
    %add3A_244 = arith.addf %add3A_206, %mul3A_243 : vector<1000x128xf32>
    %slice3A_245 = vector.extract_strided_slice %dot_general3A_228 {offsets = [0, 384], sizes = [1000, 128], strides = [1, 1]} : vector<1000x1024xf32> to vector<1000x128xf32>
    %mul3A_246 = arith.mulf %concatenate3A_235, %slice3A_245 : vector<1000x128xf32>
    %add3A_247 = arith.addf %add3A_209, %mul3A_246 : vector<1000x128xf32>
    %slice3A_248 = vector.extract_strided_slice %dot_general3A_228 {offsets = [0, 512], sizes = [1000, 128], strides = [1, 1]} : vector<1000x1024xf32> to vector<1000x128xf32>
    %mul3A_249 = arith.mulf %concatenate3A_235, %slice3A_248 : vector<1000x128xf32>
    %add3A_250 = arith.addf %add3A_212, %mul3A_249 : vector<1000x128xf32>
    %slice3A_251 = vector.extract_strided_slice %dot_general3A_228 {offsets = [0, 640], sizes = [1000, 128], strides = [1, 1]} : vector<1000x1024xf32> to vector<1000x128xf32>
    %mul3A_252 = arith.mulf %concatenate3A_235, %slice3A_251 : vector<1000x128xf32>
    %add3A_253 = arith.addf %add3A_215, %mul3A_252 : vector<1000x128xf32>
    %slice3A_254 = vector.extract_strided_slice %dot_general3A_228 {offsets = [0, 768], sizes = [1000, 128], strides = [1, 1]} : vector<1000x1024xf32> to vector<1000x128xf32>
    %mul3A_255 = arith.mulf %concatenate3A_235, %slice3A_254 : vector<1000x128xf32>
    %add3A_256 = arith.addf %add3A_218, %mul3A_255 : vector<1000x128xf32>
    %slice3A_257 = vector.extract_strided_slice %dot_general3A_228 {offsets = [0, 896], sizes = [1000, 128], strides = [1, 1]} : vector<1000x1024xf32> to vector<1000x128xf32>
    %mul3A_258 = arith.mulf %concatenate3A_235, %slice3A_257 : vector<1000x128xf32>
    %add3A_259 = arith.addf %add3A_221, %mul3A_258 : vector<1000x128xf32>
    %slice3A_260 = vector.extract_strided_slice %reshape3A_42 {offsets = [6, 0, 0], sizes = [1, 1000, 16], strides = [1, 1, 1]} : vector<16x1000x16xf32> to vector<1x1000x16xf32>
    %squeeze3A_261 = vector.shape_cast %slice3A_260 : vector<1x1000x16xf32> to vector<1000x16xf32>
    %get3A_262 = arith.constant 0 : index
    %get3A_263 = arith.constant 0 : index
    %get3A_264 = vector.load %arg11[%get3A_262, %get3A_263] : memref<16x1024xf32, #tpu.memory_space<vmem>>, vector<16x1024xf32>
    %dot_general3A_265 = arith.constant dense<0.000000e+00> : vector<1000x1024xf32>
    %dot_general3A_266 = tpu.matmul %squeeze3A_261, %get3A_264, %dot_general3A_265 {dimension_numbers = #tpu.dot_dimension_numbers<[1], [0], [0], [1], [0, 0, 1, 1], [], []>, transpose_lhs_hint = false} : vector<1000x16xf32>, vector<16x1024xf32>, vector<1000x1024xf32> -> vector<1000x1024xf32>
    %get3A_267 = arith.constant 6 : index
    %get3A_268 = arith.constant 0 : index
    %get3A_269 = arith.constant 0 : index
    %get3A_270 = vector.load %arg1[%get3A_267, %get3A_268, %get3A_269] : memref<16x1000x128xf32, #tpu.memory_space<vmem>>, vector<1x1000x128xf32>
    %get3A_271 = vector.shape_cast %get3A_270 : vector<1x1000x128xf32> to vector<1000x128xf32>
    %slice3A_272 = vector.extract_strided_slice %get3A_271 {offsets = [0, 0], sizes = [1000, 64], strides = [1, 1]} : vector<1000x128xf32> to vector<1000x64xf32>
    %concatenate3A_273 = tpu.concatenate %slice3A_272, %slice3A_272 in 1 : vector<1000x64xf32>, vector<1000x64xf32> -> vector<1000x128xf32>
    %slice3A_274 = vector.extract_strided_slice %dot_general3A_266 {offsets = [0, 0], sizes = [1000, 128], strides = [1, 1]} : vector<1000x1024xf32> to vector<1000x128xf32>
    %mul3A_275 = arith.mulf %concatenate3A_273, %slice3A_274 : vector<1000x128xf32>
    %add3A_276 = arith.addf %add3A_238, %mul3A_275 : vector<1000x128xf32>
    %slice3A_277 = vector.extract_strided_slice %dot_general3A_266 {offsets = [0, 128], sizes = [1000, 128], strides = [1, 1]} : vector<1000x1024xf32> to vector<1000x128xf32>
    %mul3A_278 = arith.mulf %concatenate3A_273, %slice3A_277 : vector<1000x128xf32>
    %add3A_279 = arith.addf %add3A_241, %mul3A_278 : vector<1000x128xf32>
    %slice3A_280 = vector.extract_strided_slice %dot_general3A_266 {offsets = [0, 256], sizes = [1000, 128], strides = [1, 1]} : vector<1000x1024xf32> to vector<1000x128xf32>
    %mul3A_281 = arith.mulf %concatenate3A_273, %slice3A_280 : vector<1000x128xf32>
    %add3A_282 = arith.addf %add3A_244, %mul3A_281 : vector<1000x128xf32>
    %slice3A_283 = vector.extract_strided_slice %dot_general3A_266 {offsets = [0, 384], sizes = [1000, 128], strides = [1, 1]} : vector<1000x1024xf32> to vector<1000x128xf32>
    %mul3A_284 = arith.mulf %concatenate3A_273, %slice3A_283 : vector<1000x128xf32>
    %add3A_285 = arith.addf %add3A_247, %mul3A_284 : vector<1000x128xf32>
    %slice3A_286 = vector.extract_strided_slice %dot_general3A_266 {offsets = [0, 512], sizes = [1000, 128], strides = [1, 1]} : vector<1000x1024xf32> to vector<1000x128xf32>
    %mul3A_287 = arith.mulf %concatenate3A_273, %slice3A_286 : vector<1000x128xf32>
    %add3A_288 = arith.addf %add3A_250, %mul3A_287 : vector<1000x128xf32>
    %slice3A_289 = vector.extract_strided_slice %dot_general3A_266 {offsets = [0, 640], sizes = [1000, 128], strides = [1, 1]} : vector<1000x1024xf32> to vector<1000x128xf32>
    %mul3A_290 = arith.mulf %concatenate3A_273, %slice3A_289 : vector<1000x128xf32>
    %add3A_291 = arith.addf %add3A_253, %mul3A_290 : vector<1000x128xf32>
    %slice3A_292 = vector.extract_strided_slice %dot_general3A_266 {offsets = [0, 768], sizes = [1000, 128], strides = [1, 1]} : vector<1000x1024xf32> to vector<1000x128xf32>
    %mul3A_293 = arith.mulf %concatenate3A_273, %slice3A_292 : vector<1000x128xf32>
    %add3A_294 = arith.addf %add3A_256, %mul3A_293 : vector<1000x128xf32>
    %slice3A_295 = vector.extract_strided_slice %dot_general3A_266 {offsets = [0, 896], sizes = [1000, 128], strides = [1, 1]} : vector<1000x1024xf32> to vector<1000x128xf32>
    %mul3A_296 = arith.mulf %concatenate3A_273, %slice3A_295 : vector<1000x128xf32>
    %add3A_297 = arith.addf %add3A_259, %mul3A_296 : vector<1000x128xf32>
    %slice3A_298 = vector.extract_strided_slice %reshape3A_42 {offsets = [7, 0, 0], sizes = [1, 1000, 16], strides = [1, 1, 1]} : vector<16x1000x16xf32> to vector<1x1000x16xf32>
    %squeeze3A_299 = vector.shape_cast %slice3A_298 : vector<1x1000x16xf32> to vector<1000x16xf32>
    %get3A_300 = arith.constant 0 : index
    %get3A_301 = arith.constant 0 : index
    %get3A_302 = vector.load %arg11[%get3A_300, %get3A_301] : memref<16x1024xf32, #tpu.memory_space<vmem>>, vector<16x1024xf32>
    %dot_general3A_303 = arith.constant dense<0.000000e+00> : vector<1000x1024xf32>
    %dot_general3A_304 = tpu.matmul %squeeze3A_299, %get3A_302, %dot_general3A_303 {dimension_numbers = #tpu.dot_dimension_numbers<[1], [0], [0], [1], [0, 0, 1, 1], [], []>, transpose_lhs_hint = false} : vector<1000x16xf32>, vector<16x1024xf32>, vector<1000x1024xf32> -> vector<1000x1024xf32>
    %get3A_305 = arith.constant 7 : index
    %get3A_306 = arith.constant 0 : index
    %get3A_307 = arith.constant 0 : index
    %get3A_308 = vector.load %arg1[%get3A_305, %get3A_306, %get3A_307] : memref<16x1000x128xf32, #tpu.memory_space<vmem>>, vector<1x1000x128xf32>
    %get3A_309 = vector.shape_cast %get3A_308 : vector<1x1000x128xf32> to vector<1000x128xf32>
    %slice3A_310 = vector.extract_strided_slice %get3A_309 {offsets = [0, 0], sizes = [1000, 64], strides = [1, 1]} : vector<1000x128xf32> to vector<1000x64xf32>
    %concatenate3A_311 = tpu.concatenate %slice3A_310, %slice3A_310 in 1 : vector<1000x64xf32>, vector<1000x64xf32> -> vector<1000x128xf32>
    %slice3A_312 = vector.extract_strided_slice %dot_general3A_304 {offsets = [0, 0], sizes = [1000, 128], strides = [1, 1]} : vector<1000x1024xf32> to vector<1000x128xf32>
    %mul3A_313 = arith.mulf %concatenate3A_311, %slice3A_312 : vector<1000x128xf32>
    %add3A_314 = arith.addf %add3A_276, %mul3A_313 : vector<1000x128xf32>
    %slice3A_315 = vector.extract_strided_slice %dot_general3A_304 {offsets = [0, 128], sizes = [1000, 128], strides = [1, 1]} : vector<1000x1024xf32> to vector<1000x128xf32>
    %mul3A_316 = arith.mulf %concatenate3A_311, %slice3A_315 : vector<1000x128xf32>
    %add3A_317 = arith.addf %add3A_279, %mul3A_316 : vector<1000x128xf32>
    %slice3A_318 = vector.extract_strided_slice %dot_general3A_304 {offsets = [0, 256], sizes = [1000, 128], strides = [1, 1]} : vector<1000x1024xf32> to vector<1000x128xf32>
    %mul3A_319 = arith.mulf %concatenate3A_311, %slice3A_318 : vector<1000x128xf32>
    %add3A_320 = arith.addf %add3A_282, %mul3A_319 : vector<1000x128xf32>
    %slice3A_321 = vector.extract_strided_slice %dot_general3A_304 {offsets = [0, 384], sizes = [1000, 128], strides = [1, 1]} : vector<1000x1024xf32> to vector<1000x128xf32>
    %mul3A_322 = arith.mulf %concatenate3A_311, %slice3A_321 : vector<1000x128xf32>
    %add3A_323 = arith.addf %add3A_285, %mul3A_322 : vector<1000x128xf32>
    %slice3A_324 = vector.extract_strided_slice %dot_general3A_304 {offsets = [0, 512], sizes = [1000, 128], strides = [1, 1]} : vector<1000x1024xf32> to vector<1000x128xf32>
    %mul3A_325 = arith.mulf %concatenate3A_311, %slice3A_324 : vector<1000x128xf32>
    %add3A_326 = arith.addf %add3A_288, %mul3A_325 : vector<1000x128xf32>
    %slice3A_327 = vector.extract_strided_slice %dot_general3A_304 {offsets = [0, 640], sizes = [1000, 128], strides = [1, 1]} : vector<1000x1024xf32> to vector<1000x128xf32>
    %mul3A_328 = arith.mulf %concatenate3A_311, %slice3A_327 : vector<1000x128xf32>
    %add3A_329 = arith.addf %add3A_291, %mul3A_328 : vector<1000x128xf32>
    %slice3A_330 = vector.extract_strided_slice %dot_general3A_304 {offsets = [0, 768], sizes = [1000, 128], strides = [1, 1]} : vector<1000x1024xf32> to vector<1000x128xf32>
    %mul3A_331 = arith.mulf %concatenate3A_311, %slice3A_330 : vector<1000x128xf32>
    %add3A_332 = arith.addf %add3A_294, %mul3A_331 : vector<1000x128xf32>
    %slice3A_333 = vector.extract_strided_slice %dot_general3A_304 {offsets = [0, 896], sizes = [1000, 128], strides = [1, 1]} : vector<1000x1024xf32> to vector<1000x128xf32>
    %mul3A_334 = arith.mulf %concatenate3A_311, %slice3A_333 : vector<1000x128xf32>
    %add3A_335 = arith.addf %add3A_297, %mul3A_334 : vector<1000x128xf32>
    %slice3A_336 = vector.extract_strided_slice %reshape3A_42 {offsets = [8, 0, 0], sizes = [1, 1000, 16], strides = [1, 1, 1]} : vector<16x1000x16xf32> to vector<1x1000x16xf32>
    %squeeze3A_337 = vector.shape_cast %slice3A_336 : vector<1x1000x16xf32> to vector<1000x16xf32>
    %get3A_338 = arith.constant 0 : index
    %get3A_339 = arith.constant 0 : index
    %get3A_340 = vector.load %arg11[%get3A_338, %get3A_339] : memref<16x1024xf32, #tpu.memory_space<vmem>>, vector<16x1024xf32>
    %dot_general3A_341 = arith.constant dense<0.000000e+00> : vector<1000x1024xf32>
    %dot_general3A_342 = tpu.matmul %squeeze3A_337, %get3A_340, %dot_general3A_341 {dimension_numbers = #tpu.dot_dimension_numbers<[1], [0], [0], [1], [0, 0, 1, 1], [], []>, transpose_lhs_hint = false} : vector<1000x16xf32>, vector<16x1024xf32>, vector<1000x1024xf32> -> vector<1000x1024xf32>
    %get3A_343 = arith.constant 8 : index
    %get3A_344 = arith.constant 0 : index
    %get3A_345 = arith.constant 0 : index
    %get3A_346 = vector.load %arg1[%get3A_343, %get3A_344, %get3A_345] : memref<16x1000x128xf32, #tpu.memory_space<vmem>>, vector<1x1000x128xf32>
    %get3A_347 = vector.shape_cast %get3A_346 : vector<1x1000x128xf32> to vector<1000x128xf32>
    %slice3A_348 = vector.extract_strided_slice %get3A_347 {offsets = [0, 0], sizes = [1000, 64], strides = [1, 1]} : vector<1000x128xf32> to vector<1000x64xf32>
    %concatenate3A_349 = tpu.concatenate %slice3A_348, %slice3A_348 in 1 : vector<1000x64xf32>, vector<1000x64xf32> -> vector<1000x128xf32>
    %slice3A_350 = vector.extract_strided_slice %dot_general3A_342 {offsets = [0, 0], sizes = [1000, 128], strides = [1, 1]} : vector<1000x1024xf32> to vector<1000x128xf32>
    %mul3A_351 = arith.mulf %concatenate3A_349, %slice3A_350 : vector<1000x128xf32>
    %add3A_352 = arith.addf %add3A_314, %mul3A_351 : vector<1000x128xf32>
    %slice3A_353 = vector.extract_strided_slice %dot_general3A_342 {offsets = [0, 128], sizes = [1000, 128], strides = [1, 1]} : vector<1000x1024xf32> to vector<1000x128xf32>
    %mul3A_354 = arith.mulf %concatenate3A_349, %slice3A_353 : vector<1000x128xf32>
    %add3A_355 = arith.addf %add3A_317, %mul3A_354 : vector<1000x128xf32>
    %slice3A_356 = vector.extract_strided_slice %dot_general3A_342 {offsets = [0, 256], sizes = [1000, 128], strides = [1, 1]} : vector<1000x1024xf32> to vector<1000x128xf32>
    %mul3A_357 = arith.mulf %concatenate3A_349, %slice3A_356 : vector<1000x128xf32>
    %add3A_358 = arith.addf %add3A_320, %mul3A_357 : vector<1000x128xf32>
    %slice3A_359 = vector.extract_strided_slice %dot_general3A_342 {offsets = [0, 384], sizes = [1000, 128], strides = [1, 1]} : vector<1000x1024xf32> to vector<1000x128xf32>
    %mul3A_360 = arith.mulf %concatenate3A_349, %slice3A_359 : vector<1000x128xf32>
    %add3A_361 = arith.addf %add3A_323, %mul3A_360 : vector<1000x128xf32>
    %slice3A_362 = vector.extract_strided_slice %dot_general3A_342 {offsets = [0, 512], sizes = [1000, 128], strides = [1, 1]} : vector<1000x1024xf32> to vector<1000x128xf32>
    %mul3A_363 = arith.mulf %concatenate3A_349, %slice3A_362 : vector<1000x128xf32>
    %add3A_364 = arith.addf %add3A_326, %mul3A_363 : vector<1000x128xf32>
    %slice3A_365 = vector.extract_strided_slice %dot_general3A_342 {offsets = [0, 640], sizes = [1000, 128], strides = [1, 1]} : vector<1000x1024xf32> to vector<1000x128xf32>
    %mul3A_366 = arith.mulf %concatenate3A_349, %slice3A_365 : vector<1000x128xf32>
    %add3A_367 = arith.addf %add3A_329, %mul3A_366 : vector<1000x128xf32>
    %slice3A_368 = vector.extract_strided_slice %dot_general3A_342 {offsets = [0, 768], sizes = [1000, 128], strides = [1, 1]} : vector<1000x1024xf32> to vector<1000x128xf32>
    %mul3A_369 = arith.mulf %concatenate3A_349, %slice3A_368 : vector<1000x128xf32>
    %add3A_370 = arith.addf %add3A_332, %mul3A_369 : vector<1000x128xf32>
    %slice3A_371 = vector.extract_strided_slice %dot_general3A_342 {offsets = [0, 896], sizes = [1000, 128], strides = [1, 1]} : vector<1000x1024xf32> to vector<1000x128xf32>
    %mul3A_372 = arith.mulf %concatenate3A_349, %slice3A_371 : vector<1000x128xf32>
    %add3A_373 = arith.addf %add3A_335, %mul3A_372 : vector<1000x128xf32>
    %slice3A_374 = vector.extract_strided_slice %reshape3A_42 {offsets = [9, 0, 0], sizes = [1, 1000, 16], strides = [1, 1, 1]} : vector<16x1000x16xf32> to vector<1x1000x16xf32>
    %squeeze3A_375 = vector.shape_cast %slice3A_374 : vector<1x1000x16xf32> to vector<1000x16xf32>
    %get3A_376 = arith.constant 0 : index
    %get3A_377 = arith.constant 0 : index
    %get3A_378 = vector.load %arg11[%get3A_376, %get3A_377] : memref<16x1024xf32, #tpu.memory_space<vmem>>, vector<16x1024xf32>
    %dot_general3A_379 = arith.constant dense<0.000000e+00> : vector<1000x1024xf32>
    %dot_general3A_380 = tpu.matmul %squeeze3A_375, %get3A_378, %dot_general3A_379 {dimension_numbers = #tpu.dot_dimension_numbers<[1], [0], [0], [1], [0, 0, 1, 1], [], []>, transpose_lhs_hint = false} : vector<1000x16xf32>, vector<16x1024xf32>, vector<1000x1024xf32> -> vector<1000x1024xf32>
    %get3A_381 = arith.constant 9 : index
    %get3A_382 = arith.constant 0 : index
    %get3A_383 = arith.constant 0 : index
    %get3A_384 = vector.load %arg1[%get3A_381, %get3A_382, %get3A_383] : memref<16x1000x128xf32, #tpu.memory_space<vmem>>, vector<1x1000x128xf32>
    %get3A_385 = vector.shape_cast %get3A_384 : vector<1x1000x128xf32> to vector<1000x128xf32>
    %slice3A_386 = vector.extract_strided_slice %get3A_385 {offsets = [0, 0], sizes = [1000, 64], strides = [1, 1]} : vector<1000x128xf32> to vector<1000x64xf32>
    %concatenate3A_387 = tpu.concatenate %slice3A_386, %slice3A_386 in 1 : vector<1000x64xf32>, vector<1000x64xf32> -> vector<1000x128xf32>
    %slice3A_388 = vector.extract_strided_slice %dot_general3A_380 {offsets = [0, 0], sizes = [1000, 128], strides = [1, 1]} : vector<1000x1024xf32> to vector<1000x128xf32>
    %mul3A_389 = arith.mulf %concatenate3A_387, %slice3A_388 : vector<1000x128xf32>
    %add3A_390 = arith.addf %add3A_352, %mul3A_389 : vector<1000x128xf32>
    %slice3A_391 = vector.extract_strided_slice %dot_general3A_380 {offsets = [0, 128], sizes = [1000, 128], strides = [1, 1]} : vector<1000x1024xf32> to vector<1000x128xf32>
    %mul3A_392 = arith.mulf %concatenate3A_387, %slice3A_391 : vector<1000x128xf32>
    %add3A_393 = arith.addf %add3A_355, %mul3A_392 : vector<1000x128xf32>
    %slice3A_394 = vector.extract_strided_slice %dot_general3A_380 {offsets = [0, 256], sizes = [1000, 128], strides = [1, 1]} : vector<1000x1024xf32> to vector<1000x128xf32>
    %mul3A_395 = arith.mulf %concatenate3A_387, %slice3A_394 : vector<1000x128xf32>
    %add3A_396 = arith.addf %add3A_358, %mul3A_395 : vector<1000x128xf32>
    %slice3A_397 = vector.extract_strided_slice %dot_general3A_380 {offsets = [0, 384], sizes = [1000, 128], strides = [1, 1]} : vector<1000x1024xf32> to vector<1000x128xf32>
    %mul3A_398 = arith.mulf %concatenate3A_387, %slice3A_397 : vector<1000x128xf32>
    %add3A_399 = arith.addf %add3A_361, %mul3A_398 : vector<1000x128xf32>
    %slice3A_400 = vector.extract_strided_slice %dot_general3A_380 {offsets = [0, 512], sizes = [1000, 128], strides = [1, 1]} : vector<1000x1024xf32> to vector<1000x128xf32>
    %mul3A_401 = arith.mulf %concatenate3A_387, %slice3A_400 : vector<1000x128xf32>
    %add3A_402 = arith.addf %add3A_364, %mul3A_401 : vector<1000x128xf32>
    %slice3A_403 = vector.extract_strided_slice %dot_general3A_380 {offsets = [0, 640], sizes = [1000, 128], strides = [1, 1]} : vector<1000x1024xf32> to vector<1000x128xf32>
    %mul3A_404 = arith.mulf %concatenate3A_387, %slice3A_403 : vector<1000x128xf32>
    %add3A_405 = arith.addf %add3A_367, %mul3A_404 : vector<1000x128xf32>
    %slice3A_406 = vector.extract_strided_slice %dot_general3A_380 {offsets = [0, 768], sizes = [1000, 128], strides = [1, 1]} : vector<1000x1024xf32> to vector<1000x128xf32>
    %mul3A_407 = arith.mulf %concatenate3A_387, %slice3A_406 : vector<1000x128xf32>
    %add3A_408 = arith.addf %add3A_370, %mul3A_407 : vector<1000x128xf32>
    %slice3A_409 = vector.extract_strided_slice %dot_general3A_380 {offsets = [0, 896], sizes = [1000, 128], strides = [1, 1]} : vector<1000x1024xf32> to vector<1000x128xf32>
    %mul3A_410 = arith.mulf %concatenate3A_387, %slice3A_409 : vector<1000x128xf32>
    %add3A_411 = arith.addf %add3A_373, %mul3A_410 : vector<1000x128xf32>
    %slice3A_412 = vector.extract_strided_slice %reshape3A_42 {offsets = [10, 0, 0], sizes = [1, 1000, 16], strides = [1, 1, 1]} : vector<16x1000x16xf32> to vector<1x1000x16xf32>
    %squeeze3A_413 = vector.shape_cast %slice3A_412 : vector<1x1000x16xf32> to vector<1000x16xf32>
    %get3A_414 = arith.constant 0 : index
    %get3A_415 = arith.constant 0 : index
    %get3A_416 = vector.load %arg11[%get3A_414, %get3A_415] : memref<16x1024xf32, #tpu.memory_space<vmem>>, vector<16x1024xf32>
    %dot_general3A_417 = arith.constant dense<0.000000e+00> : vector<1000x1024xf32>
    %dot_general3A_418 = tpu.matmul %squeeze3A_413, %get3A_416, %dot_general3A_417 {dimension_numbers = #tpu.dot_dimension_numbers<[1], [0], [0], [1], [0, 0, 1, 1], [], []>, transpose_lhs_hint = false} : vector<1000x16xf32>, vector<16x1024xf32>, vector<1000x1024xf32> -> vector<1000x1024xf32>
    %get3A_419 = arith.constant 10 : index
    %get3A_420 = arith.constant 0 : index
    %get3A_421 = arith.constant 0 : index
    %get3A_422 = vector.load %arg1[%get3A_419, %get3A_420, %get3A_421] : memref<16x1000x128xf32, #tpu.memory_space<vmem>>, vector<1x1000x128xf32>
    %get3A_423 = vector.shape_cast %get3A_422 : vector<1x1000x128xf32> to vector<1000x128xf32>
    %slice3A_424 = vector.extract_strided_slice %get3A_423 {offsets = [0, 0], sizes = [1000, 64], strides = [1, 1]} : vector<1000x128xf32> to vector<1000x64xf32>
    %concatenate3A_425 = tpu.concatenate %slice3A_424, %slice3A_424 in 1 : vector<1000x64xf32>, vector<1000x64xf32> -> vector<1000x128xf32>
    %slice3A_426 = vector.extract_strided_slice %dot_general3A_418 {offsets = [0, 0], sizes = [1000, 128], strides = [1, 1]} : vector<1000x1024xf32> to vector<1000x128xf32>
    %mul3A_427 = arith.mulf %concatenate3A_425, %slice3A_426 : vector<1000x128xf32>
    %add3A_428 = arith.addf %add3A_390, %mul3A_427 : vector<1000x128xf32>
    %slice3A_429 = vector.extract_strided_slice %dot_general3A_418 {offsets = [0, 128], sizes = [1000, 128], strides = [1, 1]} : vector<1000x1024xf32> to vector<1000x128xf32>
    %mul3A_430 = arith.mulf %concatenate3A_425, %slice3A_429 : vector<1000x128xf32>
    %add3A_431 = arith.addf %add3A_393, %mul3A_430 : vector<1000x128xf32>
    %slice3A_432 = vector.extract_strided_slice %dot_general3A_418 {offsets = [0, 256], sizes = [1000, 128], strides = [1, 1]} : vector<1000x1024xf32> to vector<1000x128xf32>
    %mul3A_433 = arith.mulf %concatenate3A_425, %slice3A_432 : vector<1000x128xf32>
    %add3A_434 = arith.addf %add3A_396, %mul3A_433 : vector<1000x128xf32>
    %slice3A_435 = vector.extract_strided_slice %dot_general3A_418 {offsets = [0, 384], sizes = [1000, 128], strides = [1, 1]} : vector<1000x1024xf32> to vector<1000x128xf32>
    %mul3A_436 = arith.mulf %concatenate3A_425, %slice3A_435 : vector<1000x128xf32>
    %add3A_437 = arith.addf %add3A_399, %mul3A_436 : vector<1000x128xf32>
    %slice3A_438 = vector.extract_strided_slice %dot_general3A_418 {offsets = [0, 512], sizes = [1000, 128], strides = [1, 1]} : vector<1000x1024xf32> to vector<1000x128xf32>
    %mul3A_439 = arith.mulf %concatenate3A_425, %slice3A_438 : vector<1000x128xf32>
    %add3A_440 = arith.addf %add3A_402, %mul3A_439 : vector<1000x128xf32>
    %slice3A_441 = vector.extract_strided_slice %dot_general3A_418 {offsets = [0, 640], sizes = [1000, 128], strides = [1, 1]} : vector<1000x1024xf32> to vector<1000x128xf32>
    %mul3A_442 = arith.mulf %concatenate3A_425, %slice3A_441 : vector<1000x128xf32>
    %add3A_443 = arith.addf %add3A_405, %mul3A_442 : vector<1000x128xf32>
    %slice3A_444 = vector.extract_strided_slice %dot_general3A_418 {offsets = [0, 768], sizes = [1000, 128], strides = [1, 1]} : vector<1000x1024xf32> to vector<1000x128xf32>
    %mul3A_445 = arith.mulf %concatenate3A_425, %slice3A_444 : vector<1000x128xf32>
    %add3A_446 = arith.addf %add3A_408, %mul3A_445 : vector<1000x128xf32>
    %slice3A_447 = vector.extract_strided_slice %dot_general3A_418 {offsets = [0, 896], sizes = [1000, 128], strides = [1, 1]} : vector<1000x1024xf32> to vector<1000x128xf32>
    %mul3A_448 = arith.mulf %concatenate3A_425, %slice3A_447 : vector<1000x128xf32>
    %add3A_449 = arith.addf %add3A_411, %mul3A_448 : vector<1000x128xf32>
    %slice3A_450 = vector.extract_strided_slice %reshape3A_42 {offsets = [11, 0, 0], sizes = [1, 1000, 16], strides = [1, 1, 1]} : vector<16x1000x16xf32> to vector<1x1000x16xf32>
    %squeeze3A_451 = vector.shape_cast %slice3A_450 : vector<1x1000x16xf32> to vector<1000x16xf32>
    %get3A_452 = arith.constant 0 : index
    %get3A_453 = arith.constant 0 : index
    %get3A_454 = vector.load %arg11[%get3A_452, %get3A_453] : memref<16x1024xf32, #tpu.memory_space<vmem>>, vector<16x1024xf32>
    %dot_general3A_455 = arith.constant dense<0.000000e+00> : vector<1000x1024xf32>
    %dot_general3A_456 = tpu.matmul %squeeze3A_451, %get3A_454, %dot_general3A_455 {dimension_numbers = #tpu.dot_dimension_numbers<[1], [0], [0], [1], [0, 0, 1, 1], [], []>, transpose_lhs_hint = false} : vector<1000x16xf32>, vector<16x1024xf32>, vector<1000x1024xf32> -> vector<1000x1024xf32>
    %get3A_457 = arith.constant 11 : index
    %get3A_458 = arith.constant 0 : index
    %get3A_459 = arith.constant 0 : index
    %get3A_460 = vector.load %arg1[%get3A_457, %get3A_458, %get3A_459] : memref<16x1000x128xf32, #tpu.memory_space<vmem>>, vector<1x1000x128xf32>
    %get3A_461 = vector.shape_cast %get3A_460 : vector<1x1000x128xf32> to vector<1000x128xf32>
    %slice3A_462 = vector.extract_strided_slice %get3A_461 {offsets = [0, 0], sizes = [1000, 64], strides = [1, 1]} : vector<1000x128xf32> to vector<1000x64xf32>
    %concatenate3A_463 = tpu.concatenate %slice3A_462, %slice3A_462 in 1 : vector<1000x64xf32>, vector<1000x64xf32> -> vector<1000x128xf32>
    %slice3A_464 = vector.extract_strided_slice %dot_general3A_456 {offsets = [0, 0], sizes = [1000, 128], strides = [1, 1]} : vector<1000x1024xf32> to vector<1000x128xf32>
    %mul3A_465 = arith.mulf %concatenate3A_463, %slice3A_464 : vector<1000x128xf32>
    %add3A_466 = arith.addf %add3A_428, %mul3A_465 : vector<1000x128xf32>
    %slice3A_467 = vector.extract_strided_slice %dot_general3A_456 {offsets = [0, 128], sizes = [1000, 128], strides = [1, 1]} : vector<1000x1024xf32> to vector<1000x128xf32>
    %mul3A_468 = arith.mulf %concatenate3A_463, %slice3A_467 : vector<1000x128xf32>
    %add3A_469 = arith.addf %add3A_431, %mul3A_468 : vector<1000x128xf32>
    %slice3A_470 = vector.extract_strided_slice %dot_general3A_456 {offsets = [0, 256], sizes = [1000, 128], strides = [1, 1]} : vector<1000x1024xf32> to vector<1000x128xf32>
    %mul3A_471 = arith.mulf %concatenate3A_463, %slice3A_470 : vector<1000x128xf32>
    %add3A_472 = arith.addf %add3A_434, %mul3A_471 : vector<1000x128xf32>
    %slice3A_473 = vector.extract_strided_slice %dot_general3A_456 {offsets = [0, 384], sizes = [1000, 128], strides = [1, 1]} : vector<1000x1024xf32> to vector<1000x128xf32>
    %mul3A_474 = arith.mulf %concatenate3A_463, %slice3A_473 : vector<1000x128xf32>
    %add3A_475 = arith.addf %add3A_437, %mul3A_474 : vector<1000x128xf32>
    %slice3A_476 = vector.extract_strided_slice %dot_general3A_456 {offsets = [0, 512], sizes = [1000, 128], strides = [1, 1]} : vector<1000x1024xf32> to vector<1000x128xf32>
    %mul3A_477 = arith.mulf %concatenate3A_463, %slice3A_476 : vector<1000x128xf32>
    %add3A_478 = arith.addf %add3A_440, %mul3A_477 : vector<1000x128xf32>
    %slice3A_479 = vector.extract_strided_slice %dot_general3A_456 {offsets = [0, 640], sizes = [1000, 128], strides = [1, 1]} : vector<1000x1024xf32> to vector<1000x128xf32>
    %mul3A_480 = arith.mulf %concatenate3A_463, %slice3A_479 : vector<1000x128xf32>
    %add3A_481 = arith.addf %add3A_443, %mul3A_480 : vector<1000x128xf32>
    %slice3A_482 = vector.extract_strided_slice %dot_general3A_456 {offsets = [0, 768], sizes = [1000, 128], strides = [1, 1]} : vector<1000x1024xf32> to vector<1000x128xf32>
    %mul3A_483 = arith.mulf %concatenate3A_463, %slice3A_482 : vector<1000x128xf32>
    %add3A_484 = arith.addf %add3A_446, %mul3A_483 : vector<1000x128xf32>
    %slice3A_485 = vector.extract_strided_slice %dot_general3A_456 {offsets = [0, 896], sizes = [1000, 128], strides = [1, 1]} : vector<1000x1024xf32> to vector<1000x128xf32>
    %mul3A_486 = arith.mulf %concatenate3A_463, %slice3A_485 : vector<1000x128xf32>
    %add3A_487 = arith.addf %add3A_449, %mul3A_486 : vector<1000x128xf32>
    %slice3A_488 = vector.extract_strided_slice %reshape3A_42 {offsets = [12, 0, 0], sizes = [1, 1000, 16], strides = [1, 1, 1]} : vector<16x1000x16xf32> to vector<1x1000x16xf32>
    %squeeze3A_489 = vector.shape_cast %slice3A_488 : vector<1x1000x16xf32> to vector<1000x16xf32>
    %get3A_490 = arith.constant 0 : index
    %get3A_491 = arith.constant 0 : index
    %get3A_492 = vector.load %arg11[%get3A_490, %get3A_491] : memref<16x1024xf32, #tpu.memory_space<vmem>>, vector<16x1024xf32>
    %dot_general3A_493 = arith.constant dense<0.000000e+00> : vector<1000x1024xf32>
    %dot_general3A_494 = tpu.matmul %squeeze3A_489, %get3A_492, %dot_general3A_493 {dimension_numbers = #tpu.dot_dimension_numbers<[1], [0], [0], [1], [0, 0, 1, 1], [], []>, transpose_lhs_hint = false} : vector<1000x16xf32>, vector<16x1024xf32>, vector<1000x1024xf32> -> vector<1000x1024xf32>
    %get3A_495 = arith.constant 12 : index
    %get3A_496 = arith.constant 0 : index
    %get3A_497 = arith.constant 0 : index
    %get3A_498 = vector.load %arg1[%get3A_495, %get3A_496, %get3A_497] : memref<16x1000x128xf32, #tpu.memory_space<vmem>>, vector<1x1000x128xf32>
    %get3A_499 = vector.shape_cast %get3A_498 : vector<1x1000x128xf32> to vector<1000x128xf32>
    %slice3A_500 = vector.extract_strided_slice %get3A_499 {offsets = [0, 0], sizes = [1000, 64], strides = [1, 1]} : vector<1000x128xf32> to vector<1000x64xf32>
    %concatenate3A_501 = tpu.concatenate %slice3A_500, %slice3A_500 in 1 : vector<1000x64xf32>, vector<1000x64xf32> -> vector<1000x128xf32>
    %slice3A_502 = vector.extract_strided_slice %dot_general3A_494 {offsets = [0, 0], sizes = [1000, 128], strides = [1, 1]} : vector<1000x1024xf32> to vector<1000x128xf32>
    %mul3A_503 = arith.mulf %concatenate3A_501, %slice3A_502 : vector<1000x128xf32>
    %add3A_504 = arith.addf %add3A_466, %mul3A_503 : vector<1000x128xf32>
    %slice3A_505 = vector.extract_strided_slice %dot_general3A_494 {offsets = [0, 128], sizes = [1000, 128], strides = [1, 1]} : vector<1000x1024xf32> to vector<1000x128xf32>
    %mul3A_506 = arith.mulf %concatenate3A_501, %slice3A_505 : vector<1000x128xf32>
    %add3A_507 = arith.addf %add3A_469, %mul3A_506 : vector<1000x128xf32>
    %slice3A_508 = vector.extract_strided_slice %dot_general3A_494 {offsets = [0, 256], sizes = [1000, 128], strides = [1, 1]} : vector<1000x1024xf32> to vector<1000x128xf32>
    %mul3A_509 = arith.mulf %concatenate3A_501, %slice3A_508 : vector<1000x128xf32>
    %add3A_510 = arith.addf %add3A_472, %mul3A_509 : vector<1000x128xf32>
    %slice3A_511 = vector.extract_strided_slice %dot_general3A_494 {offsets = [0, 384], sizes = [1000, 128], strides = [1, 1]} : vector<1000x1024xf32> to vector<1000x128xf32>
    %mul3A_512 = arith.mulf %concatenate3A_501, %slice3A_511 : vector<1000x128xf32>
    %add3A_513 = arith.addf %add3A_475, %mul3A_512 : vector<1000x128xf32>
    %slice3A_514 = vector.extract_strided_slice %dot_general3A_494 {offsets = [0, 512], sizes = [1000, 128], strides = [1, 1]} : vector<1000x1024xf32> to vector<1000x128xf32>
    %mul3A_515 = arith.mulf %concatenate3A_501, %slice3A_514 : vector<1000x128xf32>
    %add3A_516 = arith.addf %add3A_478, %mul3A_515 : vector<1000x128xf32>
    %slice3A_517 = vector.extract_strided_slice %dot_general3A_494 {offsets = [0, 640], sizes = [1000, 128], strides = [1, 1]} : vector<1000x1024xf32> to vector<1000x128xf32>
    %mul3A_518 = arith.mulf %concatenate3A_501, %slice3A_517 : vector<1000x128xf32>
    %add3A_519 = arith.addf %add3A_481, %mul3A_518 : vector<1000x128xf32>
    %slice3A_520 = vector.extract_strided_slice %dot_general3A_494 {offsets = [0, 768], sizes = [1000, 128], strides = [1, 1]} : vector<1000x1024xf32> to vector<1000x128xf32>
    %mul3A_521 = arith.mulf %concatenate3A_501, %slice3A_520 : vector<1000x128xf32>
    %add3A_522 = arith.addf %add3A_484, %mul3A_521 : vector<1000x128xf32>
    %slice3A_523 = vector.extract_strided_slice %dot_general3A_494 {offsets = [0, 896], sizes = [1000, 128], strides = [1, 1]} : vector<1000x1024xf32> to vector<1000x128xf32>
    %mul3A_524 = arith.mulf %concatenate3A_501, %slice3A_523 : vector<1000x128xf32>
    %add3A_525 = arith.addf %add3A_487, %mul3A_524 : vector<1000x128xf32>
    %slice3A_526 = vector.extract_strided_slice %reshape3A_42 {offsets = [13, 0, 0], sizes = [1, 1000, 16], strides = [1, 1, 1]} : vector<16x1000x16xf32> to vector<1x1000x16xf32>
    %squeeze3A_527 = vector.shape_cast %slice3A_526 : vector<1x1000x16xf32> to vector<1000x16xf32>
    %get3A_528 = arith.constant 0 : index
    %get3A_529 = arith.constant 0 : index
    %get3A_530 = vector.load %arg11[%get3A_528, %get3A_529] : memref<16x1024xf32, #tpu.memory_space<vmem>>, vector<16x1024xf32>
    %dot_general3A_531 = arith.constant dense<0.000000e+00> : vector<1000x1024xf32>
    %dot_general3A_532 = tpu.matmul %squeeze3A_527, %get3A_530, %dot_general3A_531 {dimension_numbers = #tpu.dot_dimension_numbers<[1], [0], [0], [1], [0, 0, 1, 1], [], []>, transpose_lhs_hint = false} : vector<1000x16xf32>, vector<16x1024xf32>, vector<1000x1024xf32> -> vector<1000x1024xf32>
    %get3A_533 = arith.constant 13 : index
    %get3A_534 = arith.constant 0 : index
    %get3A_535 = arith.constant 0 : index
    %get3A_536 = vector.load %arg1[%get3A_533, %get3A_534, %get3A_535] : memref<16x1000x128xf32, #tpu.memory_space<vmem>>, vector<1x1000x128xf32>
    %get3A_537 = vector.shape_cast %get3A_536 : vector<1x1000x128xf32> to vector<1000x128xf32>
    %slice3A_538 = vector.extract_strided_slice %get3A_537 {offsets = [0, 0], sizes = [1000, 64], strides = [1, 1]} : vector<1000x128xf32> to vector<1000x64xf32>
    %concatenate3A_539 = tpu.concatenate %slice3A_538, %slice3A_538 in 1 : vector<1000x64xf32>, vector<1000x64xf32> -> vector<1000x128xf32>
    %slice3A_540 = vector.extract_strided_slice %dot_general3A_532 {offsets = [0, 0], sizes = [1000, 128], strides = [1, 1]} : vector<1000x1024xf32> to vector<1000x128xf32>
    %mul3A_541 = arith.mulf %concatenate3A_539, %slice3A_540 : vector<1000x128xf32>
    %add3A_542 = arith.addf %add3A_504, %mul3A_541 : vector<1000x128xf32>
    %slice3A_543 = vector.extract_strided_slice %dot_general3A_532 {offsets = [0, 128], sizes = [1000, 128], strides = [1, 1]} : vector<1000x1024xf32> to vector<1000x128xf32>
    %mul3A_544 = arith.mulf %concatenate3A_539, %slice3A_543 : vector<1000x128xf32>
    %add3A_545 = arith.addf %add3A_507, %mul3A_544 : vector<1000x128xf32>
    %slice3A_546 = vector.extract_strided_slice %dot_general3A_532 {offsets = [0, 256], sizes = [1000, 128], strides = [1, 1]} : vector<1000x1024xf32> to vector<1000x128xf32>
    %mul3A_547 = arith.mulf %concatenate3A_539, %slice3A_546 : vector<1000x128xf32>
    %add3A_548 = arith.addf %add3A_510, %mul3A_547 : vector<1000x128xf32>
    %slice3A_549 = vector.extract_strided_slice %dot_general3A_532 {offsets = [0, 384], sizes = [1000, 128], strides = [1, 1]} : vector<1000x1024xf32> to vector<1000x128xf32>
    %mul3A_550 = arith.mulf %concatenate3A_539, %slice3A_549 : vector<1000x128xf32>
    %add3A_551 = arith.addf %add3A_513, %mul3A_550 : vector<1000x128xf32>
    %slice3A_552 = vector.extract_strided_slice %dot_general3A_532 {offsets = [0, 512], sizes = [1000, 128], strides = [1, 1]} : vector<1000x1024xf32> to vector<1000x128xf32>
    %mul3A_553 = arith.mulf %concatenate3A_539, %slice3A_552 : vector<1000x128xf32>
    %add3A_554 = arith.addf %add3A_516, %mul3A_553 : vector<1000x128xf32>
    %slice3A_555 = vector.extract_strided_slice %dot_general3A_532 {offsets = [0, 640], sizes = [1000, 128], strides = [1, 1]} : vector<1000x1024xf32> to vector<1000x128xf32>
    %mul3A_556 = arith.mulf %concatenate3A_539, %slice3A_555 : vector<1000x128xf32>
    %add3A_557 = arith.addf %add3A_519, %mul3A_556 : vector<1000x128xf32>
    %slice3A_558 = vector.extract_strided_slice %dot_general3A_532 {offsets = [0, 768], sizes = [1000, 128], strides = [1, 1]} : vector<1000x1024xf32> to vector<1000x128xf32>
    %mul3A_559 = arith.mulf %concatenate3A_539, %slice3A_558 : vector<1000x128xf32>
    %add3A_560 = arith.addf %add3A_522, %mul3A_559 : vector<1000x128xf32>
    %slice3A_561 = vector.extract_strided_slice %dot_general3A_532 {offsets = [0, 896], sizes = [1000, 128], strides = [1, 1]} : vector<1000x1024xf32> to vector<1000x128xf32>
    %mul3A_562 = arith.mulf %concatenate3A_539, %slice3A_561 : vector<1000x128xf32>
    %add3A_563 = arith.addf %add3A_525, %mul3A_562 : vector<1000x128xf32>
    %slice3A_564 = vector.extract_strided_slice %reshape3A_42 {offsets = [14, 0, 0], sizes = [1, 1000, 16], strides = [1, 1, 1]} : vector<16x1000x16xf32> to vector<1x1000x16xf32>
    %squeeze3A_565 = vector.shape_cast %slice3A_564 : vector<1x1000x16xf32> to vector<1000x16xf32>
    %get3A_566 = arith.constant 0 : index
    %get3A_567 = arith.constant 0 : index
    %get3A_568 = vector.load %arg11[%get3A_566, %get3A_567] : memref<16x1024xf32, #tpu.memory_space<vmem>>, vector<16x1024xf32>
    %dot_general3A_569 = arith.constant dense<0.000000e+00> : vector<1000x1024xf32>
    %dot_general3A_570 = tpu.matmul %squeeze3A_565, %get3A_568, %dot_general3A_569 {dimension_numbers = #tpu.dot_dimension_numbers<[1], [0], [0], [1], [0, 0, 1, 1], [], []>, transpose_lhs_hint = false} : vector<1000x16xf32>, vector<16x1024xf32>, vector<1000x1024xf32> -> vector<1000x1024xf32>
    %get3A_571 = arith.constant 14 : index
    %get3A_572 = arith.constant 0 : index
    %get3A_573 = arith.constant 0 : index
    %get3A_574 = vector.load %arg1[%get3A_571, %get3A_572, %get3A_573] : memref<16x1000x128xf32, #tpu.memory_space<vmem>>, vector<1x1000x128xf32>
    %get3A_575 = vector.shape_cast %get3A_574 : vector<1x1000x128xf32> to vector<1000x128xf32>
    %slice3A_576 = vector.extract_strided_slice %get3A_575 {offsets = [0, 0], sizes = [1000, 64], strides = [1, 1]} : vector<1000x128xf32> to vector<1000x64xf32>
    %concatenate3A_577 = tpu.concatenate %slice3A_576, %slice3A_576 in 1 : vector<1000x64xf32>, vector<1000x64xf32> -> vector<1000x128xf32>
    %slice3A_578 = vector.extract_strided_slice %dot_general3A_570 {offsets = [0, 0], sizes = [1000, 128], strides = [1, 1]} : vector<1000x1024xf32> to vector<1000x128xf32>
    %mul3A_579 = arith.mulf %concatenate3A_577, %slice3A_578 : vector<1000x128xf32>
    %add3A_580 = arith.addf %add3A_542, %mul3A_579 : vector<1000x128xf32>
    %slice3A_581 = vector.extract_strided_slice %dot_general3A_570 {offsets = [0, 128], sizes = [1000, 128], strides = [1, 1]} : vector<1000x1024xf32> to vector<1000x128xf32>
    %mul3A_582 = arith.mulf %concatenate3A_577, %slice3A_581 : vector<1000x128xf32>
    %add3A_583 = arith.addf %add3A_545, %mul3A_582 : vector<1000x128xf32>
    %slice3A_584 = vector.extract_strided_slice %dot_general3A_570 {offsets = [0, 256], sizes = [1000, 128], strides = [1, 1]} : vector<1000x1024xf32> to vector<1000x128xf32>
    %mul3A_585 = arith.mulf %concatenate3A_577, %slice3A_584 : vector<1000x128xf32>
    %add3A_586 = arith.addf %add3A_548, %mul3A_585 : vector<1000x128xf32>
    %slice3A_587 = vector.extract_strided_slice %dot_general3A_570 {offsets = [0, 384], sizes = [1000, 128], strides = [1, 1]} : vector<1000x1024xf32> to vector<1000x128xf32>
    %mul3A_588 = arith.mulf %concatenate3A_577, %slice3A_587 : vector<1000x128xf32>
    %add3A_589 = arith.addf %add3A_551, %mul3A_588 : vector<1000x128xf32>
    %slice3A_590 = vector.extract_strided_slice %dot_general3A_570 {offsets = [0, 512], sizes = [1000, 128], strides = [1, 1]} : vector<1000x1024xf32> to vector<1000x128xf32>
    %mul3A_591 = arith.mulf %concatenate3A_577, %slice3A_590 : vector<1000x128xf32>
    %add3A_592 = arith.addf %add3A_554, %mul3A_591 : vector<1000x128xf32>
    %slice3A_593 = vector.extract_strided_slice %dot_general3A_570 {offsets = [0, 640], sizes = [1000, 128], strides = [1, 1]} : vector<1000x1024xf32> to vector<1000x128xf32>
    %mul3A_594 = arith.mulf %concatenate3A_577, %slice3A_593 : vector<1000x128xf32>
    %add3A_595 = arith.addf %add3A_557, %mul3A_594 : vector<1000x128xf32>
    %slice3A_596 = vector.extract_strided_slice %dot_general3A_570 {offsets = [0, 768], sizes = [1000, 128], strides = [1, 1]} : vector<1000x1024xf32> to vector<1000x128xf32>
    %mul3A_597 = arith.mulf %concatenate3A_577, %slice3A_596 : vector<1000x128xf32>
    %add3A_598 = arith.addf %add3A_560, %mul3A_597 : vector<1000x128xf32>
    %slice3A_599 = vector.extract_strided_slice %dot_general3A_570 {offsets = [0, 896], sizes = [1000, 128], strides = [1, 1]} : vector<1000x1024xf32> to vector<1000x128xf32>
    %mul3A_600 = arith.mulf %concatenate3A_577, %slice3A_599 : vector<1000x128xf32>
    %add3A_601 = arith.addf %add3A_563, %mul3A_600 : vector<1000x128xf32>
    %slice3A_602 = vector.extract_strided_slice %reshape3A_42 {offsets = [15, 0, 0], sizes = [1, 1000, 16], strides = [1, 1, 1]} : vector<16x1000x16xf32> to vector<1x1000x16xf32>
    %squeeze3A_603 = vector.shape_cast %slice3A_602 : vector<1x1000x16xf32> to vector<1000x16xf32>
    %get3A_604 = arith.constant 0 : index
    %get3A_605 = arith.constant 0 : index
    %get3A_606 = vector.load %arg11[%get3A_604, %get3A_605] : memref<16x1024xf32, #tpu.memory_space<vmem>>, vector<16x1024xf32>
    %dot_general3A_607 = arith.constant dense<0.000000e+00> : vector<1000x1024xf32>
    %dot_general3A_608 = tpu.matmul %squeeze3A_603, %get3A_606, %dot_general3A_607 {dimension_numbers = #tpu.dot_dimension_numbers<[1], [0], [0], [1], [0, 0, 1, 1], [], []>, transpose_lhs_hint = false} : vector<1000x16xf32>, vector<16x1024xf32>, vector<1000x1024xf32> -> vector<1000x1024xf32>
    %get3A_609 = arith.constant 15 : index
    %get3A_610 = arith.constant 0 : index
    %get3A_611 = arith.constant 0 : index
    %get3A_612 = vector.load %arg1[%get3A_609, %get3A_610, %get3A_611] : memref<16x1000x128xf32, #tpu.memory_space<vmem>>, vector<1x1000x128xf32>
    %get3A_613 = vector.shape_cast %get3A_612 : vector<1x1000x128xf32> to vector<1000x128xf32>
    %slice3A_614 = vector.extract_strided_slice %get3A_613 {offsets = [0, 0], sizes = [1000, 64], strides = [1, 1]} : vector<1000x128xf32> to vector<1000x64xf32>
    %concatenate3A_615 = tpu.concatenate %slice3A_614, %slice3A_614 in 1 : vector<1000x64xf32>, vector<1000x64xf32> -> vector<1000x128xf32>
    %slice3A_616 = vector.extract_strided_slice %dot_general3A_608 {offsets = [0, 0], sizes = [1000, 128], strides = [1, 1]} : vector<1000x1024xf32> to vector<1000x128xf32>
    %mul3A_617 = arith.mulf %concatenate3A_615, %slice3A_616 : vector<1000x128xf32>
    %add3A_618 = arith.addf %add3A_580, %mul3A_617 : vector<1000x128xf32>
    %slice3A_619 = vector.extract_strided_slice %dot_general3A_608 {offsets = [0, 128], sizes = [1000, 128], strides = [1, 1]} : vector<1000x1024xf32> to vector<1000x128xf32>
    %mul3A_620 = arith.mulf %concatenate3A_615, %slice3A_619 : vector<1000x128xf32>
    %add3A_621 = arith.addf %add3A_583, %mul3A_620 : vector<1000x128xf32>
    %slice3A_622 = vector.extract_strided_slice %dot_general3A_608 {offsets = [0, 256], sizes = [1000, 128], strides = [1, 1]} : vector<1000x1024xf32> to vector<1000x128xf32>
    %mul3A_623 = arith.mulf %concatenate3A_615, %slice3A_622 : vector<1000x128xf32>
    %add3A_624 = arith.addf %add3A_586, %mul3A_623 : vector<1000x128xf32>
    %slice3A_625 = vector.extract_strided_slice %dot_general3A_608 {offsets = [0, 384], sizes = [1000, 128], strides = [1, 1]} : vector<1000x1024xf32> to vector<1000x128xf32>
    %mul3A_626 = arith.mulf %concatenate3A_615, %slice3A_625 : vector<1000x128xf32>
    %add3A_627 = arith.addf %add3A_589, %mul3A_626 : vector<1000x128xf32>
    %slice3A_628 = vector.extract_strided_slice %dot_general3A_608 {offsets = [0, 512], sizes = [1000, 128], strides = [1, 1]} : vector<1000x1024xf32> to vector<1000x128xf32>
    %mul3A_629 = arith.mulf %concatenate3A_615, %slice3A_628 : vector<1000x128xf32>
    %add3A_630 = arith.addf %add3A_592, %mul3A_629 : vector<1000x128xf32>
    %slice3A_631 = vector.extract_strided_slice %dot_general3A_608 {offsets = [0, 640], sizes = [1000, 128], strides = [1, 1]} : vector<1000x1024xf32> to vector<1000x128xf32>
    %mul3A_632 = arith.mulf %concatenate3A_615, %slice3A_631 : vector<1000x128xf32>
    %add3A_633 = arith.addf %add3A_595, %mul3A_632 : vector<1000x128xf32>
    %slice3A_634 = vector.extract_strided_slice %dot_general3A_608 {offsets = [0, 768], sizes = [1000, 128], strides = [1, 1]} : vector<1000x1024xf32> to vector<1000x128xf32>
    %mul3A_635 = arith.mulf %concatenate3A_615, %slice3A_634 : vector<1000x128xf32>
    %add3A_636 = arith.addf %add3A_598, %mul3A_635 : vector<1000x128xf32>
    %slice3A_637 = vector.extract_strided_slice %dot_general3A_608 {offsets = [0, 896], sizes = [1000, 128], strides = [1, 1]} : vector<1000x1024xf32> to vector<1000x128xf32>
    %mul3A_638 = arith.mulf %concatenate3A_615, %slice3A_637 : vector<1000x128xf32>
    %add3A_639 = arith.addf %add3A_601, %mul3A_638 : vector<1000x128xf32>
    %concatenate3A_640 = tpu.concatenate %add3A_618, %add3A_621, %add3A_624, %add3A_627, %add3A_630, %add3A_633, %add3A_636, %add3A_639 in 1 : vector<1000x128xf32>, vector<1000x128xf32>, vector<1000x128xf32>, vector<1000x128xf32>, vector<1000x128xf32>, vector<1000x128xf32>, vector<1000x128xf32>, vector<1000x128xf32> -> vector<1000x1024xf32>
    %get3A_641 = arith.constant 0 : index
    %get3A_642 = arith.constant 0 : index
    %get3A_643 = vector.load %arg9[%get3A_641, %get3A_642] : memref<1024x64xf32, #tpu.memory_space<vmem>>, vector<1024x64xf32>
    %dot_general3A_644 = arith.constant dense<0.000000e+00> : vector<1000x64xf32>
    %dot_general3A_645 = tpu.matmul %concatenate3A_640, %get3A_643, %dot_general3A_644 {dimension_numbers = #tpu.dot_dimension_numbers<[1], [0], [0], [1], [0, 0, 1, 1], [], []>, transpose_lhs_hint = false} : vector<1000x1024xf32>, vector<1024x64xf32>, vector<1000x64xf32> -> vector<1000x64xf32>
    %mul3A_646 = arith.constant 6.250000e-02 : f32
    %mul3A_647 = vector.broadcast %mul3A_646 : f32 to vector<1000x64xf32>
    %mul3A_648 = arith.mulf %dot_general3A_645, %mul3A_647 : vector<1000x64xf32>
    %get3A_649 = arith.constant 0 : index
    %get3A_650 = arith.constant 0 : index
    %get3A_651 = vector.load %arg10[%get3A_649, %get3A_650] : memref<1x64xf32, #tpu.memory_space<vmem>>, vector<1x64xf32>
    %add3A_652 = vector.broadcast %get3A_651 : vector<1x64xf32> to vector<1000x64xf32>
    %add3A_653 = arith.addf %mul3A_648, %add3A_652 : vector<1000x64xf32>
    %swap3A = arith.constant 0 : index
    %swap3A_654 = arith.constant 0 : index
    %swap3A_655 = vector.load %arg12[%swap3A, %swap3A_654] : memref<1000x64xf32, #tpu.memory_space<vmem>>, vector<1000x64xf32>
    tpu.vector_store %arg12[%swap3A, %swap3A_654], %add3A_653 {strides = array<i32>} : memref<1000x64xf32, #tpu.memory_space<vmem>>, vector<1000x64xf32>,
    return
  }
  func.func @transform_0(%arg0: i32) -> (i32, i32, i32) {
    %c0_i32 = arith.constant 0 : i32
    %c0_i32_0 = arith.constant 0 : i32
    %c0_i32_1 = arith.constant 0 : i32
    return %c0_i32, %arg0, %c0_i32_0 : i32, i32, i32
  }
  func.func @transform_1(%arg0: i32) -> (i32, i32) {
    %c0_i32 = arith.constant 0 : i32
    %c0_i32_0 = arith.constant 0 : i32
    return %arg0, %c0_i32 : i32, i32
  }
  func.func @transform_2(%arg0: i32) -> (i32, i32) {
    %c0_i32 = arith.constant 0 : i32
    %c0_i32_0 = arith.constant 0 : i32
    %c0_i32_1 = arith.constant 0 : i32
    return %c0_i32, %c0_i32_0 : i32, i32
  }
  func.func @transform_3(%arg0: i32) -> (i32, i32) {
    %c0_i32 = arith.constant 0 : i32
    %c0_i32_0 = arith.constant 0 : i32
    %c0_i32_1 = arith.constant 0 : i32
    return %c0_i32, %c0_i32_0 : i32, i32
  }
  func.func @transform_4(%arg0: i32) -> (i32, i32) {
    %c0_i32 = arith.constant 0 : i32
    %c0_i32_0 = arith.constant 0 : i32
    %c0_i32_1 = arith.constant 0 : i32
    return %c0_i32, %c0_i32_0 : i32, i32
  }
  func.func @transform_5(%arg0: i32) -> (i32, i32) {
    %c0_i32 = arith.constant 0 : i32
    %c0_i32_0 = arith.constant 0 : i32
    %c0_i32_1 = arith.constant 0 : i32
    return %c0_i32, %c0_i32_0 : i32, i32
  }
  func.func @transform_6(%arg0: i32) -> (i32, i32) {
    %c0_i32 = arith.constant 0 : i32
    %c0_i32_0 = arith.constant 0 : i32
    %c0_i32_1 = arith.constant 0 : i32
    return %c0_i32, %c0_i32_0 : i32, i32
  }
  func.func @transform_7(%arg0: i32) -> (i32, i32) {
    %c0_i32 = arith.constant 0 : i32
    %c0_i32_0 = arith.constant 0 : i32
    %c0_i32_1 = arith.constant 0 : i32
    return %c0_i32, %c0_i32_0 : i32, i32
  }
  func.func @transform_8(%arg0: i32) -> (i32, i32) {
    %c0_i32 = arith.constant 0 : i32
    %c0_i32_0 = arith.constant 0 : i32
    %c0_i32_1 = arith.constant 0 : i32
    return %c0_i32, %c0_i32_0 : i32, i32
  }
  func.func @transform_9(%arg0: i32) -> (i32, i32) {
    %c0_i32 = arith.constant 0 : i32
    %c0_i32_0 = arith.constant 0 : i32
    %c0_i32_1 = arith.constant 0 : i32
    return %c0_i32, %c0_i32_0 : i32, i32
  }
  func.func @transform_10(%arg0: i32) -> (i32, i32) {
    %c0_i32 = arith.constant 0 : i32
    %c0_i32_0 = arith.constant 0 : i32
    %c0_i32_1 = arith.constant 0 : i32
    return %c0_i32, %c0_i32_0 : i32, i32
  }
  func.func @transform_11(%arg0: i32) -> (i32, i32) {
    %c0_i32 = arith.constant 0 : i32
    %c0_i32_0 = arith.constant 0 : i32
    return %arg0, %c0_i32 : i32, i32
  }
}

module attributes {stable_mosaic.version = 14 : i64} {
  func.func @_tc_body(%arg0: i32, %arg1: memref<16x1000x128xf32, #tpu.memory_space<vmem>>, %arg2: memref<1000x16xf32, #tpu.memory_space<vmem>>, %arg3: memref<16x32xf32, #tpu.memory_space<vmem>>, %arg4: memref<1x32xf32, #tpu.memory_space<vmem>>, %arg5: memref<32x16xf32, #tpu.memory_space<vmem>>, %arg6: memref<1x16xf32, #tpu.memory_space<vmem>>, %arg7: memref<16x16xf32, #tpu.memory_space<vmem>>, %arg8: memref<1x16xf32, #tpu.memory_space<vmem>>, %arg9: memref<1024x64xf32, #tpu.memory_space<vmem>>, %arg10: memref<1x64xf32, #tpu.memory_space<vmem>>, %arg11: memref<16x1024xf32, #tpu.memory_space<vmem>>, %arg12: memref<1000x64xf32, #tpu.memory_space<vmem>>) attributes {dimension_semantics = [#tpu.dimension_semantics<arbitrary>], iteration_bounds = array<i64: 4>, scalar_prefetch = 0 : i64, scratch_operands = 0 : i64, tpu.core_type = #tpu.core_type<tc>, window_params = [{transform_indices = @transform_0, window_bounds = array<i64: 16, 1000, 128>}, {transform_indices = @transform_1, window_bounds = array<i64: 1000, 16>}, {pipeline_mode = #tpu.pipeline_mode<synchronous>, transform_indices = @transform_2, window_bounds = array<i64: 16, 32>}, {pipeline_mode = #tpu.pipeline_mode<synchronous>, transform_indices = @transform_3, window_bounds = array<i64: 1, 32>}, {pipeline_mode = #tpu.pipeline_mode<synchronous>, transform_indices = @transform_4, window_bounds = array<i64: 32, 16>}, {pipeline_mode = #tpu.pipeline_mode<synchronous>, transform_indices = @transform_5, window_bounds = array<i64: 1, 16>}, {pipeline_mode = #tpu.pipeline_mode<synchronous>, transform_indices = @transform_6, window_bounds = array<i64: 16, 16>}, {pipeline_mode = #tpu.pipeline_mode<synchronous>, transform_indices = @transform_7, window_bounds = array<i64: 1, 16>}, {pipeline_mode = #tpu.pipeline_mode<synchronous>, transform_indices = @transform_8, window_bounds = array<i64: 1024, 64>}, {pipeline_mode = #tpu.pipeline_mode<synchronous>, transform_indices = @transform_9, window_bounds = array<i64: 1, 64>}, {pipeline_mode = #tpu.pipeline_mode<synchronous>, transform_indices = @transform_10, window_bounds = array<i64: 16, 1024>}, {transform_indices = @transform_11, window_bounds = array<i64: 1000, 64>}]} {
    %get3A = arith.constant 0 : index
    %get3A_0 = arith.constant 0 : index
    %get3A_1 = vector.load %arg2[%get3A, %get3A_0] : memref<1000x16xf32, #tpu.memory_space<vmem>>, vector<1000x16xf32>
    %get3A_2 = arith.constant 0 : index
    %get3A_3 = arith.constant 0 : index
    %get3A_4 = arith.constant 0 : index
    %get3A_5 = vector.load %arg1[%get3A_2, %get3A_3, %get3A_4] : memref<16x1000x128xf32, #tpu.memory_space<vmem>>, vector<16x1000x128xf32>
    %reshape3A = vector.shape_cast %get3A_5 : vector<16x1000x128xf32> to vector<16000x128xf32>
    %slice3A = vector.extract_strided_slice %reshape3A {offsets = [0, 64], sizes = [16000, 16], strides = [1, 1]} : vector<16000x128xf32> to vector<16000x16xf32>
    %tile3A = tpu.concatenate %get3A_1, %get3A_1, %get3A_1, %get3A_1, %get3A_1, %get3A_1, %get3A_1, %get3A_1, %get3A_1, %get3A_1, %get3A_1, %get3A_1, %get3A_1, %get3A_1, %get3A_1, %get3A_1 in 0 : vector<1000x16xf32>, vector<1000x16xf32>, vector<1000x16xf32>, vector<1000x16xf32>, vector<1000x16xf32>, vector<1000x16xf32>, vector<1000x16xf32>, vector<1000x16xf32>, vector<1000x16xf32>, vector<1000x16xf32>, vector<1000x16xf32>, vector<1000x16xf32>, vector<1000x16xf32>, vector<1000x16xf32>, vector<1000x16xf32>, vector<1000x16xf32> -> vector<16000x16xf32>
    %sub3A = arith.subf %slice3A, %tile3A : vector<16000x16xf32>
    %get3A_6 = arith.constant 0 : index
    %get3A_7 = arith.constant 0 : index
    %get3A_8 = vector.load %arg3[%get3A_6, %get3A_7] : memref<16x32xf32, #tpu.memory_space<vmem>>, vector<16x32xf32>
    %dot_general3A = arith.constant dense<0.000000e+00> : vector<16000x32xf32>
    %dot_general3A_9 = tpu.matmul %sub3A, %get3A_8, %dot_general3A {dimension_numbers = #tpu.dot_dimension_numbers<[1], [0], [0], [1], [0, 0, 1, 1], [], []>, transpose_lhs_hint = false} : vector<16000x16xf32>, vector<16x32xf32>, vector<16000x32xf32> -> vector<16000x32xf32>
    %get3A_10 = arith.constant 0 : index
    %get3A_11 = arith.constant 0 : index
    %get3A_12 = vector.load %arg4[%get3A_10, %get3A_11] : memref<1x32xf32, #tpu.memory_space<vmem>>, vector<1x32xf32>
    %add3A = vector.broadcast %get3A_12 : vector<1x32xf32> to vector<16000x32xf32>
    %add3A_13 = arith.addf %dot_general3A_9, %add3A : vector<16000x32xf32>
    %max3A = arith.constant 0.000000e+00 : f32
    %max3A_14 = vector.broadcast %max3A : f32 to vector<16000x32xf32>
    %max3A_15 = arith.maximumf %add3A_13, %max3A_14 : vector<16000x32xf32>
    %get3A_16 = arith.constant 0 : index
    %get3A_17 = arith.constant 0 : index
    %get3A_18 = vector.load %arg5[%get3A_16, %get3A_17] : memref<32x16xf32, #tpu.memory_space<vmem>>, vector<32x16xf32>
    %dot_general3A_19 = arith.constant dense<0.000000e+00> : vector<16000x16xf32>
    %dot_general3A_20 = tpu.matmul %max3A_15, %get3A_18, %dot_general3A_19 {dimension_numbers = #tpu.dot_dimension_numbers<[1], [0], [0], [1], [0, 0, 1, 1], [], []>, transpose_lhs_hint = false} : vector<16000x32xf32>, vector<32x16xf32>, vector<16000x16xf32> -> vector<16000x16xf32>
    %get3A_21 = arith.constant 0 : index
    %get3A_22 = arith.constant 0 : index
    %get3A_23 = vector.load %arg6[%get3A_21, %get3A_22] : memref<1x16xf32, #tpu.memory_space<vmem>>, vector<1x16xf32>
    %add3A_24 = vector.broadcast %get3A_23 : vector<1x16xf32> to vector<16000x16xf32>
    %add3A_25 = arith.addf %dot_general3A_20, %add3A_24 : vector<16000x16xf32>
    %max3A_26 = arith.constant 0.000000e+00 : f32
    %max3A_27 = vector.broadcast %max3A_26 : f32 to vector<16000x16xf32>
    %max3A_28 = arith.maximumf %add3A_25, %max3A_27 : vector<16000x16xf32>
    %get3A_29 = arith.constant 0 : index
    %get3A_30 = arith.constant 0 : index
    %get3A_31 = vector.load %arg7[%get3A_29, %get3A_30] : memref<16x16xf32, #tpu.memory_space<vmem>>, vector<16x16xf32>
    %dot_general3A_32 = arith.constant dense<0.000000e+00> : vector<16000x16xf32>
    %dot_general3A_33 = tpu.matmul %max3A_28, %get3A_31, %dot_general3A_32 {dimension_numbers = #tpu.dot_dimension_numbers<[1], [0], [0], [1], [0, 0, 1, 1], [], []>, transpose_lhs_hint = false} : vector<16000x16xf32>, vector<16x16xf32>, vector<16000x16xf32> -> vector<16000x16xf32>
    %get3A_34 = arith.constant 0 : index
    %get3A_35 = arith.constant 0 : index
    %get3A_36 = vector.load %arg8[%get3A_34, %get3A_35] : memref<1x16xf32, #tpu.memory_space<vmem>>, vector<1x16xf32>
    %add3A_37 = vector.broadcast %get3A_36 : vector<1x16xf32> to vector<16000x16xf32>
    %add3A_38 = arith.addf %dot_general3A_33, %add3A_37 : vector<16000x16xf32>
    %max3A_39 = arith.constant 0.000000e+00 : f32
    %max3A_40 = vector.broadcast %max3A_39 : f32 to vector<16000x16xf32>
    %max3A_41 = arith.maximumf %add3A_38, %max3A_40 : vector<16000x16xf32>
    %reshape3A_42 = vector.shape_cast %max3A_41 : vector<16000x16xf32> to vector<16x1000x16xf32>
    %slice3A_43 = vector.extract_strided_slice %reshape3A_42 {offsets = [0, 0, 0], sizes = [1, 1000, 16], strides = [1, 1, 1]} : vector<16x1000x16xf32> to vector<1x1000x16xf32>
    %squeeze3A = vector.shape_cast %slice3A_43 : vector<1x1000x16xf32> to vector<1000x16xf32>
    %get3A_44 = arith.constant 0 : index
    %get3A_45 = arith.constant 0 : index
    %get3A_46 = vector.load %arg11[%get3A_44, %get3A_45] : memref<16x1024xf32, #tpu.memory_space<vmem>>, vector<16x1024xf32>
    %dot_general3A_47 = arith.constant dense<0.000000e+00> : vector<1000x1024xf32>
    %dot_general3A_48 = tpu.matmul %squeeze3A, %get3A_46, %dot_general3A_47 {dimension_numbers = #tpu.dot_dimension_numbers<[1], [0], [0], [1], [0, 0, 1, 1], [], []>, transpose_lhs_hint = false} : vector<1000x16xf32>, vector<16x1024xf32>, vector<1000x1024xf32> -> vector<1000x1024xf32>
    %get3A_49 = arith.constant 0 : index
    %get3A_50 = arith.constant 0 : index
    %get3A_51 = arith.constant 0 : index
    %get3A_52 = vector.load %arg1[%get3A_49, %get3A_50, %get3A_51] : memref<16x1000x128xf32, #tpu.memory_space<vmem>>, vector<1x1000x128xf32>
    %get3A_53 = vector.shape_cast %get3A_52 : vector<1x1000x128xf32> to vector<1000x128xf32>
    %slice3A_54 = vector.extract_strided_slice %get3A_53 {offsets = [0, 0], sizes = [1000, 64], strides = [1, 1]} : vector<1000x128xf32> to vector<1000x64xf32>
    %concatenate3A = tpu.concatenate %slice3A_54, %slice3A_54 in 1 : vector<1000x64xf32>, vector<1000x64xf32> -> vector<1000x128xf32>
    %slice3A_55 = vector.extract_strided_slice %dot_general3A_48 {offsets = [0, 0], sizes = [1000, 128], strides = [1, 1]} : vector<1000x1024xf32> to vector<1000x128xf32>
    %mul3A = arith.mulf %concatenate3A, %slice3A_55 : vector<1000x128xf32>
    %slice3A_56 = vector.extract_strided_slice %dot_general3A_48 {offsets = [0, 128], sizes = [1000, 128], strides = [1, 1]} : vector<1000x1024xf32> to vector<1000x128xf32>
    %mul3A_57 = arith.mulf %concatenate3A, %slice3A_56 : vector<1000x128xf32>
    %slice3A_58 = vector.extract_strided_slice %dot_general3A_48 {offsets = [0, 256], sizes = [1000, 128], strides = [1, 1]} : vector<1000x1024xf32> to vector<1000x128xf32>
    %mul3A_59 = arith.mulf %concatenate3A, %slice3A_58 : vector<1000x128xf32>
    %slice3A_60 = vector.extract_strided_slice %dot_general3A_48 {offsets = [0, 384], sizes = [1000, 128], strides = [1, 1]} : vector<1000x1024xf32> to vector<1000x128xf32>
    %mul3A_61 = arith.mulf %concatenate3A, %slice3A_60 : vector<1000x128xf32>
    %slice3A_62 = vector.extract_strided_slice %dot_general3A_48 {offsets = [0, 512], sizes = [1000, 128], strides = [1, 1]} : vector<1000x1024xf32> to vector<1000x128xf32>
    %mul3A_63 = arith.mulf %concatenate3A, %slice3A_62 : vector<1000x128xf32>
    %slice3A_64 = vector.extract_strided_slice %dot_general3A_48 {offsets = [0, 640], sizes = [1000, 128], strides = [1, 1]} : vector<1000x1024xf32> to vector<1000x128xf32>
    %mul3A_65 = arith.mulf %concatenate3A, %slice3A_64 : vector<1000x128xf32>
    %slice3A_66 = vector.extract_strided_slice %dot_general3A_48 {offsets = [0, 768], sizes = [1000, 128], strides = [1, 1]} : vector<1000x1024xf32> to vector<1000x128xf32>
    %mul3A_67 = arith.mulf %concatenate3A, %slice3A_66 : vector<1000x128xf32>
    %slice3A_68 = vector.extract_strided_slice %dot_general3A_48 {offsets = [0, 896], sizes = [1000, 128], strides = [1, 1]} : vector<1000x1024xf32> to vector<1000x128xf32>
    %mul3A_69 = arith.mulf %concatenate3A, %slice3A_68 : vector<1000x128xf32>
    %slice3A_70 = vector.extract_strided_slice %reshape3A_42 {offsets = [1, 0, 0], sizes = [1, 1000, 16], strides = [1, 1, 1]} : vector<16x1000x16xf32> to vector<1x1000x16xf32>
    %squeeze3A_71 = vector.shape_cast %slice3A_70 : vector<1x1000x16xf32> to vector<1000x16xf32>
    %get3A_72 = arith.constant 0 : index
    %get3A_73 = arith.constant 0 : index
    %get3A_74 = vector.load %arg11[%get3A_72, %get3A_73] : memref<16x1024xf32, #tpu.memory_space<vmem>>, vector<16x1024xf32>
    %dot_general3A_75 = arith.constant dense<0.000000e+00> : vector<1000x1024xf32>
    %dot_general3A_76 = tpu.matmul %squeeze3A_71, %get3A_74, %dot_general3A_75 {dimension_numbers = #tpu.dot_dimension_numbers<[1], [0], [0], [1], [0, 0, 1, 1], [], []>, transpose_lhs_hint = false} : vector<1000x16xf32>, vector<16x1024xf32>, vector<1000x1024xf32> -> vector<1000x1024xf32>
    %get3A_77 = arith.constant 1 : index
    %get3A_78 = arith.constant 0 : index
    %get3A_79 = arith.constant 0 : index
    %get3A_80 = vector.load %arg1[%get3A_77, %get3A_78, %get3A_79] : memref<16x1000x128xf32, #tpu.memory_space<vmem>>, vector<1x1000x128xf32>
    %get3A_81 = vector.shape_cast %get3A_80 : vector<1x1000x128xf32> to vector<1000x128xf32>
    %slice3A_82 = vector.extract_strided_slice %get3A_81 {offsets = [0, 0], sizes = [1000, 64], strides = [1, 1]} : vector<1000x128xf32> to vector<1000x64xf32>
    %concatenate3A_83 = tpu.concatenate %slice3A_82, %slice3A_82 in 1 : vector<1000x64xf32>, vector<1000x64xf32> -> vector<1000x128xf32>
    %slice3A_84 = vector.extract_strided_slice %dot_general3A_76 {offsets = [0, 0], sizes = [1000, 128], strides = [1, 1]} : vector<1000x1024xf32> to vector<1000x128xf32>
    %mul3A_85 = arith.mulf %concatenate3A_83, %slice3A_84 : vector<1000x128xf32>
    %add3A_86 = arith.addf %mul3A, %mul3A_85 : vector<1000x128xf32>
    %slice3A_87 = vector.extract_strided_slice %dot_general3A_76 {offsets = [0, 128], sizes = [1000, 128], strides = [1, 1]} : vector<1000x1024xf32> to vector<1000x128xf32>
    %mul3A_88 = arith.mulf %concatenate3A_83, %slice3A_87 : vector<1000x128xf32>
    %add3A_89 = arith.addf %mul3A_57, %mul3A_88 : vector<1000x128xf32>
    %slice3A_90 = vector.extract_strided_slice %dot_general3A_76 {offsets = [0, 256], sizes = [1000, 128], strides = [1, 1]} : vector<1000x1024xf32> to vector<1000x128xf32>
    %mul3A_91 = arith.mulf %concatenate3A_83, %slice3A_90 : vector<1000x128xf32>
    %add3A_92 = arith.addf %mul3A_59, %mul3A_91 : vector<1000x128xf32>
    %slice3A_93 = vector.extract_strided_slice %dot_general3A_76 {offsets = [0, 384], sizes = [1000, 128], strides = [1, 1]} : vector<1000x1024xf32> to vector<1000x128xf32>
    %mul3A_94 = arith.mulf %concatenate3A_83, %slice3A_93 : vector<1000x128xf32>
    %add3A_95 = arith.addf %mul3A_61, %mul3A_94 : vector<1000x128xf32>
    %slice3A_96 = vector.extract_strided_slice %dot_general3A_76 {offsets = [0, 512], sizes = [1000, 128], strides = [1, 1]} : vector<1000x1024xf32> to vector<1000x128xf32>
    %mul3A_97 = arith.mulf %concatenate3A_83, %slice3A_96 : vector<1000x128xf32>
    %add3A_98 = arith.addf %mul3A_63, %mul3A_97 : vector<1000x128xf32>
    %slice3A_99 = vector.extract_strided_slice %dot_general3A_76 {offsets = [0, 640], sizes = [1000, 128], strides = [1, 1]} : vector<1000x1024xf32> to vector<1000x128xf32>
    %mul3A_100 = arith.mulf %concatenate3A_83, %slice3A_99 : vector<1000x128xf32>
    %add3A_101 = arith.addf %mul3A_65, %mul3A_100 : vector<1000x128xf32>
    %slice3A_102 = vector.extract_strided_slice %dot_general3A_76 {offsets = [0, 768], sizes = [1000, 128], strides = [1, 1]} : vector<1000x1024xf32> to vector<1000x128xf32>
    %mul3A_103 = arith.mulf %concatenate3A_83, %slice3A_102 : vector<1000x128xf32>
    %add3A_104 = arith.addf %mul3A_67, %mul3A_103 : vector<1000x128xf32>
    %slice3A_105 = vector.extract_strided_slice %dot_general3A_76 {offsets = [0, 896], sizes = [1000, 128], strides = [1, 1]} : vector<1000x1024xf32> to vector<1000x128xf32>
    %mul3A_106 = arith.mulf %concatenate3A_83, %slice3A_105 : vector<1000x128xf32>
    %add3A_107 = arith.addf %mul3A_69, %mul3A_106 : vector<1000x128xf32>
    %slice3A_108 = vector.extract_strided_slice %reshape3A_42 {offsets = [2, 0, 0], sizes = [1, 1000, 16], strides = [1, 1, 1]} : vector<16x1000x16xf32> to vector<1x1000x16xf32>
    %squeeze3A_109 = vector.shape_cast %slice3A_108 : vector<1x1000x16xf32> to vector<1000x16xf32>
    %get3A_110 = arith.constant 0 : index
    %get3A_111 = arith.constant 0 : index
    %get3A_112 = vector.load %arg11[%get3A_110, %get3A_111] : memref<16x1024xf32, #tpu.memory_space<vmem>>, vector<16x1024xf32>
    %dot_general3A_113 = arith.constant dense<0.000000e+00> : vector<1000x1024xf32>
    %dot_general3A_114 = tpu.matmul %squeeze3A_109, %get3A_112, %dot_general3A_113 {dimension_numbers = #tpu.dot_dimension_numbers<[1], [0], [0], [1], [0, 0, 1, 1], [], []>, transpose_lhs_hint = false} : vector<1000x16xf32>, vector<16x1024xf32>, vector<1000x1024xf32> -> vector<1000x1024xf32>
    %get3A_115 = arith.constant 2 : index
    %get3A_116 = arith.constant 0 : index
    %get3A_117 = arith.constant 0 : index
    %get3A_118 = vector.load %arg1[%get3A_115, %get3A_116, %get3A_117] : memref<16x1000x128xf32, #tpu.memory_space<vmem>>, vector<1x1000x128xf32>
    %get3A_119 = vector.shape_cast %get3A_118 : vector<1x1000x128xf32> to vector<1000x128xf32>
    %slice3A_120 = vector.extract_strided_slice %get3A_119 {offsets = [0, 0], sizes = [1000, 64], strides = [1, 1]} : vector<1000x128xf32> to vector<1000x64xf32>
    %concatenate3A_121 = tpu.concatenate %slice3A_120, %slice3A_120 in 1 : vector<1000x64xf32>, vector<1000x64xf32> -> vector<1000x128xf32>
    %slice3A_122 = vector.extract_strided_slice %dot_general3A_114 {offsets = [0, 0], sizes = [1000, 128], strides = [1, 1]} : vector<1000x1024xf32> to vector<1000x128xf32>
    %mul3A_123 = arith.mulf %concatenate3A_121, %slice3A_122 : vector<1000x128xf32>
    %add3A_124 = arith.addf %add3A_86, %mul3A_123 : vector<1000x128xf32>
    %slice3A_125 = vector.extract_strided_slice %dot_general3A_114 {offsets = [0, 128], sizes = [1000, 128], strides = [1, 1]} : vector<1000x1024xf32> to vector<1000x128xf32>
    %mul3A_126 = arith.mulf %concatenate3A_121, %slice3A_125 : vector<1000x128xf32>
    %add3A_127 = arith.addf %add3A_89, %mul3A_126 : vector<1000x128xf32>
    %slice3A_128 = vector.extract_strided_slice %dot_general3A_114 {offsets = [0, 256], sizes = [1000, 128], strides = [1, 1]} : vector<1000x1024xf32> to vector<1000x128xf32>
    %mul3A_129 = arith.mulf %concatenate3A_121, %slice3A_128 : vector<1000x128xf32>
    %add3A_130 = arith.addf %add3A_92, %mul3A_129 : vector<1000x128xf32>
    %slice3A_131 = vector.extract_strided_slice %dot_general3A_114 {offsets = [0, 384], sizes = [1000, 128], strides = [1, 1]} : vector<1000x1024xf32> to vector<1000x128xf32>
    %mul3A_132 = arith.mulf %concatenate3A_121, %slice3A_131 : vector<1000x128xf32>
    %add3A_133 = arith.addf %add3A_95, %mul3A_132 : vector<1000x128xf32>
    %slice3A_134 = vector.extract_strided_slice %dot_general3A_114 {offsets = [0, 512], sizes = [1000, 128], strides = [1, 1]} : vector<1000x1024xf32> to vector<1000x128xf32>
    %mul3A_135 = arith.mulf %concatenate3A_121, %slice3A_134 : vector<1000x128xf32>
    %add3A_136 = arith.addf %add3A_98, %mul3A_135 : vector<1000x128xf32>
    %slice3A_137 = vector.extract_strided_slice %dot_general3A_114 {offsets = [0, 640], sizes = [1000, 128], strides = [1, 1]} : vector<1000x1024xf32> to vector<1000x128xf32>
    %mul3A_138 = arith.mulf %concatenate3A_121, %slice3A_137 : vector<1000x128xf32>
    %add3A_139 = arith.addf %add3A_101, %mul3A_138 : vector<1000x128xf32>
    %slice3A_140 = vector.extract_strided_slice %dot_general3A_114 {offsets = [0, 768], sizes = [1000, 128], strides = [1, 1]} : vector<1000x1024xf32> to vector<1000x128xf32>
    %mul3A_141 = arith.mulf %concatenate3A_121, %slice3A_140 : vector<1000x128xf32>
    %add3A_142 = arith.addf %add3A_104, %mul3A_141 : vector<1000x128xf32>
    %slice3A_143 = vector.extract_strided_slice %dot_general3A_114 {offsets = [0, 896], sizes = [1000, 128], strides = [1, 1]} : vector<1000x1024xf32> to vector<1000x128xf32>
    %mul3A_144 = arith.mulf %concatenate3A_121, %slice3A_143 : vector<1000x128xf32>
    %add3A_145 = arith.addf %add3A_107, %mul3A_144 : vector<1000x128xf32>
    %slice3A_146 = vector.extract_strided_slice %reshape3A_42 {offsets = [3, 0, 0], sizes = [1, 1000, 16], strides = [1, 1, 1]} : vector<16x1000x16xf32> to vector<1x1000x16xf32>
    %squeeze3A_147 = vector.shape_cast %slice3A_146 : vector<1x1000x16xf32> to vector<1000x16xf32>
    %get3A_148 = arith.constant 0 : index
    %get3A_149 = arith.constant 0 : index
    %get3A_150 = vector.load %arg11[%get3A_148, %get3A_149] : memref<16x1024xf32, #tpu.memory_space<vmem>>, vector<16x1024xf32>
    %dot_general3A_151 = arith.constant dense<0.000000e+00> : vector<1000x1024xf32>
    %dot_general3A_152 = tpu.matmul %squeeze3A_147, %get3A_150, %dot_general3A_151 {dimension_numbers = #tpu.dot_dimension_numbers<[1], [0], [0], [1], [0, 0, 1, 1], [], []>, transpose_lhs_hint = false} : vector<1000x16xf32>, vector<16x1024xf32>, vector<1000x1024xf32> -> vector<1000x1024xf32>
    %get3A_153 = arith.constant 3 : index
    %get3A_154 = arith.constant 0 : index
    %get3A_155 = arith.constant 0 : index
    %get3A_156 = vector.load %arg1[%get3A_153, %get3A_154, %get3A_155] : memref<16x1000x128xf32, #tpu.memory_space<vmem>>, vector<1x1000x128xf32>
    %get3A_157 = vector.shape_cast %get3A_156 : vector<1x1000x128xf32> to vector<1000x128xf32>
    %slice3A_158 = vector.extract_strided_slice %get3A_157 {offsets = [0, 0], sizes = [1000, 64], strides = [1, 1]} : vector<1000x128xf32> to vector<1000x64xf32>
    %concatenate3A_159 = tpu.concatenate %slice3A_158, %slice3A_158 in 1 : vector<1000x64xf32>, vector<1000x64xf32> -> vector<1000x128xf32>
    %slice3A_160 = vector.extract_strided_slice %dot_general3A_152 {offsets = [0, 0], sizes = [1000, 128], strides = [1, 1]} : vector<1000x1024xf32> to vector<1000x128xf32>
    %mul3A_161 = arith.mulf %concatenate3A_159, %slice3A_160 : vector<1000x128xf32>
    %add3A_162 = arith.addf %add3A_124, %mul3A_161 : vector<1000x128xf32>
    %slice3A_163 = vector.extract_strided_slice %dot_general3A_152 {offsets = [0, 128], sizes = [1000, 128], strides = [1, 1]} : vector<1000x1024xf32> to vector<1000x128xf32>
    %mul3A_164 = arith.mulf %concatenate3A_159, %slice3A_163 : vector<1000x128xf32>
    %add3A_165 = arith.addf %add3A_127, %mul3A_164 : vector<1000x128xf32>
    %slice3A_166 = vector.extract_strided_slice %dot_general3A_152 {offsets = [0, 256], sizes = [1000, 128], strides = [1, 1]} : vector<1000x1024xf32> to vector<1000x128xf32>
    %mul3A_167 = arith.mulf %concatenate3A_159, %slice3A_166 : vector<1000x128xf32>
    %add3A_168 = arith.addf %add3A_130, %mul3A_167 : vector<1000x128xf32>
    %slice3A_169 = vector.extract_strided_slice %dot_general3A_152 {offsets = [0, 384], sizes = [1000, 128], strides = [1, 1]} : vector<1000x1024xf32> to vector<1000x128xf32>
    %mul3A_170 = arith.mulf %concatenate3A_159, %slice3A_169 : vector<1000x128xf32>
    %add3A_171 = arith.addf %add3A_133, %mul3A_170 : vector<1000x128xf32>
    %slice3A_172 = vector.extract_strided_slice %dot_general3A_152 {offsets = [0, 512], sizes = [1000, 128], strides = [1, 1]} : vector<1000x1024xf32> to vector<1000x128xf32>
    %mul3A_173 = arith.mulf %concatenate3A_159, %slice3A_172 : vector<1000x128xf32>
    %add3A_174 = arith.addf %add3A_136, %mul3A_173 : vector<1000x128xf32>
    %slice3A_175 = vector.extract_strided_slice %dot_general3A_152 {offsets = [0, 640], sizes = [1000, 128], strides = [1, 1]} : vector<1000x1024xf32> to vector<1000x128xf32>
    %mul3A_176 = arith.mulf %concatenate3A_159, %slice3A_175 : vector<1000x128xf32>
    %add3A_177 = arith.addf %add3A_139, %mul3A_176 : vector<1000x128xf32>
    %slice3A_178 = vector.extract_strided_slice %dot_general3A_152 {offsets = [0, 768], sizes = [1000, 128], strides = [1, 1]} : vector<1000x1024xf32> to vector<1000x128xf32>
    %mul3A_179 = arith.mulf %concatenate3A_159, %slice3A_178 : vector<1000x128xf32>
    %add3A_180 = arith.addf %add3A_142, %mul3A_179 : vector<1000x128xf32>
    %slice3A_181 = vector.extract_strided_slice %dot_general3A_152 {offsets = [0, 896], sizes = [1000, 128], strides = [1, 1]} : vector<1000x1024xf32> to vector<1000x128xf32>
    %mul3A_182 = arith.mulf %concatenate3A_159, %slice3A_181 : vector<1000x128xf32>
    %add3A_183 = arith.addf %add3A_145, %mul3A_182 : vector<1000x128xf32>
    %slice3A_184 = vector.extract_strided_slice %reshape3A_42 {offsets = [4, 0, 0], sizes = [1, 1000, 16], strides = [1, 1, 1]} : vector<16x1000x16xf32> to vector<1x1000x16xf32>
    %squeeze3A_185 = vector.shape_cast %slice3A_184 : vector<1x1000x16xf32> to vector<1000x16xf32>
    %get3A_186 = arith.constant 0 : index
    %get3A_187 = arith.constant 0 : index
    %get3A_188 = vector.load %arg11[%get3A_186, %get3A_187] : memref<16x1024xf32, #tpu.memory_space<vmem>>, vector<16x1024xf32>
    %dot_general3A_189 = arith.constant dense<0.000000e+00> : vector<1000x1024xf32>
    %dot_general3A_190 = tpu.matmul %squeeze3A_185, %get3A_188, %dot_general3A_189 {dimension_numbers = #tpu.dot_dimension_numbers<[1], [0], [0], [1], [0, 0, 1, 1], [], []>, transpose_lhs_hint = false} : vector<1000x16xf32>, vector<16x1024xf32>, vector<1000x1024xf32> -> vector<1000x1024xf32>
    %get3A_191 = arith.constant 4 : index
    %get3A_192 = arith.constant 0 : index
    %get3A_193 = arith.constant 0 : index
    %get3A_194 = vector.load %arg1[%get3A_191, %get3A_192, %get3A_193] : memref<16x1000x128xf32, #tpu.memory_space<vmem>>, vector<1x1000x128xf32>
    %get3A_195 = vector.shape_cast %get3A_194 : vector<1x1000x128xf32> to vector<1000x128xf32>
    %slice3A_196 = vector.extract_strided_slice %get3A_195 {offsets = [0, 0], sizes = [1000, 64], strides = [1, 1]} : vector<1000x128xf32> to vector<1000x64xf32>
    %concatenate3A_197 = tpu.concatenate %slice3A_196, %slice3A_196 in 1 : vector<1000x64xf32>, vector<1000x64xf32> -> vector<1000x128xf32>
    %slice3A_198 = vector.extract_strided_slice %dot_general3A_190 {offsets = [0, 0], sizes = [1000, 128], strides = [1, 1]} : vector<1000x1024xf32> to vector<1000x128xf32>
    %mul3A_199 = arith.mulf %concatenate3A_197, %slice3A_198 : vector<1000x128xf32>
    %add3A_200 = arith.addf %add3A_162, %mul3A_199 : vector<1000x128xf32>
    %slice3A_201 = vector.extract_strided_slice %dot_general3A_190 {offsets = [0, 128], sizes = [1000, 128], strides = [1, 1]} : vector<1000x1024xf32> to vector<1000x128xf32>
    %mul3A_202 = arith.mulf %concatenate3A_197, %slice3A_201 : vector<1000x128xf32>
    %add3A_203 = arith.addf %add3A_165, %mul3A_202 : vector<1000x128xf32>
    %slice3A_204 = vector.extract_strided_slice %dot_general3A_190 {offsets = [0, 256], sizes = [1000, 128], strides = [1, 1]} : vector<1000x1024xf32> to vector<1000x128xf32>
    %mul3A_205 = arith.mulf %concatenate3A_197, %slice3A_204 : vector<1000x128xf32>
    %add3A_206 = arith.addf %add3A_168, %mul3A_205 : vector<1000x128xf32>
    %slice3A_207 = vector.extract_strided_slice %dot_general3A_190 {offsets = [0, 384], sizes = [1000, 128], strides = [1, 1]} : vector<1000x1024xf32> to vector<1000x128xf32>
    %mul3A_208 = arith.mulf %concatenate3A_197, %slice3A_207 : vector<1000x128xf32>
    %add3A_209 = arith.addf %add3A_171, %mul3A_208 : vector<1000x128xf32>
    %slice3A_210 = vector.extract_strided_slice %dot_general3A_190 {offsets = [0, 512], sizes = [1000, 128], strides = [1, 1]} : vector<1000x1024xf32> to vector<1000x128xf32>
    %mul3A_211 = arith.mulf %concatenate3A_197, %slice3A_210 : vector<1000x128xf32>
    %add3A_212 = arith.addf %add3A_174, %mul3A_211 : vector<1000x128xf32>
    %slice3A_213 = vector.extract_strided_slice %dot_general3A_190 {offsets = [0, 640], sizes = [1000, 128], strides = [1, 1]} : vector<1000x1024xf32> to vector<1000x128xf32>
    %mul3A_214 = arith.mulf %concatenate3A_197, %slice3A_213 : vector<1000x128xf32>
    %add3A_215 = arith.addf %add3A_177, %mul3A_214 : vector<1000x128xf32>
    %slice3A_216 = vector.extract_strided_slice %dot_general3A_190 {offsets = [0, 768], sizes = [1000, 128], strides = [1, 1]} : vector<1000x1024xf32> to vector<1000x128xf32>
    %mul3A_217 = arith.mulf %concatenate3A_197, %slice3A_216 : vector<1000x128xf32>
    %add3A_218 = arith.addf %add3A_180, %mul3A_217 : vector<1000x128xf32>
    %slice3A_219 = vector.extract_strided_slice %dot_general3A_190 {offsets = [0, 896], sizes = [1000, 128], strides = [1, 1]} : vector<1000x1024xf32> to vector<1000x128xf32>
    %mul3A_220 = arith.mulf %concatenate3A_197, %slice3A_219 : vector<1000x128xf32>
    %add3A_221 = arith.addf %add3A_183, %mul3A_220 : vector<1000x128xf32>
    %slice3A_222 = vector.extract_strided_slice %reshape3A_42 {offsets = [5, 0, 0], sizes = [1, 1000, 16], strides = [1, 1, 1]} : vector<16x1000x16xf32> to vector<1x1000x16xf32>
    %squeeze3A_223 = vector.shape_cast %slice3A_222 : vector<1x1000x16xf32> to vector<1000x16xf32>
    %get3A_224 = arith.constant 0 : index
    %get3A_225 = arith.constant 0 : index
    %get3A_226 = vector.load %arg11[%get3A_224, %get3A_225] : memref<16x1024xf32, #tpu.memory_space<vmem>>, vector<16x1024xf32>
    %dot_general3A_227 = arith.constant dense<0.000000e+00> : vector<1000x1024xf32>
    %dot_general3A_228 = tpu.matmul %squeeze3A_223, %get3A_226, %dot_general3A_227 {dimension_numbers = #tpu.dot_dimension_numbers<[1], [0], [0], [1], [0, 0, 1, 1], [], []>, transpose_lhs_hint = false} : vector<1000x16xf32>, vector<16x1024xf32>, vector<1000x1024xf32> -> vector<1000x1024xf32>
    %get3A_229 = arith.constant 5 : index
    %get3A_230 = arith.constant 0 : index
    %get3A_231 = arith.constant 0 : index
    %get3A_232 = vector.load %arg1[%get3A_229, %get3A_230, %get3A_231] : memref<16x1000x128xf32, #tpu.memory_space<vmem>>, vector<1x1000x128xf32>
    %get3A_233 = vector.shape_cast %get3A_232 : vector<1x1000x128xf32> to vector<1000x128xf32>
    %slice3A_234 = vector.extract_strided_slice %get3A_233 {offsets = [0, 0], sizes = [1000, 64], strides = [1, 1]} : vector<1000x128xf32> to vector<1000x64xf32>
    %concatenate3A_235 = tpu.concatenate %slice3A_234, %slice3A_234 in 1 : vector<1000x64xf32>, vector<1000x64xf32> -> vector<1000x128xf32>
    %slice3A_236 = vector.extract_strided_slice %dot_general3A_228 {offsets = [0, 0], sizes = [1000, 128], strides = [1, 1]} : vector<1000x1024xf32> to vector<1000x128xf32>
    %mul3A_237 = arith.mulf %concatenate3A_235, %slice3A_236 : vector<1000x128xf32>
    %add3A_238 = arith.addf %add3A_200, %mul3A_237 : vector<1000x128xf32>
    %slice3A_239 = vector.extract_strided_slice %dot_general3A_228 {offsets = [0, 128], sizes = [1000, 128], strides = [1, 1]} : vector<1000x1024xf32> to vector<1000x128xf32>
    %mul3A_240 = arith.mulf %concatenate3A_235, %slice3A_239 : vector<1000x128xf32>
    %add3A_241 = arith.addf %add3A_203, %mul3A_240 : vector<1000x128xf32>
    %slice3A_242 = vector.extract_strided_slice %dot_general3A_228 {offsets = [0, 256], sizes = [1000, 128], strides = [1, 1]} : vector<1000x1024xf32> to vector<1000x128xf32>
    %mul3A_243 = arith.mulf %concatenate3A_235, %slice3A_242 : vector<1000x128xf32>
    %add3A_244 = arith.addf %add3A_206, %mul3A_243 : vector<1000x128xf32>
    %slice3A_245 = vector.extract_strided_slice %dot_general3A_228 {offsets = [0, 384], sizes = [1000, 128], strides = [1, 1]} : vector<1000x1024xf32> to vector<1000x128xf32>
    %mul3A_246 = arith.mulf %concatenate3A_235, %slice3A_245 : vector<1000x128xf32>
    %add3A_247 = arith.addf %add3A_209, %mul3A_246 : vector<1000x128xf32>
    %slice3A_248 = vector.extract_strided_slice %dot_general3A_228 {offsets = [0, 512], sizes = [1000, 128], strides = [1, 1]} : vector<1000x1024xf32> to vector<1000x128xf32>
    %mul3A_249 = arith.mulf %concatenate3A_235, %slice3A_248 : vector<1000x128xf32>
    %add3A_250 = arith.addf %add3A_212, %mul3A_249 : vector<1000x128xf32>
    %slice3A_251 = vector.extract_strided_slice %dot_general3A_228 {offsets = [0, 640], sizes = [1000, 128], strides = [1, 1]} : vector<1000x1024xf32> to vector<1000x128xf32>
    %mul3A_252 = arith.mulf %concatenate3A_235, %slice3A_251 : vector<1000x128xf32>
    %add3A_253 = arith.addf %add3A_215, %mul3A_252 : vector<1000x128xf32>
    %slice3A_254 = vector.extract_strided_slice %dot_general3A_228 {offsets = [0, 768], sizes = [1000, 128], strides = [1, 1]} : vector<1000x1024xf32> to vector<1000x128xf32>
    %mul3A_255 = arith.mulf %concatenate3A_235, %slice3A_254 : vector<1000x128xf32>
    %add3A_256 = arith.addf %add3A_218, %mul3A_255 : vector<1000x128xf32>
    %slice3A_257 = vector.extract_strided_slice %dot_general3A_228 {offsets = [0, 896], sizes = [1000, 128], strides = [1, 1]} : vector<1000x1024xf32> to vector<1000x128xf32>
    %mul3A_258 = arith.mulf %concatenate3A_235, %slice3A_257 : vector<1000x128xf32>
    %add3A_259 = arith.addf %add3A_221, %mul3A_258 : vector<1000x128xf32>
    %slice3A_260 = vector.extract_strided_slice %reshape3A_42 {offsets = [6, 0, 0], sizes = [1, 1000, 16], strides = [1, 1, 1]} : vector<16x1000x16xf32> to vector<1x1000x16xf32>
    %squeeze3A_261 = vector.shape_cast %slice3A_260 : vector<1x1000x16xf32> to vector<1000x16xf32>
    %get3A_262 = arith.constant 0 : index
    %get3A_263 = arith.constant 0 : index
    %get3A_264 = vector.load %arg11[%get3A_262, %get3A_263] : memref<16x1024xf32, #tpu.memory_space<vmem>>, vector<16x1024xf32>
    %dot_general3A_265 = arith.constant dense<0.000000e+00> : vector<1000x1024xf32>
    %dot_general3A_266 = tpu.matmul %squeeze3A_261, %get3A_264, %dot_general3A_265 {dimension_numbers = #tpu.dot_dimension_numbers<[1], [0], [0], [1], [0, 0, 1, 1], [], []>, transpose_lhs_hint = false} : vector<1000x16xf32>, vector<16x1024xf32>, vector<1000x1024xf32> -> vector<1000x1024xf32>
    %get3A_267 = arith.constant 6 : index
    %get3A_268 = arith.constant 0 : index
    %get3A_269 = arith.constant 0 : index
    %get3A_270 = vector.load %arg1[%get3A_267, %get3A_268, %get3A_269] : memref<16x1000x128xf32, #tpu.memory_space<vmem>>, vector<1x1000x128xf32>
    %get3A_271 = vector.shape_cast %get3A_270 : vector<1x1000x128xf32> to vector<1000x128xf32>
    %slice3A_272 = vector.extract_strided_slice %get3A_271 {offsets = [0, 0], sizes = [1000, 64], strides = [1, 1]} : vector<1000x128xf32> to vector<1000x64xf32>
    %concatenate3A_273 = tpu.concatenate %slice3A_272, %slice3A_272 in 1 : vector<1000x64xf32>, vector<1000x64xf32> -> vector<1000x128xf32>
    %slice3A_274 = vector.extract_strided_slice %dot_general3A_266 {offsets = [0, 0], sizes = [1000, 128], strides = [1, 1]} : vector<1000x1024xf32> to vector<1000x128xf32>
    %mul3A_275 = arith.mulf %concatenate3A_273, %slice3A_274 : vector<1000x128xf32>
    %add3A_276 = arith.addf %add3A_238, %mul3A_275 : vector<1000x128xf32>
    %slice3A_277 = vector.extract_strided_slice %dot_general3A_266 {offsets = [0, 128], sizes = [1000, 128], strides = [1, 1]} : vector<1000x1024xf32> to vector<1000x128xf32>
    %mul3A_278 = arith.mulf %concatenate3A_273, %slice3A_277 : vector<1000x128xf32>
    %add3A_279 = arith.addf %add3A_241, %mul3A_278 : vector<1000x128xf32>
    %slice3A_280 = vector.extract_strided_slice %dot_general3A_266 {offsets = [0, 256], sizes = [1000, 128], strides = [1, 1]} : vector<1000x1024xf32> to vector<1000x128xf32>
    %mul3A_281 = arith.mulf %concatenate3A_273, %slice3A_280 : vector<1000x128xf32>
    %add3A_282 = arith.addf %add3A_244, %mul3A_281 : vector<1000x128xf32>
    %slice3A_283 = vector.extract_strided_slice %dot_general3A_266 {offsets = [0, 384], sizes = [1000, 128], strides = [1, 1]} : vector<1000x1024xf32> to vector<1000x128xf32>
    %mul3A_284 = arith.mulf %concatenate3A_273, %slice3A_283 : vector<1000x128xf32>
    %add3A_285 = arith.addf %add3A_247, %mul3A_284 : vector<1000x128xf32>
    %slice3A_286 = vector.extract_strided_slice %dot_general3A_266 {offsets = [0, 512], sizes = [1000, 128], strides = [1, 1]} : vector<1000x1024xf32> to vector<1000x128xf32>
    %mul3A_287 = arith.mulf %concatenate3A_273, %slice3A_286 : vector<1000x128xf32>
    %add3A_288 = arith.addf %add3A_250, %mul3A_287 : vector<1000x128xf32>
    %slice3A_289 = vector.extract_strided_slice %dot_general3A_266 {offsets = [0, 640], sizes = [1000, 128], strides = [1, 1]} : vector<1000x1024xf32> to vector<1000x128xf32>
    %mul3A_290 = arith.mulf %concatenate3A_273, %slice3A_289 : vector<1000x128xf32>
    %add3A_291 = arith.addf %add3A_253, %mul3A_290 : vector<1000x128xf32>
    %slice3A_292 = vector.extract_strided_slice %dot_general3A_266 {offsets = [0, 768], sizes = [1000, 128], strides = [1, 1]} : vector<1000x1024xf32> to vector<1000x128xf32>
    %mul3A_293 = arith.mulf %concatenate3A_273, %slice3A_292 : vector<1000x128xf32>
    %add3A_294 = arith.addf %add3A_256, %mul3A_293 : vector<1000x128xf32>
    %slice3A_295 = vector.extract_strided_slice %dot_general3A_266 {offsets = [0, 896], sizes = [1000, 128], strides = [1, 1]} : vector<1000x1024xf32> to vector<1000x128xf32>
    %mul3A_296 = arith.mulf %concatenate3A_273, %slice3A_295 : vector<1000x128xf32>
    %add3A_297 = arith.addf %add3A_259, %mul3A_296 : vector<1000x128xf32>
    %slice3A_298 = vector.extract_strided_slice %reshape3A_42 {offsets = [7, 0, 0], sizes = [1, 1000, 16], strides = [1, 1, 1]} : vector<16x1000x16xf32> to vector<1x1000x16xf32>
    %squeeze3A_299 = vector.shape_cast %slice3A_298 : vector<1x1000x16xf32> to vector<1000x16xf32>
    %get3A_300 = arith.constant 0 : index
    %get3A_301 = arith.constant 0 : index
    %get3A_302 = vector.load %arg11[%get3A_300, %get3A_301] : memref<16x1024xf32, #tpu.memory_space<vmem>>, vector<16x1024xf32>
    %dot_general3A_303 = arith.constant dense<0.000000e+00> : vector<1000x1024xf32>
    %dot_general3A_304 = tpu.matmul %squeeze3A_299, %get3A_302, %dot_general3A_303 {dimension_numbers = #tpu.dot_dimension_numbers<[1], [0], [0], [1], [0, 0, 1, 1], [], []>, transpose_lhs_hint = false} : vector<1000x16xf32>, vector<16x1024xf32>, vector<1000x1024xf32> -> vector<1000x1024xf32>
    %get3A_305 = arith.constant 7 : index
    %get3A_306 = arith.constant 0 : index
    %get3A_307 = arith.constant 0 : index
    %get3A_308 = vector.load %arg1[%get3A_305, %get3A_306, %get3A_307] : memref<16x1000x128xf32, #tpu.memory_space<vmem>>, vector<1x1000x128xf32>
    %get3A_309 = vector.shape_cast %get3A_308 : vector<1x1000x128xf32> to vector<1000x128xf32>
    %slice3A_310 = vector.extract_strided_slice %get3A_309 {offsets = [0, 0], sizes = [1000, 64], strides = [1, 1]} : vector<1000x128xf32> to vector<1000x64xf32>
    %concatenate3A_311 = tpu.concatenate %slice3A_310, %slice3A_310 in 1 : vector<1000x64xf32>, vector<1000x64xf32> -> vector<1000x128xf32>
    %slice3A_312 = vector.extract_strided_slice %dot_general3A_304 {offsets = [0, 0], sizes = [1000, 128], strides = [1, 1]} : vector<1000x1024xf32> to vector<1000x128xf32>
    %mul3A_313 = arith.mulf %concatenate3A_311, %slice3A_312 : vector<1000x128xf32>
    %add3A_314 = arith.addf %add3A_276, %mul3A_313 : vector<1000x128xf32>
    %slice3A_315 = vector.extract_strided_slice %dot_general3A_304 {offsets = [0, 128], sizes = [1000, 128], strides = [1, 1]} : vector<1000x1024xf32> to vector<1000x128xf32>
    %mul3A_316 = arith.mulf %concatenate3A_311, %slice3A_315 : vector<1000x128xf32>
    %add3A_317 = arith.addf %add3A_279, %mul3A_316 : vector<1000x128xf32>
    %slice3A_318 = vector.extract_strided_slice %dot_general3A_304 {offsets = [0, 256], sizes = [1000, 128], strides = [1, 1]} : vector<1000x1024xf32> to vector<1000x128xf32>
    %mul3A_319 = arith.mulf %concatenate3A_311, %slice3A_318 : vector<1000x128xf32>
    %add3A_320 = arith.addf %add3A_282, %mul3A_319 : vector<1000x128xf32>
    %slice3A_321 = vector.extract_strided_slice %dot_general3A_304 {offsets = [0, 384], sizes = [1000, 128], strides = [1, 1]} : vector<1000x1024xf32> to vector<1000x128xf32>
    %mul3A_322 = arith.mulf %concatenate3A_311, %slice3A_321 : vector<1000x128xf32>
    %add3A_323 = arith.addf %add3A_285, %mul3A_322 : vector<1000x128xf32>
    %slice3A_324 = vector.extract_strided_slice %dot_general3A_304 {offsets = [0, 512], sizes = [1000, 128], strides = [1, 1]} : vector<1000x1024xf32> to vector<1000x128xf32>
    %mul3A_325 = arith.mulf %concatenate3A_311, %slice3A_324 : vector<1000x128xf32>
    %add3A_326 = arith.addf %add3A_288, %mul3A_325 : vector<1000x128xf32>
    %slice3A_327 = vector.extract_strided_slice %dot_general3A_304 {offsets = [0, 640], sizes = [1000, 128], strides = [1, 1]} : vector<1000x1024xf32> to vector<1000x128xf32>
    %mul3A_328 = arith.mulf %concatenate3A_311, %slice3A_327 : vector<1000x128xf32>
    %add3A_329 = arith.addf %add3A_291, %mul3A_328 : vector<1000x128xf32>
    %slice3A_330 = vector.extract_strided_slice %dot_general3A_304 {offsets = [0, 768], sizes = [1000, 128], strides = [1, 1]} : vector<1000x1024xf32> to vector<1000x128xf32>
    %mul3A_331 = arith.mulf %concatenate3A_311, %slice3A_330 : vector<1000x128xf32>
    %add3A_332 = arith.addf %add3A_294, %mul3A_331 : vector<1000x128xf32>
    %slice3A_333 = vector.extract_strided_slice %dot_general3A_304 {offsets = [0, 896], sizes = [1000, 128], strides = [1, 1]} : vector<1000x1024xf32> to vector<1000x128xf32>
    %mul3A_334 = arith.mulf %concatenate3A_311, %slice3A_333 : vector<1000x128xf32>
    %add3A_335 = arith.addf %add3A_297, %mul3A_334 : vector<1000x128xf32>
    %slice3A_336 = vector.extract_strided_slice %reshape3A_42 {offsets = [8, 0, 0], sizes = [1, 1000, 16], strides = [1, 1, 1]} : vector<16x1000x16xf32> to vector<1x1000x16xf32>
    %squeeze3A_337 = vector.shape_cast %slice3A_336 : vector<1x1000x16xf32> to vector<1000x16xf32>
    %get3A_338 = arith.constant 0 : index
    %get3A_339 = arith.constant 0 : index
    %get3A_340 = vector.load %arg11[%get3A_338, %get3A_339] : memref<16x1024xf32, #tpu.memory_space<vmem>>, vector<16x1024xf32>
    %dot_general3A_341 = arith.constant dense<0.000000e+00> : vector<1000x1024xf32>
    %dot_general3A_342 = tpu.matmul %squeeze3A_337, %get3A_340, %dot_general3A_341 {dimension_numbers = #tpu.dot_dimension_numbers<[1], [0], [0], [1], [0, 0, 1, 1], [], []>, transpose_lhs_hint = false} : vector<1000x16xf32>, vector<16x1024xf32>, vector<1000x1024xf32> -> vector<1000x1024xf32>
    %get3A_343 = arith.constant 8 : index
    %get3A_344 = arith.constant 0 : index
    %get3A_345 = arith.constant 0 : index
    %get3A_346 = vector.load %arg1[%get3A_343, %get3A_344, %get3A_345] : memref<16x1000x128xf32, #tpu.memory_space<vmem>>, vector<1x1000x128xf32>
    %get3A_347 = vector.shape_cast %get3A_346 : vector<1x1000x128xf32> to vector<1000x128xf32>
    %slice3A_348 = vector.extract_strided_slice %get3A_347 {offsets = [0, 0], sizes = [1000, 64], strides = [1, 1]} : vector<1000x128xf32> to vector<1000x64xf32>
    %concatenate3A_349 = tpu.concatenate %slice3A_348, %slice3A_348 in 1 : vector<1000x64xf32>, vector<1000x64xf32> -> vector<1000x128xf32>
    %slice3A_350 = vector.extract_strided_slice %dot_general3A_342 {offsets = [0, 0], sizes = [1000, 128], strides = [1, 1]} : vector<1000x1024xf32> to vector<1000x128xf32>
    %mul3A_351 = arith.mulf %concatenate3A_349, %slice3A_350 : vector<1000x128xf32>
    %add3A_352 = arith.addf %add3A_314, %mul3A_351 : vector<1000x128xf32>
    %slice3A_353 = vector.extract_strided_slice %dot_general3A_342 {offsets = [0, 128], sizes = [1000, 128], strides = [1, 1]} : vector<1000x1024xf32> to vector<1000x128xf32>
    %mul3A_354 = arith.mulf %concatenate3A_349, %slice3A_353 : vector<1000x128xf32>
    %add3A_355 = arith.addf %add3A_317, %mul3A_354 : vector<1000x128xf32>
    %slice3A_356 = vector.extract_strided_slice %dot_general3A_342 {offsets = [0, 256], sizes = [1000, 128], strides = [1, 1]} : vector<1000x1024xf32> to vector<1000x128xf32>
    %mul3A_357 = arith.mulf %concatenate3A_349, %slice3A_356 : vector<1000x128xf32>
    %add3A_358 = arith.addf %add3A_320, %mul3A_357 : vector<1000x128xf32>
    %slice3A_359 = vector.extract_strided_slice %dot_general3A_342 {offsets = [0, 384], sizes = [1000, 128], strides = [1, 1]} : vector<1000x1024xf32> to vector<1000x128xf32>
    %mul3A_360 = arith.mulf %concatenate3A_349, %slice3A_359 : vector<1000x128xf32>
    %add3A_361 = arith.addf %add3A_323, %mul3A_360 : vector<1000x128xf32>
    %slice3A_362 = vector.extract_strided_slice %dot_general3A_342 {offsets = [0, 512], sizes = [1000, 128], strides = [1, 1]} : vector<1000x1024xf32> to vector<1000x128xf32>
    %mul3A_363 = arith.mulf %concatenate3A_349, %slice3A_362 : vector<1000x128xf32>
    %add3A_364 = arith.addf %add3A_326, %mul3A_363 : vector<1000x128xf32>
    %slice3A_365 = vector.extract_strided_slice %dot_general3A_342 {offsets = [0, 640], sizes = [1000, 128], strides = [1, 1]} : vector<1000x1024xf32> to vector<1000x128xf32>
    %mul3A_366 = arith.mulf %concatenate3A_349, %slice3A_365 : vector<1000x128xf32>
    %add3A_367 = arith.addf %add3A_329, %mul3A_366 : vector<1000x128xf32>
    %slice3A_368 = vector.extract_strided_slice %dot_general3A_342 {offsets = [0, 768], sizes = [1000, 128], strides = [1, 1]} : vector<1000x1024xf32> to vector<1000x128xf32>
    %mul3A_369 = arith.mulf %concatenate3A_349, %slice3A_368 : vector<1000x128xf32>
    %add3A_370 = arith.addf %add3A_332, %mul3A_369 : vector<1000x128xf32>
    %slice3A_371 = vector.extract_strided_slice %dot_general3A_342 {offsets = [0, 896], sizes = [1000, 128], strides = [1, 1]} : vector<1000x1024xf32> to vector<1000x128xf32>
    %mul3A_372 = arith.mulf %concatenate3A_349, %slice3A_371 : vector<1000x128xf32>
    %add3A_373 = arith.addf %add3A_335, %mul3A_372 : vector<1000x128xf32>
    %slice3A_374 = vector.extract_strided_slice %reshape3A_42 {offsets = [9, 0, 0], sizes = [1, 1000, 16], strides = [1, 1, 1]} : vector<16x1000x16xf32> to vector<1x1000x16xf32>
    %squeeze3A_375 = vector.shape_cast %slice3A_374 : vector<1x1000x16xf32> to vector<1000x16xf32>
    %get3A_376 = arith.constant 0 : index
    %get3A_377 = arith.constant 0 : index
    %get3A_378 = vector.load %arg11[%get3A_376, %get3A_377] : memref<16x1024xf32, #tpu.memory_space<vmem>>, vector<16x1024xf32>
    %dot_general3A_379 = arith.constant dense<0.000000e+00> : vector<1000x1024xf32>
    %dot_general3A_380 = tpu.matmul %squeeze3A_375, %get3A_378, %dot_general3A_379 {dimension_numbers = #tpu.dot_dimension_numbers<[1], [0], [0], [1], [0, 0, 1, 1], [], []>, transpose_lhs_hint = false} : vector<1000x16xf32>, vector<16x1024xf32>, vector<1000x1024xf32> -> vector<1000x1024xf32>
    %get3A_381 = arith.constant 9 : index
    %get3A_382 = arith.constant 0 : index
    %get3A_383 = arith.constant 0 : index
    %get3A_384 = vector.load %arg1[%get3A_381, %get3A_382, %get3A_383] : memref<16x1000x128xf32, #tpu.memory_space<vmem>>, vector<1x1000x128xf32>
    %get3A_385 = vector.shape_cast %get3A_384 : vector<1x1000x128xf32> to vector<1000x128xf32>
    %slice3A_386 = vector.extract_strided_slice %get3A_385 {offsets = [0, 0], sizes = [1000, 64], strides = [1, 1]} : vector<1000x128xf32> to vector<1000x64xf32>
    %concatenate3A_387 = tpu.concatenate %slice3A_386, %slice3A_386 in 1 : vector<1000x64xf32>, vector<1000x64xf32> -> vector<1000x128xf32>
    %slice3A_388 = vector.extract_strided_slice %dot_general3A_380 {offsets = [0, 0], sizes = [1000, 128], strides = [1, 1]} : vector<1000x1024xf32> to vector<1000x128xf32>
    %mul3A_389 = arith.mulf %concatenate3A_387, %slice3A_388 : vector<1000x128xf32>
    %add3A_390 = arith.addf %add3A_352, %mul3A_389 : vector<1000x128xf32>
    %slice3A_391 = vector.extract_strided_slice %dot_general3A_380 {offsets = [0, 128], sizes = [1000, 128], strides = [1, 1]} : vector<1000x1024xf32> to vector<1000x128xf32>
    %mul3A_392 = arith.mulf %concatenate3A_387, %slice3A_391 : vector<1000x128xf32>
    %add3A_393 = arith.addf %add3A_355, %mul3A_392 : vector<1000x128xf32>
    %slice3A_394 = vector.extract_strided_slice %dot_general3A_380 {offsets = [0, 256], sizes = [1000, 128], strides = [1, 1]} : vector<1000x1024xf32> to vector<1000x128xf32>
    %mul3A_395 = arith.mulf %concatenate3A_387, %slice3A_394 : vector<1000x128xf32>
    %add3A_396 = arith.addf %add3A_358, %mul3A_395 : vector<1000x128xf32>
    %slice3A_397 = vector.extract_strided_slice %dot_general3A_380 {offsets = [0, 384], sizes = [1000, 128], strides = [1, 1]} : vector<1000x1024xf32> to vector<1000x128xf32>
    %mul3A_398 = arith.mulf %concatenate3A_387, %slice3A_397 : vector<1000x128xf32>
    %add3A_399 = arith.addf %add3A_361, %mul3A_398 : vector<1000x128xf32>
    %slice3A_400 = vector.extract_strided_slice %dot_general3A_380 {offsets = [0, 512], sizes = [1000, 128], strides = [1, 1]} : vector<1000x1024xf32> to vector<1000x128xf32>
    %mul3A_401 = arith.mulf %concatenate3A_387, %slice3A_400 : vector<1000x128xf32>
    %add3A_402 = arith.addf %add3A_364, %mul3A_401 : vector<1000x128xf32>
    %slice3A_403 = vector.extract_strided_slice %dot_general3A_380 {offsets = [0, 640], sizes = [1000, 128], strides = [1, 1]} : vector<1000x1024xf32> to vector<1000x128xf32>
    %mul3A_404 = arith.mulf %concatenate3A_387, %slice3A_403 : vector<1000x128xf32>
    %add3A_405 = arith.addf %add3A_367, %mul3A_404 : vector<1000x128xf32>
    %slice3A_406 = vector.extract_strided_slice %dot_general3A_380 {offsets = [0, 768], sizes = [1000, 128], strides = [1, 1]} : vector<1000x1024xf32> to vector<1000x128xf32>
    %mul3A_407 = arith.mulf %concatenate3A_387, %slice3A_406 : vector<1000x128xf32>
    %add3A_408 = arith.addf %add3A_370, %mul3A_407 : vector<1000x128xf32>
    %slice3A_409 = vector.extract_strided_slice %dot_general3A_380 {offsets = [0, 896], sizes = [1000, 128], strides = [1, 1]} : vector<1000x1024xf32> to vector<1000x128xf32>
    %mul3A_410 = arith.mulf %concatenate3A_387, %slice3A_409 : vector<1000x128xf32>
    %add3A_411 = arith.addf %add3A_373, %mul3A_410 : vector<1000x128xf32>
    %slice3A_412 = vector.extract_strided_slice %reshape3A_42 {offsets = [10, 0, 0], sizes = [1, 1000, 16], strides = [1, 1, 1]} : vector<16x1000x16xf32> to vector<1x1000x16xf32>
    %squeeze3A_413 = vector.shape_cast %slice3A_412 : vector<1x1000x16xf32> to vector<1000x16xf32>
    %get3A_414 = arith.constant 0 : index
    %get3A_415 = arith.constant 0 : index
    %get3A_416 = vector.load %arg11[%get3A_414, %get3A_415] : memref<16x1024xf32, #tpu.memory_space<vmem>>, vector<16x1024xf32>
    %dot_general3A_417 = arith.constant dense<0.000000e+00> : vector<1000x1024xf32>
    %dot_general3A_418 = tpu.matmul %squeeze3A_413, %get3A_416, %dot_general3A_417 {dimension_numbers = #tpu.dot_dimension_numbers<[1], [0], [0], [1], [0, 0, 1, 1], [], []>, transpose_lhs_hint = false} : vector<1000x16xf32>, vector<16x1024xf32>, vector<1000x1024xf32> -> vector<1000x1024xf32>
    %get3A_419 = arith.constant 10 : index
    %get3A_420 = arith.constant 0 : index
    %get3A_421 = arith.constant 0 : index
    %get3A_422 = vector.load %arg1[%get3A_419, %get3A_420, %get3A_421] : memref<16x1000x128xf32, #tpu.memory_space<vmem>>, vector<1x1000x128xf32>
    %get3A_423 = vector.shape_cast %get3A_422 : vector<1x1000x128xf32> to vector<1000x128xf32>
    %slice3A_424 = vector.extract_strided_slice %get3A_423 {offsets = [0, 0], sizes = [1000, 64], strides = [1, 1]} : vector<1000x128xf32> to vector<1000x64xf32>
    %concatenate3A_425 = tpu.concatenate %slice3A_424, %slice3A_424 in 1 : vector<1000x64xf32>, vector<1000x64xf32> -> vector<1000x128xf32>
    %slice3A_426 = vector.extract_strided_slice %dot_general3A_418 {offsets = [0, 0], sizes = [1000, 128], strides = [1, 1]} : vector<1000x1024xf32> to vector<1000x128xf32>
    %mul3A_427 = arith.mulf %concatenate3A_425, %slice3A_426 : vector<1000x128xf32>
    %add3A_428 = arith.addf %add3A_390, %mul3A_427 : vector<1000x128xf32>
    %slice3A_429 = vector.extract_strided_slice %dot_general3A_418 {offsets = [0, 128], sizes = [1000, 128], strides = [1, 1]} : vector<1000x1024xf32> to vector<1000x128xf32>
    %mul3A_430 = arith.mulf %concatenate3A_425, %slice3A_429 : vector<1000x128xf32>
    %add3A_431 = arith.addf %add3A_393, %mul3A_430 : vector<1000x128xf32>
    %slice3A_432 = vector.extract_strided_slice %dot_general3A_418 {offsets = [0, 256], sizes = [1000, 128], strides = [1, 1]} : vector<1000x1024xf32> to vector<1000x128xf32>
    %mul3A_433 = arith.mulf %concatenate3A_425, %slice3A_432 : vector<1000x128xf32>
    %add3A_434 = arith.addf %add3A_396, %mul3A_433 : vector<1000x128xf32>
    %slice3A_435 = vector.extract_strided_slice %dot_general3A_418 {offsets = [0, 384], sizes = [1000, 128], strides = [1, 1]} : vector<1000x1024xf32> to vector<1000x128xf32>
    %mul3A_436 = arith.mulf %concatenate3A_425, %slice3A_435 : vector<1000x128xf32>
    %add3A_437 = arith.addf %add3A_399, %mul3A_436 : vector<1000x128xf32>
    %slice3A_438 = vector.extract_strided_slice %dot_general3A_418 {offsets = [0, 512], sizes = [1000, 128], strides = [1, 1]} : vector<1000x1024xf32> to vector<1000x128xf32>
    %mul3A_439 = arith.mulf %concatenate3A_425, %slice3A_438 : vector<1000x128xf32>
    %add3A_440 = arith.addf %add3A_402, %mul3A_439 : vector<1000x128xf32>
    %slice3A_441 = vector.extract_strided_slice %dot_general3A_418 {offsets = [0, 640], sizes = [1000, 128], strides = [1, 1]} : vector<1000x1024xf32> to vector<1000x128xf32>
    %mul3A_442 = arith.mulf %concatenate3A_425, %slice3A_441 : vector<1000x128xf32>
    %add3A_443 = arith.addf %add3A_405, %mul3A_442 : vector<1000x128xf32>
    %slice3A_444 = vector.extract_strided_slice %dot_general3A_418 {offsets = [0, 768], sizes = [1000, 128], strides = [1, 1]} : vector<1000x1024xf32> to vector<1000x128xf32>
    %mul3A_445 = arith.mulf %concatenate3A_425, %slice3A_444 : vector<1000x128xf32>
    %add3A_446 = arith.addf %add3A_408, %mul3A_445 : vector<1000x128xf32>
    %slice3A_447 = vector.extract_strided_slice %dot_general3A_418 {offsets = [0, 896], sizes = [1000, 128], strides = [1, 1]} : vector<1000x1024xf32> to vector<1000x128xf32>
    %mul3A_448 = arith.mulf %concatenate3A_425, %slice3A_447 : vector<1000x128xf32>
    %add3A_449 = arith.addf %add3A_411, %mul3A_448 : vector<1000x128xf32>
    %slice3A_450 = vector.extract_strided_slice %reshape3A_42 {offsets = [11, 0, 0], sizes = [1, 1000, 16], strides = [1, 1, 1]} : vector<16x1000x16xf32> to vector<1x1000x16xf32>
    %squeeze3A_451 = vector.shape_cast %slice3A_450 : vector<1x1000x16xf32> to vector<1000x16xf32>
    %get3A_452 = arith.constant 0 : index
    %get3A_453 = arith.constant 0 : index
    %get3A_454 = vector.load %arg11[%get3A_452, %get3A_453] : memref<16x1024xf32, #tpu.memory_space<vmem>>, vector<16x1024xf32>
    %dot_general3A_455 = arith.constant dense<0.000000e+00> : vector<1000x1024xf32>
    %dot_general3A_456 = tpu.matmul %squeeze3A_451, %get3A_454, %dot_general3A_455 {dimension_numbers = #tpu.dot_dimension_numbers<[1], [0], [0], [1], [0, 0, 1, 1], [], []>, transpose_lhs_hint = false} : vector<1000x16xf32>, vector<16x1024xf32>, vector<1000x1024xf32> -> vector<1000x1024xf32>
    %get3A_457 = arith.constant 11 : index
    %get3A_458 = arith.constant 0 : index
    %get3A_459 = arith.constant 0 : index
    %get3A_460 = vector.load %arg1[%get3A_457, %get3A_458, %get3A_459] : memref<16x1000x128xf32, #tpu.memory_space<vmem>>, vector<1x1000x128xf32>
    %get3A_461 = vector.shape_cast %get3A_460 : vector<1x1000x128xf32> to vector<1000x128xf32>
    %slice3A_462 = vector.extract_strided_slice %get3A_461 {offsets = [0, 0], sizes = [1000, 64], strides = [1, 1]} : vector<1000x128xf32> to vector<1000x64xf32>
    %concatenate3A_463 = tpu.concatenate %slice3A_462, %slice3A_462 in 1 : vector<1000x64xf32>, vector<1000x64xf32> -> vector<1000x128xf32>
    %slice3A_464 = vector.extract_strided_slice %dot_general3A_456 {offsets = [0, 0], sizes = [1000, 128], strides = [1, 1]} : vector<1000x1024xf32> to vector<1000x128xf32>
    %mul3A_465 = arith.mulf %concatenate3A_463, %slice3A_464 : vector<1000x128xf32>
    %add3A_466 = arith.addf %add3A_428, %mul3A_465 : vector<1000x128xf32>
    %slice3A_467 = vector.extract_strided_slice %dot_general3A_456 {offsets = [0, 128], sizes = [1000, 128], strides = [1, 1]} : vector<1000x1024xf32> to vector<1000x128xf32>
    %mul3A_468 = arith.mulf %concatenate3A_463, %slice3A_467 : vector<1000x128xf32>
    %add3A_469 = arith.addf %add3A_431, %mul3A_468 : vector<1000x128xf32>
    %slice3A_470 = vector.extract_strided_slice %dot_general3A_456 {offsets = [0, 256], sizes = [1000, 128], strides = [1, 1]} : vector<1000x1024xf32> to vector<1000x128xf32>
    %mul3A_471 = arith.mulf %concatenate3A_463, %slice3A_470 : vector<1000x128xf32>
    %add3A_472 = arith.addf %add3A_434, %mul3A_471 : vector<1000x128xf32>
    %slice3A_473 = vector.extract_strided_slice %dot_general3A_456 {offsets = [0, 384], sizes = [1000, 128], strides = [1, 1]} : vector<1000x1024xf32> to vector<1000x128xf32>
    %mul3A_474 = arith.mulf %concatenate3A_463, %slice3A_473 : vector<1000x128xf32>
    %add3A_475 = arith.addf %add3A_437, %mul3A_474 : vector<1000x128xf32>
    %slice3A_476 = vector.extract_strided_slice %dot_general3A_456 {offsets = [0, 512], sizes = [1000, 128], strides = [1, 1]} : vector<1000x1024xf32> to vector<1000x128xf32>
    %mul3A_477 = arith.mulf %concatenate3A_463, %slice3A_476 : vector<1000x128xf32>
    %add3A_478 = arith.addf %add3A_440, %mul3A_477 : vector<1000x128xf32>
    %slice3A_479 = vector.extract_strided_slice %dot_general3A_456 {offsets = [0, 640], sizes = [1000, 128], strides = [1, 1]} : vector<1000x1024xf32> to vector<1000x128xf32>
    %mul3A_480 = arith.mulf %concatenate3A_463, %slice3A_479 : vector<1000x128xf32>
    %add3A_481 = arith.addf %add3A_443, %mul3A_480 : vector<1000x128xf32>
    %slice3A_482 = vector.extract_strided_slice %dot_general3A_456 {offsets = [0, 768], sizes = [1000, 128], strides = [1, 1]} : vector<1000x1024xf32> to vector<1000x128xf32>
    %mul3A_483 = arith.mulf %concatenate3A_463, %slice3A_482 : vector<1000x128xf32>
    %add3A_484 = arith.addf %add3A_446, %mul3A_483 : vector<1000x128xf32>
    %slice3A_485 = vector.extract_strided_slice %dot_general3A_456 {offsets = [0, 896], sizes = [1000, 128], strides = [1, 1]} : vector<1000x1024xf32> to vector<1000x128xf32>
    %mul3A_486 = arith.mulf %concatenate3A_463, %slice3A_485 : vector<1000x128xf32>
    %add3A_487 = arith.addf %add3A_449, %mul3A_486 : vector<1000x128xf32>
    %slice3A_488 = vector.extract_strided_slice %reshape3A_42 {offsets = [12, 0, 0], sizes = [1, 1000, 16], strides = [1, 1, 1]} : vector<16x1000x16xf32> to vector<1x1000x16xf32>
    %squeeze3A_489 = vector.shape_cast %slice3A_488 : vector<1x1000x16xf32> to vector<1000x16xf32>
    %get3A_490 = arith.constant 0 : index
    %get3A_491 = arith.constant 0 : index
    %get3A_492 = vector.load %arg11[%get3A_490, %get3A_491] : memref<16x1024xf32, #tpu.memory_space<vmem>>, vector<16x1024xf32>
    %dot_general3A_493 = arith.constant dense<0.000000e+00> : vector<1000x1024xf32>
    %dot_general3A_494 = tpu.matmul %squeeze3A_489, %get3A_492, %dot_general3A_493 {dimension_numbers = #tpu.dot_dimension_numbers<[1], [0], [0], [1], [0, 0, 1, 1], [], []>, transpose_lhs_hint = false} : vector<1000x16xf32>, vector<16x1024xf32>, vector<1000x1024xf32> -> vector<1000x1024xf32>
    %get3A_495 = arith.constant 12 : index
    %get3A_496 = arith.constant 0 : index
    %get3A_497 = arith.constant 0 : index
    %get3A_498 = vector.load %arg1[%get3A_495, %get3A_496, %get3A_497] : memref<16x1000x128xf32, #tpu.memory_space<vmem>>, vector<1x1000x128xf32>
    %get3A_499 = vector.shape_cast %get3A_498 : vector<1x1000x128xf32> to vector<1000x128xf32>
    %slice3A_500 = vector.extract_strided_slice %get3A_499 {offsets = [0, 0], sizes = [1000, 64], strides = [1, 1]} : vector<1000x128xf32> to vector<1000x64xf32>
    %concatenate3A_501 = tpu.concatenate %slice3A_500, %slice3A_500 in 1 : vector<1000x64xf32>, vector<1000x64xf32> -> vector<1000x128xf32>
    %slice3A_502 = vector.extract_strided_slice %dot_general3A_494 {offsets = [0, 0], sizes = [1000, 128], strides = [1, 1]} : vector<1000x1024xf32> to vector<1000x128xf32>
    %mul3A_503 = arith.mulf %concatenate3A_501, %slice3A_502 : vector<1000x128xf32>
    %add3A_504 = arith.addf %add3A_466, %mul3A_503 : vector<1000x128xf32>
    %slice3A_505 = vector.extract_strided_slice %dot_general3A_494 {offsets = [0, 128], sizes = [1000, 128], strides = [1, 1]} : vector<1000x1024xf32> to vector<1000x128xf32>
    %mul3A_506 = arith.mulf %concatenate3A_501, %slice3A_505 : vector<1000x128xf32>
    %add3A_507 = arith.addf %add3A_469, %mul3A_506 : vector<1000x128xf32>
    %slice3A_508 = vector.extract_strided_slice %dot_general3A_494 {offsets = [0, 256], sizes = [1000, 128], strides = [1, 1]} : vector<1000x1024xf32> to vector<1000x128xf32>
    %mul3A_509 = arith.mulf %concatenate3A_501, %slice3A_508 : vector<1000x128xf32>
    %add3A_510 = arith.addf %add3A_472, %mul3A_509 : vector<1000x128xf32>
    %slice3A_511 = vector.extract_strided_slice %dot_general3A_494 {offsets = [0, 384], sizes = [1000, 128], strides = [1, 1]} : vector<1000x1024xf32> to vector<1000x128xf32>
    %mul3A_512 = arith.mulf %concatenate3A_501, %slice3A_511 : vector<1000x128xf32>
    %add3A_513 = arith.addf %add3A_475, %mul3A_512 : vector<1000x128xf32>
    %slice3A_514 = vector.extract_strided_slice %dot_general3A_494 {offsets = [0, 512], sizes = [1000, 128], strides = [1, 1]} : vector<1000x1024xf32> to vector<1000x128xf32>
    %mul3A_515 = arith.mulf %concatenate3A_501, %slice3A_514 : vector<1000x128xf32>
    %add3A_516 = arith.addf %add3A_478, %mul3A_515 : vector<1000x128xf32>
    %slice3A_517 = vector.extract_strided_slice %dot_general3A_494 {offsets = [0, 640], sizes = [1000, 128], strides = [1, 1]} : vector<1000x1024xf32> to vector<1000x128xf32>
    %mul3A_518 = arith.mulf %concatenate3A_501, %slice3A_517 : vector<1000x128xf32>
    %add3A_519 = arith.addf %add3A_481, %mul3A_518 : vector<1000x128xf32>
    %slice3A_520 = vector.extract_strided_slice %dot_general3A_494 {offsets = [0, 768], sizes = [1000, 128], strides = [1, 1]} : vector<1000x1024xf32> to vector<1000x128xf32>
    %mul3A_521 = arith.mulf %concatenate3A_501, %slice3A_520 : vector<1000x128xf32>
    %add3A_522 = arith.addf %add3A_484, %mul3A_521 : vector<1000x128xf32>
    %slice3A_523 = vector.extract_strided_slice %dot_general3A_494 {offsets = [0, 896], sizes = [1000, 128], strides = [1, 1]} : vector<1000x1024xf32> to vector<1000x128xf32>
    %mul3A_524 = arith.mulf %concatenate3A_501, %slice3A_523 : vector<1000x128xf32>
    %add3A_525 = arith.addf %add3A_487, %mul3A_524 : vector<1000x128xf32>
    %slice3A_526 = vector.extract_strided_slice %reshape3A_42 {offsets = [13, 0, 0], sizes = [1, 1000, 16], strides = [1, 1, 1]} : vector<16x1000x16xf32> to vector<1x1000x16xf32>
    %squeeze3A_527 = vector.shape_cast %slice3A_526 : vector<1x1000x16xf32> to vector<1000x16xf32>
    %get3A_528 = arith.constant 0 : index
    %get3A_529 = arith.constant 0 : index
    %get3A_530 = vector.load %arg11[%get3A_528, %get3A_529] : memref<16x1024xf32, #tpu.memory_space<vmem>>, vector<16x1024xf32>
    %dot_general3A_531 = arith.constant dense<0.000000e+00> : vector<1000x1024xf32>
    %dot_general3A_532 = tpu.matmul %squeeze3A_527, %get3A_530, %dot_general3A_531 {dimension_numbers = #tpu.dot_dimension_numbers<[1], [0], [0], [1], [0, 0, 1, 1], [], []>, transpose_lhs_hint = false} : vector<1000x16xf32>, vector<16x1024xf32>, vector<1000x1024xf32> -> vector<1000x1024xf32>
    %get3A_533 = arith.constant 13 : index
    %get3A_534 = arith.constant 0 : index
    %get3A_535 = arith.constant 0 : index
    %get3A_536 = vector.load %arg1[%get3A_533, %get3A_534, %get3A_535] : memref<16x1000x128xf32, #tpu.memory_space<vmem>>, vector<1x1000x128xf32>
    %get3A_537 = vector.shape_cast %get3A_536 : vector<1x1000x128xf32> to vector<1000x128xf32>
    %slice3A_538 = vector.extract_strided_slice %get3A_537 {offsets = [0, 0], sizes = [1000, 64], strides = [1, 1]} : vector<1000x128xf32> to vector<1000x64xf32>
    %concatenate3A_539 = tpu.concatenate %slice3A_538, %slice3A_538 in 1 : vector<1000x64xf32>, vector<1000x64xf32> -> vector<1000x128xf32>
    %slice3A_540 = vector.extract_strided_slice %dot_general3A_532 {offsets = [0, 0], sizes = [1000, 128], strides = [1, 1]} : vector<1000x1024xf32> to vector<1000x128xf32>
    %mul3A_541 = arith.mulf %concatenate3A_539, %slice3A_540 : vector<1000x128xf32>
    %add3A_542 = arith.addf %add3A_504, %mul3A_541 : vector<1000x128xf32>
    %slice3A_543 = vector.extract_strided_slice %dot_general3A_532 {offsets = [0, 128], sizes = [1000, 128], strides = [1, 1]} : vector<1000x1024xf32> to vector<1000x128xf32>
    %mul3A_544 = arith.mulf %concatenate3A_539, %slice3A_543 : vector<1000x128xf32>
    %add3A_545 = arith.addf %add3A_507, %mul3A_544 : vector<1000x128xf32>
    %slice3A_546 = vector.extract_strided_slice %dot_general3A_532 {offsets = [0, 256], sizes = [1000, 128], strides = [1, 1]} : vector<1000x1024xf32> to vector<1000x128xf32>
    %mul3A_547 = arith.mulf %concatenate3A_539, %slice3A_546 : vector<1000x128xf32>
    %add3A_548 = arith.addf %add3A_510, %mul3A_547 : vector<1000x128xf32>
    %slice3A_549 = vector.extract_strided_slice %dot_general3A_532 {offsets = [0, 384], sizes = [1000, 128], strides = [1, 1]} : vector<1000x1024xf32> to vector<1000x128xf32>
    %mul3A_550 = arith.mulf %concatenate3A_539, %slice3A_549 : vector<1000x128xf32>
    %add3A_551 = arith.addf %add3A_513, %mul3A_550 : vector<1000x128xf32>
    %slice3A_552 = vector.extract_strided_slice %dot_general3A_532 {offsets = [0, 512], sizes = [1000, 128], strides = [1, 1]} : vector<1000x1024xf32> to vector<1000x128xf32>
    %mul3A_553 = arith.mulf %concatenate3A_539, %slice3A_552 : vector<1000x128xf32>
    %add3A_554 = arith.addf %add3A_516, %mul3A_553 : vector<1000x128xf32>
    %slice3A_555 = vector.extract_strided_slice %dot_general3A_532 {offsets = [0, 640], sizes = [1000, 128], strides = [1, 1]} : vector<1000x1024xf32> to vector<1000x128xf32>
    %mul3A_556 = arith.mulf %concatenate3A_539, %slice3A_555 : vector<1000x128xf32>
    %add3A_557 = arith.addf %add3A_519, %mul3A_556 : vector<1000x128xf32>
    %slice3A_558 = vector.extract_strided_slice %dot_general3A_532 {offsets = [0, 768], sizes = [1000, 128], strides = [1, 1]} : vector<1000x1024xf32> to vector<1000x128xf32>
    %mul3A_559 = arith.mulf %concatenate3A_539, %slice3A_558 : vector<1000x128xf32>
    %add3A_560 = arith.addf %add3A_522, %mul3A_559 : vector<1000x128xf32>
    %slice3A_561 = vector.extract_strided_slice %dot_general3A_532 {offsets = [0, 896], sizes = [1000, 128], strides = [1, 1]} : vector<1000x1024xf32> to vector<1000x128xf32>
    %mul3A_562 = arith.mulf %concatenate3A_539, %slice3A_561 : vector<1000x128xf32>
    %add3A_563 = arith.addf %add3A_525, %mul3A_562 : vector<1000x128xf32>
    %slice3A_564 = vector.extract_strided_slice %reshape3A_42 {offsets = [14, 0, 0], sizes = [1, 1000, 16], strides = [1, 1, 1]} : vector<16x1000x16xf32> to vector<1x1000x16xf32>
    %squeeze3A_565 = vector.shape_cast %slice3A_564 : vector<1x1000x16xf32> to vector<1000x16xf32>
    %get3A_566 = arith.constant 0 : index
    %get3A_567 = arith.constant 0 : index
    %get3A_568 = vector.load %arg11[%get3A_566, %get3A_567] : memref<16x1024xf32, #tpu.memory_space<vmem>>, vector<16x1024xf32>
    %dot_general3A_569 = arith.constant dense<0.000000e+00> : vector<1000x1024xf32>
    %dot_general3A_570 = tpu.matmul %squeeze3A_565, %get3A_568, %dot_general3A_569 {dimension_numbers = #tpu.dot_dimension_numbers<[1], [0], [0], [1], [0, 0, 1, 1], [], []>, transpose_lhs_hint = false} : vector<1000x16xf32>, vector<16x1024xf32>, vector<1000x1024xf32> -> vector<1000x1024xf32>
    %get3A_571 = arith.constant 14 : index
    %get3A_572 = arith.constant 0 : index
    %get3A_573 = arith.constant 0 : index
    %get3A_574 = vector.load %arg1[%get3A_571, %get3A_572, %get3A_573] : memref<16x1000x128xf32, #tpu.memory_space<vmem>>, vector<1x1000x128xf32>
    %get3A_575 = vector.shape_cast %get3A_574 : vector<1x1000x128xf32> to vector<1000x128xf32>
    %slice3A_576 = vector.extract_strided_slice %get3A_575 {offsets = [0, 0], sizes = [1000, 64], strides = [1, 1]} : vector<1000x128xf32> to vector<1000x64xf32>
    %concatenate3A_577 = tpu.concatenate %slice3A_576, %slice3A_576 in 1 : vector<1000x64xf32>, vector<1000x64xf32> -> vector<1000x128xf32>
    %slice3A_578 = vector.extract_strided_slice %dot_general3A_570 {offsets = [0, 0], sizes = [1000, 128], strides = [1, 1]} : vector<1000x1024xf32> to vector<1000x128xf32>
    %mul3A_579 = arith.mulf %concatenate3A_577, %slice3A_578 : vector<1000x128xf32>
    %add3A_580 = arith.addf %add3A_542, %mul3A_579 : vector<1000x128xf32>
    %slice3A_581 = vector.extract_strided_slice %dot_general3A_570 {offsets = [0, 128], sizes = [1000, 128], strides = [1, 1]} : vector<1000x1024xf32> to vector<1000x128xf32>
    %mul3A_582 = arith.mulf %concatenate3A_577, %slice3A_581 : vector<1000x128xf32>
    %add3A_583 = arith.addf %add3A_545, %mul3A_582 : vector<1000x128xf32>
    %slice3A_584 = vector.extract_strided_slice %dot_general3A_570 {offsets = [0, 256], sizes = [1000, 128], strides = [1, 1]} : vector<1000x1024xf32> to vector<1000x128xf32>
    %mul3A_585 = arith.mulf %concatenate3A_577, %slice3A_584 : vector<1000x128xf32>
    %add3A_586 = arith.addf %add3A_548, %mul3A_585 : vector<1000x128xf32>
    %slice3A_587 = vector.extract_strided_slice %dot_general3A_570 {offsets = [0, 384], sizes = [1000, 128], strides = [1, 1]} : vector<1000x1024xf32> to vector<1000x128xf32>
    %mul3A_588 = arith.mulf %concatenate3A_577, %slice3A_587 : vector<1000x128xf32>
    %add3A_589 = arith.addf %add3A_551, %mul3A_588 : vector<1000x128xf32>
    %slice3A_590 = vector.extract_strided_slice %dot_general3A_570 {offsets = [0, 512], sizes = [1000, 128], strides = [1, 1]} : vector<1000x1024xf32> to vector<1000x128xf32>
    %mul3A_591 = arith.mulf %concatenate3A_577, %slice3A_590 : vector<1000x128xf32>
    %add3A_592 = arith.addf %add3A_554, %mul3A_591 : vector<1000x128xf32>
    %slice3A_593 = vector.extract_strided_slice %dot_general3A_570 {offsets = [0, 640], sizes = [1000, 128], strides = [1, 1]} : vector<1000x1024xf32> to vector<1000x128xf32>
    %mul3A_594 = arith.mulf %concatenate3A_577, %slice3A_593 : vector<1000x128xf32>
    %add3A_595 = arith.addf %add3A_557, %mul3A_594 : vector<1000x128xf32>
    %slice3A_596 = vector.extract_strided_slice %dot_general3A_570 {offsets = [0, 768], sizes = [1000, 128], strides = [1, 1]} : vector<1000x1024xf32> to vector<1000x128xf32>
    %mul3A_597 = arith.mulf %concatenate3A_577, %slice3A_596 : vector<1000x128xf32>
    %add3A_598 = arith.addf %add3A_560, %mul3A_597 : vector<1000x128xf32>
    %slice3A_599 = vector.extract_strided_slice %dot_general3A_570 {offsets = [0, 896], sizes = [1000, 128], strides = [1, 1]} : vector<1000x1024xf32> to vector<1000x128xf32>
    %mul3A_600 = arith.mulf %concatenate3A_577, %slice3A_599 : vector<1000x128xf32>
    %add3A_601 = arith.addf %add3A_563, %mul3A_600 : vector<1000x128xf32>
    %slice3A_602 = vector.extract_strided_slice %reshape3A_42 {offsets = [15, 0, 0], sizes = [1, 1000, 16], strides = [1, 1, 1]} : vector<16x1000x16xf32> to vector<1x1000x16xf32>
    %squeeze3A_603 = vector.shape_cast %slice3A_602 : vector<1x1000x16xf32> to vector<1000x16xf32>
    %get3A_604 = arith.constant 0 : index
    %get3A_605 = arith.constant 0 : index
    %get3A_606 = vector.load %arg11[%get3A_604, %get3A_605] : memref<16x1024xf32, #tpu.memory_space<vmem>>, vector<16x1024xf32>
    %dot_general3A_607 = arith.constant dense<0.000000e+00> : vector<1000x1024xf32>
    %dot_general3A_608 = tpu.matmul %squeeze3A_603, %get3A_606, %dot_general3A_607 {dimension_numbers = #tpu.dot_dimension_numbers<[1], [0], [0], [1], [0, 0, 1, 1], [], []>, transpose_lhs_hint = false} : vector<1000x16xf32>, vector<16x1024xf32>, vector<1000x1024xf32> -> vector<1000x1024xf32>
    %get3A_609 = arith.constant 15 : index
    %get3A_610 = arith.constant 0 : index
    %get3A_611 = arith.constant 0 : index
    %get3A_612 = vector.load %arg1[%get3A_609, %get3A_610, %get3A_611] : memref<16x1000x128xf32, #tpu.memory_space<vmem>>, vector<1x1000x128xf32>
    %get3A_613 = vector.shape_cast %get3A_612 : vector<1x1000x128xf32> to vector<1000x128xf32>
    %slice3A_614 = vector.extract_strided_slice %get3A_613 {offsets = [0, 0], sizes = [1000, 64], strides = [1, 1]} : vector<1000x128xf32> to vector<1000x64xf32>
    %concatenate3A_615 = tpu.concatenate %slice3A_614, %slice3A_614 in 1 : vector<1000x64xf32>, vector<1000x64xf32> -> vector<1000x128xf32>
    %slice3A_616 = vector.extract_strided_slice %dot_general3A_608 {offsets = [0, 0], sizes = [1000, 128], strides = [1, 1]} : vector<1000x1024xf32> to vector<1000x128xf32>
    %mul3A_617 = arith.mulf %concatenate3A_615, %slice3A_616 : vector<1000x128xf32>
    %add3A_618 = arith.addf %add3A_580, %mul3A_617 : vector<1000x128xf32>
    %slice3A_619 = vector.extract_strided_slice %dot_general3A_608 {offsets = [0, 128], sizes = [1000, 128], strides = [1, 1]} : vector<1000x1024xf32> to vector<1000x128xf32>
    %mul3A_620 = arith.mulf %concatenate3A_615, %slice3A_619 : vector<1000x128xf32>
    %add3A_621 = arith.addf %add3A_583, %mul3A_620 : vector<1000x128xf32>
    %slice3A_622 = vector.extract_strided_slice %dot_general3A_608 {offsets = [0, 256], sizes = [1000, 128], strides = [1, 1]} : vector<1000x1024xf32> to vector<1000x128xf32>
    %mul3A_623 = arith.mulf %concatenate3A_615, %slice3A_622 : vector<1000x128xf32>
    %add3A_624 = arith.addf %add3A_586, %mul3A_623 : vector<1000x128xf32>
    %slice3A_625 = vector.extract_strided_slice %dot_general3A_608 {offsets = [0, 384], sizes = [1000, 128], strides = [1, 1]} : vector<1000x1024xf32> to vector<1000x128xf32>
    %mul3A_626 = arith.mulf %concatenate3A_615, %slice3A_625 : vector<1000x128xf32>
    %add3A_627 = arith.addf %add3A_589, %mul3A_626 : vector<1000x128xf32>
    %slice3A_628 = vector.extract_strided_slice %dot_general3A_608 {offsets = [0, 512], sizes = [1000, 128], strides = [1, 1]} : vector<1000x1024xf32> to vector<1000x128xf32>
    %mul3A_629 = arith.mulf %concatenate3A_615, %slice3A_628 : vector<1000x128xf32>
    %add3A_630 = arith.addf %add3A_592, %mul3A_629 : vector<1000x128xf32>
    %slice3A_631 = vector.extract_strided_slice %dot_general3A_608 {offsets = [0, 640], sizes = [1000, 128], strides = [1, 1]} : vector<1000x1024xf32> to vector<1000x128xf32>
    %mul3A_632 = arith.mulf %concatenate3A_615, %slice3A_631 : vector<1000x128xf32>
    %add3A_633 = arith.addf %add3A_595, %mul3A_632 : vector<1000x128xf32>
    %slice3A_634 = vector.extract_strided_slice %dot_general3A_608 {offsets = [0, 768], sizes = [1000, 128], strides = [1, 1]} : vector<1000x1024xf32> to vector<1000x128xf32>
    %mul3A_635 = arith.mulf %concatenate3A_615, %slice3A_634 : vector<1000x128xf32>
    %add3A_636 = arith.addf %add3A_598, %mul3A_635 : vector<1000x128xf32>
    %slice3A_637 = vector.extract_strided_slice %dot_general3A_608 {offsets = [0, 896], sizes = [1000, 128], strides = [1, 1]} : vector<1000x1024xf32> to vector<1000x128xf32>
    %mul3A_638 = arith.mulf %concatenate3A_615, %slice3A_637 : vector<1000x128xf32>
    %add3A_639 = arith.addf %add3A_601, %mul3A_638 : vector<1000x128xf32>
    %concatenate3A_640 = tpu.concatenate %add3A_618, %add3A_621, %add3A_624, %add3A_627, %add3A_630, %add3A_633, %add3A_636, %add3A_639 in 1 : vector<1000x128xf32>, vector<1000x128xf32>, vector<1000x128xf32>, vector<1000x128xf32>, vector<1000x128xf32>, vector<1000x128xf32>, vector<1000x128xf32>, vector<1000x128xf32> -> vector<1000x1024xf32>
    %get3A_641 = arith.constant 0 : index
    %get3A_642 = arith.constant 0 : index
    %get3A_643 = vector.load %arg9[%get3A_641, %get3A_642] : memref<1024x64xf32, #tpu.memory_space<vmem>>, vector<1024x64xf32>
    %dot_general3A_644 = arith.constant dense<0.000000e+00> : vector<1000x64xf32>
    %dot_general3A_645 = tpu.matmul %concatenate3A_640, %get3A_643, %dot_general3A_644 {dimension_numbers = #tpu.dot_dimension_numbers<[1], [0], [0], [1], [0, 0, 1, 1], [], []>, transpose_lhs_hint = false} : vector<1000x1024xf32>, vector<1024x64xf32>, vector<1000x64xf32> -> vector<1000x64xf32>
    %mul3A_646 = arith.constant 6.250000e-02 : f32
    %mul3A_647 = vector.broadcast %mul3A_646 : f32 to vector<1000x64xf32>
    %mul3A_648 = arith.mulf %dot_general3A_645, %mul3A_647 : vector<1000x64xf32>
    %get3A_649 = arith.constant 0 : index
    %get3A_650 = arith.constant 0 : index
    %get3A_651 = vector.load %arg10[%get3A_649, %get3A_650] : memref<1x64xf32, #tpu.memory_space<vmem>>, vector<1x64xf32>
    %add3A_652 = vector.broadcast %get3A_651 : vector<1x64xf32> to vector<1000x64xf32>
    %add3A_653 = arith.addf %mul3A_648, %add3A_652 : vector<1000x64xf32>
    %swap3A = arith.constant 0 : index
    %swap3A_654 = arith.constant 0 : index
    %swap3A_655 = vector.load %arg12[%swap3A, %swap3A_654] : memref<1000x64xf32, #tpu.memory_space<vmem>>, vector<1000x64xf32>
    tpu.vector_store %arg12[%swap3A, %swap3A_654], %add3A_653 {strides = array<i32>} : memref<1000x64xf32, #tpu.memory_space<vmem>>, vector<1000x64xf32>,
    return
  }
  func.func @transform_0(%arg0: i32) -> (i32, i32, i32) {
    %c0_i32 = arith.constant 0 : i32
    %c0_i32_0 = arith.constant 0 : i32
    %c0_i32_1 = arith.constant 0 : i32
    return %c0_i32, %arg0, %c0_i32_0 : i32, i32, i32
  }
  func.func @transform_1(%arg0: i32) -> (i32, i32) {
    %c0_i32 = arith.constant 0 : i32
    %c0_i32_0 = arith.constant 0 : i32
    return %arg0, %c0_i32 : i32, i32
  }
  func.func @transform_2(%arg0: i32) -> (i32, i32) {
    %c0_i32 = arith.constant 0 : i32
    %c0_i32_0 = arith.constant 0 : i32
    %c0_i32_1 = arith.constant 0 : i32
    return %c0_i32, %c0_i32_0 : i32, i32
  }
  func.func @transform_3(%arg0: i32) -> (i32, i32) {
    %c0_i32 = arith.constant 0 : i32
    %c0_i32_0 = arith.constant 0 : i32
    %c0_i32_1 = arith.constant 0 : i32
    return %c0_i32, %c0_i32_0 : i32, i32
  }
  func.func @transform_4(%arg0: i32) -> (i32, i32) {
    %c0_i32 = arith.constant 0 : i32
    %c0_i32_0 = arith.constant 0 : i32
    %c0_i32_1 = arith.constant 0 : i32
    return %c0_i32, %c0_i32_0 : i32, i32
  }
  func.func @transform_5(%arg0: i32) -> (i32, i32) {
    %c0_i32 = arith.constant 0 : i32
    %c0_i32_0 = arith.constant 0 : i32
    %c0_i32_1 = arith.constant 0 : i32
    return %c0_i32, %c0_i32_0 : i32, i32
  }
  func.func @transform_6(%arg0: i32) -> (i32, i32) {
    %c0_i32 = arith.constant 0 : i32
    %c0_i32_0 = arith.constant 0 : i32
    %c0_i32_1 = arith.constant 0 : i32
    return %c0_i32, %c0_i32_0 : i32, i32
  }
  func.func @transform_7(%arg0: i32) -> (i32, i32) {
    %c0_i32 = arith.constant 0 : i32
    %c0_i32_0 = arith.constant 0 : i32
    %c0_i32_1 = arith.constant 0 : i32
    return %c0_i32, %c0_i32_0 : i32, i32
  }
  func.func @transform_8(%arg0: i32) -> (i32, i32) {
    %c0_i32 = arith.constant 0 : i32
    %c0_i32_0 = arith.constant 0 : i32
    %c0_i32_1 = arith.constant 0 : i32
    return %c0_i32, %c0_i32_0 : i32, i32
  }
  func.func @transform_9(%arg0: i32) -> (i32, i32) {
    %c0_i32 = arith.constant 0 : i32
    %c0_i32_0 = arith.constant 0 : i32
    %c0_i32_1 = arith.constant 0 : i32
    return %c0_i32, %c0_i32_0 : i32, i32
  }
  func.func @transform_10(%arg0: i32) -> (i32, i32) {
    %c0_i32 = arith.constant 0 : i32
    %c0_i32_0 = arith.constant 0 : i32
    %c0_i32_1 = arith.constant 0 : i32
    return %c0_i32, %c0_i32_0 : i32, i32
  }
  func.func @transform_11(%arg0: i32) -> (i32, i32) {
    %c0_i32 = arith.constant 0 : i32
    %c0_i32_0 = arith.constant 0 : i32
    return %arg0, %c0_i32 : i32, i32
  }
}

module attributes {stable_mosaic.version = 14 : i64} {
  func.func @_tc_body(%arg0: i32, %arg1: memref<16x1000x128xf32, #tpu.memory_space<vmem>>, %arg2: memref<1000x16xf32, #tpu.memory_space<vmem>>, %arg3: memref<16x32xf32, #tpu.memory_space<vmem>>, %arg4: memref<1x32xf32, #tpu.memory_space<vmem>>, %arg5: memref<32x16xf32, #tpu.memory_space<vmem>>, %arg6: memref<1x16xf32, #tpu.memory_space<vmem>>, %arg7: memref<16x16xf32, #tpu.memory_space<vmem>>, %arg8: memref<1x16xf32, #tpu.memory_space<vmem>>, %arg9: memref<1024x64xf32, #tpu.memory_space<vmem>>, %arg10: memref<1x64xf32, #tpu.memory_space<vmem>>, %arg11: memref<16x1024xf32, #tpu.memory_space<vmem>>, %arg12: memref<1000x64xf32, #tpu.memory_space<vmem>>) attributes {dimension_semantics = [#tpu.dimension_semantics<arbitrary>], iteration_bounds = array<i64: 8>, scalar_prefetch = 0 : i64, scratch_operands = 0 : i64, tpu.core_type = #tpu.core_type<tc>, window_params = [{transform_indices = @transform_0, window_bounds = array<i64: 16, 1000, 128>}, {transform_indices = @transform_1, window_bounds = array<i64: 1000, 16>}, {pipeline_mode = #tpu.pipeline_mode<synchronous>, transform_indices = @transform_2, window_bounds = array<i64: 16, 32>}, {pipeline_mode = #tpu.pipeline_mode<synchronous>, transform_indices = @transform_3, window_bounds = array<i64: 1, 32>}, {pipeline_mode = #tpu.pipeline_mode<synchronous>, transform_indices = @transform_4, window_bounds = array<i64: 32, 16>}, {pipeline_mode = #tpu.pipeline_mode<synchronous>, transform_indices = @transform_5, window_bounds = array<i64: 1, 16>}, {pipeline_mode = #tpu.pipeline_mode<synchronous>, transform_indices = @transform_6, window_bounds = array<i64: 16, 16>}, {pipeline_mode = #tpu.pipeline_mode<synchronous>, transform_indices = @transform_7, window_bounds = array<i64: 1, 16>}, {pipeline_mode = #tpu.pipeline_mode<synchronous>, transform_indices = @transform_8, window_bounds = array<i64: 1024, 64>}, {pipeline_mode = #tpu.pipeline_mode<synchronous>, transform_indices = @transform_9, window_bounds = array<i64: 1, 64>}, {pipeline_mode = #tpu.pipeline_mode<synchronous>, transform_indices = @transform_10, window_bounds = array<i64: 16, 1024>}, {transform_indices = @transform_11, window_bounds = array<i64: 1000, 64>}]} {
    %get3A = arith.constant 0 : index
    %get3A_0 = arith.constant 0 : index
    %get3A_1 = vector.load %arg2[%get3A, %get3A_0] : memref<1000x16xf32, #tpu.memory_space<vmem>>, vector<1000x16xf32>
    %get3A_2 = arith.constant 0 : index
    %get3A_3 = arith.constant 0 : index
    %get3A_4 = arith.constant 0 : index
    %get3A_5 = vector.load %arg1[%get3A_2, %get3A_3, %get3A_4] : memref<16x1000x128xf32, #tpu.memory_space<vmem>>, vector<16x1000x128xf32>
    %reshape3A = vector.shape_cast %get3A_5 : vector<16x1000x128xf32> to vector<16000x128xf32>
    %slice3A = vector.extract_strided_slice %reshape3A {offsets = [0, 64], sizes = [16000, 16], strides = [1, 1]} : vector<16000x128xf32> to vector<16000x16xf32>
    %tile3A = tpu.concatenate %get3A_1, %get3A_1, %get3A_1, %get3A_1, %get3A_1, %get3A_1, %get3A_1, %get3A_1, %get3A_1, %get3A_1, %get3A_1, %get3A_1, %get3A_1, %get3A_1, %get3A_1, %get3A_1 in 0 : vector<1000x16xf32>, vector<1000x16xf32>, vector<1000x16xf32>, vector<1000x16xf32>, vector<1000x16xf32>, vector<1000x16xf32>, vector<1000x16xf32>, vector<1000x16xf32>, vector<1000x16xf32>, vector<1000x16xf32>, vector<1000x16xf32>, vector<1000x16xf32>, vector<1000x16xf32>, vector<1000x16xf32>, vector<1000x16xf32>, vector<1000x16xf32> -> vector<16000x16xf32>
    %sub3A = arith.subf %slice3A, %tile3A : vector<16000x16xf32>
    %get3A_6 = arith.constant 0 : index
    %get3A_7 = arith.constant 0 : index
    %get3A_8 = vector.load %arg3[%get3A_6, %get3A_7] : memref<16x32xf32, #tpu.memory_space<vmem>>, vector<16x32xf32>
    %dot_general3A = arith.constant dense<0.000000e+00> : vector<16000x32xf32>
    %dot_general3A_9 = tpu.matmul %sub3A, %get3A_8, %dot_general3A {dimension_numbers = #tpu.dot_dimension_numbers<[1], [0], [0], [1], [0, 0, 1, 1], [], []>, transpose_lhs_hint = false} : vector<16000x16xf32>, vector<16x32xf32>, vector<16000x32xf32> -> vector<16000x32xf32>
    %get3A_10 = arith.constant 0 : index
    %get3A_11 = arith.constant 0 : index
    %get3A_12 = vector.load %arg4[%get3A_10, %get3A_11] : memref<1x32xf32, #tpu.memory_space<vmem>>, vector<1x32xf32>
    %add3A = vector.broadcast %get3A_12 : vector<1x32xf32> to vector<16000x32xf32>
    %add3A_13 = arith.addf %dot_general3A_9, %add3A : vector<16000x32xf32>
    %max3A = arith.constant 0.000000e+00 : f32
    %max3A_14 = vector.broadcast %max3A : f32 to vector<16000x32xf32>
    %max3A_15 = arith.maximumf %add3A_13, %max3A_14 : vector<16000x32xf32>
    %get3A_16 = arith.constant 0 : index
    %get3A_17 = arith.constant 0 : index
    %get3A_18 = vector.load %arg5[%get3A_16, %get3A_17] : memref<32x16xf32, #tpu.memory_space<vmem>>, vector<32x16xf32>
    %dot_general3A_19 = arith.constant dense<0.000000e+00> : vector<16000x16xf32>
    %dot_general3A_20 = tpu.matmul %max3A_15, %get3A_18, %dot_general3A_19 {dimension_numbers = #tpu.dot_dimension_numbers<[1], [0], [0], [1], [0, 0, 1, 1], [], []>, transpose_lhs_hint = false} : vector<16000x32xf32>, vector<32x16xf32>, vector<16000x16xf32> -> vector<16000x16xf32>
    %get3A_21 = arith.constant 0 : index
    %get3A_22 = arith.constant 0 : index
    %get3A_23 = vector.load %arg6[%get3A_21, %get3A_22] : memref<1x16xf32, #tpu.memory_space<vmem>>, vector<1x16xf32>
    %add3A_24 = vector.broadcast %get3A_23 : vector<1x16xf32> to vector<16000x16xf32>
    %add3A_25 = arith.addf %dot_general3A_20, %add3A_24 : vector<16000x16xf32>
    %max3A_26 = arith.constant 0.000000e+00 : f32
    %max3A_27 = vector.broadcast %max3A_26 : f32 to vector<16000x16xf32>
    %max3A_28 = arith.maximumf %add3A_25, %max3A_27 : vector<16000x16xf32>
    %get3A_29 = arith.constant 0 : index
    %get3A_30 = arith.constant 0 : index
    %get3A_31 = vector.load %arg7[%get3A_29, %get3A_30] : memref<16x16xf32, #tpu.memory_space<vmem>>, vector<16x16xf32>
    %dot_general3A_32 = arith.constant dense<0.000000e+00> : vector<16000x16xf32>
    %dot_general3A_33 = tpu.matmul %max3A_28, %get3A_31, %dot_general3A_32 {dimension_numbers = #tpu.dot_dimension_numbers<[1], [0], [0], [1], [0, 0, 1, 1], [], []>, transpose_lhs_hint = false} : vector<16000x16xf32>, vector<16x16xf32>, vector<16000x16xf32> -> vector<16000x16xf32>
    %get3A_34 = arith.constant 0 : index
    %get3A_35 = arith.constant 0 : index
    %get3A_36 = vector.load %arg8[%get3A_34, %get3A_35] : memref<1x16xf32, #tpu.memory_space<vmem>>, vector<1x16xf32>
    %add3A_37 = vector.broadcast %get3A_36 : vector<1x16xf32> to vector<16000x16xf32>
    %add3A_38 = arith.addf %dot_general3A_33, %add3A_37 : vector<16000x16xf32>
    %max3A_39 = arith.constant 0.000000e+00 : f32
    %max3A_40 = vector.broadcast %max3A_39 : f32 to vector<16000x16xf32>
    %max3A_41 = arith.maximumf %add3A_38, %max3A_40 : vector<16000x16xf32>
    %reshape3A_42 = vector.shape_cast %max3A_41 : vector<16000x16xf32> to vector<16x1000x16xf32>
    %slice3A_43 = vector.extract_strided_slice %reshape3A_42 {offsets = [0, 0, 0], sizes = [1, 1000, 16], strides = [1, 1, 1]} : vector<16x1000x16xf32> to vector<1x1000x16xf32>
    %squeeze3A = vector.shape_cast %slice3A_43 : vector<1x1000x16xf32> to vector<1000x16xf32>
    %get3A_44 = arith.constant 0 : index
    %get3A_45 = arith.constant 0 : index
    %get3A_46 = vector.load %arg11[%get3A_44, %get3A_45] : memref<16x1024xf32, #tpu.memory_space<vmem>>, vector<16x1024xf32>
    %dot_general3A_47 = arith.constant dense<0.000000e+00> : vector<1000x1024xf32>
    %dot_general3A_48 = tpu.matmul %squeeze3A, %get3A_46, %dot_general3A_47 {dimension_numbers = #tpu.dot_dimension_numbers<[1], [0], [0], [1], [0, 0, 1, 1], [], []>, transpose_lhs_hint = false} : vector<1000x16xf32>, vector<16x1024xf32>, vector<1000x1024xf32> -> vector<1000x1024xf32>
    %get3A_49 = arith.constant 0 : index
    %get3A_50 = arith.constant 0 : index
    %get3A_51 = arith.constant 0 : index
    %get3A_52 = vector.load %arg1[%get3A_49, %get3A_50, %get3A_51] : memref<16x1000x128xf32, #tpu.memory_space<vmem>>, vector<1x1000x128xf32>
    %get3A_53 = vector.shape_cast %get3A_52 : vector<1x1000x128xf32> to vector<1000x128xf32>
    %slice3A_54 = vector.extract_strided_slice %get3A_53 {offsets = [0, 0], sizes = [1000, 64], strides = [1, 1]} : vector<1000x128xf32> to vector<1000x64xf32>
    %concatenate3A = tpu.concatenate %slice3A_54, %slice3A_54 in 1 : vector<1000x64xf32>, vector<1000x64xf32> -> vector<1000x128xf32>
    %slice3A_55 = vector.extract_strided_slice %dot_general3A_48 {offsets = [0, 0], sizes = [1000, 128], strides = [1, 1]} : vector<1000x1024xf32> to vector<1000x128xf32>
    %mul3A = arith.mulf %concatenate3A, %slice3A_55 : vector<1000x128xf32>
    %slice3A_56 = vector.extract_strided_slice %dot_general3A_48 {offsets = [0, 128], sizes = [1000, 128], strides = [1, 1]} : vector<1000x1024xf32> to vector<1000x128xf32>
    %mul3A_57 = arith.mulf %concatenate3A, %slice3A_56 : vector<1000x128xf32>
    %slice3A_58 = vector.extract_strided_slice %dot_general3A_48 {offsets = [0, 256], sizes = [1000, 128], strides = [1, 1]} : vector<1000x1024xf32> to vector<1000x128xf32>
    %mul3A_59 = arith.mulf %concatenate3A, %slice3A_58 : vector<1000x128xf32>
    %slice3A_60 = vector.extract_strided_slice %dot_general3A_48 {offsets = [0, 384], sizes = [1000, 128], strides = [1, 1]} : vector<1000x1024xf32> to vector<1000x128xf32>
    %mul3A_61 = arith.mulf %concatenate3A, %slice3A_60 : vector<1000x128xf32>
    %slice3A_62 = vector.extract_strided_slice %dot_general3A_48 {offsets = [0, 512], sizes = [1000, 128], strides = [1, 1]} : vector<1000x1024xf32> to vector<1000x128xf32>
    %mul3A_63 = arith.mulf %concatenate3A, %slice3A_62 : vector<1000x128xf32>
    %slice3A_64 = vector.extract_strided_slice %dot_general3A_48 {offsets = [0, 640], sizes = [1000, 128], strides = [1, 1]} : vector<1000x1024xf32> to vector<1000x128xf32>
    %mul3A_65 = arith.mulf %concatenate3A, %slice3A_64 : vector<1000x128xf32>
    %slice3A_66 = vector.extract_strided_slice %dot_general3A_48 {offsets = [0, 768], sizes = [1000, 128], strides = [1, 1]} : vector<1000x1024xf32> to vector<1000x128xf32>
    %mul3A_67 = arith.mulf %concatenate3A, %slice3A_66 : vector<1000x128xf32>
    %slice3A_68 = vector.extract_strided_slice %dot_general3A_48 {offsets = [0, 896], sizes = [1000, 128], strides = [1, 1]} : vector<1000x1024xf32> to vector<1000x128xf32>
    %mul3A_69 = arith.mulf %concatenate3A, %slice3A_68 : vector<1000x128xf32>
    %slice3A_70 = vector.extract_strided_slice %reshape3A_42 {offsets = [1, 0, 0], sizes = [1, 1000, 16], strides = [1, 1, 1]} : vector<16x1000x16xf32> to vector<1x1000x16xf32>
    %squeeze3A_71 = vector.shape_cast %slice3A_70 : vector<1x1000x16xf32> to vector<1000x16xf32>
    %get3A_72 = arith.constant 0 : index
    %get3A_73 = arith.constant 0 : index
    %get3A_74 = vector.load %arg11[%get3A_72, %get3A_73] : memref<16x1024xf32, #tpu.memory_space<vmem>>, vector<16x1024xf32>
    %dot_general3A_75 = arith.constant dense<0.000000e+00> : vector<1000x1024xf32>
    %dot_general3A_76 = tpu.matmul %squeeze3A_71, %get3A_74, %dot_general3A_75 {dimension_numbers = #tpu.dot_dimension_numbers<[1], [0], [0], [1], [0, 0, 1, 1], [], []>, transpose_lhs_hint = false} : vector<1000x16xf32>, vector<16x1024xf32>, vector<1000x1024xf32> -> vector<1000x1024xf32>
    %get3A_77 = arith.constant 1 : index
    %get3A_78 = arith.constant 0 : index
    %get3A_79 = arith.constant 0 : index
    %get3A_80 = vector.load %arg1[%get3A_77, %get3A_78, %get3A_79] : memref<16x1000x128xf32, #tpu.memory_space<vmem>>, vector<1x1000x128xf32>
    %get3A_81 = vector.shape_cast %get3A_80 : vector<1x1000x128xf32> to vector<1000x128xf32>
    %slice3A_82 = vector.extract_strided_slice %get3A_81 {offsets = [0, 0], sizes = [1000, 64], strides = [1, 1]} : vector<1000x128xf32> to vector<1000x64xf32>
    %concatenate3A_83 = tpu.concatenate %slice3A_82, %slice3A_82 in 1 : vector<1000x64xf32>, vector<1000x64xf32> -> vector<1000x128xf32>
    %slice3A_84 = vector.extract_strided_slice %dot_general3A_76 {offsets = [0, 0], sizes = [1000, 128], strides = [1, 1]} : vector<1000x1024xf32> to vector<1000x128xf32>
    %mul3A_85 = arith.mulf %concatenate3A_83, %slice3A_84 : vector<1000x128xf32>
    %add3A_86 = arith.addf %mul3A, %mul3A_85 : vector<1000x128xf32>
    %slice3A_87 = vector.extract_strided_slice %dot_general3A_76 {offsets = [0, 128], sizes = [1000, 128], strides = [1, 1]} : vector<1000x1024xf32> to vector<1000x128xf32>
    %mul3A_88 = arith.mulf %concatenate3A_83, %slice3A_87 : vector<1000x128xf32>
    %add3A_89 = arith.addf %mul3A_57, %mul3A_88 : vector<1000x128xf32>
    %slice3A_90 = vector.extract_strided_slice %dot_general3A_76 {offsets = [0, 256], sizes = [1000, 128], strides = [1, 1]} : vector<1000x1024xf32> to vector<1000x128xf32>
    %mul3A_91 = arith.mulf %concatenate3A_83, %slice3A_90 : vector<1000x128xf32>
    %add3A_92 = arith.addf %mul3A_59, %mul3A_91 : vector<1000x128xf32>
    %slice3A_93 = vector.extract_strided_slice %dot_general3A_76 {offsets = [0, 384], sizes = [1000, 128], strides = [1, 1]} : vector<1000x1024xf32> to vector<1000x128xf32>
    %mul3A_94 = arith.mulf %concatenate3A_83, %slice3A_93 : vector<1000x128xf32>
    %add3A_95 = arith.addf %mul3A_61, %mul3A_94 : vector<1000x128xf32>
    %slice3A_96 = vector.extract_strided_slice %dot_general3A_76 {offsets = [0, 512], sizes = [1000, 128], strides = [1, 1]} : vector<1000x1024xf32> to vector<1000x128xf32>
    %mul3A_97 = arith.mulf %concatenate3A_83, %slice3A_96 : vector<1000x128xf32>
    %add3A_98 = arith.addf %mul3A_63, %mul3A_97 : vector<1000x128xf32>
    %slice3A_99 = vector.extract_strided_slice %dot_general3A_76 {offsets = [0, 640], sizes = [1000, 128], strides = [1, 1]} : vector<1000x1024xf32> to vector<1000x128xf32>
    %mul3A_100 = arith.mulf %concatenate3A_83, %slice3A_99 : vector<1000x128xf32>
    %add3A_101 = arith.addf %mul3A_65, %mul3A_100 : vector<1000x128xf32>
    %slice3A_102 = vector.extract_strided_slice %dot_general3A_76 {offsets = [0, 768], sizes = [1000, 128], strides = [1, 1]} : vector<1000x1024xf32> to vector<1000x128xf32>
    %mul3A_103 = arith.mulf %concatenate3A_83, %slice3A_102 : vector<1000x128xf32>
    %add3A_104 = arith.addf %mul3A_67, %mul3A_103 : vector<1000x128xf32>
    %slice3A_105 = vector.extract_strided_slice %dot_general3A_76 {offsets = [0, 896], sizes = [1000, 128], strides = [1, 1]} : vector<1000x1024xf32> to vector<1000x128xf32>
    %mul3A_106 = arith.mulf %concatenate3A_83, %slice3A_105 : vector<1000x128xf32>
    %add3A_107 = arith.addf %mul3A_69, %mul3A_106 : vector<1000x128xf32>
    %slice3A_108 = vector.extract_strided_slice %reshape3A_42 {offsets = [2, 0, 0], sizes = [1, 1000, 16], strides = [1, 1, 1]} : vector<16x1000x16xf32> to vector<1x1000x16xf32>
    %squeeze3A_109 = vector.shape_cast %slice3A_108 : vector<1x1000x16xf32> to vector<1000x16xf32>
    %get3A_110 = arith.constant 0 : index
    %get3A_111 = arith.constant 0 : index
    %get3A_112 = vector.load %arg11[%get3A_110, %get3A_111] : memref<16x1024xf32, #tpu.memory_space<vmem>>, vector<16x1024xf32>
    %dot_general3A_113 = arith.constant dense<0.000000e+00> : vector<1000x1024xf32>
    %dot_general3A_114 = tpu.matmul %squeeze3A_109, %get3A_112, %dot_general3A_113 {dimension_numbers = #tpu.dot_dimension_numbers<[1], [0], [0], [1], [0, 0, 1, 1], [], []>, transpose_lhs_hint = false} : vector<1000x16xf32>, vector<16x1024xf32>, vector<1000x1024xf32> -> vector<1000x1024xf32>
    %get3A_115 = arith.constant 2 : index
    %get3A_116 = arith.constant 0 : index
    %get3A_117 = arith.constant 0 : index
    %get3A_118 = vector.load %arg1[%get3A_115, %get3A_116, %get3A_117] : memref<16x1000x128xf32, #tpu.memory_space<vmem>>, vector<1x1000x128xf32>
    %get3A_119 = vector.shape_cast %get3A_118 : vector<1x1000x128xf32> to vector<1000x128xf32>
    %slice3A_120 = vector.extract_strided_slice %get3A_119 {offsets = [0, 0], sizes = [1000, 64], strides = [1, 1]} : vector<1000x128xf32> to vector<1000x64xf32>
    %concatenate3A_121 = tpu.concatenate %slice3A_120, %slice3A_120 in 1 : vector<1000x64xf32>, vector<1000x64xf32> -> vector<1000x128xf32>
    %slice3A_122 = vector.extract_strided_slice %dot_general3A_114 {offsets = [0, 0], sizes = [1000, 128], strides = [1, 1]} : vector<1000x1024xf32> to vector<1000x128xf32>
    %mul3A_123 = arith.mulf %concatenate3A_121, %slice3A_122 : vector<1000x128xf32>
    %add3A_124 = arith.addf %add3A_86, %mul3A_123 : vector<1000x128xf32>
    %slice3A_125 = vector.extract_strided_slice %dot_general3A_114 {offsets = [0, 128], sizes = [1000, 128], strides = [1, 1]} : vector<1000x1024xf32> to vector<1000x128xf32>
    %mul3A_126 = arith.mulf %concatenate3A_121, %slice3A_125 : vector<1000x128xf32>
    %add3A_127 = arith.addf %add3A_89, %mul3A_126 : vector<1000x128xf32>
    %slice3A_128 = vector.extract_strided_slice %dot_general3A_114 {offsets = [0, 256], sizes = [1000, 128], strides = [1, 1]} : vector<1000x1024xf32> to vector<1000x128xf32>
    %mul3A_129 = arith.mulf %concatenate3A_121, %slice3A_128 : vector<1000x128xf32>
    %add3A_130 = arith.addf %add3A_92, %mul3A_129 : vector<1000x128xf32>
    %slice3A_131 = vector.extract_strided_slice %dot_general3A_114 {offsets = [0, 384], sizes = [1000, 128], strides = [1, 1]} : vector<1000x1024xf32> to vector<1000x128xf32>
    %mul3A_132 = arith.mulf %concatenate3A_121, %slice3A_131 : vector<1000x128xf32>
    %add3A_133 = arith.addf %add3A_95, %mul3A_132 : vector<1000x128xf32>
    %slice3A_134 = vector.extract_strided_slice %dot_general3A_114 {offsets = [0, 512], sizes = [1000, 128], strides = [1, 1]} : vector<1000x1024xf32> to vector<1000x128xf32>
    %mul3A_135 = arith.mulf %concatenate3A_121, %slice3A_134 : vector<1000x128xf32>
    %add3A_136 = arith.addf %add3A_98, %mul3A_135 : vector<1000x128xf32>
    %slice3A_137 = vector.extract_strided_slice %dot_general3A_114 {offsets = [0, 640], sizes = [1000, 128], strides = [1, 1]} : vector<1000x1024xf32> to vector<1000x128xf32>
    %mul3A_138 = arith.mulf %concatenate3A_121, %slice3A_137 : vector<1000x128xf32>
    %add3A_139 = arith.addf %add3A_101, %mul3A_138 : vector<1000x128xf32>
    %slice3A_140 = vector.extract_strided_slice %dot_general3A_114 {offsets = [0, 768], sizes = [1000, 128], strides = [1, 1]} : vector<1000x1024xf32> to vector<1000x128xf32>
    %mul3A_141 = arith.mulf %concatenate3A_121, %slice3A_140 : vector<1000x128xf32>
    %add3A_142 = arith.addf %add3A_104, %mul3A_141 : vector<1000x128xf32>
    %slice3A_143 = vector.extract_strided_slice %dot_general3A_114 {offsets = [0, 896], sizes = [1000, 128], strides = [1, 1]} : vector<1000x1024xf32> to vector<1000x128xf32>
    %mul3A_144 = arith.mulf %concatenate3A_121, %slice3A_143 : vector<1000x128xf32>
    %add3A_145 = arith.addf %add3A_107, %mul3A_144 : vector<1000x128xf32>
    %slice3A_146 = vector.extract_strided_slice %reshape3A_42 {offsets = [3, 0, 0], sizes = [1, 1000, 16], strides = [1, 1, 1]} : vector<16x1000x16xf32> to vector<1x1000x16xf32>
    %squeeze3A_147 = vector.shape_cast %slice3A_146 : vector<1x1000x16xf32> to vector<1000x16xf32>
    %get3A_148 = arith.constant 0 : index
    %get3A_149 = arith.constant 0 : index
    %get3A_150 = vector.load %arg11[%get3A_148, %get3A_149] : memref<16x1024xf32, #tpu.memory_space<vmem>>, vector<16x1024xf32>
    %dot_general3A_151 = arith.constant dense<0.000000e+00> : vector<1000x1024xf32>
    %dot_general3A_152 = tpu.matmul %squeeze3A_147, %get3A_150, %dot_general3A_151 {dimension_numbers = #tpu.dot_dimension_numbers<[1], [0], [0], [1], [0, 0, 1, 1], [], []>, transpose_lhs_hint = false} : vector<1000x16xf32>, vector<16x1024xf32>, vector<1000x1024xf32> -> vector<1000x1024xf32>
    %get3A_153 = arith.constant 3 : index
    %get3A_154 = arith.constant 0 : index
    %get3A_155 = arith.constant 0 : index
    %get3A_156 = vector.load %arg1[%get3A_153, %get3A_154, %get3A_155] : memref<16x1000x128xf32, #tpu.memory_space<vmem>>, vector<1x1000x128xf32>
    %get3A_157 = vector.shape_cast %get3A_156 : vector<1x1000x128xf32> to vector<1000x128xf32>
    %slice3A_158 = vector.extract_strided_slice %get3A_157 {offsets = [0, 0], sizes = [1000, 64], strides = [1, 1]} : vector<1000x128xf32> to vector<1000x64xf32>
    %concatenate3A_159 = tpu.concatenate %slice3A_158, %slice3A_158 in 1 : vector<1000x64xf32>, vector<1000x64xf32> -> vector<1000x128xf32>
    %slice3A_160 = vector.extract_strided_slice %dot_general3A_152 {offsets = [0, 0], sizes = [1000, 128], strides = [1, 1]} : vector<1000x1024xf32> to vector<1000x128xf32>
    %mul3A_161 = arith.mulf %concatenate3A_159, %slice3A_160 : vector<1000x128xf32>
    %add3A_162 = arith.addf %add3A_124, %mul3A_161 : vector<1000x128xf32>
    %slice3A_163 = vector.extract_strided_slice %dot_general3A_152 {offsets = [0, 128], sizes = [1000, 128], strides = [1, 1]} : vector<1000x1024xf32> to vector<1000x128xf32>
    %mul3A_164 = arith.mulf %concatenate3A_159, %slice3A_163 : vector<1000x128xf32>
    %add3A_165 = arith.addf %add3A_127, %mul3A_164 : vector<1000x128xf32>
    %slice3A_166 = vector.extract_strided_slice %dot_general3A_152 {offsets = [0, 256], sizes = [1000, 128], strides = [1, 1]} : vector<1000x1024xf32> to vector<1000x128xf32>
    %mul3A_167 = arith.mulf %concatenate3A_159, %slice3A_166 : vector<1000x128xf32>
    %add3A_168 = arith.addf %add3A_130, %mul3A_167 : vector<1000x128xf32>
    %slice3A_169 = vector.extract_strided_slice %dot_general3A_152 {offsets = [0, 384], sizes = [1000, 128], strides = [1, 1]} : vector<1000x1024xf32> to vector<1000x128xf32>
    %mul3A_170 = arith.mulf %concatenate3A_159, %slice3A_169 : vector<1000x128xf32>
    %add3A_171 = arith.addf %add3A_133, %mul3A_170 : vector<1000x128xf32>
    %slice3A_172 = vector.extract_strided_slice %dot_general3A_152 {offsets = [0, 512], sizes = [1000, 128], strides = [1, 1]} : vector<1000x1024xf32> to vector<1000x128xf32>
    %mul3A_173 = arith.mulf %concatenate3A_159, %slice3A_172 : vector<1000x128xf32>
    %add3A_174 = arith.addf %add3A_136, %mul3A_173 : vector<1000x128xf32>
    %slice3A_175 = vector.extract_strided_slice %dot_general3A_152 {offsets = [0, 640], sizes = [1000, 128], strides = [1, 1]} : vector<1000x1024xf32> to vector<1000x128xf32>
    %mul3A_176 = arith.mulf %concatenate3A_159, %slice3A_175 : vector<1000x128xf32>
    %add3A_177 = arith.addf %add3A_139, %mul3A_176 : vector<1000x128xf32>
    %slice3A_178 = vector.extract_strided_slice %dot_general3A_152 {offsets = [0, 768], sizes = [1000, 128], strides = [1, 1]} : vector<1000x1024xf32> to vector<1000x128xf32>
    %mul3A_179 = arith.mulf %concatenate3A_159, %slice3A_178 : vector<1000x128xf32>
    %add3A_180 = arith.addf %add3A_142, %mul3A_179 : vector<1000x128xf32>
    %slice3A_181 = vector.extract_strided_slice %dot_general3A_152 {offsets = [0, 896], sizes = [1000, 128], strides = [1, 1]} : vector<1000x1024xf32> to vector<1000x128xf32>
    %mul3A_182 = arith.mulf %concatenate3A_159, %slice3A_181 : vector<1000x128xf32>
    %add3A_183 = arith.addf %add3A_145, %mul3A_182 : vector<1000x128xf32>
    %slice3A_184 = vector.extract_strided_slice %reshape3A_42 {offsets = [4, 0, 0], sizes = [1, 1000, 16], strides = [1, 1, 1]} : vector<16x1000x16xf32> to vector<1x1000x16xf32>
    %squeeze3A_185 = vector.shape_cast %slice3A_184 : vector<1x1000x16xf32> to vector<1000x16xf32>
    %get3A_186 = arith.constant 0 : index
    %get3A_187 = arith.constant 0 : index
    %get3A_188 = vector.load %arg11[%get3A_186, %get3A_187] : memref<16x1024xf32, #tpu.memory_space<vmem>>, vector<16x1024xf32>
    %dot_general3A_189 = arith.constant dense<0.000000e+00> : vector<1000x1024xf32>
    %dot_general3A_190 = tpu.matmul %squeeze3A_185, %get3A_188, %dot_general3A_189 {dimension_numbers = #tpu.dot_dimension_numbers<[1], [0], [0], [1], [0, 0, 1, 1], [], []>, transpose_lhs_hint = false} : vector<1000x16xf32>, vector<16x1024xf32>, vector<1000x1024xf32> -> vector<1000x1024xf32>
    %get3A_191 = arith.constant 4 : index
    %get3A_192 = arith.constant 0 : index
    %get3A_193 = arith.constant 0 : index
    %get3A_194 = vector.load %arg1[%get3A_191, %get3A_192, %get3A_193] : memref<16x1000x128xf32, #tpu.memory_space<vmem>>, vector<1x1000x128xf32>
    %get3A_195 = vector.shape_cast %get3A_194 : vector<1x1000x128xf32> to vector<1000x128xf32>
    %slice3A_196 = vector.extract_strided_slice %get3A_195 {offsets = [0, 0], sizes = [1000, 64], strides = [1, 1]} : vector<1000x128xf32> to vector<1000x64xf32>
    %concatenate3A_197 = tpu.concatenate %slice3A_196, %slice3A_196 in 1 : vector<1000x64xf32>, vector<1000x64xf32> -> vector<1000x128xf32>
    %slice3A_198 = vector.extract_strided_slice %dot_general3A_190 {offsets = [0, 0], sizes = [1000, 128], strides = [1, 1]} : vector<1000x1024xf32> to vector<1000x128xf32>
    %mul3A_199 = arith.mulf %concatenate3A_197, %slice3A_198 : vector<1000x128xf32>
    %add3A_200 = arith.addf %add3A_162, %mul3A_199 : vector<1000x128xf32>
    %slice3A_201 = vector.extract_strided_slice %dot_general3A_190 {offsets = [0, 128], sizes = [1000, 128], strides = [1, 1]} : vector<1000x1024xf32> to vector<1000x128xf32>
    %mul3A_202 = arith.mulf %concatenate3A_197, %slice3A_201 : vector<1000x128xf32>
    %add3A_203 = arith.addf %add3A_165, %mul3A_202 : vector<1000x128xf32>
    %slice3A_204 = vector.extract_strided_slice %dot_general3A_190 {offsets = [0, 256], sizes = [1000, 128], strides = [1, 1]} : vector<1000x1024xf32> to vector<1000x128xf32>
    %mul3A_205 = arith.mulf %concatenate3A_197, %slice3A_204 : vector<1000x128xf32>
    %add3A_206 = arith.addf %add3A_168, %mul3A_205 : vector<1000x128xf32>
    %slice3A_207 = vector.extract_strided_slice %dot_general3A_190 {offsets = [0, 384], sizes = [1000, 128], strides = [1, 1]} : vector<1000x1024xf32> to vector<1000x128xf32>
    %mul3A_208 = arith.mulf %concatenate3A_197, %slice3A_207 : vector<1000x128xf32>
    %add3A_209 = arith.addf %add3A_171, %mul3A_208 : vector<1000x128xf32>
    %slice3A_210 = vector.extract_strided_slice %dot_general3A_190 {offsets = [0, 512], sizes = [1000, 128], strides = [1, 1]} : vector<1000x1024xf32> to vector<1000x128xf32>
    %mul3A_211 = arith.mulf %concatenate3A_197, %slice3A_210 : vector<1000x128xf32>
    %add3A_212 = arith.addf %add3A_174, %mul3A_211 : vector<1000x128xf32>
    %slice3A_213 = vector.extract_strided_slice %dot_general3A_190 {offsets = [0, 640], sizes = [1000, 128], strides = [1, 1]} : vector<1000x1024xf32> to vector<1000x128xf32>
    %mul3A_214 = arith.mulf %concatenate3A_197, %slice3A_213 : vector<1000x128xf32>
    %add3A_215 = arith.addf %add3A_177, %mul3A_214 : vector<1000x128xf32>
    %slice3A_216 = vector.extract_strided_slice %dot_general3A_190 {offsets = [0, 768], sizes = [1000, 128], strides = [1, 1]} : vector<1000x1024xf32> to vector<1000x128xf32>
    %mul3A_217 = arith.mulf %concatenate3A_197, %slice3A_216 : vector<1000x128xf32>
    %add3A_218 = arith.addf %add3A_180, %mul3A_217 : vector<1000x128xf32>
    %slice3A_219 = vector.extract_strided_slice %dot_general3A_190 {offsets = [0, 896], sizes = [1000, 128], strides = [1, 1]} : vector<1000x1024xf32> to vector<1000x128xf32>
    %mul3A_220 = arith.mulf %concatenate3A_197, %slice3A_219 : vector<1000x128xf32>
    %add3A_221 = arith.addf %add3A_183, %mul3A_220 : vector<1000x128xf32>
    %slice3A_222 = vector.extract_strided_slice %reshape3A_42 {offsets = [5, 0, 0], sizes = [1, 1000, 16], strides = [1, 1, 1]} : vector<16x1000x16xf32> to vector<1x1000x16xf32>
    %squeeze3A_223 = vector.shape_cast %slice3A_222 : vector<1x1000x16xf32> to vector<1000x16xf32>
    %get3A_224 = arith.constant 0 : index
    %get3A_225 = arith.constant 0 : index
    %get3A_226 = vector.load %arg11[%get3A_224, %get3A_225] : memref<16x1024xf32, #tpu.memory_space<vmem>>, vector<16x1024xf32>
    %dot_general3A_227 = arith.constant dense<0.000000e+00> : vector<1000x1024xf32>
    %dot_general3A_228 = tpu.matmul %squeeze3A_223, %get3A_226, %dot_general3A_227 {dimension_numbers = #tpu.dot_dimension_numbers<[1], [0], [0], [1], [0, 0, 1, 1], [], []>, transpose_lhs_hint = false} : vector<1000x16xf32>, vector<16x1024xf32>, vector<1000x1024xf32> -> vector<1000x1024xf32>
    %get3A_229 = arith.constant 5 : index
    %get3A_230 = arith.constant 0 : index
    %get3A_231 = arith.constant 0 : index
    %get3A_232 = vector.load %arg1[%get3A_229, %get3A_230, %get3A_231] : memref<16x1000x128xf32, #tpu.memory_space<vmem>>, vector<1x1000x128xf32>
    %get3A_233 = vector.shape_cast %get3A_232 : vector<1x1000x128xf32> to vector<1000x128xf32>
    %slice3A_234 = vector.extract_strided_slice %get3A_233 {offsets = [0, 0], sizes = [1000, 64], strides = [1, 1]} : vector<1000x128xf32> to vector<1000x64xf32>
    %concatenate3A_235 = tpu.concatenate %slice3A_234, %slice3A_234 in 1 : vector<1000x64xf32>, vector<1000x64xf32> -> vector<1000x128xf32>
    %slice3A_236 = vector.extract_strided_slice %dot_general3A_228 {offsets = [0, 0], sizes = [1000, 128], strides = [1, 1]} : vector<1000x1024xf32> to vector<1000x128xf32>
    %mul3A_237 = arith.mulf %concatenate3A_235, %slice3A_236 : vector<1000x128xf32>
    %add3A_238 = arith.addf %add3A_200, %mul3A_237 : vector<1000x128xf32>
    %slice3A_239 = vector.extract_strided_slice %dot_general3A_228 {offsets = [0, 128], sizes = [1000, 128], strides = [1, 1]} : vector<1000x1024xf32> to vector<1000x128xf32>
    %mul3A_240 = arith.mulf %concatenate3A_235, %slice3A_239 : vector<1000x128xf32>
    %add3A_241 = arith.addf %add3A_203, %mul3A_240 : vector<1000x128xf32>
    %slice3A_242 = vector.extract_strided_slice %dot_general3A_228 {offsets = [0, 256], sizes = [1000, 128], strides = [1, 1]} : vector<1000x1024xf32> to vector<1000x128xf32>
    %mul3A_243 = arith.mulf %concatenate3A_235, %slice3A_242 : vector<1000x128xf32>
    %add3A_244 = arith.addf %add3A_206, %mul3A_243 : vector<1000x128xf32>
    %slice3A_245 = vector.extract_strided_slice %dot_general3A_228 {offsets = [0, 384], sizes = [1000, 128], strides = [1, 1]} : vector<1000x1024xf32> to vector<1000x128xf32>
    %mul3A_246 = arith.mulf %concatenate3A_235, %slice3A_245 : vector<1000x128xf32>
    %add3A_247 = arith.addf %add3A_209, %mul3A_246 : vector<1000x128xf32>
    %slice3A_248 = vector.extract_strided_slice %dot_general3A_228 {offsets = [0, 512], sizes = [1000, 128], strides = [1, 1]} : vector<1000x1024xf32> to vector<1000x128xf32>
    %mul3A_249 = arith.mulf %concatenate3A_235, %slice3A_248 : vector<1000x128xf32>
    %add3A_250 = arith.addf %add3A_212, %mul3A_249 : vector<1000x128xf32>
    %slice3A_251 = vector.extract_strided_slice %dot_general3A_228 {offsets = [0, 640], sizes = [1000, 128], strides = [1, 1]} : vector<1000x1024xf32> to vector<1000x128xf32>
    %mul3A_252 = arith.mulf %concatenate3A_235, %slice3A_251 : vector<1000x128xf32>
    %add3A_253 = arith.addf %add3A_215, %mul3A_252 : vector<1000x128xf32>
    %slice3A_254 = vector.extract_strided_slice %dot_general3A_228 {offsets = [0, 768], sizes = [1000, 128], strides = [1, 1]} : vector<1000x1024xf32> to vector<1000x128xf32>
    %mul3A_255 = arith.mulf %concatenate3A_235, %slice3A_254 : vector<1000x128xf32>
    %add3A_256 = arith.addf %add3A_218, %mul3A_255 : vector<1000x128xf32>
    %slice3A_257 = vector.extract_strided_slice %dot_general3A_228 {offsets = [0, 896], sizes = [1000, 128], strides = [1, 1]} : vector<1000x1024xf32> to vector<1000x128xf32>
    %mul3A_258 = arith.mulf %concatenate3A_235, %slice3A_257 : vector<1000x128xf32>
    %add3A_259 = arith.addf %add3A_221, %mul3A_258 : vector<1000x128xf32>
    %slice3A_260 = vector.extract_strided_slice %reshape3A_42 {offsets = [6, 0, 0], sizes = [1, 1000, 16], strides = [1, 1, 1]} : vector<16x1000x16xf32> to vector<1x1000x16xf32>
    %squeeze3A_261 = vector.shape_cast %slice3A_260 : vector<1x1000x16xf32> to vector<1000x16xf32>
    %get3A_262 = arith.constant 0 : index
    %get3A_263 = arith.constant 0 : index
    %get3A_264 = vector.load %arg11[%get3A_262, %get3A_263] : memref<16x1024xf32, #tpu.memory_space<vmem>>, vector<16x1024xf32>
    %dot_general3A_265 = arith.constant dense<0.000000e+00> : vector<1000x1024xf32>
    %dot_general3A_266 = tpu.matmul %squeeze3A_261, %get3A_264, %dot_general3A_265 {dimension_numbers = #tpu.dot_dimension_numbers<[1], [0], [0], [1], [0, 0, 1, 1], [], []>, transpose_lhs_hint = false} : vector<1000x16xf32>, vector<16x1024xf32>, vector<1000x1024xf32> -> vector<1000x1024xf32>
    %get3A_267 = arith.constant 6 : index
    %get3A_268 = arith.constant 0 : index
    %get3A_269 = arith.constant 0 : index
    %get3A_270 = vector.load %arg1[%get3A_267, %get3A_268, %get3A_269] : memref<16x1000x128xf32, #tpu.memory_space<vmem>>, vector<1x1000x128xf32>
    %get3A_271 = vector.shape_cast %get3A_270 : vector<1x1000x128xf32> to vector<1000x128xf32>
    %slice3A_272 = vector.extract_strided_slice %get3A_271 {offsets = [0, 0], sizes = [1000, 64], strides = [1, 1]} : vector<1000x128xf32> to vector<1000x64xf32>
    %concatenate3A_273 = tpu.concatenate %slice3A_272, %slice3A_272 in 1 : vector<1000x64xf32>, vector<1000x64xf32> -> vector<1000x128xf32>
    %slice3A_274 = vector.extract_strided_slice %dot_general3A_266 {offsets = [0, 0], sizes = [1000, 128], strides = [1, 1]} : vector<1000x1024xf32> to vector<1000x128xf32>
    %mul3A_275 = arith.mulf %concatenate3A_273, %slice3A_274 : vector<1000x128xf32>
    %add3A_276 = arith.addf %add3A_238, %mul3A_275 : vector<1000x128xf32>
    %slice3A_277 = vector.extract_strided_slice %dot_general3A_266 {offsets = [0, 128], sizes = [1000, 128], strides = [1, 1]} : vector<1000x1024xf32> to vector<1000x128xf32>
    %mul3A_278 = arith.mulf %concatenate3A_273, %slice3A_277 : vector<1000x128xf32>
    %add3A_279 = arith.addf %add3A_241, %mul3A_278 : vector<1000x128xf32>
    %slice3A_280 = vector.extract_strided_slice %dot_general3A_266 {offsets = [0, 256], sizes = [1000, 128], strides = [1, 1]} : vector<1000x1024xf32> to vector<1000x128xf32>
    %mul3A_281 = arith.mulf %concatenate3A_273, %slice3A_280 : vector<1000x128xf32>
    %add3A_282 = arith.addf %add3A_244, %mul3A_281 : vector<1000x128xf32>
    %slice3A_283 = vector.extract_strided_slice %dot_general3A_266 {offsets = [0, 384], sizes = [1000, 128], strides = [1, 1]} : vector<1000x1024xf32> to vector<1000x128xf32>
    %mul3A_284 = arith.mulf %concatenate3A_273, %slice3A_283 : vector<1000x128xf32>
    %add3A_285 = arith.addf %add3A_247, %mul3A_284 : vector<1000x128xf32>
    %slice3A_286 = vector.extract_strided_slice %dot_general3A_266 {offsets = [0, 512], sizes = [1000, 128], strides = [1, 1]} : vector<1000x1024xf32> to vector<1000x128xf32>
    %mul3A_287 = arith.mulf %concatenate3A_273, %slice3A_286 : vector<1000x128xf32>
    %add3A_288 = arith.addf %add3A_250, %mul3A_287 : vector<1000x128xf32>
    %slice3A_289 = vector.extract_strided_slice %dot_general3A_266 {offsets = [0, 640], sizes = [1000, 128], strides = [1, 1]} : vector<1000x1024xf32> to vector<1000x128xf32>
    %mul3A_290 = arith.mulf %concatenate3A_273, %slice3A_289 : vector<1000x128xf32>
    %add3A_291 = arith.addf %add3A_253, %mul3A_290 : vector<1000x128xf32>
    %slice3A_292 = vector.extract_strided_slice %dot_general3A_266 {offsets = [0, 768], sizes = [1000, 128], strides = [1, 1]} : vector<1000x1024xf32> to vector<1000x128xf32>
    %mul3A_293 = arith.mulf %concatenate3A_273, %slice3A_292 : vector<1000x128xf32>
    %add3A_294 = arith.addf %add3A_256, %mul3A_293 : vector<1000x128xf32>
    %slice3A_295 = vector.extract_strided_slice %dot_general3A_266 {offsets = [0, 896], sizes = [1000, 128], strides = [1, 1]} : vector<1000x1024xf32> to vector<1000x128xf32>
    %mul3A_296 = arith.mulf %concatenate3A_273, %slice3A_295 : vector<1000x128xf32>
    %add3A_297 = arith.addf %add3A_259, %mul3A_296 : vector<1000x128xf32>
    %slice3A_298 = vector.extract_strided_slice %reshape3A_42 {offsets = [7, 0, 0], sizes = [1, 1000, 16], strides = [1, 1, 1]} : vector<16x1000x16xf32> to vector<1x1000x16xf32>
    %squeeze3A_299 = vector.shape_cast %slice3A_298 : vector<1x1000x16xf32> to vector<1000x16xf32>
    %get3A_300 = arith.constant 0 : index
    %get3A_301 = arith.constant 0 : index
    %get3A_302 = vector.load %arg11[%get3A_300, %get3A_301] : memref<16x1024xf32, #tpu.memory_space<vmem>>, vector<16x1024xf32>
    %dot_general3A_303 = arith.constant dense<0.000000e+00> : vector<1000x1024xf32>
    %dot_general3A_304 = tpu.matmul %squeeze3A_299, %get3A_302, %dot_general3A_303 {dimension_numbers = #tpu.dot_dimension_numbers<[1], [0], [0], [1], [0, 0, 1, 1], [], []>, transpose_lhs_hint = false} : vector<1000x16xf32>, vector<16x1024xf32>, vector<1000x1024xf32> -> vector<1000x1024xf32>
    %get3A_305 = arith.constant 7 : index
    %get3A_306 = arith.constant 0 : index
    %get3A_307 = arith.constant 0 : index
    %get3A_308 = vector.load %arg1[%get3A_305, %get3A_306, %get3A_307] : memref<16x1000x128xf32, #tpu.memory_space<vmem>>, vector<1x1000x128xf32>
    %get3A_309 = vector.shape_cast %get3A_308 : vector<1x1000x128xf32> to vector<1000x128xf32>
    %slice3A_310 = vector.extract_strided_slice %get3A_309 {offsets = [0, 0], sizes = [1000, 64], strides = [1, 1]} : vector<1000x128xf32> to vector<1000x64xf32>
    %concatenate3A_311 = tpu.concatenate %slice3A_310, %slice3A_310 in 1 : vector<1000x64xf32>, vector<1000x64xf32> -> vector<1000x128xf32>
    %slice3A_312 = vector.extract_strided_slice %dot_general3A_304 {offsets = [0, 0], sizes = [1000, 128], strides = [1, 1]} : vector<1000x1024xf32> to vector<1000x128xf32>
    %mul3A_313 = arith.mulf %concatenate3A_311, %slice3A_312 : vector<1000x128xf32>
    %add3A_314 = arith.addf %add3A_276, %mul3A_313 : vector<1000x128xf32>
    %slice3A_315 = vector.extract_strided_slice %dot_general3A_304 {offsets = [0, 128], sizes = [1000, 128], strides = [1, 1]} : vector<1000x1024xf32> to vector<1000x128xf32>
    %mul3A_316 = arith.mulf %concatenate3A_311, %slice3A_315 : vector<1000x128xf32>
    %add3A_317 = arith.addf %add3A_279, %mul3A_316 : vector<1000x128xf32>
    %slice3A_318 = vector.extract_strided_slice %dot_general3A_304 {offsets = [0, 256], sizes = [1000, 128], strides = [1, 1]} : vector<1000x1024xf32> to vector<1000x128xf32>
    %mul3A_319 = arith.mulf %concatenate3A_311, %slice3A_318 : vector<1000x128xf32>
    %add3A_320 = arith.addf %add3A_282, %mul3A_319 : vector<1000x128xf32>
    %slice3A_321 = vector.extract_strided_slice %dot_general3A_304 {offsets = [0, 384], sizes = [1000, 128], strides = [1, 1]} : vector<1000x1024xf32> to vector<1000x128xf32>
    %mul3A_322 = arith.mulf %concatenate3A_311, %slice3A_321 : vector<1000x128xf32>
    %add3A_323 = arith.addf %add3A_285, %mul3A_322 : vector<1000x128xf32>
    %slice3A_324 = vector.extract_strided_slice %dot_general3A_304 {offsets = [0, 512], sizes = [1000, 128], strides = [1, 1]} : vector<1000x1024xf32> to vector<1000x128xf32>
    %mul3A_325 = arith.mulf %concatenate3A_311, %slice3A_324 : vector<1000x128xf32>
    %add3A_326 = arith.addf %add3A_288, %mul3A_325 : vector<1000x128xf32>
    %slice3A_327 = vector.extract_strided_slice %dot_general3A_304 {offsets = [0, 640], sizes = [1000, 128], strides = [1, 1]} : vector<1000x1024xf32> to vector<1000x128xf32>
    %mul3A_328 = arith.mulf %concatenate3A_311, %slice3A_327 : vector<1000x128xf32>
    %add3A_329 = arith.addf %add3A_291, %mul3A_328 : vector<1000x128xf32>
    %slice3A_330 = vector.extract_strided_slice %dot_general3A_304 {offsets = [0, 768], sizes = [1000, 128], strides = [1, 1]} : vector<1000x1024xf32> to vector<1000x128xf32>
    %mul3A_331 = arith.mulf %concatenate3A_311, %slice3A_330 : vector<1000x128xf32>
    %add3A_332 = arith.addf %add3A_294, %mul3A_331 : vector<1000x128xf32>
    %slice3A_333 = vector.extract_strided_slice %dot_general3A_304 {offsets = [0, 896], sizes = [1000, 128], strides = [1, 1]} : vector<1000x1024xf32> to vector<1000x128xf32>
    %mul3A_334 = arith.mulf %concatenate3A_311, %slice3A_333 : vector<1000x128xf32>
    %add3A_335 = arith.addf %add3A_297, %mul3A_334 : vector<1000x128xf32>
    %slice3A_336 = vector.extract_strided_slice %reshape3A_42 {offsets = [8, 0, 0], sizes = [1, 1000, 16], strides = [1, 1, 1]} : vector<16x1000x16xf32> to vector<1x1000x16xf32>
    %squeeze3A_337 = vector.shape_cast %slice3A_336 : vector<1x1000x16xf32> to vector<1000x16xf32>
    %get3A_338 = arith.constant 0 : index
    %get3A_339 = arith.constant 0 : index
    %get3A_340 = vector.load %arg11[%get3A_338, %get3A_339] : memref<16x1024xf32, #tpu.memory_space<vmem>>, vector<16x1024xf32>
    %dot_general3A_341 = arith.constant dense<0.000000e+00> : vector<1000x1024xf32>
    %dot_general3A_342 = tpu.matmul %squeeze3A_337, %get3A_340, %dot_general3A_341 {dimension_numbers = #tpu.dot_dimension_numbers<[1], [0], [0], [1], [0, 0, 1, 1], [], []>, transpose_lhs_hint = false} : vector<1000x16xf32>, vector<16x1024xf32>, vector<1000x1024xf32> -> vector<1000x1024xf32>
    %get3A_343 = arith.constant 8 : index
    %get3A_344 = arith.constant 0 : index
    %get3A_345 = arith.constant 0 : index
    %get3A_346 = vector.load %arg1[%get3A_343, %get3A_344, %get3A_345] : memref<16x1000x128xf32, #tpu.memory_space<vmem>>, vector<1x1000x128xf32>
    %get3A_347 = vector.shape_cast %get3A_346 : vector<1x1000x128xf32> to vector<1000x128xf32>
    %slice3A_348 = vector.extract_strided_slice %get3A_347 {offsets = [0, 0], sizes = [1000, 64], strides = [1, 1]} : vector<1000x128xf32> to vector<1000x64xf32>
    %concatenate3A_349 = tpu.concatenate %slice3A_348, %slice3A_348 in 1 : vector<1000x64xf32>, vector<1000x64xf32> -> vector<1000x128xf32>
    %slice3A_350 = vector.extract_strided_slice %dot_general3A_342 {offsets = [0, 0], sizes = [1000, 128], strides = [1, 1]} : vector<1000x1024xf32> to vector<1000x128xf32>
    %mul3A_351 = arith.mulf %concatenate3A_349, %slice3A_350 : vector<1000x128xf32>
    %add3A_352 = arith.addf %add3A_314, %mul3A_351 : vector<1000x128xf32>
    %slice3A_353 = vector.extract_strided_slice %dot_general3A_342 {offsets = [0, 128], sizes = [1000, 128], strides = [1, 1]} : vector<1000x1024xf32> to vector<1000x128xf32>
    %mul3A_354 = arith.mulf %concatenate3A_349, %slice3A_353 : vector<1000x128xf32>
    %add3A_355 = arith.addf %add3A_317, %mul3A_354 : vector<1000x128xf32>
    %slice3A_356 = vector.extract_strided_slice %dot_general3A_342 {offsets = [0, 256], sizes = [1000, 128], strides = [1, 1]} : vector<1000x1024xf32> to vector<1000x128xf32>
    %mul3A_357 = arith.mulf %concatenate3A_349, %slice3A_356 : vector<1000x128xf32>
    %add3A_358 = arith.addf %add3A_320, %mul3A_357 : vector<1000x128xf32>
    %slice3A_359 = vector.extract_strided_slice %dot_general3A_342 {offsets = [0, 384], sizes = [1000, 128], strides = [1, 1]} : vector<1000x1024xf32> to vector<1000x128xf32>
    %mul3A_360 = arith.mulf %concatenate3A_349, %slice3A_359 : vector<1000x128xf32>
    %add3A_361 = arith.addf %add3A_323, %mul3A_360 : vector<1000x128xf32>
    %slice3A_362 = vector.extract_strided_slice %dot_general3A_342 {offsets = [0, 512], sizes = [1000, 128], strides = [1, 1]} : vector<1000x1024xf32> to vector<1000x128xf32>
    %mul3A_363 = arith.mulf %concatenate3A_349, %slice3A_362 : vector<1000x128xf32>
    %add3A_364 = arith.addf %add3A_326, %mul3A_363 : vector<1000x128xf32>
    %slice3A_365 = vector.extract_strided_slice %dot_general3A_342 {offsets = [0, 640], sizes = [1000, 128], strides = [1, 1]} : vector<1000x1024xf32> to vector<1000x128xf32>
    %mul3A_366 = arith.mulf %concatenate3A_349, %slice3A_365 : vector<1000x128xf32>
    %add3A_367 = arith.addf %add3A_329, %mul3A_366 : vector<1000x128xf32>
    %slice3A_368 = vector.extract_strided_slice %dot_general3A_342 {offsets = [0, 768], sizes = [1000, 128], strides = [1, 1]} : vector<1000x1024xf32> to vector<1000x128xf32>
    %mul3A_369 = arith.mulf %concatenate3A_349, %slice3A_368 : vector<1000x128xf32>
    %add3A_370 = arith.addf %add3A_332, %mul3A_369 : vector<1000x128xf32>
    %slice3A_371 = vector.extract_strided_slice %dot_general3A_342 {offsets = [0, 896], sizes = [1000, 128], strides = [1, 1]} : vector<1000x1024xf32> to vector<1000x128xf32>
    %mul3A_372 = arith.mulf %concatenate3A_349, %slice3A_371 : vector<1000x128xf32>
    %add3A_373 = arith.addf %add3A_335, %mul3A_372 : vector<1000x128xf32>
    %slice3A_374 = vector.extract_strided_slice %reshape3A_42 {offsets = [9, 0, 0], sizes = [1, 1000, 16], strides = [1, 1, 1]} : vector<16x1000x16xf32> to vector<1x1000x16xf32>
    %squeeze3A_375 = vector.shape_cast %slice3A_374 : vector<1x1000x16xf32> to vector<1000x16xf32>
    %get3A_376 = arith.constant 0 : index
    %get3A_377 = arith.constant 0 : index
    %get3A_378 = vector.load %arg11[%get3A_376, %get3A_377] : memref<16x1024xf32, #tpu.memory_space<vmem>>, vector<16x1024xf32>
    %dot_general3A_379 = arith.constant dense<0.000000e+00> : vector<1000x1024xf32>
    %dot_general3A_380 = tpu.matmul %squeeze3A_375, %get3A_378, %dot_general3A_379 {dimension_numbers = #tpu.dot_dimension_numbers<[1], [0], [0], [1], [0, 0, 1, 1], [], []>, transpose_lhs_hint = false} : vector<1000x16xf32>, vector<16x1024xf32>, vector<1000x1024xf32> -> vector<1000x1024xf32>
    %get3A_381 = arith.constant 9 : index
    %get3A_382 = arith.constant 0 : index
    %get3A_383 = arith.constant 0 : index
    %get3A_384 = vector.load %arg1[%get3A_381, %get3A_382, %get3A_383] : memref<16x1000x128xf32, #tpu.memory_space<vmem>>, vector<1x1000x128xf32>
    %get3A_385 = vector.shape_cast %get3A_384 : vector<1x1000x128xf32> to vector<1000x128xf32>
    %slice3A_386 = vector.extract_strided_slice %get3A_385 {offsets = [0, 0], sizes = [1000, 64], strides = [1, 1]} : vector<1000x128xf32> to vector<1000x64xf32>
    %concatenate3A_387 = tpu.concatenate %slice3A_386, %slice3A_386 in 1 : vector<1000x64xf32>, vector<1000x64xf32> -> vector<1000x128xf32>
    %slice3A_388 = vector.extract_strided_slice %dot_general3A_380 {offsets = [0, 0], sizes = [1000, 128], strides = [1, 1]} : vector<1000x1024xf32> to vector<1000x128xf32>
    %mul3A_389 = arith.mulf %concatenate3A_387, %slice3A_388 : vector<1000x128xf32>
    %add3A_390 = arith.addf %add3A_352, %mul3A_389 : vector<1000x128xf32>
    %slice3A_391 = vector.extract_strided_slice %dot_general3A_380 {offsets = [0, 128], sizes = [1000, 128], strides = [1, 1]} : vector<1000x1024xf32> to vector<1000x128xf32>
    %mul3A_392 = arith.mulf %concatenate3A_387, %slice3A_391 : vector<1000x128xf32>
    %add3A_393 = arith.addf %add3A_355, %mul3A_392 : vector<1000x128xf32>
    %slice3A_394 = vector.extract_strided_slice %dot_general3A_380 {offsets = [0, 256], sizes = [1000, 128], strides = [1, 1]} : vector<1000x1024xf32> to vector<1000x128xf32>
    %mul3A_395 = arith.mulf %concatenate3A_387, %slice3A_394 : vector<1000x128xf32>
    %add3A_396 = arith.addf %add3A_358, %mul3A_395 : vector<1000x128xf32>
    %slice3A_397 = vector.extract_strided_slice %dot_general3A_380 {offsets = [0, 384], sizes = [1000, 128], strides = [1, 1]} : vector<1000x1024xf32> to vector<1000x128xf32>
    %mul3A_398 = arith.mulf %concatenate3A_387, %slice3A_397 : vector<1000x128xf32>
    %add3A_399 = arith.addf %add3A_361, %mul3A_398 : vector<1000x128xf32>
    %slice3A_400 = vector.extract_strided_slice %dot_general3A_380 {offsets = [0, 512], sizes = [1000, 128], strides = [1, 1]} : vector<1000x1024xf32> to vector<1000x128xf32>
    %mul3A_401 = arith.mulf %concatenate3A_387, %slice3A_400 : vector<1000x128xf32>
    %add3A_402 = arith.addf %add3A_364, %mul3A_401 : vector<1000x128xf32>
    %slice3A_403 = vector.extract_strided_slice %dot_general3A_380 {offsets = [0, 640], sizes = [1000, 128], strides = [1, 1]} : vector<1000x1024xf32> to vector<1000x128xf32>
    %mul3A_404 = arith.mulf %concatenate3A_387, %slice3A_403 : vector<1000x128xf32>
    %add3A_405 = arith.addf %add3A_367, %mul3A_404 : vector<1000x128xf32>
    %slice3A_406 = vector.extract_strided_slice %dot_general3A_380 {offsets = [0, 768], sizes = [1000, 128], strides = [1, 1]} : vector<1000x1024xf32> to vector<1000x128xf32>
    %mul3A_407 = arith.mulf %concatenate3A_387, %slice3A_406 : vector<1000x128xf32>
    %add3A_408 = arith.addf %add3A_370, %mul3A_407 : vector<1000x128xf32>
    %slice3A_409 = vector.extract_strided_slice %dot_general3A_380 {offsets = [0, 896], sizes = [1000, 128], strides = [1, 1]} : vector<1000x1024xf32> to vector<1000x128xf32>
    %mul3A_410 = arith.mulf %concatenate3A_387, %slice3A_409 : vector<1000x128xf32>
    %add3A_411 = arith.addf %add3A_373, %mul3A_410 : vector<1000x128xf32>
    %slice3A_412 = vector.extract_strided_slice %reshape3A_42 {offsets = [10, 0, 0], sizes = [1, 1000, 16], strides = [1, 1, 1]} : vector<16x1000x16xf32> to vector<1x1000x16xf32>
    %squeeze3A_413 = vector.shape_cast %slice3A_412 : vector<1x1000x16xf32> to vector<1000x16xf32>
    %get3A_414 = arith.constant 0 : index
    %get3A_415 = arith.constant 0 : index
    %get3A_416 = vector.load %arg11[%get3A_414, %get3A_415] : memref<16x1024xf32, #tpu.memory_space<vmem>>, vector<16x1024xf32>
    %dot_general3A_417 = arith.constant dense<0.000000e+00> : vector<1000x1024xf32>
    %dot_general3A_418 = tpu.matmul %squeeze3A_413, %get3A_416, %dot_general3A_417 {dimension_numbers = #tpu.dot_dimension_numbers<[1], [0], [0], [1], [0, 0, 1, 1], [], []>, transpose_lhs_hint = false} : vector<1000x16xf32>, vector<16x1024xf32>, vector<1000x1024xf32> -> vector<1000x1024xf32>
    %get3A_419 = arith.constant 10 : index
    %get3A_420 = arith.constant 0 : index
    %get3A_421 = arith.constant 0 : index
    %get3A_422 = vector.load %arg1[%get3A_419, %get3A_420, %get3A_421] : memref<16x1000x128xf32, #tpu.memory_space<vmem>>, vector<1x1000x128xf32>
    %get3A_423 = vector.shape_cast %get3A_422 : vector<1x1000x128xf32> to vector<1000x128xf32>
    %slice3A_424 = vector.extract_strided_slice %get3A_423 {offsets = [0, 0], sizes = [1000, 64], strides = [1, 1]} : vector<1000x128xf32> to vector<1000x64xf32>
    %concatenate3A_425 = tpu.concatenate %slice3A_424, %slice3A_424 in 1 : vector<1000x64xf32>, vector<1000x64xf32> -> vector<1000x128xf32>
    %slice3A_426 = vector.extract_strided_slice %dot_general3A_418 {offsets = [0, 0], sizes = [1000, 128], strides = [1, 1]} : vector<1000x1024xf32> to vector<1000x128xf32>
    %mul3A_427 = arith.mulf %concatenate3A_425, %slice3A_426 : vector<1000x128xf32>
    %add3A_428 = arith.addf %add3A_390, %mul3A_427 : vector<1000x128xf32>
    %slice3A_429 = vector.extract_strided_slice %dot_general3A_418 {offsets = [0, 128], sizes = [1000, 128], strides = [1, 1]} : vector<1000x1024xf32> to vector<1000x128xf32>
    %mul3A_430 = arith.mulf %concatenate3A_425, %slice3A_429 : vector<1000x128xf32>
    %add3A_431 = arith.addf %add3A_393, %mul3A_430 : vector<1000x128xf32>
    %slice3A_432 = vector.extract_strided_slice %dot_general3A_418 {offsets = [0, 256], sizes = [1000, 128], strides = [1, 1]} : vector<1000x1024xf32> to vector<1000x128xf32>
    %mul3A_433 = arith.mulf %concatenate3A_425, %slice3A_432 : vector<1000x128xf32>
    %add3A_434 = arith.addf %add3A_396, %mul3A_433 : vector<1000x128xf32>
    %slice3A_435 = vector.extract_strided_slice %dot_general3A_418 {offsets = [0, 384], sizes = [1000, 128], strides = [1, 1]} : vector<1000x1024xf32> to vector<1000x128xf32>
    %mul3A_436 = arith.mulf %concatenate3A_425, %slice3A_435 : vector<1000x128xf32>
    %add3A_437 = arith.addf %add3A_399, %mul3A_436 : vector<1000x128xf32>
    %slice3A_438 = vector.extract_strided_slice %dot_general3A_418 {offsets = [0, 512], sizes = [1000, 128], strides = [1, 1]} : vector<1000x1024xf32> to vector<1000x128xf32>
    %mul3A_439 = arith.mulf %concatenate3A_425, %slice3A_438 : vector<1000x128xf32>
    %add3A_440 = arith.addf %add3A_402, %mul3A_439 : vector<1000x128xf32>
    %slice3A_441 = vector.extract_strided_slice %dot_general3A_418 {offsets = [0, 640], sizes = [1000, 128], strides = [1, 1]} : vector<1000x1024xf32> to vector<1000x128xf32>
    %mul3A_442 = arith.mulf %concatenate3A_425, %slice3A_441 : vector<1000x128xf32>
    %add3A_443 = arith.addf %add3A_405, %mul3A_442 : vector<1000x128xf32>
    %slice3A_444 = vector.extract_strided_slice %dot_general3A_418 {offsets = [0, 768], sizes = [1000, 128], strides = [1, 1]} : vector<1000x1024xf32> to vector<1000x128xf32>
    %mul3A_445 = arith.mulf %concatenate3A_425, %slice3A_444 : vector<1000x128xf32>
    %add3A_446 = arith.addf %add3A_408, %mul3A_445 : vector<1000x128xf32>
    %slice3A_447 = vector.extract_strided_slice %dot_general3A_418 {offsets = [0, 896], sizes = [1000, 128], strides = [1, 1]} : vector<1000x1024xf32> to vector<1000x128xf32>
    %mul3A_448 = arith.mulf %concatenate3A_425, %slice3A_447 : vector<1000x128xf32>
    %add3A_449 = arith.addf %add3A_411, %mul3A_448 : vector<1000x128xf32>
    %slice3A_450 = vector.extract_strided_slice %reshape3A_42 {offsets = [11, 0, 0], sizes = [1, 1000, 16], strides = [1, 1, 1]} : vector<16x1000x16xf32> to vector<1x1000x16xf32>
    %squeeze3A_451 = vector.shape_cast %slice3A_450 : vector<1x1000x16xf32> to vector<1000x16xf32>
    %get3A_452 = arith.constant 0 : index
    %get3A_453 = arith.constant 0 : index
    %get3A_454 = vector.load %arg11[%get3A_452, %get3A_453] : memref<16x1024xf32, #tpu.memory_space<vmem>>, vector<16x1024xf32>
    %dot_general3A_455 = arith.constant dense<0.000000e+00> : vector<1000x1024xf32>
    %dot_general3A_456 = tpu.matmul %squeeze3A_451, %get3A_454, %dot_general3A_455 {dimension_numbers = #tpu.dot_dimension_numbers<[1], [0], [0], [1], [0, 0, 1, 1], [], []>, transpose_lhs_hint = false} : vector<1000x16xf32>, vector<16x1024xf32>, vector<1000x1024xf32> -> vector<1000x1024xf32>
    %get3A_457 = arith.constant 11 : index
    %get3A_458 = arith.constant 0 : index
    %get3A_459 = arith.constant 0 : index
    %get3A_460 = vector.load %arg1[%get3A_457, %get3A_458, %get3A_459] : memref<16x1000x128xf32, #tpu.memory_space<vmem>>, vector<1x1000x128xf32>
    %get3A_461 = vector.shape_cast %get3A_460 : vector<1x1000x128xf32> to vector<1000x128xf32>
    %slice3A_462 = vector.extract_strided_slice %get3A_461 {offsets = [0, 0], sizes = [1000, 64], strides = [1, 1]} : vector<1000x128xf32> to vector<1000x64xf32>
    %concatenate3A_463 = tpu.concatenate %slice3A_462, %slice3A_462 in 1 : vector<1000x64xf32>, vector<1000x64xf32> -> vector<1000x128xf32>
    %slice3A_464 = vector.extract_strided_slice %dot_general3A_456 {offsets = [0, 0], sizes = [1000, 128], strides = [1, 1]} : vector<1000x1024xf32> to vector<1000x128xf32>
    %mul3A_465 = arith.mulf %concatenate3A_463, %slice3A_464 : vector<1000x128xf32>
    %add3A_466 = arith.addf %add3A_428, %mul3A_465 : vector<1000x128xf32>
    %slice3A_467 = vector.extract_strided_slice %dot_general3A_456 {offsets = [0, 128], sizes = [1000, 128], strides = [1, 1]} : vector<1000x1024xf32> to vector<1000x128xf32>
    %mul3A_468 = arith.mulf %concatenate3A_463, %slice3A_467 : vector<1000x128xf32>
    %add3A_469 = arith.addf %add3A_431, %mul3A_468 : vector<1000x128xf32>
    %slice3A_470 = vector.extract_strided_slice %dot_general3A_456 {offsets = [0, 256], sizes = [1000, 128], strides = [1, 1]} : vector<1000x1024xf32> to vector<1000x128xf32>
    %mul3A_471 = arith.mulf %concatenate3A_463, %slice3A_470 : vector<1000x128xf32>
    %add3A_472 = arith.addf %add3A_434, %mul3A_471 : vector<1000x128xf32>
    %slice3A_473 = vector.extract_strided_slice %dot_general3A_456 {offsets = [0, 384], sizes = [1000, 128], strides = [1, 1]} : vector<1000x1024xf32> to vector<1000x128xf32>
    %mul3A_474 = arith.mulf %concatenate3A_463, %slice3A_473 : vector<1000x128xf32>
    %add3A_475 = arith.addf %add3A_437, %mul3A_474 : vector<1000x128xf32>
    %slice3A_476 = vector.extract_strided_slice %dot_general3A_456 {offsets = [0, 512], sizes = [1000, 128], strides = [1, 1]} : vector<1000x1024xf32> to vector<1000x128xf32>
    %mul3A_477 = arith.mulf %concatenate3A_463, %slice3A_476 : vector<1000x128xf32>
    %add3A_478 = arith.addf %add3A_440, %mul3A_477 : vector<1000x128xf32>
    %slice3A_479 = vector.extract_strided_slice %dot_general3A_456 {offsets = [0, 640], sizes = [1000, 128], strides = [1, 1]} : vector<1000x1024xf32> to vector<1000x128xf32>
    %mul3A_480 = arith.mulf %concatenate3A_463, %slice3A_479 : vector<1000x128xf32>
    %add3A_481 = arith.addf %add3A_443, %mul3A_480 : vector<1000x128xf32>
    %slice3A_482 = vector.extract_strided_slice %dot_general3A_456 {offsets = [0, 768], sizes = [1000, 128], strides = [1, 1]} : vector<1000x1024xf32> to vector<1000x128xf32>
    %mul3A_483 = arith.mulf %concatenate3A_463, %slice3A_482 : vector<1000x128xf32>
    %add3A_484 = arith.addf %add3A_446, %mul3A_483 : vector<1000x128xf32>
    %slice3A_485 = vector.extract_strided_slice %dot_general3A_456 {offsets = [0, 896], sizes = [1000, 128], strides = [1, 1]} : vector<1000x1024xf32> to vector<1000x128xf32>
    %mul3A_486 = arith.mulf %concatenate3A_463, %slice3A_485 : vector<1000x128xf32>
    %add3A_487 = arith.addf %add3A_449, %mul3A_486 : vector<1000x128xf32>
    %slice3A_488 = vector.extract_strided_slice %reshape3A_42 {offsets = [12, 0, 0], sizes = [1, 1000, 16], strides = [1, 1, 1]} : vector<16x1000x16xf32> to vector<1x1000x16xf32>
    %squeeze3A_489 = vector.shape_cast %slice3A_488 : vector<1x1000x16xf32> to vector<1000x16xf32>
    %get3A_490 = arith.constant 0 : index
    %get3A_491 = arith.constant 0 : index
    %get3A_492 = vector.load %arg11[%get3A_490, %get3A_491] : memref<16x1024xf32, #tpu.memory_space<vmem>>, vector<16x1024xf32>
    %dot_general3A_493 = arith.constant dense<0.000000e+00> : vector<1000x1024xf32>
    %dot_general3A_494 = tpu.matmul %squeeze3A_489, %get3A_492, %dot_general3A_493 {dimension_numbers = #tpu.dot_dimension_numbers<[1], [0], [0], [1], [0, 0, 1, 1], [], []>, transpose_lhs_hint = false} : vector<1000x16xf32>, vector<16x1024xf32>, vector<1000x1024xf32> -> vector<1000x1024xf32>
    %get3A_495 = arith.constant 12 : index
    %get3A_496 = arith.constant 0 : index
    %get3A_497 = arith.constant 0 : index
    %get3A_498 = vector.load %arg1[%get3A_495, %get3A_496, %get3A_497] : memref<16x1000x128xf32, #tpu.memory_space<vmem>>, vector<1x1000x128xf32>
    %get3A_499 = vector.shape_cast %get3A_498 : vector<1x1000x128xf32> to vector<1000x128xf32>
    %slice3A_500 = vector.extract_strided_slice %get3A_499 {offsets = [0, 0], sizes = [1000, 64], strides = [1, 1]} : vector<1000x128xf32> to vector<1000x64xf32>
    %concatenate3A_501 = tpu.concatenate %slice3A_500, %slice3A_500 in 1 : vector<1000x64xf32>, vector<1000x64xf32> -> vector<1000x128xf32>
    %slice3A_502 = vector.extract_strided_slice %dot_general3A_494 {offsets = [0, 0], sizes = [1000, 128], strides = [1, 1]} : vector<1000x1024xf32> to vector<1000x128xf32>
    %mul3A_503 = arith.mulf %concatenate3A_501, %slice3A_502 : vector<1000x128xf32>
    %add3A_504 = arith.addf %add3A_466, %mul3A_503 : vector<1000x128xf32>
    %slice3A_505 = vector.extract_strided_slice %dot_general3A_494 {offsets = [0, 128], sizes = [1000, 128], strides = [1, 1]} : vector<1000x1024xf32> to vector<1000x128xf32>
    %mul3A_506 = arith.mulf %concatenate3A_501, %slice3A_505 : vector<1000x128xf32>
    %add3A_507 = arith.addf %add3A_469, %mul3A_506 : vector<1000x128xf32>
    %slice3A_508 = vector.extract_strided_slice %dot_general3A_494 {offsets = [0, 256], sizes = [1000, 128], strides = [1, 1]} : vector<1000x1024xf32> to vector<1000x128xf32>
    %mul3A_509 = arith.mulf %concatenate3A_501, %slice3A_508 : vector<1000x128xf32>
    %add3A_510 = arith.addf %add3A_472, %mul3A_509 : vector<1000x128xf32>
    %slice3A_511 = vector.extract_strided_slice %dot_general3A_494 {offsets = [0, 384], sizes = [1000, 128], strides = [1, 1]} : vector<1000x1024xf32> to vector<1000x128xf32>
    %mul3A_512 = arith.mulf %concatenate3A_501, %slice3A_511 : vector<1000x128xf32>
    %add3A_513 = arith.addf %add3A_475, %mul3A_512 : vector<1000x128xf32>
    %slice3A_514 = vector.extract_strided_slice %dot_general3A_494 {offsets = [0, 512], sizes = [1000, 128], strides = [1, 1]} : vector<1000x1024xf32> to vector<1000x128xf32>
    %mul3A_515 = arith.mulf %concatenate3A_501, %slice3A_514 : vector<1000x128xf32>
    %add3A_516 = arith.addf %add3A_478, %mul3A_515 : vector<1000x128xf32>
    %slice3A_517 = vector.extract_strided_slice %dot_general3A_494 {offsets = [0, 640], sizes = [1000, 128], strides = [1, 1]} : vector<1000x1024xf32> to vector<1000x128xf32>
    %mul3A_518 = arith.mulf %concatenate3A_501, %slice3A_517 : vector<1000x128xf32>
    %add3A_519 = arith.addf %add3A_481, %mul3A_518 : vector<1000x128xf32>
    %slice3A_520 = vector.extract_strided_slice %dot_general3A_494 {offsets = [0, 768], sizes = [1000, 128], strides = [1, 1]} : vector<1000x1024xf32> to vector<1000x128xf32>
    %mul3A_521 = arith.mulf %concatenate3A_501, %slice3A_520 : vector<1000x128xf32>
    %add3A_522 = arith.addf %add3A_484, %mul3A_521 : vector<1000x128xf32>
    %slice3A_523 = vector.extract_strided_slice %dot_general3A_494 {offsets = [0, 896], sizes = [1000, 128], strides = [1, 1]} : vector<1000x1024xf32> to vector<1000x128xf32>
    %mul3A_524 = arith.mulf %concatenate3A_501, %slice3A_523 : vector<1000x128xf32>
    %add3A_525 = arith.addf %add3A_487, %mul3A_524 : vector<1000x128xf32>
    %slice3A_526 = vector.extract_strided_slice %reshape3A_42 {offsets = [13, 0, 0], sizes = [1, 1000, 16], strides = [1, 1, 1]} : vector<16x1000x16xf32> to vector<1x1000x16xf32>
    %squeeze3A_527 = vector.shape_cast %slice3A_526 : vector<1x1000x16xf32> to vector<1000x16xf32>
    %get3A_528 = arith.constant 0 : index
    %get3A_529 = arith.constant 0 : index
    %get3A_530 = vector.load %arg11[%get3A_528, %get3A_529] : memref<16x1024xf32, #tpu.memory_space<vmem>>, vector<16x1024xf32>
    %dot_general3A_531 = arith.constant dense<0.000000e+00> : vector<1000x1024xf32>
    %dot_general3A_532 = tpu.matmul %squeeze3A_527, %get3A_530, %dot_general3A_531 {dimension_numbers = #tpu.dot_dimension_numbers<[1], [0], [0], [1], [0, 0, 1, 1], [], []>, transpose_lhs_hint = false} : vector<1000x16xf32>, vector<16x1024xf32>, vector<1000x1024xf32> -> vector<1000x1024xf32>
    %get3A_533 = arith.constant 13 : index
    %get3A_534 = arith.constant 0 : index
    %get3A_535 = arith.constant 0 : index
    %get3A_536 = vector.load %arg1[%get3A_533, %get3A_534, %get3A_535] : memref<16x1000x128xf32, #tpu.memory_space<vmem>>, vector<1x1000x128xf32>
    %get3A_537 = vector.shape_cast %get3A_536 : vector<1x1000x128xf32> to vector<1000x128xf32>
    %slice3A_538 = vector.extract_strided_slice %get3A_537 {offsets = [0, 0], sizes = [1000, 64], strides = [1, 1]} : vector<1000x128xf32> to vector<1000x64xf32>
    %concatenate3A_539 = tpu.concatenate %slice3A_538, %slice3A_538 in 1 : vector<1000x64xf32>, vector<1000x64xf32> -> vector<1000x128xf32>
    %slice3A_540 = vector.extract_strided_slice %dot_general3A_532 {offsets = [0, 0], sizes = [1000, 128], strides = [1, 1]} : vector<1000x1024xf32> to vector<1000x128xf32>
    %mul3A_541 = arith.mulf %concatenate3A_539, %slice3A_540 : vector<1000x128xf32>
    %add3A_542 = arith.addf %add3A_504, %mul3A_541 : vector<1000x128xf32>
    %slice3A_543 = vector.extract_strided_slice %dot_general3A_532 {offsets = [0, 128], sizes = [1000, 128], strides = [1, 1]} : vector<1000x1024xf32> to vector<1000x128xf32>
    %mul3A_544 = arith.mulf %concatenate3A_539, %slice3A_543 : vector<1000x128xf32>
    %add3A_545 = arith.addf %add3A_507, %mul3A_544 : vector<1000x128xf32>
    %slice3A_546 = vector.extract_strided_slice %dot_general3A_532 {offsets = [0, 256], sizes = [1000, 128], strides = [1, 1]} : vector<1000x1024xf32> to vector<1000x128xf32>
    %mul3A_547 = arith.mulf %concatenate3A_539, %slice3A_546 : vector<1000x128xf32>
    %add3A_548 = arith.addf %add3A_510, %mul3A_547 : vector<1000x128xf32>
    %slice3A_549 = vector.extract_strided_slice %dot_general3A_532 {offsets = [0, 384], sizes = [1000, 128], strides = [1, 1]} : vector<1000x1024xf32> to vector<1000x128xf32>
    %mul3A_550 = arith.mulf %concatenate3A_539, %slice3A_549 : vector<1000x128xf32>
    %add3A_551 = arith.addf %add3A_513, %mul3A_550 : vector<1000x128xf32>
    %slice3A_552 = vector.extract_strided_slice %dot_general3A_532 {offsets = [0, 512], sizes = [1000, 128], strides = [1, 1]} : vector<1000x1024xf32> to vector<1000x128xf32>
    %mul3A_553 = arith.mulf %concatenate3A_539, %slice3A_552 : vector<1000x128xf32>
    %add3A_554 = arith.addf %add3A_516, %mul3A_553 : vector<1000x128xf32>
    %slice3A_555 = vector.extract_strided_slice %dot_general3A_532 {offsets = [0, 640], sizes = [1000, 128], strides = [1, 1]} : vector<1000x1024xf32> to vector<1000x128xf32>
    %mul3A_556 = arith.mulf %concatenate3A_539, %slice3A_555 : vector<1000x128xf32>
    %add3A_557 = arith.addf %add3A_519, %mul3A_556 : vector<1000x128xf32>
    %slice3A_558 = vector.extract_strided_slice %dot_general3A_532 {offsets = [0, 768], sizes = [1000, 128], strides = [1, 1]} : vector<1000x1024xf32> to vector<1000x128xf32>
    %mul3A_559 = arith.mulf %concatenate3A_539, %slice3A_558 : vector<1000x128xf32>
    %add3A_560 = arith.addf %add3A_522, %mul3A_559 : vector<1000x128xf32>
    %slice3A_561 = vector.extract_strided_slice %dot_general3A_532 {offsets = [0, 896], sizes = [1000, 128], strides = [1, 1]} : vector<1000x1024xf32> to vector<1000x128xf32>
    %mul3A_562 = arith.mulf %concatenate3A_539, %slice3A_561 : vector<1000x128xf32>
    %add3A_563 = arith.addf %add3A_525, %mul3A_562 : vector<1000x128xf32>
    %slice3A_564 = vector.extract_strided_slice %reshape3A_42 {offsets = [14, 0, 0], sizes = [1, 1000, 16], strides = [1, 1, 1]} : vector<16x1000x16xf32> to vector<1x1000x16xf32>
    %squeeze3A_565 = vector.shape_cast %slice3A_564 : vector<1x1000x16xf32> to vector<1000x16xf32>
    %get3A_566 = arith.constant 0 : index
    %get3A_567 = arith.constant 0 : index
    %get3A_568 = vector.load %arg11[%get3A_566, %get3A_567] : memref<16x1024xf32, #tpu.memory_space<vmem>>, vector<16x1024xf32>
    %dot_general3A_569 = arith.constant dense<0.000000e+00> : vector<1000x1024xf32>
    %dot_general3A_570 = tpu.matmul %squeeze3A_565, %get3A_568, %dot_general3A_569 {dimension_numbers = #tpu.dot_dimension_numbers<[1], [0], [0], [1], [0, 0, 1, 1], [], []>, transpose_lhs_hint = false} : vector<1000x16xf32>, vector<16x1024xf32>, vector<1000x1024xf32> -> vector<1000x1024xf32>
    %get3A_571 = arith.constant 14 : index
    %get3A_572 = arith.constant 0 : index
    %get3A_573 = arith.constant 0 : index
    %get3A_574 = vector.load %arg1[%get3A_571, %get3A_572, %get3A_573] : memref<16x1000x128xf32, #tpu.memory_space<vmem>>, vector<1x1000x128xf32>
    %get3A_575 = vector.shape_cast %get3A_574 : vector<1x1000x128xf32> to vector<1000x128xf32>
    %slice3A_576 = vector.extract_strided_slice %get3A_575 {offsets = [0, 0], sizes = [1000, 64], strides = [1, 1]} : vector<1000x128xf32> to vector<1000x64xf32>
    %concatenate3A_577 = tpu.concatenate %slice3A_576, %slice3A_576 in 1 : vector<1000x64xf32>, vector<1000x64xf32> -> vector<1000x128xf32>
    %slice3A_578 = vector.extract_strided_slice %dot_general3A_570 {offsets = [0, 0], sizes = [1000, 128], strides = [1, 1]} : vector<1000x1024xf32> to vector<1000x128xf32>
    %mul3A_579 = arith.mulf %concatenate3A_577, %slice3A_578 : vector<1000x128xf32>
    %add3A_580 = arith.addf %add3A_542, %mul3A_579 : vector<1000x128xf32>
    %slice3A_581 = vector.extract_strided_slice %dot_general3A_570 {offsets = [0, 128], sizes = [1000, 128], strides = [1, 1]} : vector<1000x1024xf32> to vector<1000x128xf32>
    %mul3A_582 = arith.mulf %concatenate3A_577, %slice3A_581 : vector<1000x128xf32>
    %add3A_583 = arith.addf %add3A_545, %mul3A_582 : vector<1000x128xf32>
    %slice3A_584 = vector.extract_strided_slice %dot_general3A_570 {offsets = [0, 256], sizes = [1000, 128], strides = [1, 1]} : vector<1000x1024xf32> to vector<1000x128xf32>
    %mul3A_585 = arith.mulf %concatenate3A_577, %slice3A_584 : vector<1000x128xf32>
    %add3A_586 = arith.addf %add3A_548, %mul3A_585 : vector<1000x128xf32>
    %slice3A_587 = vector.extract_strided_slice %dot_general3A_570 {offsets = [0, 384], sizes = [1000, 128], strides = [1, 1]} : vector<1000x1024xf32> to vector<1000x128xf32>
    %mul3A_588 = arith.mulf %concatenate3A_577, %slice3A_587 : vector<1000x128xf32>
    %add3A_589 = arith.addf %add3A_551, %mul3A_588 : vector<1000x128xf32>
    %slice3A_590 = vector.extract_strided_slice %dot_general3A_570 {offsets = [0, 512], sizes = [1000, 128], strides = [1, 1]} : vector<1000x1024xf32> to vector<1000x128xf32>
    %mul3A_591 = arith.mulf %concatenate3A_577, %slice3A_590 : vector<1000x128xf32>
    %add3A_592 = arith.addf %add3A_554, %mul3A_591 : vector<1000x128xf32>
    %slice3A_593 = vector.extract_strided_slice %dot_general3A_570 {offsets = [0, 640], sizes = [1000, 128], strides = [1, 1]} : vector<1000x1024xf32> to vector<1000x128xf32>
    %mul3A_594 = arith.mulf %concatenate3A_577, %slice3A_593 : vector<1000x128xf32>
    %add3A_595 = arith.addf %add3A_557, %mul3A_594 : vector<1000x128xf32>
    %slice3A_596 = vector.extract_strided_slice %dot_general3A_570 {offsets = [0, 768], sizes = [1000, 128], strides = [1, 1]} : vector<1000x1024xf32> to vector<1000x128xf32>
    %mul3A_597 = arith.mulf %concatenate3A_577, %slice3A_596 : vector<1000x128xf32>
    %add3A_598 = arith.addf %add3A_560, %mul3A_597 : vector<1000x128xf32>
    %slice3A_599 = vector.extract_strided_slice %dot_general3A_570 {offsets = [0, 896], sizes = [1000, 128], strides = [1, 1]} : vector<1000x1024xf32> to vector<1000x128xf32>
    %mul3A_600 = arith.mulf %concatenate3A_577, %slice3A_599 : vector<1000x128xf32>
    %add3A_601 = arith.addf %add3A_563, %mul3A_600 : vector<1000x128xf32>
    %slice3A_602 = vector.extract_strided_slice %reshape3A_42 {offsets = [15, 0, 0], sizes = [1, 1000, 16], strides = [1, 1, 1]} : vector<16x1000x16xf32> to vector<1x1000x16xf32>
    %squeeze3A_603 = vector.shape_cast %slice3A_602 : vector<1x1000x16xf32> to vector<1000x16xf32>
    %get3A_604 = arith.constant 0 : index
    %get3A_605 = arith.constant 0 : index
    %get3A_606 = vector.load %arg11[%get3A_604, %get3A_605] : memref<16x1024xf32, #tpu.memory_space<vmem>>, vector<16x1024xf32>
    %dot_general3A_607 = arith.constant dense<0.000000e+00> : vector<1000x1024xf32>
    %dot_general3A_608 = tpu.matmul %squeeze3A_603, %get3A_606, %dot_general3A_607 {dimension_numbers = #tpu.dot_dimension_numbers<[1], [0], [0], [1], [0, 0, 1, 1], [], []>, transpose_lhs_hint = false} : vector<1000x16xf32>, vector<16x1024xf32>, vector<1000x1024xf32> -> vector<1000x1024xf32>
    %get3A_609 = arith.constant 15 : index
    %get3A_610 = arith.constant 0 : index
    %get3A_611 = arith.constant 0 : index
    %get3A_612 = vector.load %arg1[%get3A_609, %get3A_610, %get3A_611] : memref<16x1000x128xf32, #tpu.memory_space<vmem>>, vector<1x1000x128xf32>
    %get3A_613 = vector.shape_cast %get3A_612 : vector<1x1000x128xf32> to vector<1000x128xf32>
    %slice3A_614 = vector.extract_strided_slice %get3A_613 {offsets = [0, 0], sizes = [1000, 64], strides = [1, 1]} : vector<1000x128xf32> to vector<1000x64xf32>
    %concatenate3A_615 = tpu.concatenate %slice3A_614, %slice3A_614 in 1 : vector<1000x64xf32>, vector<1000x64xf32> -> vector<1000x128xf32>
    %slice3A_616 = vector.extract_strided_slice %dot_general3A_608 {offsets = [0, 0], sizes = [1000, 128], strides = [1, 1]} : vector<1000x1024xf32> to vector<1000x128xf32>
    %mul3A_617 = arith.mulf %concatenate3A_615, %slice3A_616 : vector<1000x128xf32>
    %add3A_618 = arith.addf %add3A_580, %mul3A_617 : vector<1000x128xf32>
    %slice3A_619 = vector.extract_strided_slice %dot_general3A_608 {offsets = [0, 128], sizes = [1000, 128], strides = [1, 1]} : vector<1000x1024xf32> to vector<1000x128xf32>
    %mul3A_620 = arith.mulf %concatenate3A_615, %slice3A_619 : vector<1000x128xf32>
    %add3A_621 = arith.addf %add3A_583, %mul3A_620 : vector<1000x128xf32>
    %slice3A_622 = vector.extract_strided_slice %dot_general3A_608 {offsets = [0, 256], sizes = [1000, 128], strides = [1, 1]} : vector<1000x1024xf32> to vector<1000x128xf32>
    %mul3A_623 = arith.mulf %concatenate3A_615, %slice3A_622 : vector<1000x128xf32>
    %add3A_624 = arith.addf %add3A_586, %mul3A_623 : vector<1000x128xf32>
    %slice3A_625 = vector.extract_strided_slice %dot_general3A_608 {offsets = [0, 384], sizes = [1000, 128], strides = [1, 1]} : vector<1000x1024xf32> to vector<1000x128xf32>
    %mul3A_626 = arith.mulf %concatenate3A_615, %slice3A_625 : vector<1000x128xf32>
    %add3A_627 = arith.addf %add3A_589, %mul3A_626 : vector<1000x128xf32>
    %slice3A_628 = vector.extract_strided_slice %dot_general3A_608 {offsets = [0, 512], sizes = [1000, 128], strides = [1, 1]} : vector<1000x1024xf32> to vector<1000x128xf32>
    %mul3A_629 = arith.mulf %concatenate3A_615, %slice3A_628 : vector<1000x128xf32>
    %add3A_630 = arith.addf %add3A_592, %mul3A_629 : vector<1000x128xf32>
    %slice3A_631 = vector.extract_strided_slice %dot_general3A_608 {offsets = [0, 640], sizes = [1000, 128], strides = [1, 1]} : vector<1000x1024xf32> to vector<1000x128xf32>
    %mul3A_632 = arith.mulf %concatenate3A_615, %slice3A_631 : vector<1000x128xf32>
    %add3A_633 = arith.addf %add3A_595, %mul3A_632 : vector<1000x128xf32>
    %slice3A_634 = vector.extract_strided_slice %dot_general3A_608 {offsets = [0, 768], sizes = [1000, 128], strides = [1, 1]} : vector<1000x1024xf32> to vector<1000x128xf32>
    %mul3A_635 = arith.mulf %concatenate3A_615, %slice3A_634 : vector<1000x128xf32>
    %add3A_636 = arith.addf %add3A_598, %mul3A_635 : vector<1000x128xf32>
    %slice3A_637 = vector.extract_strided_slice %dot_general3A_608 {offsets = [0, 896], sizes = [1000, 128], strides = [1, 1]} : vector<1000x1024xf32> to vector<1000x128xf32>
    %mul3A_638 = arith.mulf %concatenate3A_615, %slice3A_637 : vector<1000x128xf32>
    %add3A_639 = arith.addf %add3A_601, %mul3A_638 : vector<1000x128xf32>
    %concatenate3A_640 = tpu.concatenate %add3A_618, %add3A_621, %add3A_624, %add3A_627, %add3A_630, %add3A_633, %add3A_636, %add3A_639 in 1 : vector<1000x128xf32>, vector<1000x128xf32>, vector<1000x128xf32>, vector<1000x128xf32>, vector<1000x128xf32>, vector<1000x128xf32>, vector<1000x128xf32>, vector<1000x128xf32> -> vector<1000x1024xf32>
    %get3A_641 = arith.constant 0 : index
    %get3A_642 = arith.constant 0 : index
    %get3A_643 = vector.load %arg9[%get3A_641, %get3A_642] : memref<1024x64xf32, #tpu.memory_space<vmem>>, vector<1024x64xf32>
    %dot_general3A_644 = arith.constant dense<0.000000e+00> : vector<1000x64xf32>
    %dot_general3A_645 = tpu.matmul %concatenate3A_640, %get3A_643, %dot_general3A_644 {dimension_numbers = #tpu.dot_dimension_numbers<[1], [0], [0], [1], [0, 0, 1, 1], [], []>, transpose_lhs_hint = false} : vector<1000x1024xf32>, vector<1024x64xf32>, vector<1000x64xf32> -> vector<1000x64xf32>
    %mul3A_646 = arith.constant 6.250000e-02 : f32
    %mul3A_647 = vector.broadcast %mul3A_646 : f32 to vector<1000x64xf32>
    %mul3A_648 = arith.mulf %dot_general3A_645, %mul3A_647 : vector<1000x64xf32>
    %get3A_649 = arith.constant 0 : index
    %get3A_650 = arith.constant 0 : index
    %get3A_651 = vector.load %arg10[%get3A_649, %get3A_650] : memref<1x64xf32, #tpu.memory_space<vmem>>, vector<1x64xf32>
    %add3A_652 = vector.broadcast %get3A_651 : vector<1x64xf32> to vector<1000x64xf32>
    %add3A_653 = arith.addf %mul3A_648, %add3A_652 : vector<1000x64xf32>
    %swap3A = arith.constant 0 : index
    %swap3A_654 = arith.constant 0 : index
    %swap3A_655 = vector.load %arg12[%swap3A, %swap3A_654] : memref<1000x64xf32, #tpu.memory_space<vmem>>, vector<1000x64xf32>
    tpu.vector_store %arg12[%swap3A, %swap3A_654], %add3A_653 {strides = array<i32>} : memref<1000x64xf32, #tpu.memory_space<vmem>>, vector<1000x64xf32>,
    return
  }
  func.func @transform_0(%arg0: i32) -> (i32, i32, i32) {
    %c0_i32 = arith.constant 0 : i32
    %c0_i32_0 = arith.constant 0 : i32
    %c0_i32_1 = arith.constant 0 : i32
    return %c0_i32, %arg0, %c0_i32_0 : i32, i32, i32
  }
  func.func @transform_1(%arg0: i32) -> (i32, i32) {
    %c0_i32 = arith.constant 0 : i32
    %c0_i32_0 = arith.constant 0 : i32
    return %arg0, %c0_i32 : i32, i32
  }
  func.func @transform_2(%arg0: i32) -> (i32, i32) {
    %c0_i32 = arith.constant 0 : i32
    %c0_i32_0 = arith.constant 0 : i32
    %c0_i32_1 = arith.constant 0 : i32
    return %c0_i32, %c0_i32_0 : i32, i32
  }
  func.func @transform_3(%arg0: i32) -> (i32, i32) {
    %c0_i32 = arith.constant 0 : i32
    %c0_i32_0 = arith.constant 0 : i32
    %c0_i32_1 = arith.constant 0 : i32
    return %c0_i32, %c0_i32_0 : i32, i32
  }
  func.func @transform_4(%arg0: i32) -> (i32, i32) {
    %c0_i32 = arith.constant 0 : i32
    %c0_i32_0 = arith.constant 0 : i32
    %c0_i32_1 = arith.constant 0 : i32
    return %c0_i32, %c0_i32_0 : i32, i32
  }
  func.func @transform_5(%arg0: i32) -> (i32, i32) {
    %c0_i32 = arith.constant 0 : i32
    %c0_i32_0 = arith.constant 0 : i32
    %c0_i32_1 = arith.constant 0 : i32
    return %c0_i32, %c0_i32_0 : i32, i32
  }
  func.func @transform_6(%arg0: i32) -> (i32, i32) {
    %c0_i32 = arith.constant 0 : i32
    %c0_i32_0 = arith.constant 0 : i32
    %c0_i32_1 = arith.constant 0 : i32
    return %c0_i32, %c0_i32_0 : i32, i32
  }
  func.func @transform_7(%arg0: i32) -> (i32, i32) {
    %c0_i32 = arith.constant 0 : i32
    %c0_i32_0 = arith.constant 0 : i32
    %c0_i32_1 = arith.constant 0 : i32
    return %c0_i32, %c0_i32_0 : i32, i32
  }
  func.func @transform_8(%arg0: i32) -> (i32, i32) {
    %c0_i32 = arith.constant 0 : i32
    %c0_i32_0 = arith.constant 0 : i32
    %c0_i32_1 = arith.constant 0 : i32
    return %c0_i32, %c0_i32_0 : i32, i32
  }
  func.func @transform_9(%arg0: i32) -> (i32, i32) {
    %c0_i32 = arith.constant 0 : i32
    %c0_i32_0 = arith.constant 0 : i32
    %c0_i32_1 = arith.constant 0 : i32
    return %c0_i32, %c0_i32_0 : i32, i32
  }
  func.func @transform_10(%arg0: i32) -> (i32, i32) {
    %c0_i32 = arith.constant 0 : i32
    %c0_i32_0 = arith.constant 0 : i32
    %c0_i32_1 = arith.constant 0 : i32
    return %c0_i32, %c0_i32_0 : i32, i32
  }
  func.func @transform_11(%arg0: i32) -> (i32, i32) {
    %c0_i32 = arith.constant 0 : i32
    %c0_i32_0 = arith.constant 0 : i32
    return %arg0, %c0_i32 : i32, i32
  }
}

module attributes {stable_mosaic.version = 14 : i64} {
  func.func @_tc_body(%arg0: i32, %arg1: memref<16x1000x128xf32, #tpu.memory_space<vmem>>, %arg2: memref<1000x16xf32, #tpu.memory_space<vmem>>, %arg3: memref<16x32xf32, #tpu.memory_space<vmem>>, %arg4: memref<1x32xf32, #tpu.memory_space<vmem>>, %arg5: memref<32x16xf32, #tpu.memory_space<vmem>>, %arg6: memref<1x16xf32, #tpu.memory_space<vmem>>, %arg7: memref<16x16xf32, #tpu.memory_space<vmem>>, %arg8: memref<1x16xf32, #tpu.memory_space<vmem>>, %arg9: memref<1024x64xf32, #tpu.memory_space<vmem>>, %arg10: memref<1x64xf32, #tpu.memory_space<vmem>>, %arg11: memref<16x1024xf32, #tpu.memory_space<vmem>>, %arg12: memref<1000x64xf32, #tpu.memory_space<vmem>>) attributes {dimension_semantics = [#tpu.dimension_semantics<arbitrary>], iteration_bounds = array<i64: 16>, scalar_prefetch = 0 : i64, scratch_operands = 0 : i64, tpu.core_type = #tpu.core_type<tc>, window_params = [{transform_indices = @transform_0, window_bounds = array<i64: 16, 1000, 128>}, {transform_indices = @transform_1, window_bounds = array<i64: 1000, 16>}, {pipeline_mode = #tpu.pipeline_mode<synchronous>, transform_indices = @transform_2, window_bounds = array<i64: 16, 32>}, {pipeline_mode = #tpu.pipeline_mode<synchronous>, transform_indices = @transform_3, window_bounds = array<i64: 1, 32>}, {pipeline_mode = #tpu.pipeline_mode<synchronous>, transform_indices = @transform_4, window_bounds = array<i64: 32, 16>}, {pipeline_mode = #tpu.pipeline_mode<synchronous>, transform_indices = @transform_5, window_bounds = array<i64: 1, 16>}, {pipeline_mode = #tpu.pipeline_mode<synchronous>, transform_indices = @transform_6, window_bounds = array<i64: 16, 16>}, {pipeline_mode = #tpu.pipeline_mode<synchronous>, transform_indices = @transform_7, window_bounds = array<i64: 1, 16>}, {pipeline_mode = #tpu.pipeline_mode<synchronous>, transform_indices = @transform_8, window_bounds = array<i64: 1024, 64>}, {pipeline_mode = #tpu.pipeline_mode<synchronous>, transform_indices = @transform_9, window_bounds = array<i64: 1, 64>}, {pipeline_mode = #tpu.pipeline_mode<synchronous>, transform_indices = @transform_10, window_bounds = array<i64: 16, 1024>}, {transform_indices = @transform_11, window_bounds = array<i64: 1000, 64>}]} {
    %get3A = arith.constant 0 : index
    %get3A_0 = arith.constant 0 : index
    %get3A_1 = vector.load %arg2[%get3A, %get3A_0] : memref<1000x16xf32, #tpu.memory_space<vmem>>, vector<1000x16xf32>
    %get3A_2 = arith.constant 0 : index
    %get3A_3 = arith.constant 0 : index
    %get3A_4 = arith.constant 0 : index
    %get3A_5 = vector.load %arg1[%get3A_2, %get3A_3, %get3A_4] : memref<16x1000x128xf32, #tpu.memory_space<vmem>>, vector<16x1000x128xf32>
    %reshape3A = vector.shape_cast %get3A_5 : vector<16x1000x128xf32> to vector<16000x128xf32>
    %slice3A = vector.extract_strided_slice %reshape3A {offsets = [0, 64], sizes = [16000, 16], strides = [1, 1]} : vector<16000x128xf32> to vector<16000x16xf32>
    %tile3A = tpu.concatenate %get3A_1, %get3A_1, %get3A_1, %get3A_1, %get3A_1, %get3A_1, %get3A_1, %get3A_1, %get3A_1, %get3A_1, %get3A_1, %get3A_1, %get3A_1, %get3A_1, %get3A_1, %get3A_1 in 0 : vector<1000x16xf32>, vector<1000x16xf32>, vector<1000x16xf32>, vector<1000x16xf32>, vector<1000x16xf32>, vector<1000x16xf32>, vector<1000x16xf32>, vector<1000x16xf32>, vector<1000x16xf32>, vector<1000x16xf32>, vector<1000x16xf32>, vector<1000x16xf32>, vector<1000x16xf32>, vector<1000x16xf32>, vector<1000x16xf32>, vector<1000x16xf32> -> vector<16000x16xf32>
    %sub3A = arith.subf %slice3A, %tile3A : vector<16000x16xf32>
    %get3A_6 = arith.constant 0 : index
    %get3A_7 = arith.constant 0 : index
    %get3A_8 = vector.load %arg3[%get3A_6, %get3A_7] : memref<16x32xf32, #tpu.memory_space<vmem>>, vector<16x32xf32>
    %dot_general3A = arith.constant dense<0.000000e+00> : vector<16000x32xf32>
    %dot_general3A_9 = tpu.matmul %sub3A, %get3A_8, %dot_general3A {dimension_numbers = #tpu.dot_dimension_numbers<[1], [0], [0], [1], [0, 0, 1, 1], [], []>, transpose_lhs_hint = false} : vector<16000x16xf32>, vector<16x32xf32>, vector<16000x32xf32> -> vector<16000x32xf32>
    %get3A_10 = arith.constant 0 : index
    %get3A_11 = arith.constant 0 : index
    %get3A_12 = vector.load %arg4[%get3A_10, %get3A_11] : memref<1x32xf32, #tpu.memory_space<vmem>>, vector<1x32xf32>
    %add3A = vector.broadcast %get3A_12 : vector<1x32xf32> to vector<16000x32xf32>
    %add3A_13 = arith.addf %dot_general3A_9, %add3A : vector<16000x32xf32>
    %max3A = arith.constant 0.000000e+00 : f32
    %max3A_14 = vector.broadcast %max3A : f32 to vector<16000x32xf32>
    %max3A_15 = arith.maximumf %add3A_13, %max3A_14 : vector<16000x32xf32>
    %get3A_16 = arith.constant 0 : index
    %get3A_17 = arith.constant 0 : index
    %get3A_18 = vector.load %arg5[%get3A_16, %get3A_17] : memref<32x16xf32, #tpu.memory_space<vmem>>, vector<32x16xf32>
    %dot_general3A_19 = arith.constant dense<0.000000e+00> : vector<16000x16xf32>
    %dot_general3A_20 = tpu.matmul %max3A_15, %get3A_18, %dot_general3A_19 {dimension_numbers = #tpu.dot_dimension_numbers<[1], [0], [0], [1], [0, 0, 1, 1], [], []>, transpose_lhs_hint = false} : vector<16000x32xf32>, vector<32x16xf32>, vector<16000x16xf32> -> vector<16000x16xf32>
    %get3A_21 = arith.constant 0 : index
    %get3A_22 = arith.constant 0 : index
    %get3A_23 = vector.load %arg6[%get3A_21, %get3A_22] : memref<1x16xf32, #tpu.memory_space<vmem>>, vector<1x16xf32>
    %add3A_24 = vector.broadcast %get3A_23 : vector<1x16xf32> to vector<16000x16xf32>
    %add3A_25 = arith.addf %dot_general3A_20, %add3A_24 : vector<16000x16xf32>
    %max3A_26 = arith.constant 0.000000e+00 : f32
    %max3A_27 = vector.broadcast %max3A_26 : f32 to vector<16000x16xf32>
    %max3A_28 = arith.maximumf %add3A_25, %max3A_27 : vector<16000x16xf32>
    %get3A_29 = arith.constant 0 : index
    %get3A_30 = arith.constant 0 : index
    %get3A_31 = vector.load %arg7[%get3A_29, %get3A_30] : memref<16x16xf32, #tpu.memory_space<vmem>>, vector<16x16xf32>
    %dot_general3A_32 = arith.constant dense<0.000000e+00> : vector<16000x16xf32>
    %dot_general3A_33 = tpu.matmul %max3A_28, %get3A_31, %dot_general3A_32 {dimension_numbers = #tpu.dot_dimension_numbers<[1], [0], [0], [1], [0, 0, 1, 1], [], []>, transpose_lhs_hint = false} : vector<16000x16xf32>, vector<16x16xf32>, vector<16000x16xf32> -> vector<16000x16xf32>
    %get3A_34 = arith.constant 0 : index
    %get3A_35 = arith.constant 0 : index
    %get3A_36 = vector.load %arg8[%get3A_34, %get3A_35] : memref<1x16xf32, #tpu.memory_space<vmem>>, vector<1x16xf32>
    %add3A_37 = vector.broadcast %get3A_36 : vector<1x16xf32> to vector<16000x16xf32>
    %add3A_38 = arith.addf %dot_general3A_33, %add3A_37 : vector<16000x16xf32>
    %max3A_39 = arith.constant 0.000000e+00 : f32
    %max3A_40 = vector.broadcast %max3A_39 : f32 to vector<16000x16xf32>
    %max3A_41 = arith.maximumf %add3A_38, %max3A_40 : vector<16000x16xf32>
    %reshape3A_42 = vector.shape_cast %max3A_41 : vector<16000x16xf32> to vector<16x1000x16xf32>
    %slice3A_43 = vector.extract_strided_slice %reshape3A_42 {offsets = [0, 0, 0], sizes = [1, 1000, 16], strides = [1, 1, 1]} : vector<16x1000x16xf32> to vector<1x1000x16xf32>
    %squeeze3A = vector.shape_cast %slice3A_43 : vector<1x1000x16xf32> to vector<1000x16xf32>
    %get3A_44 = arith.constant 0 : index
    %get3A_45 = arith.constant 0 : index
    %get3A_46 = vector.load %arg11[%get3A_44, %get3A_45] : memref<16x1024xf32, #tpu.memory_space<vmem>>, vector<16x1024xf32>
    %dot_general3A_47 = arith.constant dense<0.000000e+00> : vector<1000x1024xf32>
    %dot_general3A_48 = tpu.matmul %squeeze3A, %get3A_46, %dot_general3A_47 {dimension_numbers = #tpu.dot_dimension_numbers<[1], [0], [0], [1], [0, 0, 1, 1], [], []>, transpose_lhs_hint = false} : vector<1000x16xf32>, vector<16x1024xf32>, vector<1000x1024xf32> -> vector<1000x1024xf32>
    %get3A_49 = arith.constant 0 : index
    %get3A_50 = arith.constant 0 : index
    %get3A_51 = arith.constant 0 : index
    %get3A_52 = vector.load %arg1[%get3A_49, %get3A_50, %get3A_51] : memref<16x1000x128xf32, #tpu.memory_space<vmem>>, vector<1x1000x128xf32>
    %get3A_53 = vector.shape_cast %get3A_52 : vector<1x1000x128xf32> to vector<1000x128xf32>
    %slice3A_54 = vector.extract_strided_slice %get3A_53 {offsets = [0, 0], sizes = [1000, 64], strides = [1, 1]} : vector<1000x128xf32> to vector<1000x64xf32>
    %concatenate3A = tpu.concatenate %slice3A_54, %slice3A_54 in 1 : vector<1000x64xf32>, vector<1000x64xf32> -> vector<1000x128xf32>
    %slice3A_55 = vector.extract_strided_slice %dot_general3A_48 {offsets = [0, 0], sizes = [1000, 128], strides = [1, 1]} : vector<1000x1024xf32> to vector<1000x128xf32>
    %mul3A = arith.mulf %concatenate3A, %slice3A_55 : vector<1000x128xf32>
    %slice3A_56 = vector.extract_strided_slice %dot_general3A_48 {offsets = [0, 128], sizes = [1000, 128], strides = [1, 1]} : vector<1000x1024xf32> to vector<1000x128xf32>
    %mul3A_57 = arith.mulf %concatenate3A, %slice3A_56 : vector<1000x128xf32>
    %slice3A_58 = vector.extract_strided_slice %dot_general3A_48 {offsets = [0, 256], sizes = [1000, 128], strides = [1, 1]} : vector<1000x1024xf32> to vector<1000x128xf32>
    %mul3A_59 = arith.mulf %concatenate3A, %slice3A_58 : vector<1000x128xf32>
    %slice3A_60 = vector.extract_strided_slice %dot_general3A_48 {offsets = [0, 384], sizes = [1000, 128], strides = [1, 1]} : vector<1000x1024xf32> to vector<1000x128xf32>
    %mul3A_61 = arith.mulf %concatenate3A, %slice3A_60 : vector<1000x128xf32>
    %slice3A_62 = vector.extract_strided_slice %dot_general3A_48 {offsets = [0, 512], sizes = [1000, 128], strides = [1, 1]} : vector<1000x1024xf32> to vector<1000x128xf32>
    %mul3A_63 = arith.mulf %concatenate3A, %slice3A_62 : vector<1000x128xf32>
    %slice3A_64 = vector.extract_strided_slice %dot_general3A_48 {offsets = [0, 640], sizes = [1000, 128], strides = [1, 1]} : vector<1000x1024xf32> to vector<1000x128xf32>
    %mul3A_65 = arith.mulf %concatenate3A, %slice3A_64 : vector<1000x128xf32>
    %slice3A_66 = vector.extract_strided_slice %dot_general3A_48 {offsets = [0, 768], sizes = [1000, 128], strides = [1, 1]} : vector<1000x1024xf32> to vector<1000x128xf32>
    %mul3A_67 = arith.mulf %concatenate3A, %slice3A_66 : vector<1000x128xf32>
    %slice3A_68 = vector.extract_strided_slice %dot_general3A_48 {offsets = [0, 896], sizes = [1000, 128], strides = [1, 1]} : vector<1000x1024xf32> to vector<1000x128xf32>
    %mul3A_69 = arith.mulf %concatenate3A, %slice3A_68 : vector<1000x128xf32>
    %slice3A_70 = vector.extract_strided_slice %reshape3A_42 {offsets = [1, 0, 0], sizes = [1, 1000, 16], strides = [1, 1, 1]} : vector<16x1000x16xf32> to vector<1x1000x16xf32>
    %squeeze3A_71 = vector.shape_cast %slice3A_70 : vector<1x1000x16xf32> to vector<1000x16xf32>
    %get3A_72 = arith.constant 0 : index
    %get3A_73 = arith.constant 0 : index
    %get3A_74 = vector.load %arg11[%get3A_72, %get3A_73] : memref<16x1024xf32, #tpu.memory_space<vmem>>, vector<16x1024xf32>
    %dot_general3A_75 = arith.constant dense<0.000000e+00> : vector<1000x1024xf32>
    %dot_general3A_76 = tpu.matmul %squeeze3A_71, %get3A_74, %dot_general3A_75 {dimension_numbers = #tpu.dot_dimension_numbers<[1], [0], [0], [1], [0, 0, 1, 1], [], []>, transpose_lhs_hint = false} : vector<1000x16xf32>, vector<16x1024xf32>, vector<1000x1024xf32> -> vector<1000x1024xf32>
    %get3A_77 = arith.constant 1 : index
    %get3A_78 = arith.constant 0 : index
    %get3A_79 = arith.constant 0 : index
    %get3A_80 = vector.load %arg1[%get3A_77, %get3A_78, %get3A_79] : memref<16x1000x128xf32, #tpu.memory_space<vmem>>, vector<1x1000x128xf32>
    %get3A_81 = vector.shape_cast %get3A_80 : vector<1x1000x128xf32> to vector<1000x128xf32>
    %slice3A_82 = vector.extract_strided_slice %get3A_81 {offsets = [0, 0], sizes = [1000, 64], strides = [1, 1]} : vector<1000x128xf32> to vector<1000x64xf32>
    %concatenate3A_83 = tpu.concatenate %slice3A_82, %slice3A_82 in 1 : vector<1000x64xf32>, vector<1000x64xf32> -> vector<1000x128xf32>
    %slice3A_84 = vector.extract_strided_slice %dot_general3A_76 {offsets = [0, 0], sizes = [1000, 128], strides = [1, 1]} : vector<1000x1024xf32> to vector<1000x128xf32>
    %mul3A_85 = arith.mulf %concatenate3A_83, %slice3A_84 : vector<1000x128xf32>
    %add3A_86 = arith.addf %mul3A, %mul3A_85 : vector<1000x128xf32>
    %slice3A_87 = vector.extract_strided_slice %dot_general3A_76 {offsets = [0, 128], sizes = [1000, 128], strides = [1, 1]} : vector<1000x1024xf32> to vector<1000x128xf32>
    %mul3A_88 = arith.mulf %concatenate3A_83, %slice3A_87 : vector<1000x128xf32>
    %add3A_89 = arith.addf %mul3A_57, %mul3A_88 : vector<1000x128xf32>
    %slice3A_90 = vector.extract_strided_slice %dot_general3A_76 {offsets = [0, 256], sizes = [1000, 128], strides = [1, 1]} : vector<1000x1024xf32> to vector<1000x128xf32>
    %mul3A_91 = arith.mulf %concatenate3A_83, %slice3A_90 : vector<1000x128xf32>
    %add3A_92 = arith.addf %mul3A_59, %mul3A_91 : vector<1000x128xf32>
    %slice3A_93 = vector.extract_strided_slice %dot_general3A_76 {offsets = [0, 384], sizes = [1000, 128], strides = [1, 1]} : vector<1000x1024xf32> to vector<1000x128xf32>
    %mul3A_94 = arith.mulf %concatenate3A_83, %slice3A_93 : vector<1000x128xf32>
    %add3A_95 = arith.addf %mul3A_61, %mul3A_94 : vector<1000x128xf32>
    %slice3A_96 = vector.extract_strided_slice %dot_general3A_76 {offsets = [0, 512], sizes = [1000, 128], strides = [1, 1]} : vector<1000x1024xf32> to vector<1000x128xf32>
    %mul3A_97 = arith.mulf %concatenate3A_83, %slice3A_96 : vector<1000x128xf32>
    %add3A_98 = arith.addf %mul3A_63, %mul3A_97 : vector<1000x128xf32>
    %slice3A_99 = vector.extract_strided_slice %dot_general3A_76 {offsets = [0, 640], sizes = [1000, 128], strides = [1, 1]} : vector<1000x1024xf32> to vector<1000x128xf32>
    %mul3A_100 = arith.mulf %concatenate3A_83, %slice3A_99 : vector<1000x128xf32>
    %add3A_101 = arith.addf %mul3A_65, %mul3A_100 : vector<1000x128xf32>
    %slice3A_102 = vector.extract_strided_slice %dot_general3A_76 {offsets = [0, 768], sizes = [1000, 128], strides = [1, 1]} : vector<1000x1024xf32> to vector<1000x128xf32>
    %mul3A_103 = arith.mulf %concatenate3A_83, %slice3A_102 : vector<1000x128xf32>
    %add3A_104 = arith.addf %mul3A_67, %mul3A_103 : vector<1000x128xf32>
    %slice3A_105 = vector.extract_strided_slice %dot_general3A_76 {offsets = [0, 896], sizes = [1000, 128], strides = [1, 1]} : vector<1000x1024xf32> to vector<1000x128xf32>
    %mul3A_106 = arith.mulf %concatenate3A_83, %slice3A_105 : vector<1000x128xf32>
    %add3A_107 = arith.addf %mul3A_69, %mul3A_106 : vector<1000x128xf32>
    %slice3A_108 = vector.extract_strided_slice %reshape3A_42 {offsets = [2, 0, 0], sizes = [1, 1000, 16], strides = [1, 1, 1]} : vector<16x1000x16xf32> to vector<1x1000x16xf32>
    %squeeze3A_109 = vector.shape_cast %slice3A_108 : vector<1x1000x16xf32> to vector<1000x16xf32>
    %get3A_110 = arith.constant 0 : index
    %get3A_111 = arith.constant 0 : index
    %get3A_112 = vector.load %arg11[%get3A_110, %get3A_111] : memref<16x1024xf32, #tpu.memory_space<vmem>>, vector<16x1024xf32>
    %dot_general3A_113 = arith.constant dense<0.000000e+00> : vector<1000x1024xf32>
    %dot_general3A_114 = tpu.matmul %squeeze3A_109, %get3A_112, %dot_general3A_113 {dimension_numbers = #tpu.dot_dimension_numbers<[1], [0], [0], [1], [0, 0, 1, 1], [], []>, transpose_lhs_hint = false} : vector<1000x16xf32>, vector<16x1024xf32>, vector<1000x1024xf32> -> vector<1000x1024xf32>
    %get3A_115 = arith.constant 2 : index
    %get3A_116 = arith.constant 0 : index
    %get3A_117 = arith.constant 0 : index
    %get3A_118 = vector.load %arg1[%get3A_115, %get3A_116, %get3A_117] : memref<16x1000x128xf32, #tpu.memory_space<vmem>>, vector<1x1000x128xf32>
    %get3A_119 = vector.shape_cast %get3A_118 : vector<1x1000x128xf32> to vector<1000x128xf32>
    %slice3A_120 = vector.extract_strided_slice %get3A_119 {offsets = [0, 0], sizes = [1000, 64], strides = [1, 1]} : vector<1000x128xf32> to vector<1000x64xf32>
    %concatenate3A_121 = tpu.concatenate %slice3A_120, %slice3A_120 in 1 : vector<1000x64xf32>, vector<1000x64xf32> -> vector<1000x128xf32>
    %slice3A_122 = vector.extract_strided_slice %dot_general3A_114 {offsets = [0, 0], sizes = [1000, 128], strides = [1, 1]} : vector<1000x1024xf32> to vector<1000x128xf32>
    %mul3A_123 = arith.mulf %concatenate3A_121, %slice3A_122 : vector<1000x128xf32>
    %add3A_124 = arith.addf %add3A_86, %mul3A_123 : vector<1000x128xf32>
    %slice3A_125 = vector.extract_strided_slice %dot_general3A_114 {offsets = [0, 128], sizes = [1000, 128], strides = [1, 1]} : vector<1000x1024xf32> to vector<1000x128xf32>
    %mul3A_126 = arith.mulf %concatenate3A_121, %slice3A_125 : vector<1000x128xf32>
    %add3A_127 = arith.addf %add3A_89, %mul3A_126 : vector<1000x128xf32>
    %slice3A_128 = vector.extract_strided_slice %dot_general3A_114 {offsets = [0, 256], sizes = [1000, 128], strides = [1, 1]} : vector<1000x1024xf32> to vector<1000x128xf32>
    %mul3A_129 = arith.mulf %concatenate3A_121, %slice3A_128 : vector<1000x128xf32>
    %add3A_130 = arith.addf %add3A_92, %mul3A_129 : vector<1000x128xf32>
    %slice3A_131 = vector.extract_strided_slice %dot_general3A_114 {offsets = [0, 384], sizes = [1000, 128], strides = [1, 1]} : vector<1000x1024xf32> to vector<1000x128xf32>
    %mul3A_132 = arith.mulf %concatenate3A_121, %slice3A_131 : vector<1000x128xf32>
    %add3A_133 = arith.addf %add3A_95, %mul3A_132 : vector<1000x128xf32>
    %slice3A_134 = vector.extract_strided_slice %dot_general3A_114 {offsets = [0, 512], sizes = [1000, 128], strides = [1, 1]} : vector<1000x1024xf32> to vector<1000x128xf32>
    %mul3A_135 = arith.mulf %concatenate3A_121, %slice3A_134 : vector<1000x128xf32>
    %add3A_136 = arith.addf %add3A_98, %mul3A_135 : vector<1000x128xf32>
    %slice3A_137 = vector.extract_strided_slice %dot_general3A_114 {offsets = [0, 640], sizes = [1000, 128], strides = [1, 1]} : vector<1000x1024xf32> to vector<1000x128xf32>
    %mul3A_138 = arith.mulf %concatenate3A_121, %slice3A_137 : vector<1000x128xf32>
    %add3A_139 = arith.addf %add3A_101, %mul3A_138 : vector<1000x128xf32>
    %slice3A_140 = vector.extract_strided_slice %dot_general3A_114 {offsets = [0, 768], sizes = [1000, 128], strides = [1, 1]} : vector<1000x1024xf32> to vector<1000x128xf32>
    %mul3A_141 = arith.mulf %concatenate3A_121, %slice3A_140 : vector<1000x128xf32>
    %add3A_142 = arith.addf %add3A_104, %mul3A_141 : vector<1000x128xf32>
    %slice3A_143 = vector.extract_strided_slice %dot_general3A_114 {offsets = [0, 896], sizes = [1000, 128], strides = [1, 1]} : vector<1000x1024xf32> to vector<1000x128xf32>
    %mul3A_144 = arith.mulf %concatenate3A_121, %slice3A_143 : vector<1000x128xf32>
    %add3A_145 = arith.addf %add3A_107, %mul3A_144 : vector<1000x128xf32>
    %slice3A_146 = vector.extract_strided_slice %reshape3A_42 {offsets = [3, 0, 0], sizes = [1, 1000, 16], strides = [1, 1, 1]} : vector<16x1000x16xf32> to vector<1x1000x16xf32>
    %squeeze3A_147 = vector.shape_cast %slice3A_146 : vector<1x1000x16xf32> to vector<1000x16xf32>
    %get3A_148 = arith.constant 0 : index
    %get3A_149 = arith.constant 0 : index
    %get3A_150 = vector.load %arg11[%get3A_148, %get3A_149] : memref<16x1024xf32, #tpu.memory_space<vmem>>, vector<16x1024xf32>
    %dot_general3A_151 = arith.constant dense<0.000000e+00> : vector<1000x1024xf32>
    %dot_general3A_152 = tpu.matmul %squeeze3A_147, %get3A_150, %dot_general3A_151 {dimension_numbers = #tpu.dot_dimension_numbers<[1], [0], [0], [1], [0, 0, 1, 1], [], []>, transpose_lhs_hint = false} : vector<1000x16xf32>, vector<16x1024xf32>, vector<1000x1024xf32> -> vector<1000x1024xf32>
    %get3A_153 = arith.constant 3 : index
    %get3A_154 = arith.constant 0 : index
    %get3A_155 = arith.constant 0 : index
    %get3A_156 = vector.load %arg1[%get3A_153, %get3A_154, %get3A_155] : memref<16x1000x128xf32, #tpu.memory_space<vmem>>, vector<1x1000x128xf32>
    %get3A_157 = vector.shape_cast %get3A_156 : vector<1x1000x128xf32> to vector<1000x128xf32>
    %slice3A_158 = vector.extract_strided_slice %get3A_157 {offsets = [0, 0], sizes = [1000, 64], strides = [1, 1]} : vector<1000x128xf32> to vector<1000x64xf32>
    %concatenate3A_159 = tpu.concatenate %slice3A_158, %slice3A_158 in 1 : vector<1000x64xf32>, vector<1000x64xf32> -> vector<1000x128xf32>
    %slice3A_160 = vector.extract_strided_slice %dot_general3A_152 {offsets = [0, 0], sizes = [1000, 128], strides = [1, 1]} : vector<1000x1024xf32> to vector<1000x128xf32>
    %mul3A_161 = arith.mulf %concatenate3A_159, %slice3A_160 : vector<1000x128xf32>
    %add3A_162 = arith.addf %add3A_124, %mul3A_161 : vector<1000x128xf32>
    %slice3A_163 = vector.extract_strided_slice %dot_general3A_152 {offsets = [0, 128], sizes = [1000, 128], strides = [1, 1]} : vector<1000x1024xf32> to vector<1000x128xf32>
    %mul3A_164 = arith.mulf %concatenate3A_159, %slice3A_163 : vector<1000x128xf32>
    %add3A_165 = arith.addf %add3A_127, %mul3A_164 : vector<1000x128xf32>
    %slice3A_166 = vector.extract_strided_slice %dot_general3A_152 {offsets = [0, 256], sizes = [1000, 128], strides = [1, 1]} : vector<1000x1024xf32> to vector<1000x128xf32>
    %mul3A_167 = arith.mulf %concatenate3A_159, %slice3A_166 : vector<1000x128xf32>
    %add3A_168 = arith.addf %add3A_130, %mul3A_167 : vector<1000x128xf32>
    %slice3A_169 = vector.extract_strided_slice %dot_general3A_152 {offsets = [0, 384], sizes = [1000, 128], strides = [1, 1]} : vector<1000x1024xf32> to vector<1000x128xf32>
    %mul3A_170 = arith.mulf %concatenate3A_159, %slice3A_169 : vector<1000x128xf32>
    %add3A_171 = arith.addf %add3A_133, %mul3A_170 : vector<1000x128xf32>
    %slice3A_172 = vector.extract_strided_slice %dot_general3A_152 {offsets = [0, 512], sizes = [1000, 128], strides = [1, 1]} : vector<1000x1024xf32> to vector<1000x128xf32>
    %mul3A_173 = arith.mulf %concatenate3A_159, %slice3A_172 : vector<1000x128xf32>
    %add3A_174 = arith.addf %add3A_136, %mul3A_173 : vector<1000x128xf32>
    %slice3A_175 = vector.extract_strided_slice %dot_general3A_152 {offsets = [0, 640], sizes = [1000, 128], strides = [1, 1]} : vector<1000x1024xf32> to vector<1000x128xf32>
    %mul3A_176 = arith.mulf %concatenate3A_159, %slice3A_175 : vector<1000x128xf32>
    %add3A_177 = arith.addf %add3A_139, %mul3A_176 : vector<1000x128xf32>
    %slice3A_178 = vector.extract_strided_slice %dot_general3A_152 {offsets = [0, 768], sizes = [1000, 128], strides = [1, 1]} : vector<1000x1024xf32> to vector<1000x128xf32>
    %mul3A_179 = arith.mulf %concatenate3A_159, %slice3A_178 : vector<1000x128xf32>
    %add3A_180 = arith.addf %add3A_142, %mul3A_179 : vector<1000x128xf32>
    %slice3A_181 = vector.extract_strided_slice %dot_general3A_152 {offsets = [0, 896], sizes = [1000, 128], strides = [1, 1]} : vector<1000x1024xf32> to vector<1000x128xf32>
    %mul3A_182 = arith.mulf %concatenate3A_159, %slice3A_181 : vector<1000x128xf32>
    %add3A_183 = arith.addf %add3A_145, %mul3A_182 : vector<1000x128xf32>
    %slice3A_184 = vector.extract_strided_slice %reshape3A_42 {offsets = [4, 0, 0], sizes = [1, 1000, 16], strides = [1, 1, 1]} : vector<16x1000x16xf32> to vector<1x1000x16xf32>
    %squeeze3A_185 = vector.shape_cast %slice3A_184 : vector<1x1000x16xf32> to vector<1000x16xf32>
    %get3A_186 = arith.constant 0 : index
    %get3A_187 = arith.constant 0 : index
    %get3A_188 = vector.load %arg11[%get3A_186, %get3A_187] : memref<16x1024xf32, #tpu.memory_space<vmem>>, vector<16x1024xf32>
    %dot_general3A_189 = arith.constant dense<0.000000e+00> : vector<1000x1024xf32>
    %dot_general3A_190 = tpu.matmul %squeeze3A_185, %get3A_188, %dot_general3A_189 {dimension_numbers = #tpu.dot_dimension_numbers<[1], [0], [0], [1], [0, 0, 1, 1], [], []>, transpose_lhs_hint = false} : vector<1000x16xf32>, vector<16x1024xf32>, vector<1000x1024xf32> -> vector<1000x1024xf32>
    %get3A_191 = arith.constant 4 : index
    %get3A_192 = arith.constant 0 : index
    %get3A_193 = arith.constant 0 : index
    %get3A_194 = vector.load %arg1[%get3A_191, %get3A_192, %get3A_193] : memref<16x1000x128xf32, #tpu.memory_space<vmem>>, vector<1x1000x128xf32>
    %get3A_195 = vector.shape_cast %get3A_194 : vector<1x1000x128xf32> to vector<1000x128xf32>
    %slice3A_196 = vector.extract_strided_slice %get3A_195 {offsets = [0, 0], sizes = [1000, 64], strides = [1, 1]} : vector<1000x128xf32> to vector<1000x64xf32>
    %concatenate3A_197 = tpu.concatenate %slice3A_196, %slice3A_196 in 1 : vector<1000x64xf32>, vector<1000x64xf32> -> vector<1000x128xf32>
    %slice3A_198 = vector.extract_strided_slice %dot_general3A_190 {offsets = [0, 0], sizes = [1000, 128], strides = [1, 1]} : vector<1000x1024xf32> to vector<1000x128xf32>
    %mul3A_199 = arith.mulf %concatenate3A_197, %slice3A_198 : vector<1000x128xf32>
    %add3A_200 = arith.addf %add3A_162, %mul3A_199 : vector<1000x128xf32>
    %slice3A_201 = vector.extract_strided_slice %dot_general3A_190 {offsets = [0, 128], sizes = [1000, 128], strides = [1, 1]} : vector<1000x1024xf32> to vector<1000x128xf32>
    %mul3A_202 = arith.mulf %concatenate3A_197, %slice3A_201 : vector<1000x128xf32>
    %add3A_203 = arith.addf %add3A_165, %mul3A_202 : vector<1000x128xf32>
    %slice3A_204 = vector.extract_strided_slice %dot_general3A_190 {offsets = [0, 256], sizes = [1000, 128], strides = [1, 1]} : vector<1000x1024xf32> to vector<1000x128xf32>
    %mul3A_205 = arith.mulf %concatenate3A_197, %slice3A_204 : vector<1000x128xf32>
    %add3A_206 = arith.addf %add3A_168, %mul3A_205 : vector<1000x128xf32>
    %slice3A_207 = vector.extract_strided_slice %dot_general3A_190 {offsets = [0, 384], sizes = [1000, 128], strides = [1, 1]} : vector<1000x1024xf32> to vector<1000x128xf32>
    %mul3A_208 = arith.mulf %concatenate3A_197, %slice3A_207 : vector<1000x128xf32>
    %add3A_209 = arith.addf %add3A_171, %mul3A_208 : vector<1000x128xf32>
    %slice3A_210 = vector.extract_strided_slice %dot_general3A_190 {offsets = [0, 512], sizes = [1000, 128], strides = [1, 1]} : vector<1000x1024xf32> to vector<1000x128xf32>
    %mul3A_211 = arith.mulf %concatenate3A_197, %slice3A_210 : vector<1000x128xf32>
    %add3A_212 = arith.addf %add3A_174, %mul3A_211 : vector<1000x128xf32>
    %slice3A_213 = vector.extract_strided_slice %dot_general3A_190 {offsets = [0, 640], sizes = [1000, 128], strides = [1, 1]} : vector<1000x1024xf32> to vector<1000x128xf32>
    %mul3A_214 = arith.mulf %concatenate3A_197, %slice3A_213 : vector<1000x128xf32>
    %add3A_215 = arith.addf %add3A_177, %mul3A_214 : vector<1000x128xf32>
    %slice3A_216 = vector.extract_strided_slice %dot_general3A_190 {offsets = [0, 768], sizes = [1000, 128], strides = [1, 1]} : vector<1000x1024xf32> to vector<1000x128xf32>
    %mul3A_217 = arith.mulf %concatenate3A_197, %slice3A_216 : vector<1000x128xf32>
    %add3A_218 = arith.addf %add3A_180, %mul3A_217 : vector<1000x128xf32>
    %slice3A_219 = vector.extract_strided_slice %dot_general3A_190 {offsets = [0, 896], sizes = [1000, 128], strides = [1, 1]} : vector<1000x1024xf32> to vector<1000x128xf32>
    %mul3A_220 = arith.mulf %concatenate3A_197, %slice3A_219 : vector<1000x128xf32>
    %add3A_221 = arith.addf %add3A_183, %mul3A_220 : vector<1000x128xf32>
    %slice3A_222 = vector.extract_strided_slice %reshape3A_42 {offsets = [5, 0, 0], sizes = [1, 1000, 16], strides = [1, 1, 1]} : vector<16x1000x16xf32> to vector<1x1000x16xf32>
    %squeeze3A_223 = vector.shape_cast %slice3A_222 : vector<1x1000x16xf32> to vector<1000x16xf32>
    %get3A_224 = arith.constant 0 : index
    %get3A_225 = arith.constant 0 : index
    %get3A_226 = vector.load %arg11[%get3A_224, %get3A_225] : memref<16x1024xf32, #tpu.memory_space<vmem>>, vector<16x1024xf32>
    %dot_general3A_227 = arith.constant dense<0.000000e+00> : vector<1000x1024xf32>
    %dot_general3A_228 = tpu.matmul %squeeze3A_223, %get3A_226, %dot_general3A_227 {dimension_numbers = #tpu.dot_dimension_numbers<[1], [0], [0], [1], [0, 0, 1, 1], [], []>, transpose_lhs_hint = false} : vector<1000x16xf32>, vector<16x1024xf32>, vector<1000x1024xf32> -> vector<1000x1024xf32>
    %get3A_229 = arith.constant 5 : index
    %get3A_230 = arith.constant 0 : index
    %get3A_231 = arith.constant 0 : index
    %get3A_232 = vector.load %arg1[%get3A_229, %get3A_230, %get3A_231] : memref<16x1000x128xf32, #tpu.memory_space<vmem>>, vector<1x1000x128xf32>
    %get3A_233 = vector.shape_cast %get3A_232 : vector<1x1000x128xf32> to vector<1000x128xf32>
    %slice3A_234 = vector.extract_strided_slice %get3A_233 {offsets = [0, 0], sizes = [1000, 64], strides = [1, 1]} : vector<1000x128xf32> to vector<1000x64xf32>
    %concatenate3A_235 = tpu.concatenate %slice3A_234, %slice3A_234 in 1 : vector<1000x64xf32>, vector<1000x64xf32> -> vector<1000x128xf32>
    %slice3A_236 = vector.extract_strided_slice %dot_general3A_228 {offsets = [0, 0], sizes = [1000, 128], strides = [1, 1]} : vector<1000x1024xf32> to vector<1000x128xf32>
    %mul3A_237 = arith.mulf %concatenate3A_235, %slice3A_236 : vector<1000x128xf32>
    %add3A_238 = arith.addf %add3A_200, %mul3A_237 : vector<1000x128xf32>
    %slice3A_239 = vector.extract_strided_slice %dot_general3A_228 {offsets = [0, 128], sizes = [1000, 128], strides = [1, 1]} : vector<1000x1024xf32> to vector<1000x128xf32>
    %mul3A_240 = arith.mulf %concatenate3A_235, %slice3A_239 : vector<1000x128xf32>
    %add3A_241 = arith.addf %add3A_203, %mul3A_240 : vector<1000x128xf32>
    %slice3A_242 = vector.extract_strided_slice %dot_general3A_228 {offsets = [0, 256], sizes = [1000, 128], strides = [1, 1]} : vector<1000x1024xf32> to vector<1000x128xf32>
    %mul3A_243 = arith.mulf %concatenate3A_235, %slice3A_242 : vector<1000x128xf32>
    %add3A_244 = arith.addf %add3A_206, %mul3A_243 : vector<1000x128xf32>
    %slice3A_245 = vector.extract_strided_slice %dot_general3A_228 {offsets = [0, 384], sizes = [1000, 128], strides = [1, 1]} : vector<1000x1024xf32> to vector<1000x128xf32>
    %mul3A_246 = arith.mulf %concatenate3A_235, %slice3A_245 : vector<1000x128xf32>
    %add3A_247 = arith.addf %add3A_209, %mul3A_246 : vector<1000x128xf32>
    %slice3A_248 = vector.extract_strided_slice %dot_general3A_228 {offsets = [0, 512], sizes = [1000, 128], strides = [1, 1]} : vector<1000x1024xf32> to vector<1000x128xf32>
    %mul3A_249 = arith.mulf %concatenate3A_235, %slice3A_248 : vector<1000x128xf32>
    %add3A_250 = arith.addf %add3A_212, %mul3A_249 : vector<1000x128xf32>
    %slice3A_251 = vector.extract_strided_slice %dot_general3A_228 {offsets = [0, 640], sizes = [1000, 128], strides = [1, 1]} : vector<1000x1024xf32> to vector<1000x128xf32>
    %mul3A_252 = arith.mulf %concatenate3A_235, %slice3A_251 : vector<1000x128xf32>
    %add3A_253 = arith.addf %add3A_215, %mul3A_252 : vector<1000x128xf32>
    %slice3A_254 = vector.extract_strided_slice %dot_general3A_228 {offsets = [0, 768], sizes = [1000, 128], strides = [1, 1]} : vector<1000x1024xf32> to vector<1000x128xf32>
    %mul3A_255 = arith.mulf %concatenate3A_235, %slice3A_254 : vector<1000x128xf32>
    %add3A_256 = arith.addf %add3A_218, %mul3A_255 : vector<1000x128xf32>
    %slice3A_257 = vector.extract_strided_slice %dot_general3A_228 {offsets = [0, 896], sizes = [1000, 128], strides = [1, 1]} : vector<1000x1024xf32> to vector<1000x128xf32>
    %mul3A_258 = arith.mulf %concatenate3A_235, %slice3A_257 : vector<1000x128xf32>
    %add3A_259 = arith.addf %add3A_221, %mul3A_258 : vector<1000x128xf32>
    %slice3A_260 = vector.extract_strided_slice %reshape3A_42 {offsets = [6, 0, 0], sizes = [1, 1000, 16], strides = [1, 1, 1]} : vector<16x1000x16xf32> to vector<1x1000x16xf32>
    %squeeze3A_261 = vector.shape_cast %slice3A_260 : vector<1x1000x16xf32> to vector<1000x16xf32>
    %get3A_262 = arith.constant 0 : index
    %get3A_263 = arith.constant 0 : index
    %get3A_264 = vector.load %arg11[%get3A_262, %get3A_263] : memref<16x1024xf32, #tpu.memory_space<vmem>>, vector<16x1024xf32>
    %dot_general3A_265 = arith.constant dense<0.000000e+00> : vector<1000x1024xf32>
    %dot_general3A_266 = tpu.matmul %squeeze3A_261, %get3A_264, %dot_general3A_265 {dimension_numbers = #tpu.dot_dimension_numbers<[1], [0], [0], [1], [0, 0, 1, 1], [], []>, transpose_lhs_hint = false} : vector<1000x16xf32>, vector<16x1024xf32>, vector<1000x1024xf32> -> vector<1000x1024xf32>
    %get3A_267 = arith.constant 6 : index
    %get3A_268 = arith.constant 0 : index
    %get3A_269 = arith.constant 0 : index
    %get3A_270 = vector.load %arg1[%get3A_267, %get3A_268, %get3A_269] : memref<16x1000x128xf32, #tpu.memory_space<vmem>>, vector<1x1000x128xf32>
    %get3A_271 = vector.shape_cast %get3A_270 : vector<1x1000x128xf32> to vector<1000x128xf32>
    %slice3A_272 = vector.extract_strided_slice %get3A_271 {offsets = [0, 0], sizes = [1000, 64], strides = [1, 1]} : vector<1000x128xf32> to vector<1000x64xf32>
    %concatenate3A_273 = tpu.concatenate %slice3A_272, %slice3A_272 in 1 : vector<1000x64xf32>, vector<1000x64xf32> -> vector<1000x128xf32>
    %slice3A_274 = vector.extract_strided_slice %dot_general3A_266 {offsets = [0, 0], sizes = [1000, 128], strides = [1, 1]} : vector<1000x1024xf32> to vector<1000x128xf32>
    %mul3A_275 = arith.mulf %concatenate3A_273, %slice3A_274 : vector<1000x128xf32>
    %add3A_276 = arith.addf %add3A_238, %mul3A_275 : vector<1000x128xf32>
    %slice3A_277 = vector.extract_strided_slice %dot_general3A_266 {offsets = [0, 128], sizes = [1000, 128], strides = [1, 1]} : vector<1000x1024xf32> to vector<1000x128xf32>
    %mul3A_278 = arith.mulf %concatenate3A_273, %slice3A_277 : vector<1000x128xf32>
    %add3A_279 = arith.addf %add3A_241, %mul3A_278 : vector<1000x128xf32>
    %slice3A_280 = vector.extract_strided_slice %dot_general3A_266 {offsets = [0, 256], sizes = [1000, 128], strides = [1, 1]} : vector<1000x1024xf32> to vector<1000x128xf32>
    %mul3A_281 = arith.mulf %concatenate3A_273, %slice3A_280 : vector<1000x128xf32>
    %add3A_282 = arith.addf %add3A_244, %mul3A_281 : vector<1000x128xf32>
    %slice3A_283 = vector.extract_strided_slice %dot_general3A_266 {offsets = [0, 384], sizes = [1000, 128], strides = [1, 1]} : vector<1000x1024xf32> to vector<1000x128xf32>
    %mul3A_284 = arith.mulf %concatenate3A_273, %slice3A_283 : vector<1000x128xf32>
    %add3A_285 = arith.addf %add3A_247, %mul3A_284 : vector<1000x128xf32>
    %slice3A_286 = vector.extract_strided_slice %dot_general3A_266 {offsets = [0, 512], sizes = [1000, 128], strides = [1, 1]} : vector<1000x1024xf32> to vector<1000x128xf32>
    %mul3A_287 = arith.mulf %concatenate3A_273, %slice3A_286 : vector<1000x128xf32>
    %add3A_288 = arith.addf %add3A_250, %mul3A_287 : vector<1000x128xf32>
    %slice3A_289 = vector.extract_strided_slice %dot_general3A_266 {offsets = [0, 640], sizes = [1000, 128], strides = [1, 1]} : vector<1000x1024xf32> to vector<1000x128xf32>
    %mul3A_290 = arith.mulf %concatenate3A_273, %slice3A_289 : vector<1000x128xf32>
    %add3A_291 = arith.addf %add3A_253, %mul3A_290 : vector<1000x128xf32>
    %slice3A_292 = vector.extract_strided_slice %dot_general3A_266 {offsets = [0, 768], sizes = [1000, 128], strides = [1, 1]} : vector<1000x1024xf32> to vector<1000x128xf32>
    %mul3A_293 = arith.mulf %concatenate3A_273, %slice3A_292 : vector<1000x128xf32>
    %add3A_294 = arith.addf %add3A_256, %mul3A_293 : vector<1000x128xf32>
    %slice3A_295 = vector.extract_strided_slice %dot_general3A_266 {offsets = [0, 896], sizes = [1000, 128], strides = [1, 1]} : vector<1000x1024xf32> to vector<1000x128xf32>
    %mul3A_296 = arith.mulf %concatenate3A_273, %slice3A_295 : vector<1000x128xf32>
    %add3A_297 = arith.addf %add3A_259, %mul3A_296 : vector<1000x128xf32>
    %slice3A_298 = vector.extract_strided_slice %reshape3A_42 {offsets = [7, 0, 0], sizes = [1, 1000, 16], strides = [1, 1, 1]} : vector<16x1000x16xf32> to vector<1x1000x16xf32>
    %squeeze3A_299 = vector.shape_cast %slice3A_298 : vector<1x1000x16xf32> to vector<1000x16xf32>
    %get3A_300 = arith.constant 0 : index
    %get3A_301 = arith.constant 0 : index
    %get3A_302 = vector.load %arg11[%get3A_300, %get3A_301] : memref<16x1024xf32, #tpu.memory_space<vmem>>, vector<16x1024xf32>
    %dot_general3A_303 = arith.constant dense<0.000000e+00> : vector<1000x1024xf32>
    %dot_general3A_304 = tpu.matmul %squeeze3A_299, %get3A_302, %dot_general3A_303 {dimension_numbers = #tpu.dot_dimension_numbers<[1], [0], [0], [1], [0, 0, 1, 1], [], []>, transpose_lhs_hint = false} : vector<1000x16xf32>, vector<16x1024xf32>, vector<1000x1024xf32> -> vector<1000x1024xf32>
    %get3A_305 = arith.constant 7 : index
    %get3A_306 = arith.constant 0 : index
    %get3A_307 = arith.constant 0 : index
    %get3A_308 = vector.load %arg1[%get3A_305, %get3A_306, %get3A_307] : memref<16x1000x128xf32, #tpu.memory_space<vmem>>, vector<1x1000x128xf32>
    %get3A_309 = vector.shape_cast %get3A_308 : vector<1x1000x128xf32> to vector<1000x128xf32>
    %slice3A_310 = vector.extract_strided_slice %get3A_309 {offsets = [0, 0], sizes = [1000, 64], strides = [1, 1]} : vector<1000x128xf32> to vector<1000x64xf32>
    %concatenate3A_311 = tpu.concatenate %slice3A_310, %slice3A_310 in 1 : vector<1000x64xf32>, vector<1000x64xf32> -> vector<1000x128xf32>
    %slice3A_312 = vector.extract_strided_slice %dot_general3A_304 {offsets = [0, 0], sizes = [1000, 128], strides = [1, 1]} : vector<1000x1024xf32> to vector<1000x128xf32>
    %mul3A_313 = arith.mulf %concatenate3A_311, %slice3A_312 : vector<1000x128xf32>
    %add3A_314 = arith.addf %add3A_276, %mul3A_313 : vector<1000x128xf32>
    %slice3A_315 = vector.extract_strided_slice %dot_general3A_304 {offsets = [0, 128], sizes = [1000, 128], strides = [1, 1]} : vector<1000x1024xf32> to vector<1000x128xf32>
    %mul3A_316 = arith.mulf %concatenate3A_311, %slice3A_315 : vector<1000x128xf32>
    %add3A_317 = arith.addf %add3A_279, %mul3A_316 : vector<1000x128xf32>
    %slice3A_318 = vector.extract_strided_slice %dot_general3A_304 {offsets = [0, 256], sizes = [1000, 128], strides = [1, 1]} : vector<1000x1024xf32> to vector<1000x128xf32>
    %mul3A_319 = arith.mulf %concatenate3A_311, %slice3A_318 : vector<1000x128xf32>
    %add3A_320 = arith.addf %add3A_282, %mul3A_319 : vector<1000x128xf32>
    %slice3A_321 = vector.extract_strided_slice %dot_general3A_304 {offsets = [0, 384], sizes = [1000, 128], strides = [1, 1]} : vector<1000x1024xf32> to vector<1000x128xf32>
    %mul3A_322 = arith.mulf %concatenate3A_311, %slice3A_321 : vector<1000x128xf32>
    %add3A_323 = arith.addf %add3A_285, %mul3A_322 : vector<1000x128xf32>
    %slice3A_324 = vector.extract_strided_slice %dot_general3A_304 {offsets = [0, 512], sizes = [1000, 128], strides = [1, 1]} : vector<1000x1024xf32> to vector<1000x128xf32>
    %mul3A_325 = arith.mulf %concatenate3A_311, %slice3A_324 : vector<1000x128xf32>
    %add3A_326 = arith.addf %add3A_288, %mul3A_325 : vector<1000x128xf32>
    %slice3A_327 = vector.extract_strided_slice %dot_general3A_304 {offsets = [0, 640], sizes = [1000, 128], strides = [1, 1]} : vector<1000x1024xf32> to vector<1000x128xf32>
    %mul3A_328 = arith.mulf %concatenate3A_311, %slice3A_327 : vector<1000x128xf32>
    %add3A_329 = arith.addf %add3A_291, %mul3A_328 : vector<1000x128xf32>
    %slice3A_330 = vector.extract_strided_slice %dot_general3A_304 {offsets = [0, 768], sizes = [1000, 128], strides = [1, 1]} : vector<1000x1024xf32> to vector<1000x128xf32>
    %mul3A_331 = arith.mulf %concatenate3A_311, %slice3A_330 : vector<1000x128xf32>
    %add3A_332 = arith.addf %add3A_294, %mul3A_331 : vector<1000x128xf32>
    %slice3A_333 = vector.extract_strided_slice %dot_general3A_304 {offsets = [0, 896], sizes = [1000, 128], strides = [1, 1]} : vector<1000x1024xf32> to vector<1000x128xf32>
    %mul3A_334 = arith.mulf %concatenate3A_311, %slice3A_333 : vector<1000x128xf32>
    %add3A_335 = arith.addf %add3A_297, %mul3A_334 : vector<1000x128xf32>
    %slice3A_336 = vector.extract_strided_slice %reshape3A_42 {offsets = [8, 0, 0], sizes = [1, 1000, 16], strides = [1, 1, 1]} : vector<16x1000x16xf32> to vector<1x1000x16xf32>
    %squeeze3A_337 = vector.shape_cast %slice3A_336 : vector<1x1000x16xf32> to vector<1000x16xf32>
    %get3A_338 = arith.constant 0 : index
    %get3A_339 = arith.constant 0 : index
    %get3A_340 = vector.load %arg11[%get3A_338, %get3A_339] : memref<16x1024xf32, #tpu.memory_space<vmem>>, vector<16x1024xf32>
    %dot_general3A_341 = arith.constant dense<0.000000e+00> : vector<1000x1024xf32>
    %dot_general3A_342 = tpu.matmul %squeeze3A_337, %get3A_340, %dot_general3A_341 {dimension_numbers = #tpu.dot_dimension_numbers<[1], [0], [0], [1], [0, 0, 1, 1], [], []>, transpose_lhs_hint = false} : vector<1000x16xf32>, vector<16x1024xf32>, vector<1000x1024xf32> -> vector<1000x1024xf32>
    %get3A_343 = arith.constant 8 : index
    %get3A_344 = arith.constant 0 : index
    %get3A_345 = arith.constant 0 : index
    %get3A_346 = vector.load %arg1[%get3A_343, %get3A_344, %get3A_345] : memref<16x1000x128xf32, #tpu.memory_space<vmem>>, vector<1x1000x128xf32>
    %get3A_347 = vector.shape_cast %get3A_346 : vector<1x1000x128xf32> to vector<1000x128xf32>
    %slice3A_348 = vector.extract_strided_slice %get3A_347 {offsets = [0, 0], sizes = [1000, 64], strides = [1, 1]} : vector<1000x128xf32> to vector<1000x64xf32>
    %concatenate3A_349 = tpu.concatenate %slice3A_348, %slice3A_348 in 1 : vector<1000x64xf32>, vector<1000x64xf32> -> vector<1000x128xf32>
    %slice3A_350 = vector.extract_strided_slice %dot_general3A_342 {offsets = [0, 0], sizes = [1000, 128], strides = [1, 1]} : vector<1000x1024xf32> to vector<1000x128xf32>
    %mul3A_351 = arith.mulf %concatenate3A_349, %slice3A_350 : vector<1000x128xf32>
    %add3A_352 = arith.addf %add3A_314, %mul3A_351 : vector<1000x128xf32>
    %slice3A_353 = vector.extract_strided_slice %dot_general3A_342 {offsets = [0, 128], sizes = [1000, 128], strides = [1, 1]} : vector<1000x1024xf32> to vector<1000x128xf32>
    %mul3A_354 = arith.mulf %concatenate3A_349, %slice3A_353 : vector<1000x128xf32>
    %add3A_355 = arith.addf %add3A_317, %mul3A_354 : vector<1000x128xf32>
    %slice3A_356 = vector.extract_strided_slice %dot_general3A_342 {offsets = [0, 256], sizes = [1000, 128], strides = [1, 1]} : vector<1000x1024xf32> to vector<1000x128xf32>
    %mul3A_357 = arith.mulf %concatenate3A_349, %slice3A_356 : vector<1000x128xf32>
    %add3A_358 = arith.addf %add3A_320, %mul3A_357 : vector<1000x128xf32>
    %slice3A_359 = vector.extract_strided_slice %dot_general3A_342 {offsets = [0, 384], sizes = [1000, 128], strides = [1, 1]} : vector<1000x1024xf32> to vector<1000x128xf32>
    %mul3A_360 = arith.mulf %concatenate3A_349, %slice3A_359 : vector<1000x128xf32>
    %add3A_361 = arith.addf %add3A_323, %mul3A_360 : vector<1000x128xf32>
    %slice3A_362 = vector.extract_strided_slice %dot_general3A_342 {offsets = [0, 512], sizes = [1000, 128], strides = [1, 1]} : vector<1000x1024xf32> to vector<1000x128xf32>
    %mul3A_363 = arith.mulf %concatenate3A_349, %slice3A_362 : vector<1000x128xf32>
    %add3A_364 = arith.addf %add3A_326, %mul3A_363 : vector<1000x128xf32>
    %slice3A_365 = vector.extract_strided_slice %dot_general3A_342 {offsets = [0, 640], sizes = [1000, 128], strides = [1, 1]} : vector<1000x1024xf32> to vector<1000x128xf32>
    %mul3A_366 = arith.mulf %concatenate3A_349, %slice3A_365 : vector<1000x128xf32>
    %add3A_367 = arith.addf %add3A_329, %mul3A_366 : vector<1000x128xf32>
    %slice3A_368 = vector.extract_strided_slice %dot_general3A_342 {offsets = [0, 768], sizes = [1000, 128], strides = [1, 1]} : vector<1000x1024xf32> to vector<1000x128xf32>
    %mul3A_369 = arith.mulf %concatenate3A_349, %slice3A_368 : vector<1000x128xf32>
    %add3A_370 = arith.addf %add3A_332, %mul3A_369 : vector<1000x128xf32>
    %slice3A_371 = vector.extract_strided_slice %dot_general3A_342 {offsets = [0, 896], sizes = [1000, 128], strides = [1, 1]} : vector<1000x1024xf32> to vector<1000x128xf32>
    %mul3A_372 = arith.mulf %concatenate3A_349, %slice3A_371 : vector<1000x128xf32>
    %add3A_373 = arith.addf %add3A_335, %mul3A_372 : vector<1000x128xf32>
    %slice3A_374 = vector.extract_strided_slice %reshape3A_42 {offsets = [9, 0, 0], sizes = [1, 1000, 16], strides = [1, 1, 1]} : vector<16x1000x16xf32> to vector<1x1000x16xf32>
    %squeeze3A_375 = vector.shape_cast %slice3A_374 : vector<1x1000x16xf32> to vector<1000x16xf32>
    %get3A_376 = arith.constant 0 : index
    %get3A_377 = arith.constant 0 : index
    %get3A_378 = vector.load %arg11[%get3A_376, %get3A_377] : memref<16x1024xf32, #tpu.memory_space<vmem>>, vector<16x1024xf32>
    %dot_general3A_379 = arith.constant dense<0.000000e+00> : vector<1000x1024xf32>
    %dot_general3A_380 = tpu.matmul %squeeze3A_375, %get3A_378, %dot_general3A_379 {dimension_numbers = #tpu.dot_dimension_numbers<[1], [0], [0], [1], [0, 0, 1, 1], [], []>, transpose_lhs_hint = false} : vector<1000x16xf32>, vector<16x1024xf32>, vector<1000x1024xf32> -> vector<1000x1024xf32>
    %get3A_381 = arith.constant 9 : index
    %get3A_382 = arith.constant 0 : index
    %get3A_383 = arith.constant 0 : index
    %get3A_384 = vector.load %arg1[%get3A_381, %get3A_382, %get3A_383] : memref<16x1000x128xf32, #tpu.memory_space<vmem>>, vector<1x1000x128xf32>
    %get3A_385 = vector.shape_cast %get3A_384 : vector<1x1000x128xf32> to vector<1000x128xf32>
    %slice3A_386 = vector.extract_strided_slice %get3A_385 {offsets = [0, 0], sizes = [1000, 64], strides = [1, 1]} : vector<1000x128xf32> to vector<1000x64xf32>
    %concatenate3A_387 = tpu.concatenate %slice3A_386, %slice3A_386 in 1 : vector<1000x64xf32>, vector<1000x64xf32> -> vector<1000x128xf32>
    %slice3A_388 = vector.extract_strided_slice %dot_general3A_380 {offsets = [0, 0], sizes = [1000, 128], strides = [1, 1]} : vector<1000x1024xf32> to vector<1000x128xf32>
    %mul3A_389 = arith.mulf %concatenate3A_387, %slice3A_388 : vector<1000x128xf32>
    %add3A_390 = arith.addf %add3A_352, %mul3A_389 : vector<1000x128xf32>
    %slice3A_391 = vector.extract_strided_slice %dot_general3A_380 {offsets = [0, 128], sizes = [1000, 128], strides = [1, 1]} : vector<1000x1024xf32> to vector<1000x128xf32>
    %mul3A_392 = arith.mulf %concatenate3A_387, %slice3A_391 : vector<1000x128xf32>
    %add3A_393 = arith.addf %add3A_355, %mul3A_392 : vector<1000x128xf32>
    %slice3A_394 = vector.extract_strided_slice %dot_general3A_380 {offsets = [0, 256], sizes = [1000, 128], strides = [1, 1]} : vector<1000x1024xf32> to vector<1000x128xf32>
    %mul3A_395 = arith.mulf %concatenate3A_387, %slice3A_394 : vector<1000x128xf32>
    %add3A_396 = arith.addf %add3A_358, %mul3A_395 : vector<1000x128xf32>
    %slice3A_397 = vector.extract_strided_slice %dot_general3A_380 {offsets = [0, 384], sizes = [1000, 128], strides = [1, 1]} : vector<1000x1024xf32> to vector<1000x128xf32>
    %mul3A_398 = arith.mulf %concatenate3A_387, %slice3A_397 : vector<1000x128xf32>
    %add3A_399 = arith.addf %add3A_361, %mul3A_398 : vector<1000x128xf32>
    %slice3A_400 = vector.extract_strided_slice %dot_general3A_380 {offsets = [0, 512], sizes = [1000, 128], strides = [1, 1]} : vector<1000x1024xf32> to vector<1000x128xf32>
    %mul3A_401 = arith.mulf %concatenate3A_387, %slice3A_400 : vector<1000x128xf32>
    %add3A_402 = arith.addf %add3A_364, %mul3A_401 : vector<1000x128xf32>
    %slice3A_403 = vector.extract_strided_slice %dot_general3A_380 {offsets = [0, 640], sizes = [1000, 128], strides = [1, 1]} : vector<1000x1024xf32> to vector<1000x128xf32>
    %mul3A_404 = arith.mulf %concatenate3A_387, %slice3A_403 : vector<1000x128xf32>
    %add3A_405 = arith.addf %add3A_367, %mul3A_404 : vector<1000x128xf32>
    %slice3A_406 = vector.extract_strided_slice %dot_general3A_380 {offsets = [0, 768], sizes = [1000, 128], strides = [1, 1]} : vector<1000x1024xf32> to vector<1000x128xf32>
    %mul3A_407 = arith.mulf %concatenate3A_387, %slice3A_406 : vector<1000x128xf32>
    %add3A_408 = arith.addf %add3A_370, %mul3A_407 : vector<1000x128xf32>
    %slice3A_409 = vector.extract_strided_slice %dot_general3A_380 {offsets = [0, 896], sizes = [1000, 128], strides = [1, 1]} : vector<1000x1024xf32> to vector<1000x128xf32>
    %mul3A_410 = arith.mulf %concatenate3A_387, %slice3A_409 : vector<1000x128xf32>
    %add3A_411 = arith.addf %add3A_373, %mul3A_410 : vector<1000x128xf32>
    %slice3A_412 = vector.extract_strided_slice %reshape3A_42 {offsets = [10, 0, 0], sizes = [1, 1000, 16], strides = [1, 1, 1]} : vector<16x1000x16xf32> to vector<1x1000x16xf32>
    %squeeze3A_413 = vector.shape_cast %slice3A_412 : vector<1x1000x16xf32> to vector<1000x16xf32>
    %get3A_414 = arith.constant 0 : index
    %get3A_415 = arith.constant 0 : index
    %get3A_416 = vector.load %arg11[%get3A_414, %get3A_415] : memref<16x1024xf32, #tpu.memory_space<vmem>>, vector<16x1024xf32>
    %dot_general3A_417 = arith.constant dense<0.000000e+00> : vector<1000x1024xf32>
    %dot_general3A_418 = tpu.matmul %squeeze3A_413, %get3A_416, %dot_general3A_417 {dimension_numbers = #tpu.dot_dimension_numbers<[1], [0], [0], [1], [0, 0, 1, 1], [], []>, transpose_lhs_hint = false} : vector<1000x16xf32>, vector<16x1024xf32>, vector<1000x1024xf32> -> vector<1000x1024xf32>
    %get3A_419 = arith.constant 10 : index
    %get3A_420 = arith.constant 0 : index
    %get3A_421 = arith.constant 0 : index
    %get3A_422 = vector.load %arg1[%get3A_419, %get3A_420, %get3A_421] : memref<16x1000x128xf32, #tpu.memory_space<vmem>>, vector<1x1000x128xf32>
    %get3A_423 = vector.shape_cast %get3A_422 : vector<1x1000x128xf32> to vector<1000x128xf32>
    %slice3A_424 = vector.extract_strided_slice %get3A_423 {offsets = [0, 0], sizes = [1000, 64], strides = [1, 1]} : vector<1000x128xf32> to vector<1000x64xf32>
    %concatenate3A_425 = tpu.concatenate %slice3A_424, %slice3A_424 in 1 : vector<1000x64xf32>, vector<1000x64xf32> -> vector<1000x128xf32>
    %slice3A_426 = vector.extract_strided_slice %dot_general3A_418 {offsets = [0, 0], sizes = [1000, 128], strides = [1, 1]} : vector<1000x1024xf32> to vector<1000x128xf32>
    %mul3A_427 = arith.mulf %concatenate3A_425, %slice3A_426 : vector<1000x128xf32>
    %add3A_428 = arith.addf %add3A_390, %mul3A_427 : vector<1000x128xf32>
    %slice3A_429 = vector.extract_strided_slice %dot_general3A_418 {offsets = [0, 128], sizes = [1000, 128], strides = [1, 1]} : vector<1000x1024xf32> to vector<1000x128xf32>
    %mul3A_430 = arith.mulf %concatenate3A_425, %slice3A_429 : vector<1000x128xf32>
    %add3A_431 = arith.addf %add3A_393, %mul3A_430 : vector<1000x128xf32>
    %slice3A_432 = vector.extract_strided_slice %dot_general3A_418 {offsets = [0, 256], sizes = [1000, 128], strides = [1, 1]} : vector<1000x1024xf32> to vector<1000x128xf32>
    %mul3A_433 = arith.mulf %concatenate3A_425, %slice3A_432 : vector<1000x128xf32>
    %add3A_434 = arith.addf %add3A_396, %mul3A_433 : vector<1000x128xf32>
    %slice3A_435 = vector.extract_strided_slice %dot_general3A_418 {offsets = [0, 384], sizes = [1000, 128], strides = [1, 1]} : vector<1000x1024xf32> to vector<1000x128xf32>
    %mul3A_436 = arith.mulf %concatenate3A_425, %slice3A_435 : vector<1000x128xf32>
    %add3A_437 = arith.addf %add3A_399, %mul3A_436 : vector<1000x128xf32>
    %slice3A_438 = vector.extract_strided_slice %dot_general3A_418 {offsets = [0, 512], sizes = [1000, 128], strides = [1, 1]} : vector<1000x1024xf32> to vector<1000x128xf32>
    %mul3A_439 = arith.mulf %concatenate3A_425, %slice3A_438 : vector<1000x128xf32>
    %add3A_440 = arith.addf %add3A_402, %mul3A_439 : vector<1000x128xf32>
    %slice3A_441 = vector.extract_strided_slice %dot_general3A_418 {offsets = [0, 640], sizes = [1000, 128], strides = [1, 1]} : vector<1000x1024xf32> to vector<1000x128xf32>
    %mul3A_442 = arith.mulf %concatenate3A_425, %slice3A_441 : vector<1000x128xf32>
    %add3A_443 = arith.addf %add3A_405, %mul3A_442 : vector<1000x128xf32>
    %slice3A_444 = vector.extract_strided_slice %dot_general3A_418 {offsets = [0, 768], sizes = [1000, 128], strides = [1, 1]} : vector<1000x1024xf32> to vector<1000x128xf32>
    %mul3A_445 = arith.mulf %concatenate3A_425, %slice3A_444 : vector<1000x128xf32>
    %add3A_446 = arith.addf %add3A_408, %mul3A_445 : vector<1000x128xf32>
    %slice3A_447 = vector.extract_strided_slice %dot_general3A_418 {offsets = [0, 896], sizes = [1000, 128], strides = [1, 1]} : vector<1000x1024xf32> to vector<1000x128xf32>
    %mul3A_448 = arith.mulf %concatenate3A_425, %slice3A_447 : vector<1000x128xf32>
    %add3A_449 = arith.addf %add3A_411, %mul3A_448 : vector<1000x128xf32>
    %slice3A_450 = vector.extract_strided_slice %reshape3A_42 {offsets = [11, 0, 0], sizes = [1, 1000, 16], strides = [1, 1, 1]} : vector<16x1000x16xf32> to vector<1x1000x16xf32>
    %squeeze3A_451 = vector.shape_cast %slice3A_450 : vector<1x1000x16xf32> to vector<1000x16xf32>
    %get3A_452 = arith.constant 0 : index
    %get3A_453 = arith.constant 0 : index
    %get3A_454 = vector.load %arg11[%get3A_452, %get3A_453] : memref<16x1024xf32, #tpu.memory_space<vmem>>, vector<16x1024xf32>
    %dot_general3A_455 = arith.constant dense<0.000000e+00> : vector<1000x1024xf32>
    %dot_general3A_456 = tpu.matmul %squeeze3A_451, %get3A_454, %dot_general3A_455 {dimension_numbers = #tpu.dot_dimension_numbers<[1], [0], [0], [1], [0, 0, 1, 1], [], []>, transpose_lhs_hint = false} : vector<1000x16xf32>, vector<16x1024xf32>, vector<1000x1024xf32> -> vector<1000x1024xf32>
    %get3A_457 = arith.constant 11 : index
    %get3A_458 = arith.constant 0 : index
    %get3A_459 = arith.constant 0 : index
    %get3A_460 = vector.load %arg1[%get3A_457, %get3A_458, %get3A_459] : memref<16x1000x128xf32, #tpu.memory_space<vmem>>, vector<1x1000x128xf32>
    %get3A_461 = vector.shape_cast %get3A_460 : vector<1x1000x128xf32> to vector<1000x128xf32>
    %slice3A_462 = vector.extract_strided_slice %get3A_461 {offsets = [0, 0], sizes = [1000, 64], strides = [1, 1]} : vector<1000x128xf32> to vector<1000x64xf32>
    %concatenate3A_463 = tpu.concatenate %slice3A_462, %slice3A_462 in 1 : vector<1000x64xf32>, vector<1000x64xf32> -> vector<1000x128xf32>
    %slice3A_464 = vector.extract_strided_slice %dot_general3A_456 {offsets = [0, 0], sizes = [1000, 128], strides = [1, 1]} : vector<1000x1024xf32> to vector<1000x128xf32>
    %mul3A_465 = arith.mulf %concatenate3A_463, %slice3A_464 : vector<1000x128xf32>
    %add3A_466 = arith.addf %add3A_428, %mul3A_465 : vector<1000x128xf32>
    %slice3A_467 = vector.extract_strided_slice %dot_general3A_456 {offsets = [0, 128], sizes = [1000, 128], strides = [1, 1]} : vector<1000x1024xf32> to vector<1000x128xf32>
    %mul3A_468 = arith.mulf %concatenate3A_463, %slice3A_467 : vector<1000x128xf32>
    %add3A_469 = arith.addf %add3A_431, %mul3A_468 : vector<1000x128xf32>
    %slice3A_470 = vector.extract_strided_slice %dot_general3A_456 {offsets = [0, 256], sizes = [1000, 128], strides = [1, 1]} : vector<1000x1024xf32> to vector<1000x128xf32>
    %mul3A_471 = arith.mulf %concatenate3A_463, %slice3A_470 : vector<1000x128xf32>
    %add3A_472 = arith.addf %add3A_434, %mul3A_471 : vector<1000x128xf32>
    %slice3A_473 = vector.extract_strided_slice %dot_general3A_456 {offsets = [0, 384], sizes = [1000, 128], strides = [1, 1]} : vector<1000x1024xf32> to vector<1000x128xf32>
    %mul3A_474 = arith.mulf %concatenate3A_463, %slice3A_473 : vector<1000x128xf32>
    %add3A_475 = arith.addf %add3A_437, %mul3A_474 : vector<1000x128xf32>
    %slice3A_476 = vector.extract_strided_slice %dot_general3A_456 {offsets = [0, 512], sizes = [1000, 128], strides = [1, 1]} : vector<1000x1024xf32> to vector<1000x128xf32>
    %mul3A_477 = arith.mulf %concatenate3A_463, %slice3A_476 : vector<1000x128xf32>
    %add3A_478 = arith.addf %add3A_440, %mul3A_477 : vector<1000x128xf32>
    %slice3A_479 = vector.extract_strided_slice %dot_general3A_456 {offsets = [0, 640], sizes = [1000, 128], strides = [1, 1]} : vector<1000x1024xf32> to vector<1000x128xf32>
    %mul3A_480 = arith.mulf %concatenate3A_463, %slice3A_479 : vector<1000x128xf32>
    %add3A_481 = arith.addf %add3A_443, %mul3A_480 : vector<1000x128xf32>
    %slice3A_482 = vector.extract_strided_slice %dot_general3A_456 {offsets = [0, 768], sizes = [1000, 128], strides = [1, 1]} : vector<1000x1024xf32> to vector<1000x128xf32>
    %mul3A_483 = arith.mulf %concatenate3A_463, %slice3A_482 : vector<1000x128xf32>
    %add3A_484 = arith.addf %add3A_446, %mul3A_483 : vector<1000x128xf32>
    %slice3A_485 = vector.extract_strided_slice %dot_general3A_456 {offsets = [0, 896], sizes = [1000, 128], strides = [1, 1]} : vector<1000x1024xf32> to vector<1000x128xf32>
    %mul3A_486 = arith.mulf %concatenate3A_463, %slice3A_485 : vector<1000x128xf32>
    %add3A_487 = arith.addf %add3A_449, %mul3A_486 : vector<1000x128xf32>
    %slice3A_488 = vector.extract_strided_slice %reshape3A_42 {offsets = [12, 0, 0], sizes = [1, 1000, 16], strides = [1, 1, 1]} : vector<16x1000x16xf32> to vector<1x1000x16xf32>
    %squeeze3A_489 = vector.shape_cast %slice3A_488 : vector<1x1000x16xf32> to vector<1000x16xf32>
    %get3A_490 = arith.constant 0 : index
    %get3A_491 = arith.constant 0 : index
    %get3A_492 = vector.load %arg11[%get3A_490, %get3A_491] : memref<16x1024xf32, #tpu.memory_space<vmem>>, vector<16x1024xf32>
    %dot_general3A_493 = arith.constant dense<0.000000e+00> : vector<1000x1024xf32>
    %dot_general3A_494 = tpu.matmul %squeeze3A_489, %get3A_492, %dot_general3A_493 {dimension_numbers = #tpu.dot_dimension_numbers<[1], [0], [0], [1], [0, 0, 1, 1], [], []>, transpose_lhs_hint = false} : vector<1000x16xf32>, vector<16x1024xf32>, vector<1000x1024xf32> -> vector<1000x1024xf32>
    %get3A_495 = arith.constant 12 : index
    %get3A_496 = arith.constant 0 : index
    %get3A_497 = arith.constant 0 : index
    %get3A_498 = vector.load %arg1[%get3A_495, %get3A_496, %get3A_497] : memref<16x1000x128xf32, #tpu.memory_space<vmem>>, vector<1x1000x128xf32>
    %get3A_499 = vector.shape_cast %get3A_498 : vector<1x1000x128xf32> to vector<1000x128xf32>
    %slice3A_500 = vector.extract_strided_slice %get3A_499 {offsets = [0, 0], sizes = [1000, 64], strides = [1, 1]} : vector<1000x128xf32> to vector<1000x64xf32>
    %concatenate3A_501 = tpu.concatenate %slice3A_500, %slice3A_500 in 1 : vector<1000x64xf32>, vector<1000x64xf32> -> vector<1000x128xf32>
    %slice3A_502 = vector.extract_strided_slice %dot_general3A_494 {offsets = [0, 0], sizes = [1000, 128], strides = [1, 1]} : vector<1000x1024xf32> to vector<1000x128xf32>
    %mul3A_503 = arith.mulf %concatenate3A_501, %slice3A_502 : vector<1000x128xf32>
    %add3A_504 = arith.addf %add3A_466, %mul3A_503 : vector<1000x128xf32>
    %slice3A_505 = vector.extract_strided_slice %dot_general3A_494 {offsets = [0, 128], sizes = [1000, 128], strides = [1, 1]} : vector<1000x1024xf32> to vector<1000x128xf32>
    %mul3A_506 = arith.mulf %concatenate3A_501, %slice3A_505 : vector<1000x128xf32>
    %add3A_507 = arith.addf %add3A_469, %mul3A_506 : vector<1000x128xf32>
    %slice3A_508 = vector.extract_strided_slice %dot_general3A_494 {offsets = [0, 256], sizes = [1000, 128], strides = [1, 1]} : vector<1000x1024xf32> to vector<1000x128xf32>
    %mul3A_509 = arith.mulf %concatenate3A_501, %slice3A_508 : vector<1000x128xf32>
    %add3A_510 = arith.addf %add3A_472, %mul3A_509 : vector<1000x128xf32>
    %slice3A_511 = vector.extract_strided_slice %dot_general3A_494 {offsets = [0, 384], sizes = [1000, 128], strides = [1, 1]} : vector<1000x1024xf32> to vector<1000x128xf32>
    %mul3A_512 = arith.mulf %concatenate3A_501, %slice3A_511 : vector<1000x128xf32>
    %add3A_513 = arith.addf %add3A_475, %mul3A_512 : vector<1000x128xf32>
    %slice3A_514 = vector.extract_strided_slice %dot_general3A_494 {offsets = [0, 512], sizes = [1000, 128], strides = [1, 1]} : vector<1000x1024xf32> to vector<1000x128xf32>
    %mul3A_515 = arith.mulf %concatenate3A_501, %slice3A_514 : vector<1000x128xf32>
    %add3A_516 = arith.addf %add3A_478, %mul3A_515 : vector<1000x128xf32>
    %slice3A_517 = vector.extract_strided_slice %dot_general3A_494 {offsets = [0, 640], sizes = [1000, 128], strides = [1, 1]} : vector<1000x1024xf32> to vector<1000x128xf32>
    %mul3A_518 = arith.mulf %concatenate3A_501, %slice3A_517 : vector<1000x128xf32>
    %add3A_519 = arith.addf %add3A_481, %mul3A_518 : vector<1000x128xf32>
    %slice3A_520 = vector.extract_strided_slice %dot_general3A_494 {offsets = [0, 768], sizes = [1000, 128], strides = [1, 1]} : vector<1000x1024xf32> to vector<1000x128xf32>
    %mul3A_521 = arith.mulf %concatenate3A_501, %slice3A_520 : vector<1000x128xf32>
    %add3A_522 = arith.addf %add3A_484, %mul3A_521 : vector<1000x128xf32>
    %slice3A_523 = vector.extract_strided_slice %dot_general3A_494 {offsets = [0, 896], sizes = [1000, 128], strides = [1, 1]} : vector<1000x1024xf32> to vector<1000x128xf32>
    %mul3A_524 = arith.mulf %concatenate3A_501, %slice3A_523 : vector<1000x128xf32>
    %add3A_525 = arith.addf %add3A_487, %mul3A_524 : vector<1000x128xf32>
    %slice3A_526 = vector.extract_strided_slice %reshape3A_42 {offsets = [13, 0, 0], sizes = [1, 1000, 16], strides = [1, 1, 1]} : vector<16x1000x16xf32> to vector<1x1000x16xf32>
    %squeeze3A_527 = vector.shape_cast %slice3A_526 : vector<1x1000x16xf32> to vector<1000x16xf32>
    %get3A_528 = arith.constant 0 : index
    %get3A_529 = arith.constant 0 : index
    %get3A_530 = vector.load %arg11[%get3A_528, %get3A_529] : memref<16x1024xf32, #tpu.memory_space<vmem>>, vector<16x1024xf32>
    %dot_general3A_531 = arith.constant dense<0.000000e+00> : vector<1000x1024xf32>
    %dot_general3A_532 = tpu.matmul %squeeze3A_527, %get3A_530, %dot_general3A_531 {dimension_numbers = #tpu.dot_dimension_numbers<[1], [0], [0], [1], [0, 0, 1, 1], [], []>, transpose_lhs_hint = false} : vector<1000x16xf32>, vector<16x1024xf32>, vector<1000x1024xf32> -> vector<1000x1024xf32>
    %get3A_533 = arith.constant 13 : index
    %get3A_534 = arith.constant 0 : index
    %get3A_535 = arith.constant 0 : index
    %get3A_536 = vector.load %arg1[%get3A_533, %get3A_534, %get3A_535] : memref<16x1000x128xf32, #tpu.memory_space<vmem>>, vector<1x1000x128xf32>
    %get3A_537 = vector.shape_cast %get3A_536 : vector<1x1000x128xf32> to vector<1000x128xf32>
    %slice3A_538 = vector.extract_strided_slice %get3A_537 {offsets = [0, 0], sizes = [1000, 64], strides = [1, 1]} : vector<1000x128xf32> to vector<1000x64xf32>
    %concatenate3A_539 = tpu.concatenate %slice3A_538, %slice3A_538 in 1 : vector<1000x64xf32>, vector<1000x64xf32> -> vector<1000x128xf32>
    %slice3A_540 = vector.extract_strided_slice %dot_general3A_532 {offsets = [0, 0], sizes = [1000, 128], strides = [1, 1]} : vector<1000x1024xf32> to vector<1000x128xf32>
    %mul3A_541 = arith.mulf %concatenate3A_539, %slice3A_540 : vector<1000x128xf32>
    %add3A_542 = arith.addf %add3A_504, %mul3A_541 : vector<1000x128xf32>
    %slice3A_543 = vector.extract_strided_slice %dot_general3A_532 {offsets = [0, 128], sizes = [1000, 128], strides = [1, 1]} : vector<1000x1024xf32> to vector<1000x128xf32>
    %mul3A_544 = arith.mulf %concatenate3A_539, %slice3A_543 : vector<1000x128xf32>
    %add3A_545 = arith.addf %add3A_507, %mul3A_544 : vector<1000x128xf32>
    %slice3A_546 = vector.extract_strided_slice %dot_general3A_532 {offsets = [0, 256], sizes = [1000, 128], strides = [1, 1]} : vector<1000x1024xf32> to vector<1000x128xf32>
    %mul3A_547 = arith.mulf %concatenate3A_539, %slice3A_546 : vector<1000x128xf32>
    %add3A_548 = arith.addf %add3A_510, %mul3A_547 : vector<1000x128xf32>
    %slice3A_549 = vector.extract_strided_slice %dot_general3A_532 {offsets = [0, 384], sizes = [1000, 128], strides = [1, 1]} : vector<1000x1024xf32> to vector<1000x128xf32>
    %mul3A_550 = arith.mulf %concatenate3A_539, %slice3A_549 : vector<1000x128xf32>
    %add3A_551 = arith.addf %add3A_513, %mul3A_550 : vector<1000x128xf32>
    %slice3A_552 = vector.extract_strided_slice %dot_general3A_532 {offsets = [0, 512], sizes = [1000, 128], strides = [1, 1]} : vector<1000x1024xf32> to vector<1000x128xf32>
    %mul3A_553 = arith.mulf %concatenate3A_539, %slice3A_552 : vector<1000x128xf32>
    %add3A_554 = arith.addf %add3A_516, %mul3A_553 : vector<1000x128xf32>
    %slice3A_555 = vector.extract_strided_slice %dot_general3A_532 {offsets = [0, 640], sizes = [1000, 128], strides = [1, 1]} : vector<1000x1024xf32> to vector<1000x128xf32>
    %mul3A_556 = arith.mulf %concatenate3A_539, %slice3A_555 : vector<1000x128xf32>
    %add3A_557 = arith.addf %add3A_519, %mul3A_556 : vector<1000x128xf32>
    %slice3A_558 = vector.extract_strided_slice %dot_general3A_532 {offsets = [0, 768], sizes = [1000, 128], strides = [1, 1]} : vector<1000x1024xf32> to vector<1000x128xf32>
    %mul3A_559 = arith.mulf %concatenate3A_539, %slice3A_558 : vector<1000x128xf32>
    %add3A_560 = arith.addf %add3A_522, %mul3A_559 : vector<1000x128xf32>
    %slice3A_561 = vector.extract_strided_slice %dot_general3A_532 {offsets = [0, 896], sizes = [1000, 128], strides = [1, 1]} : vector<1000x1024xf32> to vector<1000x128xf32>
    %mul3A_562 = arith.mulf %concatenate3A_539, %slice3A_561 : vector<1000x128xf32>
    %add3A_563 = arith.addf %add3A_525, %mul3A_562 : vector<1000x128xf32>
    %slice3A_564 = vector.extract_strided_slice %reshape3A_42 {offsets = [14, 0, 0], sizes = [1, 1000, 16], strides = [1, 1, 1]} : vector<16x1000x16xf32> to vector<1x1000x16xf32>
    %squeeze3A_565 = vector.shape_cast %slice3A_564 : vector<1x1000x16xf32> to vector<1000x16xf32>
    %get3A_566 = arith.constant 0 : index
    %get3A_567 = arith.constant 0 : index
    %get3A_568 = vector.load %arg11[%get3A_566, %get3A_567] : memref<16x1024xf32, #tpu.memory_space<vmem>>, vector<16x1024xf32>
    %dot_general3A_569 = arith.constant dense<0.000000e+00> : vector<1000x1024xf32>
    %dot_general3A_570 = tpu.matmul %squeeze3A_565, %get3A_568, %dot_general3A_569 {dimension_numbers = #tpu.dot_dimension_numbers<[1], [0], [0], [1], [0, 0, 1, 1], [], []>, transpose_lhs_hint = false} : vector<1000x16xf32>, vector<16x1024xf32>, vector<1000x1024xf32> -> vector<1000x1024xf32>
    %get3A_571 = arith.constant 14 : index
    %get3A_572 = arith.constant 0 : index
    %get3A_573 = arith.constant 0 : index
    %get3A_574 = vector.load %arg1[%get3A_571, %get3A_572, %get3A_573] : memref<16x1000x128xf32, #tpu.memory_space<vmem>>, vector<1x1000x128xf32>
    %get3A_575 = vector.shape_cast %get3A_574 : vector<1x1000x128xf32> to vector<1000x128xf32>
    %slice3A_576 = vector.extract_strided_slice %get3A_575 {offsets = [0, 0], sizes = [1000, 64], strides = [1, 1]} : vector<1000x128xf32> to vector<1000x64xf32>
    %concatenate3A_577 = tpu.concatenate %slice3A_576, %slice3A_576 in 1 : vector<1000x64xf32>, vector<1000x64xf32> -> vector<1000x128xf32>
    %slice3A_578 = vector.extract_strided_slice %dot_general3A_570 {offsets = [0, 0], sizes = [1000, 128], strides = [1, 1]} : vector<1000x1024xf32> to vector<1000x128xf32>
    %mul3A_579 = arith.mulf %concatenate3A_577, %slice3A_578 : vector<1000x128xf32>
    %add3A_580 = arith.addf %add3A_542, %mul3A_579 : vector<1000x128xf32>
    %slice3A_581 = vector.extract_strided_slice %dot_general3A_570 {offsets = [0, 128], sizes = [1000, 128], strides = [1, 1]} : vector<1000x1024xf32> to vector<1000x128xf32>
    %mul3A_582 = arith.mulf %concatenate3A_577, %slice3A_581 : vector<1000x128xf32>
    %add3A_583 = arith.addf %add3A_545, %mul3A_582 : vector<1000x128xf32>
    %slice3A_584 = vector.extract_strided_slice %dot_general3A_570 {offsets = [0, 256], sizes = [1000, 128], strides = [1, 1]} : vector<1000x1024xf32> to vector<1000x128xf32>
    %mul3A_585 = arith.mulf %concatenate3A_577, %slice3A_584 : vector<1000x128xf32>
    %add3A_586 = arith.addf %add3A_548, %mul3A_585 : vector<1000x128xf32>
    %slice3A_587 = vector.extract_strided_slice %dot_general3A_570 {offsets = [0, 384], sizes = [1000, 128], strides = [1, 1]} : vector<1000x1024xf32> to vector<1000x128xf32>
    %mul3A_588 = arith.mulf %concatenate3A_577, %slice3A_587 : vector<1000x128xf32>
    %add3A_589 = arith.addf %add3A_551, %mul3A_588 : vector<1000x128xf32>
    %slice3A_590 = vector.extract_strided_slice %dot_general3A_570 {offsets = [0, 512], sizes = [1000, 128], strides = [1, 1]} : vector<1000x1024xf32> to vector<1000x128xf32>
    %mul3A_591 = arith.mulf %concatenate3A_577, %slice3A_590 : vector<1000x128xf32>
    %add3A_592 = arith.addf %add3A_554, %mul3A_591 : vector<1000x128xf32>
    %slice3A_593 = vector.extract_strided_slice %dot_general3A_570 {offsets = [0, 640], sizes = [1000, 128], strides = [1, 1]} : vector<1000x1024xf32> to vector<1000x128xf32>
    %mul3A_594 = arith.mulf %concatenate3A_577, %slice3A_593 : vector<1000x128xf32>
    %add3A_595 = arith.addf %add3A_557, %mul3A_594 : vector<1000x128xf32>
    %slice3A_596 = vector.extract_strided_slice %dot_general3A_570 {offsets = [0, 768], sizes = [1000, 128], strides = [1, 1]} : vector<1000x1024xf32> to vector<1000x128xf32>
    %mul3A_597 = arith.mulf %concatenate3A_577, %slice3A_596 : vector<1000x128xf32>
    %add3A_598 = arith.addf %add3A_560, %mul3A_597 : vector<1000x128xf32>
    %slice3A_599 = vector.extract_strided_slice %dot_general3A_570 {offsets = [0, 896], sizes = [1000, 128], strides = [1, 1]} : vector<1000x1024xf32> to vector<1000x128xf32>
    %mul3A_600 = arith.mulf %concatenate3A_577, %slice3A_599 : vector<1000x128xf32>
    %add3A_601 = arith.addf %add3A_563, %mul3A_600 : vector<1000x128xf32>
    %slice3A_602 = vector.extract_strided_slice %reshape3A_42 {offsets = [15, 0, 0], sizes = [1, 1000, 16], strides = [1, 1, 1]} : vector<16x1000x16xf32> to vector<1x1000x16xf32>
    %squeeze3A_603 = vector.shape_cast %slice3A_602 : vector<1x1000x16xf32> to vector<1000x16xf32>
    %get3A_604 = arith.constant 0 : index
    %get3A_605 = arith.constant 0 : index
    %get3A_606 = vector.load %arg11[%get3A_604, %get3A_605] : memref<16x1024xf32, #tpu.memory_space<vmem>>, vector<16x1024xf32>
    %dot_general3A_607 = arith.constant dense<0.000000e+00> : vector<1000x1024xf32>
    %dot_general3A_608 = tpu.matmul %squeeze3A_603, %get3A_606, %dot_general3A_607 {dimension_numbers = #tpu.dot_dimension_numbers<[1], [0], [0], [1], [0, 0, 1, 1], [], []>, transpose_lhs_hint = false} : vector<1000x16xf32>, vector<16x1024xf32>, vector<1000x1024xf32> -> vector<1000x1024xf32>
    %get3A_609 = arith.constant 15 : index
    %get3A_610 = arith.constant 0 : index
    %get3A_611 = arith.constant 0 : index
    %get3A_612 = vector.load %arg1[%get3A_609, %get3A_610, %get3A_611] : memref<16x1000x128xf32, #tpu.memory_space<vmem>>, vector<1x1000x128xf32>
    %get3A_613 = vector.shape_cast %get3A_612 : vector<1x1000x128xf32> to vector<1000x128xf32>
    %slice3A_614 = vector.extract_strided_slice %get3A_613 {offsets = [0, 0], sizes = [1000, 64], strides = [1, 1]} : vector<1000x128xf32> to vector<1000x64xf32>
    %concatenate3A_615 = tpu.concatenate %slice3A_614, %slice3A_614 in 1 : vector<1000x64xf32>, vector<1000x64xf32> -> vector<1000x128xf32>
    %slice3A_616 = vector.extract_strided_slice %dot_general3A_608 {offsets = [0, 0], sizes = [1000, 128], strides = [1, 1]} : vector<1000x1024xf32> to vector<1000x128xf32>
    %mul3A_617 = arith.mulf %concatenate3A_615, %slice3A_616 : vector<1000x128xf32>
    %add3A_618 = arith.addf %add3A_580, %mul3A_617 : vector<1000x128xf32>
    %slice3A_619 = vector.extract_strided_slice %dot_general3A_608 {offsets = [0, 128], sizes = [1000, 128], strides = [1, 1]} : vector<1000x1024xf32> to vector<1000x128xf32>
    %mul3A_620 = arith.mulf %concatenate3A_615, %slice3A_619 : vector<1000x128xf32>
    %add3A_621 = arith.addf %add3A_583, %mul3A_620 : vector<1000x128xf32>
    %slice3A_622 = vector.extract_strided_slice %dot_general3A_608 {offsets = [0, 256], sizes = [1000, 128], strides = [1, 1]} : vector<1000x1024xf32> to vector<1000x128xf32>
    %mul3A_623 = arith.mulf %concatenate3A_615, %slice3A_622 : vector<1000x128xf32>
    %add3A_624 = arith.addf %add3A_586, %mul3A_623 : vector<1000x128xf32>
    %slice3A_625 = vector.extract_strided_slice %dot_general3A_608 {offsets = [0, 384], sizes = [1000, 128], strides = [1, 1]} : vector<1000x1024xf32> to vector<1000x128xf32>
    %mul3A_626 = arith.mulf %concatenate3A_615, %slice3A_625 : vector<1000x128xf32>
    %add3A_627 = arith.addf %add3A_589, %mul3A_626 : vector<1000x128xf32>
    %slice3A_628 = vector.extract_strided_slice %dot_general3A_608 {offsets = [0, 512], sizes = [1000, 128], strides = [1, 1]} : vector<1000x1024xf32> to vector<1000x128xf32>
    %mul3A_629 = arith.mulf %concatenate3A_615, %slice3A_628 : vector<1000x128xf32>
    %add3A_630 = arith.addf %add3A_592, %mul3A_629 : vector<1000x128xf32>
    %slice3A_631 = vector.extract_strided_slice %dot_general3A_608 {offsets = [0, 640], sizes = [1000, 128], strides = [1, 1]} : vector<1000x1024xf32> to vector<1000x128xf32>
    %mul3A_632 = arith.mulf %concatenate3A_615, %slice3A_631 : vector<1000x128xf32>
    %add3A_633 = arith.addf %add3A_595, %mul3A_632 : vector<1000x128xf32>
    %slice3A_634 = vector.extract_strided_slice %dot_general3A_608 {offsets = [0, 768], sizes = [1000, 128], strides = [1, 1]} : vector<1000x1024xf32> to vector<1000x128xf32>
    %mul3A_635 = arith.mulf %concatenate3A_615, %slice3A_634 : vector<1000x128xf32>
    %add3A_636 = arith.addf %add3A_598, %mul3A_635 : vector<1000x128xf32>
    %slice3A_637 = vector.extract_strided_slice %dot_general3A_608 {offsets = [0, 896], sizes = [1000, 128], strides = [1, 1]} : vector<1000x1024xf32> to vector<1000x128xf32>
    %mul3A_638 = arith.mulf %concatenate3A_615, %slice3A_637 : vector<1000x128xf32>
    %add3A_639 = arith.addf %add3A_601, %mul3A_638 : vector<1000x128xf32>
    %concatenate3A_640 = tpu.concatenate %add3A_618, %add3A_621, %add3A_624, %add3A_627, %add3A_630, %add3A_633, %add3A_636, %add3A_639 in 1 : vector<1000x128xf32>, vector<1000x128xf32>, vector<1000x128xf32>, vector<1000x128xf32>, vector<1000x128xf32>, vector<1000x128xf32>, vector<1000x128xf32>, vector<1000x128xf32> -> vector<1000x1024xf32>
    %get3A_641 = arith.constant 0 : index
    %get3A_642 = arith.constant 0 : index
    %get3A_643 = vector.load %arg9[%get3A_641, %get3A_642] : memref<1024x64xf32, #tpu.memory_space<vmem>>, vector<1024x64xf32>
    %dot_general3A_644 = arith.constant dense<0.000000e+00> : vector<1000x64xf32>
    %dot_general3A_645 = tpu.matmul %concatenate3A_640, %get3A_643, %dot_general3A_644 {dimension_numbers = #tpu.dot_dimension_numbers<[1], [0], [0], [1], [0, 0, 1, 1], [], []>, transpose_lhs_hint = false} : vector<1000x1024xf32>, vector<1024x64xf32>, vector<1000x64xf32> -> vector<1000x64xf32>
    %mul3A_646 = arith.constant 6.250000e-02 : f32
    %mul3A_647 = vector.broadcast %mul3A_646 : f32 to vector<1000x64xf32>
    %mul3A_648 = arith.mulf %dot_general3A_645, %mul3A_647 : vector<1000x64xf32>
    %get3A_649 = arith.constant 0 : index
    %get3A_650 = arith.constant 0 : index
    %get3A_651 = vector.load %arg10[%get3A_649, %get3A_650] : memref<1x64xf32, #tpu.memory_space<vmem>>, vector<1x64xf32>
    %add3A_652 = vector.broadcast %get3A_651 : vector<1x64xf32> to vector<1000x64xf32>
    %add3A_653 = arith.addf %mul3A_648, %add3A_652 : vector<1000x64xf32>
    %swap3A = arith.constant 0 : index
    %swap3A_654 = arith.constant 0 : index
    %swap3A_655 = vector.load %arg12[%swap3A, %swap3A_654] : memref<1000x64xf32, #tpu.memory_space<vmem>>, vector<1000x64xf32>
    tpu.vector_store %arg12[%swap3A, %swap3A_654], %add3A_653 {strides = array<i32>} : memref<1000x64xf32, #tpu.memory_space<vmem>>, vector<1000x64xf32>,
    return
  }
  func.func @transform_0(%arg0: i32) -> (i32, i32, i32) {
    %c0_i32 = arith.constant 0 : i32
    %c0_i32_0 = arith.constant 0 : i32
    %c0_i32_1 = arith.constant 0 : i32
    return %c0_i32, %arg0, %c0_i32_0 : i32, i32, i32
  }
  func.func @transform_1(%arg0: i32) -> (i32, i32) {
    %c0_i32 = arith.constant 0 : i32
    %c0_i32_0 = arith.constant 0 : i32
    return %arg0, %c0_i32 : i32, i32
  }
  func.func @transform_2(%arg0: i32) -> (i32, i32) {
    %c0_i32 = arith.constant 0 : i32
    %c0_i32_0 = arith.constant 0 : i32
    %c0_i32_1 = arith.constant 0 : i32
    return %c0_i32, %c0_i32_0 : i32, i32
  }
  func.func @transform_3(%arg0: i32) -> (i32, i32) {
    %c0_i32 = arith.constant 0 : i32
    %c0_i32_0 = arith.constant 0 : i32
    %c0_i32_1 = arith.constant 0 : i32
    return %c0_i32, %c0_i32_0 : i32, i32
  }
  func.func @transform_4(%arg0: i32) -> (i32, i32) {
    %c0_i32 = arith.constant 0 : i32
    %c0_i32_0 = arith.constant 0 : i32
    %c0_i32_1 = arith.constant 0 : i32
    return %c0_i32, %c0_i32_0 : i32, i32
  }
  func.func @transform_5(%arg0: i32) -> (i32, i32) {
    %c0_i32 = arith.constant 0 : i32
    %c0_i32_0 = arith.constant 0 : i32
    %c0_i32_1 = arith.constant 0 : i32
    return %c0_i32, %c0_i32_0 : i32, i32
  }
  func.func @transform_6(%arg0: i32) -> (i32, i32) {
    %c0_i32 = arith.constant 0 : i32
    %c0_i32_0 = arith.constant 0 : i32
    %c0_i32_1 = arith.constant 0 : i32
    return %c0_i32, %c0_i32_0 : i32, i32
  }
  func.func @transform_7(%arg0: i32) -> (i32, i32) {
    %c0_i32 = arith.constant 0 : i32
    %c0_i32_0 = arith.constant 0 : i32
    %c0_i32_1 = arith.constant 0 : i32
    return %c0_i32, %c0_i32_0 : i32, i32
  }
  func.func @transform_8(%arg0: i32) -> (i32, i32) {
    %c0_i32 = arith.constant 0 : i32
    %c0_i32_0 = arith.constant 0 : i32
    %c0_i32_1 = arith.constant 0 : i32
    return %c0_i32, %c0_i32_0 : i32, i32
  }
  func.func @transform_9(%arg0: i32) -> (i32, i32) {
    %c0_i32 = arith.constant 0 : i32
    %c0_i32_0 = arith.constant 0 : i32
    %c0_i32_1 = arith.constant 0 : i32
    return %c0_i32, %c0_i32_0 : i32, i32
  }
  func.func @transform_10(%arg0: i32) -> (i32, i32) {
    %c0_i32 = arith.constant 0 : i32
    %c0_i32_0 = arith.constant 0 : i32
    %c0_i32_1 = arith.constant 0 : i32
    return %c0_i32, %c0_i32_0 : i32, i32
  }
  func.func @transform_11(%arg0: i32) -> (i32, i32) {
    %c0_i32 = arith.constant 0 : i32
    %c0_i32_0 = arith.constant 0 : i32
    return %arg0, %c0_i32 : i32, i32
  }
}

module attributes {stable_mosaic.version = 14 : i64} {
  func.func @_tc_body(%arg0: i32, %arg1: memref<16x1000x128xf32, #tpu.memory_space<vmem>>, %arg2: memref<1000x16xf32, #tpu.memory_space<vmem>>, %arg3: memref<16x32xf32, #tpu.memory_space<vmem>>, %arg4: memref<1x32xf32, #tpu.memory_space<vmem>>, %arg5: memref<32x16xf32, #tpu.memory_space<vmem>>, %arg6: memref<1x16xf32, #tpu.memory_space<vmem>>, %arg7: memref<16x16xf32, #tpu.memory_space<vmem>>, %arg8: memref<1x16xf32, #tpu.memory_space<vmem>>, %arg9: memref<1024x64xf32, #tpu.memory_space<vmem>>, %arg10: memref<1x64xf32, #tpu.memory_space<vmem>>, %arg11: memref<16x1024xf32, #tpu.memory_space<vmem>>, %arg12: memref<1000x64xf32, #tpu.memory_space<vmem>>) attributes {dimension_semantics = [#tpu.dimension_semantics<arbitrary>], iteration_bounds = array<i64: 20>, scalar_prefetch = 0 : i64, scratch_operands = 0 : i64, tpu.core_type = #tpu.core_type<tc>, window_params = [{transform_indices = @transform_0, window_bounds = array<i64: 16, 1000, 128>}, {transform_indices = @transform_1, window_bounds = array<i64: 1000, 16>}, {pipeline_mode = #tpu.pipeline_mode<synchronous>, transform_indices = @transform_2, window_bounds = array<i64: 16, 32>}, {pipeline_mode = #tpu.pipeline_mode<synchronous>, transform_indices = @transform_3, window_bounds = array<i64: 1, 32>}, {pipeline_mode = #tpu.pipeline_mode<synchronous>, transform_indices = @transform_4, window_bounds = array<i64: 32, 16>}, {pipeline_mode = #tpu.pipeline_mode<synchronous>, transform_indices = @transform_5, window_bounds = array<i64: 1, 16>}, {pipeline_mode = #tpu.pipeline_mode<synchronous>, transform_indices = @transform_6, window_bounds = array<i64: 16, 16>}, {pipeline_mode = #tpu.pipeline_mode<synchronous>, transform_indices = @transform_7, window_bounds = array<i64: 1, 16>}, {pipeline_mode = #tpu.pipeline_mode<synchronous>, transform_indices = @transform_8, window_bounds = array<i64: 1024, 64>}, {pipeline_mode = #tpu.pipeline_mode<synchronous>, transform_indices = @transform_9, window_bounds = array<i64: 1, 64>}, {pipeline_mode = #tpu.pipeline_mode<synchronous>, transform_indices = @transform_10, window_bounds = array<i64: 16, 1024>}, {transform_indices = @transform_11, window_bounds = array<i64: 1000, 64>}]} {
    %get3A = arith.constant 0 : index
    %get3A_0 = arith.constant 0 : index
    %get3A_1 = vector.load %arg2[%get3A, %get3A_0] : memref<1000x16xf32, #tpu.memory_space<vmem>>, vector<1000x16xf32>
    %get3A_2 = arith.constant 0 : index
    %get3A_3 = arith.constant 0 : index
    %get3A_4 = arith.constant 0 : index
    %get3A_5 = vector.load %arg1[%get3A_2, %get3A_3, %get3A_4] : memref<16x1000x128xf32, #tpu.memory_space<vmem>>, vector<16x1000x128xf32>
    %reshape3A = vector.shape_cast %get3A_5 : vector<16x1000x128xf32> to vector<16000x128xf32>
    %slice3A = vector.extract_strided_slice %reshape3A {offsets = [0, 64], sizes = [16000, 16], strides = [1, 1]} : vector<16000x128xf32> to vector<16000x16xf32>
    %tile3A = tpu.concatenate %get3A_1, %get3A_1, %get3A_1, %get3A_1, %get3A_1, %get3A_1, %get3A_1, %get3A_1, %get3A_1, %get3A_1, %get3A_1, %get3A_1, %get3A_1, %get3A_1, %get3A_1, %get3A_1 in 0 : vector<1000x16xf32>, vector<1000x16xf32>, vector<1000x16xf32>, vector<1000x16xf32>, vector<1000x16xf32>, vector<1000x16xf32>, vector<1000x16xf32>, vector<1000x16xf32>, vector<1000x16xf32>, vector<1000x16xf32>, vector<1000x16xf32>, vector<1000x16xf32>, vector<1000x16xf32>, vector<1000x16xf32>, vector<1000x16xf32>, vector<1000x16xf32> -> vector<16000x16xf32>
    %sub3A = arith.subf %slice3A, %tile3A : vector<16000x16xf32>
    %get3A_6 = arith.constant 0 : index
    %get3A_7 = arith.constant 0 : index
    %get3A_8 = vector.load %arg3[%get3A_6, %get3A_7] : memref<16x32xf32, #tpu.memory_space<vmem>>, vector<16x32xf32>
    %dot_general3A = arith.constant dense<0.000000e+00> : vector<16000x32xf32>
    %dot_general3A_9 = tpu.matmul %sub3A, %get3A_8, %dot_general3A {dimension_numbers = #tpu.dot_dimension_numbers<[1], [0], [0], [1], [0, 0, 1, 1], [], []>, transpose_lhs_hint = false} : vector<16000x16xf32>, vector<16x32xf32>, vector<16000x32xf32> -> vector<16000x32xf32>
    %get3A_10 = arith.constant 0 : index
    %get3A_11 = arith.constant 0 : index
    %get3A_12 = vector.load %arg4[%get3A_10, %get3A_11] : memref<1x32xf32, #tpu.memory_space<vmem>>, vector<1x32xf32>
    %add3A = vector.broadcast %get3A_12 : vector<1x32xf32> to vector<16000x32xf32>
    %add3A_13 = arith.addf %dot_general3A_9, %add3A : vector<16000x32xf32>
    %max3A = arith.constant 0.000000e+00 : f32
    %max3A_14 = vector.broadcast %max3A : f32 to vector<16000x32xf32>
    %max3A_15 = arith.maximumf %add3A_13, %max3A_14 : vector<16000x32xf32>
    %get3A_16 = arith.constant 0 : index
    %get3A_17 = arith.constant 0 : index
    %get3A_18 = vector.load %arg5[%get3A_16, %get3A_17] : memref<32x16xf32, #tpu.memory_space<vmem>>, vector<32x16xf32>
    %dot_general3A_19 = arith.constant dense<0.000000e+00> : vector<16000x16xf32>
    %dot_general3A_20 = tpu.matmul %max3A_15, %get3A_18, %dot_general3A_19 {dimension_numbers = #tpu.dot_dimension_numbers<[1], [0], [0], [1], [0, 0, 1, 1], [], []>, transpose_lhs_hint = false} : vector<16000x32xf32>, vector<32x16xf32>, vector<16000x16xf32> -> vector<16000x16xf32>
    %get3A_21 = arith.constant 0 : index
    %get3A_22 = arith.constant 0 : index
    %get3A_23 = vector.load %arg6[%get3A_21, %get3A_22] : memref<1x16xf32, #tpu.memory_space<vmem>>, vector<1x16xf32>
    %add3A_24 = vector.broadcast %get3A_23 : vector<1x16xf32> to vector<16000x16xf32>
    %add3A_25 = arith.addf %dot_general3A_20, %add3A_24 : vector<16000x16xf32>
    %max3A_26 = arith.constant 0.000000e+00 : f32
    %max3A_27 = vector.broadcast %max3A_26 : f32 to vector<16000x16xf32>
    %max3A_28 = arith.maximumf %add3A_25, %max3A_27 : vector<16000x16xf32>
    %get3A_29 = arith.constant 0 : index
    %get3A_30 = arith.constant 0 : index
    %get3A_31 = vector.load %arg7[%get3A_29, %get3A_30] : memref<16x16xf32, #tpu.memory_space<vmem>>, vector<16x16xf32>
    %dot_general3A_32 = arith.constant dense<0.000000e+00> : vector<16000x16xf32>
    %dot_general3A_33 = tpu.matmul %max3A_28, %get3A_31, %dot_general3A_32 {dimension_numbers = #tpu.dot_dimension_numbers<[1], [0], [0], [1], [0, 0, 1, 1], [], []>, transpose_lhs_hint = false} : vector<16000x16xf32>, vector<16x16xf32>, vector<16000x16xf32> -> vector<16000x16xf32>
    %get3A_34 = arith.constant 0 : index
    %get3A_35 = arith.constant 0 : index
    %get3A_36 = vector.load %arg8[%get3A_34, %get3A_35] : memref<1x16xf32, #tpu.memory_space<vmem>>, vector<1x16xf32>
    %add3A_37 = vector.broadcast %get3A_36 : vector<1x16xf32> to vector<16000x16xf32>
    %add3A_38 = arith.addf %dot_general3A_33, %add3A_37 : vector<16000x16xf32>
    %max3A_39 = arith.constant 0.000000e+00 : f32
    %max3A_40 = vector.broadcast %max3A_39 : f32 to vector<16000x16xf32>
    %max3A_41 = arith.maximumf %add3A_38, %max3A_40 : vector<16000x16xf32>
    %reshape3A_42 = vector.shape_cast %max3A_41 : vector<16000x16xf32> to vector<16x1000x16xf32>
    %slice3A_43 = vector.extract_strided_slice %reshape3A_42 {offsets = [0, 0, 0], sizes = [1, 1000, 16], strides = [1, 1, 1]} : vector<16x1000x16xf32> to vector<1x1000x16xf32>
    %squeeze3A = vector.shape_cast %slice3A_43 : vector<1x1000x16xf32> to vector<1000x16xf32>
    %get3A_44 = arith.constant 0 : index
    %get3A_45 = arith.constant 0 : index
    %get3A_46 = vector.load %arg11[%get3A_44, %get3A_45] : memref<16x1024xf32, #tpu.memory_space<vmem>>, vector<16x1024xf32>
    %dot_general3A_47 = arith.constant dense<0.000000e+00> : vector<1000x1024xf32>
    %dot_general3A_48 = tpu.matmul %squeeze3A, %get3A_46, %dot_general3A_47 {dimension_numbers = #tpu.dot_dimension_numbers<[1], [0], [0], [1], [0, 0, 1, 1], [], []>, transpose_lhs_hint = false} : vector<1000x16xf32>, vector<16x1024xf32>, vector<1000x1024xf32> -> vector<1000x1024xf32>
    %get3A_49 = arith.constant 0 : index
    %get3A_50 = arith.constant 0 : index
    %get3A_51 = arith.constant 0 : index
    %get3A_52 = vector.load %arg1[%get3A_49, %get3A_50, %get3A_51] : memref<16x1000x128xf32, #tpu.memory_space<vmem>>, vector<1x1000x128xf32>
    %get3A_53 = vector.shape_cast %get3A_52 : vector<1x1000x128xf32> to vector<1000x128xf32>
    %slice3A_54 = vector.extract_strided_slice %get3A_53 {offsets = [0, 0], sizes = [1000, 64], strides = [1, 1]} : vector<1000x128xf32> to vector<1000x64xf32>
    %concatenate3A = tpu.concatenate %slice3A_54, %slice3A_54 in 1 : vector<1000x64xf32>, vector<1000x64xf32> -> vector<1000x128xf32>
    %slice3A_55 = vector.extract_strided_slice %dot_general3A_48 {offsets = [0, 0], sizes = [1000, 128], strides = [1, 1]} : vector<1000x1024xf32> to vector<1000x128xf32>
    %mul3A = arith.mulf %concatenate3A, %slice3A_55 : vector<1000x128xf32>
    %slice3A_56 = vector.extract_strided_slice %dot_general3A_48 {offsets = [0, 128], sizes = [1000, 128], strides = [1, 1]} : vector<1000x1024xf32> to vector<1000x128xf32>
    %mul3A_57 = arith.mulf %concatenate3A, %slice3A_56 : vector<1000x128xf32>
    %slice3A_58 = vector.extract_strided_slice %dot_general3A_48 {offsets = [0, 256], sizes = [1000, 128], strides = [1, 1]} : vector<1000x1024xf32> to vector<1000x128xf32>
    %mul3A_59 = arith.mulf %concatenate3A, %slice3A_58 : vector<1000x128xf32>
    %slice3A_60 = vector.extract_strided_slice %dot_general3A_48 {offsets = [0, 384], sizes = [1000, 128], strides = [1, 1]} : vector<1000x1024xf32> to vector<1000x128xf32>
    %mul3A_61 = arith.mulf %concatenate3A, %slice3A_60 : vector<1000x128xf32>
    %slice3A_62 = vector.extract_strided_slice %dot_general3A_48 {offsets = [0, 512], sizes = [1000, 128], strides = [1, 1]} : vector<1000x1024xf32> to vector<1000x128xf32>
    %mul3A_63 = arith.mulf %concatenate3A, %slice3A_62 : vector<1000x128xf32>
    %slice3A_64 = vector.extract_strided_slice %dot_general3A_48 {offsets = [0, 640], sizes = [1000, 128], strides = [1, 1]} : vector<1000x1024xf32> to vector<1000x128xf32>
    %mul3A_65 = arith.mulf %concatenate3A, %slice3A_64 : vector<1000x128xf32>
    %slice3A_66 = vector.extract_strided_slice %dot_general3A_48 {offsets = [0, 768], sizes = [1000, 128], strides = [1, 1]} : vector<1000x1024xf32> to vector<1000x128xf32>
    %mul3A_67 = arith.mulf %concatenate3A, %slice3A_66 : vector<1000x128xf32>
    %slice3A_68 = vector.extract_strided_slice %dot_general3A_48 {offsets = [0, 896], sizes = [1000, 128], strides = [1, 1]} : vector<1000x1024xf32> to vector<1000x128xf32>
    %mul3A_69 = arith.mulf %concatenate3A, %slice3A_68 : vector<1000x128xf32>
    %slice3A_70 = vector.extract_strided_slice %reshape3A_42 {offsets = [1, 0, 0], sizes = [1, 1000, 16], strides = [1, 1, 1]} : vector<16x1000x16xf32> to vector<1x1000x16xf32>
    %squeeze3A_71 = vector.shape_cast %slice3A_70 : vector<1x1000x16xf32> to vector<1000x16xf32>
    %get3A_72 = arith.constant 0 : index
    %get3A_73 = arith.constant 0 : index
    %get3A_74 = vector.load %arg11[%get3A_72, %get3A_73] : memref<16x1024xf32, #tpu.memory_space<vmem>>, vector<16x1024xf32>
    %dot_general3A_75 = arith.constant dense<0.000000e+00> : vector<1000x1024xf32>
    %dot_general3A_76 = tpu.matmul %squeeze3A_71, %get3A_74, %dot_general3A_75 {dimension_numbers = #tpu.dot_dimension_numbers<[1], [0], [0], [1], [0, 0, 1, 1], [], []>, transpose_lhs_hint = false} : vector<1000x16xf32>, vector<16x1024xf32>, vector<1000x1024xf32> -> vector<1000x1024xf32>
    %get3A_77 = arith.constant 1 : index
    %get3A_78 = arith.constant 0 : index
    %get3A_79 = arith.constant 0 : index
    %get3A_80 = vector.load %arg1[%get3A_77, %get3A_78, %get3A_79] : memref<16x1000x128xf32, #tpu.memory_space<vmem>>, vector<1x1000x128xf32>
    %get3A_81 = vector.shape_cast %get3A_80 : vector<1x1000x128xf32> to vector<1000x128xf32>
    %slice3A_82 = vector.extract_strided_slice %get3A_81 {offsets = [0, 0], sizes = [1000, 64], strides = [1, 1]} : vector<1000x128xf32> to vector<1000x64xf32>
    %concatenate3A_83 = tpu.concatenate %slice3A_82, %slice3A_82 in 1 : vector<1000x64xf32>, vector<1000x64xf32> -> vector<1000x128xf32>
    %slice3A_84 = vector.extract_strided_slice %dot_general3A_76 {offsets = [0, 0], sizes = [1000, 128], strides = [1, 1]} : vector<1000x1024xf32> to vector<1000x128xf32>
    %mul3A_85 = arith.mulf %concatenate3A_83, %slice3A_84 : vector<1000x128xf32>
    %add3A_86 = arith.addf %mul3A, %mul3A_85 : vector<1000x128xf32>
    %slice3A_87 = vector.extract_strided_slice %dot_general3A_76 {offsets = [0, 128], sizes = [1000, 128], strides = [1, 1]} : vector<1000x1024xf32> to vector<1000x128xf32>
    %mul3A_88 = arith.mulf %concatenate3A_83, %slice3A_87 : vector<1000x128xf32>
    %add3A_89 = arith.addf %mul3A_57, %mul3A_88 : vector<1000x128xf32>
    %slice3A_90 = vector.extract_strided_slice %dot_general3A_76 {offsets = [0, 256], sizes = [1000, 128], strides = [1, 1]} : vector<1000x1024xf32> to vector<1000x128xf32>
    %mul3A_91 = arith.mulf %concatenate3A_83, %slice3A_90 : vector<1000x128xf32>
    %add3A_92 = arith.addf %mul3A_59, %mul3A_91 : vector<1000x128xf32>
    %slice3A_93 = vector.extract_strided_slice %dot_general3A_76 {offsets = [0, 384], sizes = [1000, 128], strides = [1, 1]} : vector<1000x1024xf32> to vector<1000x128xf32>
    %mul3A_94 = arith.mulf %concatenate3A_83, %slice3A_93 : vector<1000x128xf32>
    %add3A_95 = arith.addf %mul3A_61, %mul3A_94 : vector<1000x128xf32>
    %slice3A_96 = vector.extract_strided_slice %dot_general3A_76 {offsets = [0, 512], sizes = [1000, 128], strides = [1, 1]} : vector<1000x1024xf32> to vector<1000x128xf32>
    %mul3A_97 = arith.mulf %concatenate3A_83, %slice3A_96 : vector<1000x128xf32>
    %add3A_98 = arith.addf %mul3A_63, %mul3A_97 : vector<1000x128xf32>
    %slice3A_99 = vector.extract_strided_slice %dot_general3A_76 {offsets = [0, 640], sizes = [1000, 128], strides = [1, 1]} : vector<1000x1024xf32> to vector<1000x128xf32>
    %mul3A_100 = arith.mulf %concatenate3A_83, %slice3A_99 : vector<1000x128xf32>
    %add3A_101 = arith.addf %mul3A_65, %mul3A_100 : vector<1000x128xf32>
    %slice3A_102 = vector.extract_strided_slice %dot_general3A_76 {offsets = [0, 768], sizes = [1000, 128], strides = [1, 1]} : vector<1000x1024xf32> to vector<1000x128xf32>
    %mul3A_103 = arith.mulf %concatenate3A_83, %slice3A_102 : vector<1000x128xf32>
    %add3A_104 = arith.addf %mul3A_67, %mul3A_103 : vector<1000x128xf32>
    %slice3A_105 = vector.extract_strided_slice %dot_general3A_76 {offsets = [0, 896], sizes = [1000, 128], strides = [1, 1]} : vector<1000x1024xf32> to vector<1000x128xf32>
    %mul3A_106 = arith.mulf %concatenate3A_83, %slice3A_105 : vector<1000x128xf32>
    %add3A_107 = arith.addf %mul3A_69, %mul3A_106 : vector<1000x128xf32>
    %slice3A_108 = vector.extract_strided_slice %reshape3A_42 {offsets = [2, 0, 0], sizes = [1, 1000, 16], strides = [1, 1, 1]} : vector<16x1000x16xf32> to vector<1x1000x16xf32>
    %squeeze3A_109 = vector.shape_cast %slice3A_108 : vector<1x1000x16xf32> to vector<1000x16xf32>
    %get3A_110 = arith.constant 0 : index
    %get3A_111 = arith.constant 0 : index
    %get3A_112 = vector.load %arg11[%get3A_110, %get3A_111] : memref<16x1024xf32, #tpu.memory_space<vmem>>, vector<16x1024xf32>
    %dot_general3A_113 = arith.constant dense<0.000000e+00> : vector<1000x1024xf32>
    %dot_general3A_114 = tpu.matmul %squeeze3A_109, %get3A_112, %dot_general3A_113 {dimension_numbers = #tpu.dot_dimension_numbers<[1], [0], [0], [1], [0, 0, 1, 1], [], []>, transpose_lhs_hint = false} : vector<1000x16xf32>, vector<16x1024xf32>, vector<1000x1024xf32> -> vector<1000x1024xf32>
    %get3A_115 = arith.constant 2 : index
    %get3A_116 = arith.constant 0 : index
    %get3A_117 = arith.constant 0 : index
    %get3A_118 = vector.load %arg1[%get3A_115, %get3A_116, %get3A_117] : memref<16x1000x128xf32, #tpu.memory_space<vmem>>, vector<1x1000x128xf32>
    %get3A_119 = vector.shape_cast %get3A_118 : vector<1x1000x128xf32> to vector<1000x128xf32>
    %slice3A_120 = vector.extract_strided_slice %get3A_119 {offsets = [0, 0], sizes = [1000, 64], strides = [1, 1]} : vector<1000x128xf32> to vector<1000x64xf32>
    %concatenate3A_121 = tpu.concatenate %slice3A_120, %slice3A_120 in 1 : vector<1000x64xf32>, vector<1000x64xf32> -> vector<1000x128xf32>
    %slice3A_122 = vector.extract_strided_slice %dot_general3A_114 {offsets = [0, 0], sizes = [1000, 128], strides = [1, 1]} : vector<1000x1024xf32> to vector<1000x128xf32>
    %mul3A_123 = arith.mulf %concatenate3A_121, %slice3A_122 : vector<1000x128xf32>
    %add3A_124 = arith.addf %add3A_86, %mul3A_123 : vector<1000x128xf32>
    %slice3A_125 = vector.extract_strided_slice %dot_general3A_114 {offsets = [0, 128], sizes = [1000, 128], strides = [1, 1]} : vector<1000x1024xf32> to vector<1000x128xf32>
    %mul3A_126 = arith.mulf %concatenate3A_121, %slice3A_125 : vector<1000x128xf32>
    %add3A_127 = arith.addf %add3A_89, %mul3A_126 : vector<1000x128xf32>
    %slice3A_128 = vector.extract_strided_slice %dot_general3A_114 {offsets = [0, 256], sizes = [1000, 128], strides = [1, 1]} : vector<1000x1024xf32> to vector<1000x128xf32>
    %mul3A_129 = arith.mulf %concatenate3A_121, %slice3A_128 : vector<1000x128xf32>
    %add3A_130 = arith.addf %add3A_92, %mul3A_129 : vector<1000x128xf32>
    %slice3A_131 = vector.extract_strided_slice %dot_general3A_114 {offsets = [0, 384], sizes = [1000, 128], strides = [1, 1]} : vector<1000x1024xf32> to vector<1000x128xf32>
    %mul3A_132 = arith.mulf %concatenate3A_121, %slice3A_131 : vector<1000x128xf32>
    %add3A_133 = arith.addf %add3A_95, %mul3A_132 : vector<1000x128xf32>
    %slice3A_134 = vector.extract_strided_slice %dot_general3A_114 {offsets = [0, 512], sizes = [1000, 128], strides = [1, 1]} : vector<1000x1024xf32> to vector<1000x128xf32>
    %mul3A_135 = arith.mulf %concatenate3A_121, %slice3A_134 : vector<1000x128xf32>
    %add3A_136 = arith.addf %add3A_98, %mul3A_135 : vector<1000x128xf32>
    %slice3A_137 = vector.extract_strided_slice %dot_general3A_114 {offsets = [0, 640], sizes = [1000, 128], strides = [1, 1]} : vector<1000x1024xf32> to vector<1000x128xf32>
    %mul3A_138 = arith.mulf %concatenate3A_121, %slice3A_137 : vector<1000x128xf32>
    %add3A_139 = arith.addf %add3A_101, %mul3A_138 : vector<1000x128xf32>
    %slice3A_140 = vector.extract_strided_slice %dot_general3A_114 {offsets = [0, 768], sizes = [1000, 128], strides = [1, 1]} : vector<1000x1024xf32> to vector<1000x128xf32>
    %mul3A_141 = arith.mulf %concatenate3A_121, %slice3A_140 : vector<1000x128xf32>
    %add3A_142 = arith.addf %add3A_104, %mul3A_141 : vector<1000x128xf32>
    %slice3A_143 = vector.extract_strided_slice %dot_general3A_114 {offsets = [0, 896], sizes = [1000, 128], strides = [1, 1]} : vector<1000x1024xf32> to vector<1000x128xf32>
    %mul3A_144 = arith.mulf %concatenate3A_121, %slice3A_143 : vector<1000x128xf32>
    %add3A_145 = arith.addf %add3A_107, %mul3A_144 : vector<1000x128xf32>
    %slice3A_146 = vector.extract_strided_slice %reshape3A_42 {offsets = [3, 0, 0], sizes = [1, 1000, 16], strides = [1, 1, 1]} : vector<16x1000x16xf32> to vector<1x1000x16xf32>
    %squeeze3A_147 = vector.shape_cast %slice3A_146 : vector<1x1000x16xf32> to vector<1000x16xf32>
    %get3A_148 = arith.constant 0 : index
    %get3A_149 = arith.constant 0 : index
    %get3A_150 = vector.load %arg11[%get3A_148, %get3A_149] : memref<16x1024xf32, #tpu.memory_space<vmem>>, vector<16x1024xf32>
    %dot_general3A_151 = arith.constant dense<0.000000e+00> : vector<1000x1024xf32>
    %dot_general3A_152 = tpu.matmul %squeeze3A_147, %get3A_150, %dot_general3A_151 {dimension_numbers = #tpu.dot_dimension_numbers<[1], [0], [0], [1], [0, 0, 1, 1], [], []>, transpose_lhs_hint = false} : vector<1000x16xf32>, vector<16x1024xf32>, vector<1000x1024xf32> -> vector<1000x1024xf32>
    %get3A_153 = arith.constant 3 : index
    %get3A_154 = arith.constant 0 : index
    %get3A_155 = arith.constant 0 : index
    %get3A_156 = vector.load %arg1[%get3A_153, %get3A_154, %get3A_155] : memref<16x1000x128xf32, #tpu.memory_space<vmem>>, vector<1x1000x128xf32>
    %get3A_157 = vector.shape_cast %get3A_156 : vector<1x1000x128xf32> to vector<1000x128xf32>
    %slice3A_158 = vector.extract_strided_slice %get3A_157 {offsets = [0, 0], sizes = [1000, 64], strides = [1, 1]} : vector<1000x128xf32> to vector<1000x64xf32>
    %concatenate3A_159 = tpu.concatenate %slice3A_158, %slice3A_158 in 1 : vector<1000x64xf32>, vector<1000x64xf32> -> vector<1000x128xf32>
    %slice3A_160 = vector.extract_strided_slice %dot_general3A_152 {offsets = [0, 0], sizes = [1000, 128], strides = [1, 1]} : vector<1000x1024xf32> to vector<1000x128xf32>
    %mul3A_161 = arith.mulf %concatenate3A_159, %slice3A_160 : vector<1000x128xf32>
    %add3A_162 = arith.addf %add3A_124, %mul3A_161 : vector<1000x128xf32>
    %slice3A_163 = vector.extract_strided_slice %dot_general3A_152 {offsets = [0, 128], sizes = [1000, 128], strides = [1, 1]} : vector<1000x1024xf32> to vector<1000x128xf32>
    %mul3A_164 = arith.mulf %concatenate3A_159, %slice3A_163 : vector<1000x128xf32>
    %add3A_165 = arith.addf %add3A_127, %mul3A_164 : vector<1000x128xf32>
    %slice3A_166 = vector.extract_strided_slice %dot_general3A_152 {offsets = [0, 256], sizes = [1000, 128], strides = [1, 1]} : vector<1000x1024xf32> to vector<1000x128xf32>
    %mul3A_167 = arith.mulf %concatenate3A_159, %slice3A_166 : vector<1000x128xf32>
    %add3A_168 = arith.addf %add3A_130, %mul3A_167 : vector<1000x128xf32>
    %slice3A_169 = vector.extract_strided_slice %dot_general3A_152 {offsets = [0, 384], sizes = [1000, 128], strides = [1, 1]} : vector<1000x1024xf32> to vector<1000x128xf32>
    %mul3A_170 = arith.mulf %concatenate3A_159, %slice3A_169 : vector<1000x128xf32>
    %add3A_171 = arith.addf %add3A_133, %mul3A_170 : vector<1000x128xf32>
    %slice3A_172 = vector.extract_strided_slice %dot_general3A_152 {offsets = [0, 512], sizes = [1000, 128], strides = [1, 1]} : vector<1000x1024xf32> to vector<1000x128xf32>
    %mul3A_173 = arith.mulf %concatenate3A_159, %slice3A_172 : vector<1000x128xf32>
    %add3A_174 = arith.addf %add3A_136, %mul3A_173 : vector<1000x128xf32>
    %slice3A_175 = vector.extract_strided_slice %dot_general3A_152 {offsets = [0, 640], sizes = [1000, 128], strides = [1, 1]} : vector<1000x1024xf32> to vector<1000x128xf32>
    %mul3A_176 = arith.mulf %concatenate3A_159, %slice3A_175 : vector<1000x128xf32>
    %add3A_177 = arith.addf %add3A_139, %mul3A_176 : vector<1000x128xf32>
    %slice3A_178 = vector.extract_strided_slice %dot_general3A_152 {offsets = [0, 768], sizes = [1000, 128], strides = [1, 1]} : vector<1000x1024xf32> to vector<1000x128xf32>
    %mul3A_179 = arith.mulf %concatenate3A_159, %slice3A_178 : vector<1000x128xf32>
    %add3A_180 = arith.addf %add3A_142, %mul3A_179 : vector<1000x128xf32>
    %slice3A_181 = vector.extract_strided_slice %dot_general3A_152 {offsets = [0, 896], sizes = [1000, 128], strides = [1, 1]} : vector<1000x1024xf32> to vector<1000x128xf32>
    %mul3A_182 = arith.mulf %concatenate3A_159, %slice3A_181 : vector<1000x128xf32>
    %add3A_183 = arith.addf %add3A_145, %mul3A_182 : vector<1000x128xf32>
    %slice3A_184 = vector.extract_strided_slice %reshape3A_42 {offsets = [4, 0, 0], sizes = [1, 1000, 16], strides = [1, 1, 1]} : vector<16x1000x16xf32> to vector<1x1000x16xf32>
    %squeeze3A_185 = vector.shape_cast %slice3A_184 : vector<1x1000x16xf32> to vector<1000x16xf32>
    %get3A_186 = arith.constant 0 : index
    %get3A_187 = arith.constant 0 : index
    %get3A_188 = vector.load %arg11[%get3A_186, %get3A_187] : memref<16x1024xf32, #tpu.memory_space<vmem>>, vector<16x1024xf32>
    %dot_general3A_189 = arith.constant dense<0.000000e+00> : vector<1000x1024xf32>
    %dot_general3A_190 = tpu.matmul %squeeze3A_185, %get3A_188, %dot_general3A_189 {dimension_numbers = #tpu.dot_dimension_numbers<[1], [0], [0], [1], [0, 0, 1, 1], [], []>, transpose_lhs_hint = false} : vector<1000x16xf32>, vector<16x1024xf32>, vector<1000x1024xf32> -> vector<1000x1024xf32>
    %get3A_191 = arith.constant 4 : index
    %get3A_192 = arith.constant 0 : index
    %get3A_193 = arith.constant 0 : index
    %get3A_194 = vector.load %arg1[%get3A_191, %get3A_192, %get3A_193] : memref<16x1000x128xf32, #tpu.memory_space<vmem>>, vector<1x1000x128xf32>
    %get3A_195 = vector.shape_cast %get3A_194 : vector<1x1000x128xf32> to vector<1000x128xf32>
    %slice3A_196 = vector.extract_strided_slice %get3A_195 {offsets = [0, 0], sizes = [1000, 64], strides = [1, 1]} : vector<1000x128xf32> to vector<1000x64xf32>
    %concatenate3A_197 = tpu.concatenate %slice3A_196, %slice3A_196 in 1 : vector<1000x64xf32>, vector<1000x64xf32> -> vector<1000x128xf32>
    %slice3A_198 = vector.extract_strided_slice %dot_general3A_190 {offsets = [0, 0], sizes = [1000, 128], strides = [1, 1]} : vector<1000x1024xf32> to vector<1000x128xf32>
    %mul3A_199 = arith.mulf %concatenate3A_197, %slice3A_198 : vector<1000x128xf32>
    %add3A_200 = arith.addf %add3A_162, %mul3A_199 : vector<1000x128xf32>
    %slice3A_201 = vector.extract_strided_slice %dot_general3A_190 {offsets = [0, 128], sizes = [1000, 128], strides = [1, 1]} : vector<1000x1024xf32> to vector<1000x128xf32>
    %mul3A_202 = arith.mulf %concatenate3A_197, %slice3A_201 : vector<1000x128xf32>
    %add3A_203 = arith.addf %add3A_165, %mul3A_202 : vector<1000x128xf32>
    %slice3A_204 = vector.extract_strided_slice %dot_general3A_190 {offsets = [0, 256], sizes = [1000, 128], strides = [1, 1]} : vector<1000x1024xf32> to vector<1000x128xf32>
    %mul3A_205 = arith.mulf %concatenate3A_197, %slice3A_204 : vector<1000x128xf32>
    %add3A_206 = arith.addf %add3A_168, %mul3A_205 : vector<1000x128xf32>
    %slice3A_207 = vector.extract_strided_slice %dot_general3A_190 {offsets = [0, 384], sizes = [1000, 128], strides = [1, 1]} : vector<1000x1024xf32> to vector<1000x128xf32>
    %mul3A_208 = arith.mulf %concatenate3A_197, %slice3A_207 : vector<1000x128xf32>
    %add3A_209 = arith.addf %add3A_171, %mul3A_208 : vector<1000x128xf32>
    %slice3A_210 = vector.extract_strided_slice %dot_general3A_190 {offsets = [0, 512], sizes = [1000, 128], strides = [1, 1]} : vector<1000x1024xf32> to vector<1000x128xf32>
    %mul3A_211 = arith.mulf %concatenate3A_197, %slice3A_210 : vector<1000x128xf32>
    %add3A_212 = arith.addf %add3A_174, %mul3A_211 : vector<1000x128xf32>
    %slice3A_213 = vector.extract_strided_slice %dot_general3A_190 {offsets = [0, 640], sizes = [1000, 128], strides = [1, 1]} : vector<1000x1024xf32> to vector<1000x128xf32>
    %mul3A_214 = arith.mulf %concatenate3A_197, %slice3A_213 : vector<1000x128xf32>
    %add3A_215 = arith.addf %add3A_177, %mul3A_214 : vector<1000x128xf32>
    %slice3A_216 = vector.extract_strided_slice %dot_general3A_190 {offsets = [0, 768], sizes = [1000, 128], strides = [1, 1]} : vector<1000x1024xf32> to vector<1000x128xf32>
    %mul3A_217 = arith.mulf %concatenate3A_197, %slice3A_216 : vector<1000x128xf32>
    %add3A_218 = arith.addf %add3A_180, %mul3A_217 : vector<1000x128xf32>
    %slice3A_219 = vector.extract_strided_slice %dot_general3A_190 {offsets = [0, 896], sizes = [1000, 128], strides = [1, 1]} : vector<1000x1024xf32> to vector<1000x128xf32>
    %mul3A_220 = arith.mulf %concatenate3A_197, %slice3A_219 : vector<1000x128xf32>
    %add3A_221 = arith.addf %add3A_183, %mul3A_220 : vector<1000x128xf32>
    %slice3A_222 = vector.extract_strided_slice %reshape3A_42 {offsets = [5, 0, 0], sizes = [1, 1000, 16], strides = [1, 1, 1]} : vector<16x1000x16xf32> to vector<1x1000x16xf32>
    %squeeze3A_223 = vector.shape_cast %slice3A_222 : vector<1x1000x16xf32> to vector<1000x16xf32>
    %get3A_224 = arith.constant 0 : index
    %get3A_225 = arith.constant 0 : index
    %get3A_226 = vector.load %arg11[%get3A_224, %get3A_225] : memref<16x1024xf32, #tpu.memory_space<vmem>>, vector<16x1024xf32>
    %dot_general3A_227 = arith.constant dense<0.000000e+00> : vector<1000x1024xf32>
    %dot_general3A_228 = tpu.matmul %squeeze3A_223, %get3A_226, %dot_general3A_227 {dimension_numbers = #tpu.dot_dimension_numbers<[1], [0], [0], [1], [0, 0, 1, 1], [], []>, transpose_lhs_hint = false} : vector<1000x16xf32>, vector<16x1024xf32>, vector<1000x1024xf32> -> vector<1000x1024xf32>
    %get3A_229 = arith.constant 5 : index
    %get3A_230 = arith.constant 0 : index
    %get3A_231 = arith.constant 0 : index
    %get3A_232 = vector.load %arg1[%get3A_229, %get3A_230, %get3A_231] : memref<16x1000x128xf32, #tpu.memory_space<vmem>>, vector<1x1000x128xf32>
    %get3A_233 = vector.shape_cast %get3A_232 : vector<1x1000x128xf32> to vector<1000x128xf32>
    %slice3A_234 = vector.extract_strided_slice %get3A_233 {offsets = [0, 0], sizes = [1000, 64], strides = [1, 1]} : vector<1000x128xf32> to vector<1000x64xf32>
    %concatenate3A_235 = tpu.concatenate %slice3A_234, %slice3A_234 in 1 : vector<1000x64xf32>, vector<1000x64xf32> -> vector<1000x128xf32>
    %slice3A_236 = vector.extract_strided_slice %dot_general3A_228 {offsets = [0, 0], sizes = [1000, 128], strides = [1, 1]} : vector<1000x1024xf32> to vector<1000x128xf32>
    %mul3A_237 = arith.mulf %concatenate3A_235, %slice3A_236 : vector<1000x128xf32>
    %add3A_238 = arith.addf %add3A_200, %mul3A_237 : vector<1000x128xf32>
    %slice3A_239 = vector.extract_strided_slice %dot_general3A_228 {offsets = [0, 128], sizes = [1000, 128], strides = [1, 1]} : vector<1000x1024xf32> to vector<1000x128xf32>
    %mul3A_240 = arith.mulf %concatenate3A_235, %slice3A_239 : vector<1000x128xf32>
    %add3A_241 = arith.addf %add3A_203, %mul3A_240 : vector<1000x128xf32>
    %slice3A_242 = vector.extract_strided_slice %dot_general3A_228 {offsets = [0, 256], sizes = [1000, 128], strides = [1, 1]} : vector<1000x1024xf32> to vector<1000x128xf32>
    %mul3A_243 = arith.mulf %concatenate3A_235, %slice3A_242 : vector<1000x128xf32>
    %add3A_244 = arith.addf %add3A_206, %mul3A_243 : vector<1000x128xf32>
    %slice3A_245 = vector.extract_strided_slice %dot_general3A_228 {offsets = [0, 384], sizes = [1000, 128], strides = [1, 1]} : vector<1000x1024xf32> to vector<1000x128xf32>
    %mul3A_246 = arith.mulf %concatenate3A_235, %slice3A_245 : vector<1000x128xf32>
    %add3A_247 = arith.addf %add3A_209, %mul3A_246 : vector<1000x128xf32>
    %slice3A_248 = vector.extract_strided_slice %dot_general3A_228 {offsets = [0, 512], sizes = [1000, 128], strides = [1, 1]} : vector<1000x1024xf32> to vector<1000x128xf32>
    %mul3A_249 = arith.mulf %concatenate3A_235, %slice3A_248 : vector<1000x128xf32>
    %add3A_250 = arith.addf %add3A_212, %mul3A_249 : vector<1000x128xf32>
    %slice3A_251 = vector.extract_strided_slice %dot_general3A_228 {offsets = [0, 640], sizes = [1000, 128], strides = [1, 1]} : vector<1000x1024xf32> to vector<1000x128xf32>
    %mul3A_252 = arith.mulf %concatenate3A_235, %slice3A_251 : vector<1000x128xf32>
    %add3A_253 = arith.addf %add3A_215, %mul3A_252 : vector<1000x128xf32>
    %slice3A_254 = vector.extract_strided_slice %dot_general3A_228 {offsets = [0, 768], sizes = [1000, 128], strides = [1, 1]} : vector<1000x1024xf32> to vector<1000x128xf32>
    %mul3A_255 = arith.mulf %concatenate3A_235, %slice3A_254 : vector<1000x128xf32>
    %add3A_256 = arith.addf %add3A_218, %mul3A_255 : vector<1000x128xf32>
    %slice3A_257 = vector.extract_strided_slice %dot_general3A_228 {offsets = [0, 896], sizes = [1000, 128], strides = [1, 1]} : vector<1000x1024xf32> to vector<1000x128xf32>
    %mul3A_258 = arith.mulf %concatenate3A_235, %slice3A_257 : vector<1000x128xf32>
    %add3A_259 = arith.addf %add3A_221, %mul3A_258 : vector<1000x128xf32>
    %slice3A_260 = vector.extract_strided_slice %reshape3A_42 {offsets = [6, 0, 0], sizes = [1, 1000, 16], strides = [1, 1, 1]} : vector<16x1000x16xf32> to vector<1x1000x16xf32>
    %squeeze3A_261 = vector.shape_cast %slice3A_260 : vector<1x1000x16xf32> to vector<1000x16xf32>
    %get3A_262 = arith.constant 0 : index
    %get3A_263 = arith.constant 0 : index
    %get3A_264 = vector.load %arg11[%get3A_262, %get3A_263] : memref<16x1024xf32, #tpu.memory_space<vmem>>, vector<16x1024xf32>
    %dot_general3A_265 = arith.constant dense<0.000000e+00> : vector<1000x1024xf32>
    %dot_general3A_266 = tpu.matmul %squeeze3A_261, %get3A_264, %dot_general3A_265 {dimension_numbers = #tpu.dot_dimension_numbers<[1], [0], [0], [1], [0, 0, 1, 1], [], []>, transpose_lhs_hint = false} : vector<1000x16xf32>, vector<16x1024xf32>, vector<1000x1024xf32> -> vector<1000x1024xf32>
    %get3A_267 = arith.constant 6 : index
    %get3A_268 = arith.constant 0 : index
    %get3A_269 = arith.constant 0 : index
    %get3A_270 = vector.load %arg1[%get3A_267, %get3A_268, %get3A_269] : memref<16x1000x128xf32, #tpu.memory_space<vmem>>, vector<1x1000x128xf32>
    %get3A_271 = vector.shape_cast %get3A_270 : vector<1x1000x128xf32> to vector<1000x128xf32>
    %slice3A_272 = vector.extract_strided_slice %get3A_271 {offsets = [0, 0], sizes = [1000, 64], strides = [1, 1]} : vector<1000x128xf32> to vector<1000x64xf32>
    %concatenate3A_273 = tpu.concatenate %slice3A_272, %slice3A_272 in 1 : vector<1000x64xf32>, vector<1000x64xf32> -> vector<1000x128xf32>
    %slice3A_274 = vector.extract_strided_slice %dot_general3A_266 {offsets = [0, 0], sizes = [1000, 128], strides = [1, 1]} : vector<1000x1024xf32> to vector<1000x128xf32>
    %mul3A_275 = arith.mulf %concatenate3A_273, %slice3A_274 : vector<1000x128xf32>
    %add3A_276 = arith.addf %add3A_238, %mul3A_275 : vector<1000x128xf32>
    %slice3A_277 = vector.extract_strided_slice %dot_general3A_266 {offsets = [0, 128], sizes = [1000, 128], strides = [1, 1]} : vector<1000x1024xf32> to vector<1000x128xf32>
    %mul3A_278 = arith.mulf %concatenate3A_273, %slice3A_277 : vector<1000x128xf32>
    %add3A_279 = arith.addf %add3A_241, %mul3A_278 : vector<1000x128xf32>
    %slice3A_280 = vector.extract_strided_slice %dot_general3A_266 {offsets = [0, 256], sizes = [1000, 128], strides = [1, 1]} : vector<1000x1024xf32> to vector<1000x128xf32>
    %mul3A_281 = arith.mulf %concatenate3A_273, %slice3A_280 : vector<1000x128xf32>
    %add3A_282 = arith.addf %add3A_244, %mul3A_281 : vector<1000x128xf32>
    %slice3A_283 = vector.extract_strided_slice %dot_general3A_266 {offsets = [0, 384], sizes = [1000, 128], strides = [1, 1]} : vector<1000x1024xf32> to vector<1000x128xf32>
    %mul3A_284 = arith.mulf %concatenate3A_273, %slice3A_283 : vector<1000x128xf32>
    %add3A_285 = arith.addf %add3A_247, %mul3A_284 : vector<1000x128xf32>
    %slice3A_286 = vector.extract_strided_slice %dot_general3A_266 {offsets = [0, 512], sizes = [1000, 128], strides = [1, 1]} : vector<1000x1024xf32> to vector<1000x128xf32>
    %mul3A_287 = arith.mulf %concatenate3A_273, %slice3A_286 : vector<1000x128xf32>
    %add3A_288 = arith.addf %add3A_250, %mul3A_287 : vector<1000x128xf32>
    %slice3A_289 = vector.extract_strided_slice %dot_general3A_266 {offsets = [0, 640], sizes = [1000, 128], strides = [1, 1]} : vector<1000x1024xf32> to vector<1000x128xf32>
    %mul3A_290 = arith.mulf %concatenate3A_273, %slice3A_289 : vector<1000x128xf32>
    %add3A_291 = arith.addf %add3A_253, %mul3A_290 : vector<1000x128xf32>
    %slice3A_292 = vector.extract_strided_slice %dot_general3A_266 {offsets = [0, 768], sizes = [1000, 128], strides = [1, 1]} : vector<1000x1024xf32> to vector<1000x128xf32>
    %mul3A_293 = arith.mulf %concatenate3A_273, %slice3A_292 : vector<1000x128xf32>
    %add3A_294 = arith.addf %add3A_256, %mul3A_293 : vector<1000x128xf32>
    %slice3A_295 = vector.extract_strided_slice %dot_general3A_266 {offsets = [0, 896], sizes = [1000, 128], strides = [1, 1]} : vector<1000x1024xf32> to vector<1000x128xf32>
    %mul3A_296 = arith.mulf %concatenate3A_273, %slice3A_295 : vector<1000x128xf32>
    %add3A_297 = arith.addf %add3A_259, %mul3A_296 : vector<1000x128xf32>
    %slice3A_298 = vector.extract_strided_slice %reshape3A_42 {offsets = [7, 0, 0], sizes = [1, 1000, 16], strides = [1, 1, 1]} : vector<16x1000x16xf32> to vector<1x1000x16xf32>
    %squeeze3A_299 = vector.shape_cast %slice3A_298 : vector<1x1000x16xf32> to vector<1000x16xf32>
    %get3A_300 = arith.constant 0 : index
    %get3A_301 = arith.constant 0 : index
    %get3A_302 = vector.load %arg11[%get3A_300, %get3A_301] : memref<16x1024xf32, #tpu.memory_space<vmem>>, vector<16x1024xf32>
    %dot_general3A_303 = arith.constant dense<0.000000e+00> : vector<1000x1024xf32>
    %dot_general3A_304 = tpu.matmul %squeeze3A_299, %get3A_302, %dot_general3A_303 {dimension_numbers = #tpu.dot_dimension_numbers<[1], [0], [0], [1], [0, 0, 1, 1], [], []>, transpose_lhs_hint = false} : vector<1000x16xf32>, vector<16x1024xf32>, vector<1000x1024xf32> -> vector<1000x1024xf32>
    %get3A_305 = arith.constant 7 : index
    %get3A_306 = arith.constant 0 : index
    %get3A_307 = arith.constant 0 : index
    %get3A_308 = vector.load %arg1[%get3A_305, %get3A_306, %get3A_307] : memref<16x1000x128xf32, #tpu.memory_space<vmem>>, vector<1x1000x128xf32>
    %get3A_309 = vector.shape_cast %get3A_308 : vector<1x1000x128xf32> to vector<1000x128xf32>
    %slice3A_310 = vector.extract_strided_slice %get3A_309 {offsets = [0, 0], sizes = [1000, 64], strides = [1, 1]} : vector<1000x128xf32> to vector<1000x64xf32>
    %concatenate3A_311 = tpu.concatenate %slice3A_310, %slice3A_310 in 1 : vector<1000x64xf32>, vector<1000x64xf32> -> vector<1000x128xf32>
    %slice3A_312 = vector.extract_strided_slice %dot_general3A_304 {offsets = [0, 0], sizes = [1000, 128], strides = [1, 1]} : vector<1000x1024xf32> to vector<1000x128xf32>
    %mul3A_313 = arith.mulf %concatenate3A_311, %slice3A_312 : vector<1000x128xf32>
    %add3A_314 = arith.addf %add3A_276, %mul3A_313 : vector<1000x128xf32>
    %slice3A_315 = vector.extract_strided_slice %dot_general3A_304 {offsets = [0, 128], sizes = [1000, 128], strides = [1, 1]} : vector<1000x1024xf32> to vector<1000x128xf32>
    %mul3A_316 = arith.mulf %concatenate3A_311, %slice3A_315 : vector<1000x128xf32>
    %add3A_317 = arith.addf %add3A_279, %mul3A_316 : vector<1000x128xf32>
    %slice3A_318 = vector.extract_strided_slice %dot_general3A_304 {offsets = [0, 256], sizes = [1000, 128], strides = [1, 1]} : vector<1000x1024xf32> to vector<1000x128xf32>
    %mul3A_319 = arith.mulf %concatenate3A_311, %slice3A_318 : vector<1000x128xf32>
    %add3A_320 = arith.addf %add3A_282, %mul3A_319 : vector<1000x128xf32>
    %slice3A_321 = vector.extract_strided_slice %dot_general3A_304 {offsets = [0, 384], sizes = [1000, 128], strides = [1, 1]} : vector<1000x1024xf32> to vector<1000x128xf32>
    %mul3A_322 = arith.mulf %concatenate3A_311, %slice3A_321 : vector<1000x128xf32>
    %add3A_323 = arith.addf %add3A_285, %mul3A_322 : vector<1000x128xf32>
    %slice3A_324 = vector.extract_strided_slice %dot_general3A_304 {offsets = [0, 512], sizes = [1000, 128], strides = [1, 1]} : vector<1000x1024xf32> to vector<1000x128xf32>
    %mul3A_325 = arith.mulf %concatenate3A_311, %slice3A_324 : vector<1000x128xf32>
    %add3A_326 = arith.addf %add3A_288, %mul3A_325 : vector<1000x128xf32>
    %slice3A_327 = vector.extract_strided_slice %dot_general3A_304 {offsets = [0, 640], sizes = [1000, 128], strides = [1, 1]} : vector<1000x1024xf32> to vector<1000x128xf32>
    %mul3A_328 = arith.mulf %concatenate3A_311, %slice3A_327 : vector<1000x128xf32>
    %add3A_329 = arith.addf %add3A_291, %mul3A_328 : vector<1000x128xf32>
    %slice3A_330 = vector.extract_strided_slice %dot_general3A_304 {offsets = [0, 768], sizes = [1000, 128], strides = [1, 1]} : vector<1000x1024xf32> to vector<1000x128xf32>
    %mul3A_331 = arith.mulf %concatenate3A_311, %slice3A_330 : vector<1000x128xf32>
    %add3A_332 = arith.addf %add3A_294, %mul3A_331 : vector<1000x128xf32>
    %slice3A_333 = vector.extract_strided_slice %dot_general3A_304 {offsets = [0, 896], sizes = [1000, 128], strides = [1, 1]} : vector<1000x1024xf32> to vector<1000x128xf32>
    %mul3A_334 = arith.mulf %concatenate3A_311, %slice3A_333 : vector<1000x128xf32>
    %add3A_335 = arith.addf %add3A_297, %mul3A_334 : vector<1000x128xf32>
    %slice3A_336 = vector.extract_strided_slice %reshape3A_42 {offsets = [8, 0, 0], sizes = [1, 1000, 16], strides = [1, 1, 1]} : vector<16x1000x16xf32> to vector<1x1000x16xf32>
    %squeeze3A_337 = vector.shape_cast %slice3A_336 : vector<1x1000x16xf32> to vector<1000x16xf32>
    %get3A_338 = arith.constant 0 : index
    %get3A_339 = arith.constant 0 : index
    %get3A_340 = vector.load %arg11[%get3A_338, %get3A_339] : memref<16x1024xf32, #tpu.memory_space<vmem>>, vector<16x1024xf32>
    %dot_general3A_341 = arith.constant dense<0.000000e+00> : vector<1000x1024xf32>
    %dot_general3A_342 = tpu.matmul %squeeze3A_337, %get3A_340, %dot_general3A_341 {dimension_numbers = #tpu.dot_dimension_numbers<[1], [0], [0], [1], [0, 0, 1, 1], [], []>, transpose_lhs_hint = false} : vector<1000x16xf32>, vector<16x1024xf32>, vector<1000x1024xf32> -> vector<1000x1024xf32>
    %get3A_343 = arith.constant 8 : index
    %get3A_344 = arith.constant 0 : index
    %get3A_345 = arith.constant 0 : index
    %get3A_346 = vector.load %arg1[%get3A_343, %get3A_344, %get3A_345] : memref<16x1000x128xf32, #tpu.memory_space<vmem>>, vector<1x1000x128xf32>
    %get3A_347 = vector.shape_cast %get3A_346 : vector<1x1000x128xf32> to vector<1000x128xf32>
    %slice3A_348 = vector.extract_strided_slice %get3A_347 {offsets = [0, 0], sizes = [1000, 64], strides = [1, 1]} : vector<1000x128xf32> to vector<1000x64xf32>
    %concatenate3A_349 = tpu.concatenate %slice3A_348, %slice3A_348 in 1 : vector<1000x64xf32>, vector<1000x64xf32> -> vector<1000x128xf32>
    %slice3A_350 = vector.extract_strided_slice %dot_general3A_342 {offsets = [0, 0], sizes = [1000, 128], strides = [1, 1]} : vector<1000x1024xf32> to vector<1000x128xf32>
    %mul3A_351 = arith.mulf %concatenate3A_349, %slice3A_350 : vector<1000x128xf32>
    %add3A_352 = arith.addf %add3A_314, %mul3A_351 : vector<1000x128xf32>
    %slice3A_353 = vector.extract_strided_slice %dot_general3A_342 {offsets = [0, 128], sizes = [1000, 128], strides = [1, 1]} : vector<1000x1024xf32> to vector<1000x128xf32>
    %mul3A_354 = arith.mulf %concatenate3A_349, %slice3A_353 : vector<1000x128xf32>
    %add3A_355 = arith.addf %add3A_317, %mul3A_354 : vector<1000x128xf32>
    %slice3A_356 = vector.extract_strided_slice %dot_general3A_342 {offsets = [0, 256], sizes = [1000, 128], strides = [1, 1]} : vector<1000x1024xf32> to vector<1000x128xf32>
    %mul3A_357 = arith.mulf %concatenate3A_349, %slice3A_356 : vector<1000x128xf32>
    %add3A_358 = arith.addf %add3A_320, %mul3A_357 : vector<1000x128xf32>
    %slice3A_359 = vector.extract_strided_slice %dot_general3A_342 {offsets = [0, 384], sizes = [1000, 128], strides = [1, 1]} : vector<1000x1024xf32> to vector<1000x128xf32>
    %mul3A_360 = arith.mulf %concatenate3A_349, %slice3A_359 : vector<1000x128xf32>
    %add3A_361 = arith.addf %add3A_323, %mul3A_360 : vector<1000x128xf32>
    %slice3A_362 = vector.extract_strided_slice %dot_general3A_342 {offsets = [0, 512], sizes = [1000, 128], strides = [1, 1]} : vector<1000x1024xf32> to vector<1000x128xf32>
    %mul3A_363 = arith.mulf %concatenate3A_349, %slice3A_362 : vector<1000x128xf32>
    %add3A_364 = arith.addf %add3A_326, %mul3A_363 : vector<1000x128xf32>
    %slice3A_365 = vector.extract_strided_slice %dot_general3A_342 {offsets = [0, 640], sizes = [1000, 128], strides = [1, 1]} : vector<1000x1024xf32> to vector<1000x128xf32>
    %mul3A_366 = arith.mulf %concatenate3A_349, %slice3A_365 : vector<1000x128xf32>
    %add3A_367 = arith.addf %add3A_329, %mul3A_366 : vector<1000x128xf32>
    %slice3A_368 = vector.extract_strided_slice %dot_general3A_342 {offsets = [0, 768], sizes = [1000, 128], strides = [1, 1]} : vector<1000x1024xf32> to vector<1000x128xf32>
    %mul3A_369 = arith.mulf %concatenate3A_349, %slice3A_368 : vector<1000x128xf32>
    %add3A_370 = arith.addf %add3A_332, %mul3A_369 : vector<1000x128xf32>
    %slice3A_371 = vector.extract_strided_slice %dot_general3A_342 {offsets = [0, 896], sizes = [1000, 128], strides = [1, 1]} : vector<1000x1024xf32> to vector<1000x128xf32>
    %mul3A_372 = arith.mulf %concatenate3A_349, %slice3A_371 : vector<1000x128xf32>
    %add3A_373 = arith.addf %add3A_335, %mul3A_372 : vector<1000x128xf32>
    %slice3A_374 = vector.extract_strided_slice %reshape3A_42 {offsets = [9, 0, 0], sizes = [1, 1000, 16], strides = [1, 1, 1]} : vector<16x1000x16xf32> to vector<1x1000x16xf32>
    %squeeze3A_375 = vector.shape_cast %slice3A_374 : vector<1x1000x16xf32> to vector<1000x16xf32>
    %get3A_376 = arith.constant 0 : index
    %get3A_377 = arith.constant 0 : index
    %get3A_378 = vector.load %arg11[%get3A_376, %get3A_377] : memref<16x1024xf32, #tpu.memory_space<vmem>>, vector<16x1024xf32>
    %dot_general3A_379 = arith.constant dense<0.000000e+00> : vector<1000x1024xf32>
    %dot_general3A_380 = tpu.matmul %squeeze3A_375, %get3A_378, %dot_general3A_379 {dimension_numbers = #tpu.dot_dimension_numbers<[1], [0], [0], [1], [0, 0, 1, 1], [], []>, transpose_lhs_hint = false} : vector<1000x16xf32>, vector<16x1024xf32>, vector<1000x1024xf32> -> vector<1000x1024xf32>
    %get3A_381 = arith.constant 9 : index
    %get3A_382 = arith.constant 0 : index
    %get3A_383 = arith.constant 0 : index
    %get3A_384 = vector.load %arg1[%get3A_381, %get3A_382, %get3A_383] : memref<16x1000x128xf32, #tpu.memory_space<vmem>>, vector<1x1000x128xf32>
    %get3A_385 = vector.shape_cast %get3A_384 : vector<1x1000x128xf32> to vector<1000x128xf32>
    %slice3A_386 = vector.extract_strided_slice %get3A_385 {offsets = [0, 0], sizes = [1000, 64], strides = [1, 1]} : vector<1000x128xf32> to vector<1000x64xf32>
    %concatenate3A_387 = tpu.concatenate %slice3A_386, %slice3A_386 in 1 : vector<1000x64xf32>, vector<1000x64xf32> -> vector<1000x128xf32>
    %slice3A_388 = vector.extract_strided_slice %dot_general3A_380 {offsets = [0, 0], sizes = [1000, 128], strides = [1, 1]} : vector<1000x1024xf32> to vector<1000x128xf32>
    %mul3A_389 = arith.mulf %concatenate3A_387, %slice3A_388 : vector<1000x128xf32>
    %add3A_390 = arith.addf %add3A_352, %mul3A_389 : vector<1000x128xf32>
    %slice3A_391 = vector.extract_strided_slice %dot_general3A_380 {offsets = [0, 128], sizes = [1000, 128], strides = [1, 1]} : vector<1000x1024xf32> to vector<1000x128xf32>
    %mul3A_392 = arith.mulf %concatenate3A_387, %slice3A_391 : vector<1000x128xf32>
    %add3A_393 = arith.addf %add3A_355, %mul3A_392 : vector<1000x128xf32>
    %slice3A_394 = vector.extract_strided_slice %dot_general3A_380 {offsets = [0, 256], sizes = [1000, 128], strides = [1, 1]} : vector<1000x1024xf32> to vector<1000x128xf32>
    %mul3A_395 = arith.mulf %concatenate3A_387, %slice3A_394 : vector<1000x128xf32>
    %add3A_396 = arith.addf %add3A_358, %mul3A_395 : vector<1000x128xf32>
    %slice3A_397 = vector.extract_strided_slice %dot_general3A_380 {offsets = [0, 384], sizes = [1000, 128], strides = [1, 1]} : vector<1000x1024xf32> to vector<1000x128xf32>
    %mul3A_398 = arith.mulf %concatenate3A_387, %slice3A_397 : vector<1000x128xf32>
    %add3A_399 = arith.addf %add3A_361, %mul3A_398 : vector<1000x128xf32>
    %slice3A_400 = vector.extract_strided_slice %dot_general3A_380 {offsets = [0, 512], sizes = [1000, 128], strides = [1, 1]} : vector<1000x1024xf32> to vector<1000x128xf32>
    %mul3A_401 = arith.mulf %concatenate3A_387, %slice3A_400 : vector<1000x128xf32>
    %add3A_402 = arith.addf %add3A_364, %mul3A_401 : vector<1000x128xf32>
    %slice3A_403 = vector.extract_strided_slice %dot_general3A_380 {offsets = [0, 640], sizes = [1000, 128], strides = [1, 1]} : vector<1000x1024xf32> to vector<1000x128xf32>
    %mul3A_404 = arith.mulf %concatenate3A_387, %slice3A_403 : vector<1000x128xf32>
    %add3A_405 = arith.addf %add3A_367, %mul3A_404 : vector<1000x128xf32>
    %slice3A_406 = vector.extract_strided_slice %dot_general3A_380 {offsets = [0, 768], sizes = [1000, 128], strides = [1, 1]} : vector<1000x1024xf32> to vector<1000x128xf32>
    %mul3A_407 = arith.mulf %concatenate3A_387, %slice3A_406 : vector<1000x128xf32>
    %add3A_408 = arith.addf %add3A_370, %mul3A_407 : vector<1000x128xf32>
    %slice3A_409 = vector.extract_strided_slice %dot_general3A_380 {offsets = [0, 896], sizes = [1000, 128], strides = [1, 1]} : vector<1000x1024xf32> to vector<1000x128xf32>
    %mul3A_410 = arith.mulf %concatenate3A_387, %slice3A_409 : vector<1000x128xf32>
    %add3A_411 = arith.addf %add3A_373, %mul3A_410 : vector<1000x128xf32>
    %slice3A_412 = vector.extract_strided_slice %reshape3A_42 {offsets = [10, 0, 0], sizes = [1, 1000, 16], strides = [1, 1, 1]} : vector<16x1000x16xf32> to vector<1x1000x16xf32>
    %squeeze3A_413 = vector.shape_cast %slice3A_412 : vector<1x1000x16xf32> to vector<1000x16xf32>
    %get3A_414 = arith.constant 0 : index
    %get3A_415 = arith.constant 0 : index
    %get3A_416 = vector.load %arg11[%get3A_414, %get3A_415] : memref<16x1024xf32, #tpu.memory_space<vmem>>, vector<16x1024xf32>
    %dot_general3A_417 = arith.constant dense<0.000000e+00> : vector<1000x1024xf32>
    %dot_general3A_418 = tpu.matmul %squeeze3A_413, %get3A_416, %dot_general3A_417 {dimension_numbers = #tpu.dot_dimension_numbers<[1], [0], [0], [1], [0, 0, 1, 1], [], []>, transpose_lhs_hint = false} : vector<1000x16xf32>, vector<16x1024xf32>, vector<1000x1024xf32> -> vector<1000x1024xf32>
    %get3A_419 = arith.constant 10 : index
    %get3A_420 = arith.constant 0 : index
    %get3A_421 = arith.constant 0 : index
    %get3A_422 = vector.load %arg1[%get3A_419, %get3A_420, %get3A_421] : memref<16x1000x128xf32, #tpu.memory_space<vmem>>, vector<1x1000x128xf32>
    %get3A_423 = vector.shape_cast %get3A_422 : vector<1x1000x128xf32> to vector<1000x128xf32>
    %slice3A_424 = vector.extract_strided_slice %get3A_423 {offsets = [0, 0], sizes = [1000, 64], strides = [1, 1]} : vector<1000x128xf32> to vector<1000x64xf32>
    %concatenate3A_425 = tpu.concatenate %slice3A_424, %slice3A_424 in 1 : vector<1000x64xf32>, vector<1000x64xf32> -> vector<1000x128xf32>
    %slice3A_426 = vector.extract_strided_slice %dot_general3A_418 {offsets = [0, 0], sizes = [1000, 128], strides = [1, 1]} : vector<1000x1024xf32> to vector<1000x128xf32>
    %mul3A_427 = arith.mulf %concatenate3A_425, %slice3A_426 : vector<1000x128xf32>
    %add3A_428 = arith.addf %add3A_390, %mul3A_427 : vector<1000x128xf32>
    %slice3A_429 = vector.extract_strided_slice %dot_general3A_418 {offsets = [0, 128], sizes = [1000, 128], strides = [1, 1]} : vector<1000x1024xf32> to vector<1000x128xf32>
    %mul3A_430 = arith.mulf %concatenate3A_425, %slice3A_429 : vector<1000x128xf32>
    %add3A_431 = arith.addf %add3A_393, %mul3A_430 : vector<1000x128xf32>
    %slice3A_432 = vector.extract_strided_slice %dot_general3A_418 {offsets = [0, 256], sizes = [1000, 128], strides = [1, 1]} : vector<1000x1024xf32> to vector<1000x128xf32>
    %mul3A_433 = arith.mulf %concatenate3A_425, %slice3A_432 : vector<1000x128xf32>
    %add3A_434 = arith.addf %add3A_396, %mul3A_433 : vector<1000x128xf32>
    %slice3A_435 = vector.extract_strided_slice %dot_general3A_418 {offsets = [0, 384], sizes = [1000, 128], strides = [1, 1]} : vector<1000x1024xf32> to vector<1000x128xf32>
    %mul3A_436 = arith.mulf %concatenate3A_425, %slice3A_435 : vector<1000x128xf32>
    %add3A_437 = arith.addf %add3A_399, %mul3A_436 : vector<1000x128xf32>
    %slice3A_438 = vector.extract_strided_slice %dot_general3A_418 {offsets = [0, 512], sizes = [1000, 128], strides = [1, 1]} : vector<1000x1024xf32> to vector<1000x128xf32>
    %mul3A_439 = arith.mulf %concatenate3A_425, %slice3A_438 : vector<1000x128xf32>
    %add3A_440 = arith.addf %add3A_402, %mul3A_439 : vector<1000x128xf32>
    %slice3A_441 = vector.extract_strided_slice %dot_general3A_418 {offsets = [0, 640], sizes = [1000, 128], strides = [1, 1]} : vector<1000x1024xf32> to vector<1000x128xf32>
    %mul3A_442 = arith.mulf %concatenate3A_425, %slice3A_441 : vector<1000x128xf32>
    %add3A_443 = arith.addf %add3A_405, %mul3A_442 : vector<1000x128xf32>
    %slice3A_444 = vector.extract_strided_slice %dot_general3A_418 {offsets = [0, 768], sizes = [1000, 128], strides = [1, 1]} : vector<1000x1024xf32> to vector<1000x128xf32>
    %mul3A_445 = arith.mulf %concatenate3A_425, %slice3A_444 : vector<1000x128xf32>
    %add3A_446 = arith.addf %add3A_408, %mul3A_445 : vector<1000x128xf32>
    %slice3A_447 = vector.extract_strided_slice %dot_general3A_418 {offsets = [0, 896], sizes = [1000, 128], strides = [1, 1]} : vector<1000x1024xf32> to vector<1000x128xf32>
    %mul3A_448 = arith.mulf %concatenate3A_425, %slice3A_447 : vector<1000x128xf32>
    %add3A_449 = arith.addf %add3A_411, %mul3A_448 : vector<1000x128xf32>
    %slice3A_450 = vector.extract_strided_slice %reshape3A_42 {offsets = [11, 0, 0], sizes = [1, 1000, 16], strides = [1, 1, 1]} : vector<16x1000x16xf32> to vector<1x1000x16xf32>
    %squeeze3A_451 = vector.shape_cast %slice3A_450 : vector<1x1000x16xf32> to vector<1000x16xf32>
    %get3A_452 = arith.constant 0 : index
    %get3A_453 = arith.constant 0 : index
    %get3A_454 = vector.load %arg11[%get3A_452, %get3A_453] : memref<16x1024xf32, #tpu.memory_space<vmem>>, vector<16x1024xf32>
    %dot_general3A_455 = arith.constant dense<0.000000e+00> : vector<1000x1024xf32>
    %dot_general3A_456 = tpu.matmul %squeeze3A_451, %get3A_454, %dot_general3A_455 {dimension_numbers = #tpu.dot_dimension_numbers<[1], [0], [0], [1], [0, 0, 1, 1], [], []>, transpose_lhs_hint = false} : vector<1000x16xf32>, vector<16x1024xf32>, vector<1000x1024xf32> -> vector<1000x1024xf32>
    %get3A_457 = arith.constant 11 : index
    %get3A_458 = arith.constant 0 : index
    %get3A_459 = arith.constant 0 : index
    %get3A_460 = vector.load %arg1[%get3A_457, %get3A_458, %get3A_459] : memref<16x1000x128xf32, #tpu.memory_space<vmem>>, vector<1x1000x128xf32>
    %get3A_461 = vector.shape_cast %get3A_460 : vector<1x1000x128xf32> to vector<1000x128xf32>
    %slice3A_462 = vector.extract_strided_slice %get3A_461 {offsets = [0, 0], sizes = [1000, 64], strides = [1, 1]} : vector<1000x128xf32> to vector<1000x64xf32>
    %concatenate3A_463 = tpu.concatenate %slice3A_462, %slice3A_462 in 1 : vector<1000x64xf32>, vector<1000x64xf32> -> vector<1000x128xf32>
    %slice3A_464 = vector.extract_strided_slice %dot_general3A_456 {offsets = [0, 0], sizes = [1000, 128], strides = [1, 1]} : vector<1000x1024xf32> to vector<1000x128xf32>
    %mul3A_465 = arith.mulf %concatenate3A_463, %slice3A_464 : vector<1000x128xf32>
    %add3A_466 = arith.addf %add3A_428, %mul3A_465 : vector<1000x128xf32>
    %slice3A_467 = vector.extract_strided_slice %dot_general3A_456 {offsets = [0, 128], sizes = [1000, 128], strides = [1, 1]} : vector<1000x1024xf32> to vector<1000x128xf32>
    %mul3A_468 = arith.mulf %concatenate3A_463, %slice3A_467 : vector<1000x128xf32>
    %add3A_469 = arith.addf %add3A_431, %mul3A_468 : vector<1000x128xf32>
    %slice3A_470 = vector.extract_strided_slice %dot_general3A_456 {offsets = [0, 256], sizes = [1000, 128], strides = [1, 1]} : vector<1000x1024xf32> to vector<1000x128xf32>
    %mul3A_471 = arith.mulf %concatenate3A_463, %slice3A_470 : vector<1000x128xf32>
    %add3A_472 = arith.addf %add3A_434, %mul3A_471 : vector<1000x128xf32>
    %slice3A_473 = vector.extract_strided_slice %dot_general3A_456 {offsets = [0, 384], sizes = [1000, 128], strides = [1, 1]} : vector<1000x1024xf32> to vector<1000x128xf32>
    %mul3A_474 = arith.mulf %concatenate3A_463, %slice3A_473 : vector<1000x128xf32>
    %add3A_475 = arith.addf %add3A_437, %mul3A_474 : vector<1000x128xf32>
    %slice3A_476 = vector.extract_strided_slice %dot_general3A_456 {offsets = [0, 512], sizes = [1000, 128], strides = [1, 1]} : vector<1000x1024xf32> to vector<1000x128xf32>
    %mul3A_477 = arith.mulf %concatenate3A_463, %slice3A_476 : vector<1000x128xf32>
    %add3A_478 = arith.addf %add3A_440, %mul3A_477 : vector<1000x128xf32>
    %slice3A_479 = vector.extract_strided_slice %dot_general3A_456 {offsets = [0, 640], sizes = [1000, 128], strides = [1, 1]} : vector<1000x1024xf32> to vector<1000x128xf32>
    %mul3A_480 = arith.mulf %concatenate3A_463, %slice3A_479 : vector<1000x128xf32>
    %add3A_481 = arith.addf %add3A_443, %mul3A_480 : vector<1000x128xf32>
    %slice3A_482 = vector.extract_strided_slice %dot_general3A_456 {offsets = [0, 768], sizes = [1000, 128], strides = [1, 1]} : vector<1000x1024xf32> to vector<1000x128xf32>
    %mul3A_483 = arith.mulf %concatenate3A_463, %slice3A_482 : vector<1000x128xf32>
    %add3A_484 = arith.addf %add3A_446, %mul3A_483 : vector<1000x128xf32>
    %slice3A_485 = vector.extract_strided_slice %dot_general3A_456 {offsets = [0, 896], sizes = [1000, 128], strides = [1, 1]} : vector<1000x1024xf32> to vector<1000x128xf32>
    %mul3A_486 = arith.mulf %concatenate3A_463, %slice3A_485 : vector<1000x128xf32>
    %add3A_487 = arith.addf %add3A_449, %mul3A_486 : vector<1000x128xf32>
    %slice3A_488 = vector.extract_strided_slice %reshape3A_42 {offsets = [12, 0, 0], sizes = [1, 1000, 16], strides = [1, 1, 1]} : vector<16x1000x16xf32> to vector<1x1000x16xf32>
    %squeeze3A_489 = vector.shape_cast %slice3A_488 : vector<1x1000x16xf32> to vector<1000x16xf32>
    %get3A_490 = arith.constant 0 : index
    %get3A_491 = arith.constant 0 : index
    %get3A_492 = vector.load %arg11[%get3A_490, %get3A_491] : memref<16x1024xf32, #tpu.memory_space<vmem>>, vector<16x1024xf32>
    %dot_general3A_493 = arith.constant dense<0.000000e+00> : vector<1000x1024xf32>
    %dot_general3A_494 = tpu.matmul %squeeze3A_489, %get3A_492, %dot_general3A_493 {dimension_numbers = #tpu.dot_dimension_numbers<[1], [0], [0], [1], [0, 0, 1, 1], [], []>, transpose_lhs_hint = false} : vector<1000x16xf32>, vector<16x1024xf32>, vector<1000x1024xf32> -> vector<1000x1024xf32>
    %get3A_495 = arith.constant 12 : index
    %get3A_496 = arith.constant 0 : index
    %get3A_497 = arith.constant 0 : index
    %get3A_498 = vector.load %arg1[%get3A_495, %get3A_496, %get3A_497] : memref<16x1000x128xf32, #tpu.memory_space<vmem>>, vector<1x1000x128xf32>
    %get3A_499 = vector.shape_cast %get3A_498 : vector<1x1000x128xf32> to vector<1000x128xf32>
    %slice3A_500 = vector.extract_strided_slice %get3A_499 {offsets = [0, 0], sizes = [1000, 64], strides = [1, 1]} : vector<1000x128xf32> to vector<1000x64xf32>
    %concatenate3A_501 = tpu.concatenate %slice3A_500, %slice3A_500 in 1 : vector<1000x64xf32>, vector<1000x64xf32> -> vector<1000x128xf32>
    %slice3A_502 = vector.extract_strided_slice %dot_general3A_494 {offsets = [0, 0], sizes = [1000, 128], strides = [1, 1]} : vector<1000x1024xf32> to vector<1000x128xf32>
    %mul3A_503 = arith.mulf %concatenate3A_501, %slice3A_502 : vector<1000x128xf32>
    %add3A_504 = arith.addf %add3A_466, %mul3A_503 : vector<1000x128xf32>
    %slice3A_505 = vector.extract_strided_slice %dot_general3A_494 {offsets = [0, 128], sizes = [1000, 128], strides = [1, 1]} : vector<1000x1024xf32> to vector<1000x128xf32>
    %mul3A_506 = arith.mulf %concatenate3A_501, %slice3A_505 : vector<1000x128xf32>
    %add3A_507 = arith.addf %add3A_469, %mul3A_506 : vector<1000x128xf32>
    %slice3A_508 = vector.extract_strided_slice %dot_general3A_494 {offsets = [0, 256], sizes = [1000, 128], strides = [1, 1]} : vector<1000x1024xf32> to vector<1000x128xf32>
    %mul3A_509 = arith.mulf %concatenate3A_501, %slice3A_508 : vector<1000x128xf32>
    %add3A_510 = arith.addf %add3A_472, %mul3A_509 : vector<1000x128xf32>
    %slice3A_511 = vector.extract_strided_slice %dot_general3A_494 {offsets = [0, 384], sizes = [1000, 128], strides = [1, 1]} : vector<1000x1024xf32> to vector<1000x128xf32>
    %mul3A_512 = arith.mulf %concatenate3A_501, %slice3A_511 : vector<1000x128xf32>
    %add3A_513 = arith.addf %add3A_475, %mul3A_512 : vector<1000x128xf32>
    %slice3A_514 = vector.extract_strided_slice %dot_general3A_494 {offsets = [0, 512], sizes = [1000, 128], strides = [1, 1]} : vector<1000x1024xf32> to vector<1000x128xf32>
    %mul3A_515 = arith.mulf %concatenate3A_501, %slice3A_514 : vector<1000x128xf32>
    %add3A_516 = arith.addf %add3A_478, %mul3A_515 : vector<1000x128xf32>
    %slice3A_517 = vector.extract_strided_slice %dot_general3A_494 {offsets = [0, 640], sizes = [1000, 128], strides = [1, 1]} : vector<1000x1024xf32> to vector<1000x128xf32>
    %mul3A_518 = arith.mulf %concatenate3A_501, %slice3A_517 : vector<1000x128xf32>
    %add3A_519 = arith.addf %add3A_481, %mul3A_518 : vector<1000x128xf32>
    %slice3A_520 = vector.extract_strided_slice %dot_general3A_494 {offsets = [0, 768], sizes = [1000, 128], strides = [1, 1]} : vector<1000x1024xf32> to vector<1000x128xf32>
    %mul3A_521 = arith.mulf %concatenate3A_501, %slice3A_520 : vector<1000x128xf32>
    %add3A_522 = arith.addf %add3A_484, %mul3A_521 : vector<1000x128xf32>
    %slice3A_523 = vector.extract_strided_slice %dot_general3A_494 {offsets = [0, 896], sizes = [1000, 128], strides = [1, 1]} : vector<1000x1024xf32> to vector<1000x128xf32>
    %mul3A_524 = arith.mulf %concatenate3A_501, %slice3A_523 : vector<1000x128xf32>
    %add3A_525 = arith.addf %add3A_487, %mul3A_524 : vector<1000x128xf32>
    %slice3A_526 = vector.extract_strided_slice %reshape3A_42 {offsets = [13, 0, 0], sizes = [1, 1000, 16], strides = [1, 1, 1]} : vector<16x1000x16xf32> to vector<1x1000x16xf32>
    %squeeze3A_527 = vector.shape_cast %slice3A_526 : vector<1x1000x16xf32> to vector<1000x16xf32>
    %get3A_528 = arith.constant 0 : index
    %get3A_529 = arith.constant 0 : index
    %get3A_530 = vector.load %arg11[%get3A_528, %get3A_529] : memref<16x1024xf32, #tpu.memory_space<vmem>>, vector<16x1024xf32>
    %dot_general3A_531 = arith.constant dense<0.000000e+00> : vector<1000x1024xf32>
    %dot_general3A_532 = tpu.matmul %squeeze3A_527, %get3A_530, %dot_general3A_531 {dimension_numbers = #tpu.dot_dimension_numbers<[1], [0], [0], [1], [0, 0, 1, 1], [], []>, transpose_lhs_hint = false} : vector<1000x16xf32>, vector<16x1024xf32>, vector<1000x1024xf32> -> vector<1000x1024xf32>
    %get3A_533 = arith.constant 13 : index
    %get3A_534 = arith.constant 0 : index
    %get3A_535 = arith.constant 0 : index
    %get3A_536 = vector.load %arg1[%get3A_533, %get3A_534, %get3A_535] : memref<16x1000x128xf32, #tpu.memory_space<vmem>>, vector<1x1000x128xf32>
    %get3A_537 = vector.shape_cast %get3A_536 : vector<1x1000x128xf32> to vector<1000x128xf32>
    %slice3A_538 = vector.extract_strided_slice %get3A_537 {offsets = [0, 0], sizes = [1000, 64], strides = [1, 1]} : vector<1000x128xf32> to vector<1000x64xf32>
    %concatenate3A_539 = tpu.concatenate %slice3A_538, %slice3A_538 in 1 : vector<1000x64xf32>, vector<1000x64xf32> -> vector<1000x128xf32>
    %slice3A_540 = vector.extract_strided_slice %dot_general3A_532 {offsets = [0, 0], sizes = [1000, 128], strides = [1, 1]} : vector<1000x1024xf32> to vector<1000x128xf32>
    %mul3A_541 = arith.mulf %concatenate3A_539, %slice3A_540 : vector<1000x128xf32>
    %add3A_542 = arith.addf %add3A_504, %mul3A_541 : vector<1000x128xf32>
    %slice3A_543 = vector.extract_strided_slice %dot_general3A_532 {offsets = [0, 128], sizes = [1000, 128], strides = [1, 1]} : vector<1000x1024xf32> to vector<1000x128xf32>
    %mul3A_544 = arith.mulf %concatenate3A_539, %slice3A_543 : vector<1000x128xf32>
    %add3A_545 = arith.addf %add3A_507, %mul3A_544 : vector<1000x128xf32>
    %slice3A_546 = vector.extract_strided_slice %dot_general3A_532 {offsets = [0, 256], sizes = [1000, 128], strides = [1, 1]} : vector<1000x1024xf32> to vector<1000x128xf32>
    %mul3A_547 = arith.mulf %concatenate3A_539, %slice3A_546 : vector<1000x128xf32>
    %add3A_548 = arith.addf %add3A_510, %mul3A_547 : vector<1000x128xf32>
    %slice3A_549 = vector.extract_strided_slice %dot_general3A_532 {offsets = [0, 384], sizes = [1000, 128], strides = [1, 1]} : vector<1000x1024xf32> to vector<1000x128xf32>
    %mul3A_550 = arith.mulf %concatenate3A_539, %slice3A_549 : vector<1000x128xf32>
    %add3A_551 = arith.addf %add3A_513, %mul3A_550 : vector<1000x128xf32>
    %slice3A_552 = vector.extract_strided_slice %dot_general3A_532 {offsets = [0, 512], sizes = [1000, 128], strides = [1, 1]} : vector<1000x1024xf32> to vector<1000x128xf32>
    %mul3A_553 = arith.mulf %concatenate3A_539, %slice3A_552 : vector<1000x128xf32>
    %add3A_554 = arith.addf %add3A_516, %mul3A_553 : vector<1000x128xf32>
    %slice3A_555 = vector.extract_strided_slice %dot_general3A_532 {offsets = [0, 640], sizes = [1000, 128], strides = [1, 1]} : vector<1000x1024xf32> to vector<1000x128xf32>
    %mul3A_556 = arith.mulf %concatenate3A_539, %slice3A_555 : vector<1000x128xf32>
    %add3A_557 = arith.addf %add3A_519, %mul3A_556 : vector<1000x128xf32>
    %slice3A_558 = vector.extract_strided_slice %dot_general3A_532 {offsets = [0, 768], sizes = [1000, 128], strides = [1, 1]} : vector<1000x1024xf32> to vector<1000x128xf32>
    %mul3A_559 = arith.mulf %concatenate3A_539, %slice3A_558 : vector<1000x128xf32>
    %add3A_560 = arith.addf %add3A_522, %mul3A_559 : vector<1000x128xf32>
    %slice3A_561 = vector.extract_strided_slice %dot_general3A_532 {offsets = [0, 896], sizes = [1000, 128], strides = [1, 1]} : vector<1000x1024xf32> to vector<1000x128xf32>
    %mul3A_562 = arith.mulf %concatenate3A_539, %slice3A_561 : vector<1000x128xf32>
    %add3A_563 = arith.addf %add3A_525, %mul3A_562 : vector<1000x128xf32>
    %slice3A_564 = vector.extract_strided_slice %reshape3A_42 {offsets = [14, 0, 0], sizes = [1, 1000, 16], strides = [1, 1, 1]} : vector<16x1000x16xf32> to vector<1x1000x16xf32>
    %squeeze3A_565 = vector.shape_cast %slice3A_564 : vector<1x1000x16xf32> to vector<1000x16xf32>
    %get3A_566 = arith.constant 0 : index
    %get3A_567 = arith.constant 0 : index
    %get3A_568 = vector.load %arg11[%get3A_566, %get3A_567] : memref<16x1024xf32, #tpu.memory_space<vmem>>, vector<16x1024xf32>
    %dot_general3A_569 = arith.constant dense<0.000000e+00> : vector<1000x1024xf32>
    %dot_general3A_570 = tpu.matmul %squeeze3A_565, %get3A_568, %dot_general3A_569 {dimension_numbers = #tpu.dot_dimension_numbers<[1], [0], [0], [1], [0, 0, 1, 1], [], []>, transpose_lhs_hint = false} : vector<1000x16xf32>, vector<16x1024xf32>, vector<1000x1024xf32> -> vector<1000x1024xf32>
    %get3A_571 = arith.constant 14 : index
    %get3A_572 = arith.constant 0 : index
    %get3A_573 = arith.constant 0 : index
    %get3A_574 = vector.load %arg1[%get3A_571, %get3A_572, %get3A_573] : memref<16x1000x128xf32, #tpu.memory_space<vmem>>, vector<1x1000x128xf32>
    %get3A_575 = vector.shape_cast %get3A_574 : vector<1x1000x128xf32> to vector<1000x128xf32>
    %slice3A_576 = vector.extract_strided_slice %get3A_575 {offsets = [0, 0], sizes = [1000, 64], strides = [1, 1]} : vector<1000x128xf32> to vector<1000x64xf32>
    %concatenate3A_577 = tpu.concatenate %slice3A_576, %slice3A_576 in 1 : vector<1000x64xf32>, vector<1000x64xf32> -> vector<1000x128xf32>
    %slice3A_578 = vector.extract_strided_slice %dot_general3A_570 {offsets = [0, 0], sizes = [1000, 128], strides = [1, 1]} : vector<1000x1024xf32> to vector<1000x128xf32>
    %mul3A_579 = arith.mulf %concatenate3A_577, %slice3A_578 : vector<1000x128xf32>
    %add3A_580 = arith.addf %add3A_542, %mul3A_579 : vector<1000x128xf32>
    %slice3A_581 = vector.extract_strided_slice %dot_general3A_570 {offsets = [0, 128], sizes = [1000, 128], strides = [1, 1]} : vector<1000x1024xf32> to vector<1000x128xf32>
    %mul3A_582 = arith.mulf %concatenate3A_577, %slice3A_581 : vector<1000x128xf32>
    %add3A_583 = arith.addf %add3A_545, %mul3A_582 : vector<1000x128xf32>
    %slice3A_584 = vector.extract_strided_slice %dot_general3A_570 {offsets = [0, 256], sizes = [1000, 128], strides = [1, 1]} : vector<1000x1024xf32> to vector<1000x128xf32>
    %mul3A_585 = arith.mulf %concatenate3A_577, %slice3A_584 : vector<1000x128xf32>
    %add3A_586 = arith.addf %add3A_548, %mul3A_585 : vector<1000x128xf32>
    %slice3A_587 = vector.extract_strided_slice %dot_general3A_570 {offsets = [0, 384], sizes = [1000, 128], strides = [1, 1]} : vector<1000x1024xf32> to vector<1000x128xf32>
    %mul3A_588 = arith.mulf %concatenate3A_577, %slice3A_587 : vector<1000x128xf32>
    %add3A_589 = arith.addf %add3A_551, %mul3A_588 : vector<1000x128xf32>
    %slice3A_590 = vector.extract_strided_slice %dot_general3A_570 {offsets = [0, 512], sizes = [1000, 128], strides = [1, 1]} : vector<1000x1024xf32> to vector<1000x128xf32>
    %mul3A_591 = arith.mulf %concatenate3A_577, %slice3A_590 : vector<1000x128xf32>
    %add3A_592 = arith.addf %add3A_554, %mul3A_591 : vector<1000x128xf32>
    %slice3A_593 = vector.extract_strided_slice %dot_general3A_570 {offsets = [0, 640], sizes = [1000, 128], strides = [1, 1]} : vector<1000x1024xf32> to vector<1000x128xf32>
    %mul3A_594 = arith.mulf %concatenate3A_577, %slice3A_593 : vector<1000x128xf32>
    %add3A_595 = arith.addf %add3A_557, %mul3A_594 : vector<1000x128xf32>
    %slice3A_596 = vector.extract_strided_slice %dot_general3A_570 {offsets = [0, 768], sizes = [1000, 128], strides = [1, 1]} : vector<1000x1024xf32> to vector<1000x128xf32>
    %mul3A_597 = arith.mulf %concatenate3A_577, %slice3A_596 : vector<1000x128xf32>
    %add3A_598 = arith.addf %add3A_560, %mul3A_597 : vector<1000x128xf32>
    %slice3A_599 = vector.extract_strided_slice %dot_general3A_570 {offsets = [0, 896], sizes = [1000, 128], strides = [1, 1]} : vector<1000x1024xf32> to vector<1000x128xf32>
    %mul3A_600 = arith.mulf %concatenate3A_577, %slice3A_599 : vector<1000x128xf32>
    %add3A_601 = arith.addf %add3A_563, %mul3A_600 : vector<1000x128xf32>
    %slice3A_602 = vector.extract_strided_slice %reshape3A_42 {offsets = [15, 0, 0], sizes = [1, 1000, 16], strides = [1, 1, 1]} : vector<16x1000x16xf32> to vector<1x1000x16xf32>
    %squeeze3A_603 = vector.shape_cast %slice3A_602 : vector<1x1000x16xf32> to vector<1000x16xf32>
    %get3A_604 = arith.constant 0 : index
    %get3A_605 = arith.constant 0 : index
    %get3A_606 = vector.load %arg11[%get3A_604, %get3A_605] : memref<16x1024xf32, #tpu.memory_space<vmem>>, vector<16x1024xf32>
    %dot_general3A_607 = arith.constant dense<0.000000e+00> : vector<1000x1024xf32>
    %dot_general3A_608 = tpu.matmul %squeeze3A_603, %get3A_606, %dot_general3A_607 {dimension_numbers = #tpu.dot_dimension_numbers<[1], [0], [0], [1], [0, 0, 1, 1], [], []>, transpose_lhs_hint = false} : vector<1000x16xf32>, vector<16x1024xf32>, vector<1000x1024xf32> -> vector<1000x1024xf32>
    %get3A_609 = arith.constant 15 : index
    %get3A_610 = arith.constant 0 : index
    %get3A_611 = arith.constant 0 : index
    %get3A_612 = vector.load %arg1[%get3A_609, %get3A_610, %get3A_611] : memref<16x1000x128xf32, #tpu.memory_space<vmem>>, vector<1x1000x128xf32>
    %get3A_613 = vector.shape_cast %get3A_612 : vector<1x1000x128xf32> to vector<1000x128xf32>
    %slice3A_614 = vector.extract_strided_slice %get3A_613 {offsets = [0, 0], sizes = [1000, 64], strides = [1, 1]} : vector<1000x128xf32> to vector<1000x64xf32>
    %concatenate3A_615 = tpu.concatenate %slice3A_614, %slice3A_614 in 1 : vector<1000x64xf32>, vector<1000x64xf32> -> vector<1000x128xf32>
    %slice3A_616 = vector.extract_strided_slice %dot_general3A_608 {offsets = [0, 0], sizes = [1000, 128], strides = [1, 1]} : vector<1000x1024xf32> to vector<1000x128xf32>
    %mul3A_617 = arith.mulf %concatenate3A_615, %slice3A_616 : vector<1000x128xf32>
    %add3A_618 = arith.addf %add3A_580, %mul3A_617 : vector<1000x128xf32>
    %slice3A_619 = vector.extract_strided_slice %dot_general3A_608 {offsets = [0, 128], sizes = [1000, 128], strides = [1, 1]} : vector<1000x1024xf32> to vector<1000x128xf32>
    %mul3A_620 = arith.mulf %concatenate3A_615, %slice3A_619 : vector<1000x128xf32>
    %add3A_621 = arith.addf %add3A_583, %mul3A_620 : vector<1000x128xf32>
    %slice3A_622 = vector.extract_strided_slice %dot_general3A_608 {offsets = [0, 256], sizes = [1000, 128], strides = [1, 1]} : vector<1000x1024xf32> to vector<1000x128xf32>
    %mul3A_623 = arith.mulf %concatenate3A_615, %slice3A_622 : vector<1000x128xf32>
    %add3A_624 = arith.addf %add3A_586, %mul3A_623 : vector<1000x128xf32>
    %slice3A_625 = vector.extract_strided_slice %dot_general3A_608 {offsets = [0, 384], sizes = [1000, 128], strides = [1, 1]} : vector<1000x1024xf32> to vector<1000x128xf32>
    %mul3A_626 = arith.mulf %concatenate3A_615, %slice3A_625 : vector<1000x128xf32>
    %add3A_627 = arith.addf %add3A_589, %mul3A_626 : vector<1000x128xf32>
    %slice3A_628 = vector.extract_strided_slice %dot_general3A_608 {offsets = [0, 512], sizes = [1000, 128], strides = [1, 1]} : vector<1000x1024xf32> to vector<1000x128xf32>
    %mul3A_629 = arith.mulf %concatenate3A_615, %slice3A_628 : vector<1000x128xf32>
    %add3A_630 = arith.addf %add3A_592, %mul3A_629 : vector<1000x128xf32>
    %slice3A_631 = vector.extract_strided_slice %dot_general3A_608 {offsets = [0, 640], sizes = [1000, 128], strides = [1, 1]} : vector<1000x1024xf32> to vector<1000x128xf32>
    %mul3A_632 = arith.mulf %concatenate3A_615, %slice3A_631 : vector<1000x128xf32>
    %add3A_633 = arith.addf %add3A_595, %mul3A_632 : vector<1000x128xf32>
    %slice3A_634 = vector.extract_strided_slice %dot_general3A_608 {offsets = [0, 768], sizes = [1000, 128], strides = [1, 1]} : vector<1000x1024xf32> to vector<1000x128xf32>
    %mul3A_635 = arith.mulf %concatenate3A_615, %slice3A_634 : vector<1000x128xf32>
    %add3A_636 = arith.addf %add3A_598, %mul3A_635 : vector<1000x128xf32>
    %slice3A_637 = vector.extract_strided_slice %dot_general3A_608 {offsets = [0, 896], sizes = [1000, 128], strides = [1, 1]} : vector<1000x1024xf32> to vector<1000x128xf32>
    %mul3A_638 = arith.mulf %concatenate3A_615, %slice3A_637 : vector<1000x128xf32>
    %add3A_639 = arith.addf %add3A_601, %mul3A_638 : vector<1000x128xf32>
    %concatenate3A_640 = tpu.concatenate %add3A_618, %add3A_621, %add3A_624, %add3A_627, %add3A_630, %add3A_633, %add3A_636, %add3A_639 in 1 : vector<1000x128xf32>, vector<1000x128xf32>, vector<1000x128xf32>, vector<1000x128xf32>, vector<1000x128xf32>, vector<1000x128xf32>, vector<1000x128xf32>, vector<1000x128xf32> -> vector<1000x1024xf32>
    %get3A_641 = arith.constant 0 : index
    %get3A_642 = arith.constant 0 : index
    %get3A_643 = vector.load %arg9[%get3A_641, %get3A_642] : memref<1024x64xf32, #tpu.memory_space<vmem>>, vector<1024x64xf32>
    %dot_general3A_644 = arith.constant dense<0.000000e+00> : vector<1000x64xf32>
    %dot_general3A_645 = tpu.matmul %concatenate3A_640, %get3A_643, %dot_general3A_644 {dimension_numbers = #tpu.dot_dimension_numbers<[1], [0], [0], [1], [0, 0, 1, 1], [], []>, transpose_lhs_hint = false} : vector<1000x1024xf32>, vector<1024x64xf32>, vector<1000x64xf32> -> vector<1000x64xf32>
    %mul3A_646 = arith.constant 6.250000e-02 : f32
    %mul3A_647 = vector.broadcast %mul3A_646 : f32 to vector<1000x64xf32>
    %mul3A_648 = arith.mulf %dot_general3A_645, %mul3A_647 : vector<1000x64xf32>
    %get3A_649 = arith.constant 0 : index
    %get3A_650 = arith.constant 0 : index
    %get3A_651 = vector.load %arg10[%get3A_649, %get3A_650] : memref<1x64xf32, #tpu.memory_space<vmem>>, vector<1x64xf32>
    %add3A_652 = vector.broadcast %get3A_651 : vector<1x64xf32> to vector<1000x64xf32>
    %add3A_653 = arith.addf %mul3A_648, %add3A_652 : vector<1000x64xf32>
    %swap3A = arith.constant 0 : index
    %swap3A_654 = arith.constant 0 : index
    %swap3A_655 = vector.load %arg12[%swap3A, %swap3A_654] : memref<1000x64xf32, #tpu.memory_space<vmem>>, vector<1000x64xf32>
    tpu.vector_store %arg12[%swap3A, %swap3A_654], %add3A_653 {strides = array<i32>} : memref<1000x64xf32, #tpu.memory_space<vmem>>, vector<1000x64xf32>,
    return
  }
  func.func @transform_0(%arg0: i32) -> (i32, i32, i32) {
    %c0_i32 = arith.constant 0 : i32
    %c0_i32_0 = arith.constant 0 : i32
    %c0_i32_1 = arith.constant 0 : i32
    return %c0_i32, %arg0, %c0_i32_0 : i32, i32, i32
  }
  func.func @transform_1(%arg0: i32) -> (i32, i32) {
    %c0_i32 = arith.constant 0 : i32
    %c0_i32_0 = arith.constant 0 : i32
    return %arg0, %c0_i32 : i32, i32
  }
  func.func @transform_2(%arg0: i32) -> (i32, i32) {
    %c0_i32 = arith.constant 0 : i32
    %c0_i32_0 = arith.constant 0 : i32
    %c0_i32_1 = arith.constant 0 : i32
    return %c0_i32, %c0_i32_0 : i32, i32
  }
  func.func @transform_3(%arg0: i32) -> (i32, i32) {
    %c0_i32 = arith.constant 0 : i32
    %c0_i32_0 = arith.constant 0 : i32
    %c0_i32_1 = arith.constant 0 : i32
    return %c0_i32, %c0_i32_0 : i32, i32
  }
  func.func @transform_4(%arg0: i32) -> (i32, i32) {
    %c0_i32 = arith.constant 0 : i32
    %c0_i32_0 = arith.constant 0 : i32
    %c0_i32_1 = arith.constant 0 : i32
    return %c0_i32, %c0_i32_0 : i32, i32
  }
  func.func @transform_5(%arg0: i32) -> (i32, i32) {
    %c0_i32 = arith.constant 0 : i32
    %c0_i32_0 = arith.constant 0 : i32
    %c0_i32_1 = arith.constant 0 : i32
    return %c0_i32, %c0_i32_0 : i32, i32
  }
  func.func @transform_6(%arg0: i32) -> (i32, i32) {
    %c0_i32 = arith.constant 0 : i32
    %c0_i32_0 = arith.constant 0 : i32
    %c0_i32_1 = arith.constant 0 : i32
    return %c0_i32, %c0_i32_0 : i32, i32
  }
  func.func @transform_7(%arg0: i32) -> (i32, i32) {
    %c0_i32 = arith.constant 0 : i32
    %c0_i32_0 = arith.constant 0 : i32
    %c0_i32_1 = arith.constant 0 : i32
    return %c0_i32, %c0_i32_0 : i32, i32
  }
  func.func @transform_8(%arg0: i32) -> (i32, i32) {
    %c0_i32 = arith.constant 0 : i32
    %c0_i32_0 = arith.constant 0 : i32
    %c0_i32_1 = arith.constant 0 : i32
    return %c0_i32, %c0_i32_0 : i32, i32
  }
  func.func @transform_9(%arg0: i32) -> (i32, i32) {
    %c0_i32 = arith.constant 0 : i32
    %c0_i32_0 = arith.constant 0 : i32
    %c0_i32_1 = arith.constant 0 : i32
    return %c0_i32, %c0_i32_0 : i32, i32
  }
  func.func @transform_10(%arg0: i32) -> (i32, i32) {
    %c0_i32 = arith.constant 0 : i32
    %c0_i32_0 = arith.constant 0 : i32
    %c0_i32_1 = arith.constant 0 : i32
    return %c0_i32, %c0_i32_0 : i32, i32
  }
  func.func @transform_11(%arg0: i32) -> (i32, i32) {
    %c0_i32 = arith.constant 0 : i32
    %c0_i32_0 = arith.constant 0 : i32
    return %arg0, %c0_i32 : i32, i32
  }
}

</mosaic_0001>

<sc_bundles>
// kernel: kernel.12.cloned.1.call-start
scs
__scs_entry_jumppad:
0x0: {  	(pc) =	sbr.rel $0x88, $3  }
0x1: {  	(tag) =	ssettag $0x0;
	lr =	simm.s32 $0x1  }
0x2: {  	[smem:$0x3F94] =	sst lr;
	_ =	strace $0xD0000000  }
0x3: {  	_ = 	snop  }
0x4: {  	_ = 	snop  }
0x5: {  	_ = 	snop  }
0x6: {  	_ = 	snop  }
0x7: {  	_ = 	snop  }
__scs_overlays_trampoline_lowered:
0x8: {  	[smem:$0x3FA3] =	sst s0  }
0x9: {  	[smem:$0x3FA4] =	sst s1  }
0xa: {  	[smem:$0x3FA5] =	sst s2  }
0xb: {  	[smem:$0x3FA6] =	sst s3  }
0xc: {  	[smem:$0x3FA7] =	sst s4  }
0xd: {  	[smem:$0x3FA8] =	sst s5  }
0xe: {  	[smem:$0x3FA9] =	sst s6  }
0xf: {  	[smem:$0x3FAA] =	sst s7  }
0x10: {  	[smem:$0x3FAB] =	sst s8  }
0x11: {  	[smem:$0x3FAC] =	sst s9;
	s0 =	simm.s32 @!p0 $0x0  }
0x12: {  	s1 =	sld [smem:$0x3F92];
	s0 =	simm.s32 @p0 $0x1  }
0x13: {  	[smem:$0x3FAD] =	sst s0;
	s0 =	simm.s32 @!p1 $0x0  }
0x14: {  	s2 =	sld [smem:$0x3F91];
	s0 =	simm.s32 @p1 $0x1  }
0x15: {  	[smem:$0x3FAE] =	sst s0;
	s0 =	simm.s32 @!p2 $0x0  }
0x16: {  	s3 =	sld [smem:$0x3FDB];
	s0 =	simm.s32 @p2 $0x1  }
0x17: {  	s4 =	simm.s32 $0x1BF5;
	[smem:$0x3FB0] =	sst s0  }
0x18: {  	s0 =	sld [smem:$0x3F93];
	_ =	swait.ge [sflag:s4], $0x0  }
0x19: {  	s7 =	sld [smem:$0x3F94]  }
0x1a: {  	s8 =	sadd.s32 $0xFFFFE003, lr  }
0x1b: {  	s9 =	sadd.s32 $0xFFFFFEF7, lr;
	s5 =	simm.s32 $0xFFFFFFFF;
	p2 =	slt.u32 s8, $0xFFFFF086  }
0x1c: {  	p1 =	slt.u32 s9, $0xF7A;
	s5 =	simm.s32 @!p2 $0x0  }
0x1d: {  	s5 =	simm.s32 @p1 $0x1;
	p0 =	seq.s32 s7, s2  }
0x1e: {  	s7 =	smul.u32 @!p0 $0xF7A, s2;
	p2 =	seq.s32 @!p0 s5, $0x0  }
0x1f: {  	s9 =	smul.u32 $0xF7A, s1;
	s8 =	simm.s32 @!p0 $0x1BF5;
	p2 =	por !p2, p0  }
0x20: {  	[sflag:s8] =	ssyncset.s32 @!p0 $0xFFFFF086;
	s6 =	sadd.s32 @!p0 s3, s7;
	s7 =	simm.s32 @!p0 $0x108  }
0x21: {  	s3 =	sadd.s32 s3, s9;
	s6 =	sadd.s32 @!p0 $0x88, s6;
	s7 =	simm.s32 @p2 $0x1082  }
0x22: {  	[simem:s7], [sflag:s8] =	dma.local @!p0 [hbm:s6], $0xF7A  }
0x23: {  	s9 =	sor.u32 $0xD0000000, s2;
	s6 =	simm.s32 $0x108;
	_ =	swait.ge @!p0 [sflag:s8], $0x0  }
0x24: {  	s3 =	sadd.s32 $0x88, s3;
	s6 =	simm.s32 @!p1 $0x1082;
	[sflag:s4] =	ssyncset.s32 $0xFFFFF086  }
0x25: {  	[simem:s6], [sflag:s4] =	dma.local [hbm:s3], $0xF7A  }
0x26: {  	[smem:$0x3F94] =	sst s1;
	(tag) =	ssettag s2;
	_ =	strace s9  }
0x27: {  	s1 =	sld [smem:$0x3FA4]  }
0x28: {  	s2 =	sld [smem:$0x3FA5]  }
0x29: {  	s4 =	sld [smem:$0x3FA7]  }
0x2a: {  	p0 =	seq.s32 s5, $0x0;
	s5 =	sld [smem:$0x3FA8]  }
0x2b: {  	s6 =	sld [smem:$0x3FA9]  }
0x2c: {  	s7 =	sld [smem:$0x3FAA]  }
0x2d: {  	s3 =	simm.s32 $0x108;
	s8 =	sld [smem:$0x3FAB]  }
0x2e: {  	s3 =	simm.s32 @!p0 $0x1082;
	s9 =	sld [smem:$0x3FAC]  }
0x2f: {  	lr =	sadd.s32 s0, s3;
	s0 =	sld [smem:$0x3FA3]  }
0x30: {  	s3 =	sld [smem:$0x3FA6]  }
0x31: {  	[smem:$0x3FAF] =	sst s10  }
0x32: {  	s10 =	sld [smem:$0x3FAD];
	_ =	sdelay $0x3  }
0x33: {  	p0 =	seq.s32 s10, $0x1;
	s10 =	sld [smem:$0x3FAF];
	_ =	sdelay $0x3  }
0x34: {  	[smem:$0x3FAF] =	sst s10  }
0x35: {  	s10 =	sld [smem:$0x3FAE];
	_ =	sdelay $0x3  }
0x36: {  	p1 =	seq.s32 s10, $0x1;
	s10 =	sld [smem:$0x3FAF];
	_ =	sdelay $0x3  }
0x37: {  	[smem:$0x3FAF] =	sst s10  }
0x38: {  	s10 =	sld [smem:$0x3FB0]  }
0x39: {  	_ = 	snop;
	(pc) =	sbr.ind lr, $3  }
0x3a: {  	_ = 	snop  }
0x3b: {  	_ = 	snop  }
0x3c: {  	p2 =	seq.s32 s10, $0x1;
	s10 =	sld [smem:$0x3FAF]  }
0x3d: {  	_ =	shalt  }
0x3e: {  	_ =	shalt  }
0x3f: {  	_ =	shalt  }
0x40: {  	_ =	shalt  }
0x41: {  	_ =	shalt  }
0x42: {  	_ =	shalt  }
0x43: {  	_ =	shalt  }
0x44: {  	_ =	shalt  }
0x45: {  	_ =	shalt  }
0x46: {  	_ =	shalt  }
0x47: {  	_ =	shalt  }
0x48: {  	_ =	shalt  }
0x49: {  	_ =	shalt  }
0x4a: {  	_ =	shalt  }
0x4b: {  	_ =	shalt  }
0x4c: {  	_ =	shalt  }
0x4d: {  	_ =	shalt  }
0x4e: {  	_ =	shalt  }
0x4f: {  	_ =	shalt  }
0x50: {  	_ =	shalt  }
0x51: {  	_ =	shalt  }
0x52: {  	_ =	shalt  }
0x53: {  	_ =	shalt  }
0x54: {  	_ =	shalt  }
0x55: {  	_ =	shalt  }
0x56: {  	_ =	shalt  }
0x57: {  	_ =	shalt  }
0x58: {  	_ =	shalt  }
0x59: {  	_ =	shalt  }
0x5a: {  	_ =	shalt  }
0x5b: {  	_ =	shalt  }
0x5c: {  	_ =	shalt  }
0x5d: {  	_ =	shalt  }
0x5e: {  	_ =	shalt  }
0x5f: {  	_ =	shalt  }
0x60: {  	_ =	shalt  }
0x61: {  	_ =	shalt  }
0x62: {  	_ =	shalt  }
0x63: {  	_ =	shalt  }
0x64: {  	_ =	shalt  }
0x65: {  	_ =	shalt  }
0x66: {  	_ =	shalt  }
0x67: {  	_ =	shalt  }
0x68: {  	_ =	shalt  }
0x69: {  	_ =	shalt  }
0x6a: {  	_ =	shalt  }
0x6b: {  	_ =	shalt  }
0x6c: {  	_ =	shalt  }
0x6d: {  	_ =	shalt  }
0x6e: {  	_ =	shalt  }
0x6f: {  	_ =	shalt  }
0x70: {  	_ =	shalt  }
0x71: {  	_ =	shalt  }
0x72: {  	_ =	shalt  }
0x73: {  	_ =	shalt  }
0x74: {  	_ =	shalt  }
0x75: {  	_ =	shalt  }
0x76: {  	_ =	shalt  }
0x77: {  	_ =	shalt  }
0x78: {  	_ =	shalt  }
0x79: {  	_ =	shalt  }
0x7a: {  	_ =	shalt  }
0x7b: {  	_ =	shalt  }
0x7c: {  	_ =	shalt  }
0x7d: {  	_ =	shalt  }
0x7e: {  	_ =	shalt  }
0x7f: {  	_ =	shalt  }
0x80: {  	_ =	shalt  }
0x81: {  	_ =	shalt  }
0x82: {  	_ =	shalt  }
0x83: {  	_ =	shalt  }
0x84: {  	_ =	shalt  }
0x85: {  	_ =	shalt  }
0x86: {  	_ =	shalt  }
0x87: {  	_ =	shalt  }
.Lfunc_end0:
.L_simem_size_0:
called_computation_lowered:
.L_overlay_start_0:
0x88: {  	s2 =	sld [smem:$0x3FD9]  }
0x89: {  	s3 =	sld [smem:$0x3FFE];
	_ =	sdelay $0x1  }
0x8a: {  	s1 =	srdreg.scid  }
0x8b: {  	s0 =	sand.u32 $0x1, s1  }
0x8c: {  	s16 =	sshll.u32 s0, $0xA;
	s2 =	sadd.s32 s3, s2  }
0x8d: {  	s2 =	sadd.s32 s2, s16  }
0x8e: {  	[smem:$0x3FBB] =	sst s2  }
0x8f: {  	_ = 	snop  }
0x90: {  	(tm) =	ssettm $0x1  }
0x91: {  	s17 =	sld [smem:$0x3FFB];
	_ =	sdelay $0x3  }
0x92: {  	_ =	strace s17  }
0x93: {  	s2 =	sld [smem:$0x3FFC];
	_ =	sdelay $0x3  }
0x94: {  	_ =	strace s2  }
0x95: {  	s2 =	sld [smem:$0x3FFD];
	_ =	sdelay $0x3  }
0x96: {  	_ =	strace s2  }
0x97: {  	_ =	strace $0x8FFFFFFF  }
0x98: {  	s18 =	sld [smem:$0x3FDB];
	_ =	sdelay $0x1  }
0x99: {  	s19 =	simm.s32 $_scs_section_size  }
0x9a: {  	s4 =	simm.s32 $_size__tile_overlayer_lowered;
	s5 =	simm.s32 $_tile_overlayer_lowered  }
0x9b: {  	s22 =	simm.s32 $0x1BFF;
	s21 =	sshll.u32 s5, $0x1;
	s2 =	sadd.s32 s19, s18  }
0x9c: {  	s6 =	simm.s32 $0x0;
	s20 =	sshll.u32 s4, $0x1;
	s4 =	sadd.s32 s21, s2  }
0x9d: {  	[timem:s6], [sflag:s22] =	dma.local [hbm:s4], s20  }
0x9e: {  	_ =	swait.ge [sflag:s22], s20  }
0x9f: {  	s3 =	ssub.s32 $0x0, s20;
	[sflag:s22] =	ssyncset.done $0x0  }
0xa0: {  	[sflag:s22] =	ssyncadd.s32 s3;
	_ =	sdelay $0x1  }
0xa1: {  	s23 =	simm.s32 $0x1B8B  }
0xa2: {  	_ =	swait.ge [sflag:s23], $0x1  }
0xa3: {  	[sflag:s23] =	ssyncset.done $0x0  }
0xa4: {  	s25 =	simm.s32 $0x1B8E;
	s24 =	sld [smem:$0x3FFE];
	[sflag:s23] =	ssyncadd.s32 $0xFFFFFFFF  }
0xa5: {  	s26 =	simm.s32 $execute0_lowered;
	[smem:$0x3FD2] =	sst s25  }
0xa6: {  	s4 =	sshll.u32 s26, $0x1;
	_ =	strace $0x80000046;
	[dreg:$0x1] =	wrdreg $0xFFFFFFFF  }
0xa7: {  	s28 =	simm.s32 $_size_execute0_lowered;
	s2 =	sadd.s32 s2, s4;
	[dreg:$0x0] =	wrdreg $0x0  }
0xa8: {  	s4 =	sshll.u32 s28, $0x1;
	[dreg:$0x2] =	wrdreg s2  }
0xa9: {  	[dreg:$0x3] =	wrdreg s4  }
0xaa: {  	[dreg:$0x4] =	wrdreg $0xC0  }
0xab: {  	_ =	task [dreg:s6], $0x5FFFF  }
0xac: {  	[dreg:$0x1] =	wrdreg $0xFFFFFFFF  }
0xad: {  	[dreg:$0x0] =	wrdreg $0x60  }
0xae: {  	[dreg:$0x2] =	wrdreg s24  }
0xaf: {  	[dreg:$0x3] =	wrdreg $0x9  }
0xb0: {  	_ =	task.clear_ibuf [dreg:s6], $0x4FFFF;
	_ =	strace $0x90000046  }
0xb1: {  	s29 =	simm.s32 $0x9;
	_ =	strace $0x80000048  }
0xb2: {  	_ =	swait.ge [sflag:s29], $0x1  }
0xb3: {  	[sflag:s29] =	ssyncadd.s32 $0xFFFFFFFF  }
0xb4: {  	_ =	strace $0x90000048  }
0xb5: {  	_ =	sfence  }
0xb6: {  	s30 =	sld [smem:$0x0];
	_ =	sdelay $0x2  }
0xb7: {  	s31 =	sshll.u32 s1, $0xD;
	s1 =	sshrl.u32 s1, $0x2  }
0xb8: {  	s3 =	sand.u32 $0x4000, s31;
	s1 =	sadd.s32 s1, s30  }
0xb9: {  	s0 =	sor.u32 s3, s0;
	s1 =	sshll.u32 s1, $0x11  }
0xba: {  	s0 =	sor.u32 s1, s0  }
0xbb: {  	s0 =	sadd.s32 $0x8F2B, s0  }
0xbc: {  	[sflag:s0] =	ssyncadd.remote.s32 $0x1  }
0xbd: {  	_ =	sfence.sel $0xFFFF  }
0xbe: {  	[dreg:$0x0] =	wrdreg $0xFFFFFFFF;
	(pc) =	sbr.abs _section_cstart, $3  }
0xbf: {  	[dreg:$0x1] =	wrdreg $0xFFFFFFFF  }
0xc0: {  	_ =	task.clear_ibuf [dreg:s6], $0x2FFFF;
	_ =	strace $0x9FFFFFFF  }
0xc1: {  	(tm) =	ssettm $0x7FFFFFFF  }
tec
execute0_lowered:
.L_overlay_start_1:
0x0: {  	(tag) =	ssettag $0x1  }
0x1: {  	s1 =	srdreg.scid;
	s0 =	stileid.u32  }
0x2: {  	s6 =	sand.u32 $0x1, s1;
	s30 =	sshll.u32 s0, $0x1  }
0x3: {  	s9 =	rddreg [dreg:$0x0];
	s7 =	sor.u32 s6, s30  }
0x4: {  	s2 =	simm.s32 $0x0;
	s1 =	rddreg [dreg:$0x1];
	s3 =	smul.u32 $0x7D, s7  }
0x5: {  	s8 =	simm.s32 $0x1;
	[smem:$0x7FF] =	sst s2;
	s5 =	sadd.s32 $0xC8600, s9  }
0x6: {  	_ =	strace $0x80000047;
	s11 =	ssub.s32 $0x2, s6;
	s3 =	sadd.s32 s3, s9  }
0x7: {  	s6 =	simm.s32 $0x3E8;
	s4 =	sadd.s32 $0x4000, s3;
	s3 =	simm.s32 $0x2  }
0x8: {  	[tilespmem:s2], [sflag:$0x2] =	stream.linear.gather [hbm4b:s4+s2], $0x3E8, $0x38;
	[tilespmem:$0x1F800] =	vst v63  }
0x9: {  	s10 =	smul.u32 $0x3E80, s7;
	s12 =	sshrl.u32 s11, $0x1;
	_ =	swait.ge [sflag:s3], $0x3E8  }
0xa: {  	s7 =	simm.s32 $0x400;
	s31 =	ssub.s32 s11, s12;
	[sflag:s3] =	ssyncset.done $0x0  }
0xb: {  	s9 =	sadd.s32 s10, s9;
	s10 =	smax.u32 s31, $0x1;
	[sflag:s3] =	ssyncadd.s32 $0xFFFFFC18  }
0xc: {  	[tilespmem:s7], [sflag:$0x1] =	stream.indirect.gather [hbm4b:s5+s6], $0x80, s2, s6, $0xb8;
	[tilespmem:$0x1F800] =	vst v63  }
0xd: {  	p0 =	sne.s32 s10, $0x1;
	_ =	swait.ge [sflag:s8], $0x1F400  }
.Ltmp0:
0xe: {  	[sflag:s8] =	ssyncset.done $0x0;
	(pc) =	sbr.rel @!p0 .LBB2_2-.Ltmp0, $4  }
0xf: {  	s9 =	sadd.s32 $0x5000, s9;
	[sflag:s8] =	ssyncadd.s32 $0xFFFE0C00  }
0x10: {  	[hbm4b:s9+s2] =	stream.linear.scatter [tilespmem:s7], [sflag:$0x2], $0x1F400, $0x38;
	[tilespmem:$0x1F800] =	vst v63  }
0x11: {  	_ =	swait.ge [sflag:s3], $0x1F400  }
0x12: {  	s10 =	sadd.s32 $0xFFFFFFFF, s10;
	[sflag:s3] =	ssyncset.done $0x0  }
.LBB2_1:
0x13: {  	p0 =	sne.s32 s10, $0x1;
	s10 =	sadd.s32 $0xFFFFFFFF, s10;
	[sflag:s3] =	ssyncadd.s32 $0xFFFE0C00  }
0x14: {  	[tilespmem:s2], [sflag:$0x2] =	stream.linear.gather [hbm4b:s4+s2], $0x3E8, $0x38;
	[tilespmem:$0x1F800] =	vst v63  }
0x15: {  	_ =	swait.ge [sflag:s3], $0x3E8  }
0x16: {  	[sflag:s3] =	ssyncset.done $0x0  }
0x17: {  	[sflag:s3] =	ssyncadd.s32 $0xFFFFFC18  }
0x18: {  	[tilespmem:s7], [sflag:$0x1] =	stream.indirect.gather [hbm4b:s5+s6], $0x80, s2, s6, $0xb8;
	[tilespmem:$0x1F800] =	vst v63  }
0x19: {  	_ =	swait.ge [sflag:s8], $0x1F400  }
.Ltmp1:
0x1a: {  	[sflag:s8] =	ssyncset.done $0x0;
	(pc) =	sbr.rel @p0 .LBB2_1-.Ltmp1, $4  }
0x1b: {  	[sflag:s8] =	ssyncadd.s32 $0xFFFE0C00  }
0x1c: {  	[hbm4b:s9+s2] =	stream.linear.scatter [tilespmem:s7], [sflag:$0x2], $0x1F400, $0x38;
	[tilespmem:$0x1F800] =	vst v63  }
0x1d: {  	_ =	swait.ge [sflag:s3], $0x1F400  }
0x1e: {  	[sflag:s3] =	ssyncset.done $0x0  }
.LBB2_2:
0x1f: {  	[sflag:s3] =	ssyncadd.s32 $0xFFFE0C00  }
0x20: {  	_ =	sfence.sel $0x180000  }
0x21: {  	[bflag:$0x0] =	sbarrier.arrive $0xFFFF  }
0x22: {  	p0 =	sne.s32 s0, $0x0;
	_ =	strace $0x90000047  }
0x23: {  	s0 =	sadd.s32 @!p0 $0x100000, s1;
	[bflag:$0x2] =	sbarrier.arrive $0xFFFF  }
0x24: {  	[sflag:s0] =	ssyncadd.tile.s32 @!p0 $0x1;
	_ =	shalt  }
.Lfunc_end2:
_tile_overlayer_lowered:
.L_overlay_start_2:
0x25: {  	(tag) =	ssettag $0x2  }
0x26: {  	s0 =	rddreg [dreg:$0x0];
	s2 =	stileid.u32  }
0x27: {  	s1 =	rddreg [dreg:$0x1];
	p0 =	sne.s32 s2, $0x0  }
0x28: {  	s3 =	rddreg [dreg:$0x2];
	[bflag:$0x3] =	sbarrier.arrive $0xFFFF;
	s2 =	simm.s32 @!p0 $0x1C02  }
0x29: {  	[timem:s3], [sflag:s2] =	dma.local @!p0 [hbm:s0], s1  }
0x2a: {  	s0 =	simm.s32 @!p0 $0x2  }
0x2b: {  	_ =	swait.ge @!p0 [sflag:s0], s1  }
0x2c: {  	s1 =	ssub.s32 @!p0 $0x0, s1;
	[sflag:s0] =	ssyncset.done @!p0 $0x0  }
0x2d: {  	[sflag:s0] =	ssyncadd.s32 @!p0 s1  }
0x2e: {  	[bflag:$0x3] =	sbarrier.arrive $0xFFFF  }
0x2f: {  	_ =	shalt  }

// kernel: kernel.15.cloned.1.call-start
scs
__scs_entry_jumppad:
0x0: {  	(pc) =	sbr.rel $0x88, $3  }
0x1: {  	(tag) =	ssettag $0x0;
	lr =	simm.s32 $0x1  }
0x2: {  	[smem:$0x3F94] =	sst lr;
	_ =	strace $0xD0000000  }
0x3: {  	_ = 	snop  }
0x4: {  	_ = 	snop  }
0x5: {  	_ = 	snop  }
0x6: {  	_ = 	snop  }
0x7: {  	_ = 	snop  }
__scs_overlays_trampoline_lowered:
0x8: {  	[smem:$0x3FA3] =	sst s0  }
0x9: {  	[smem:$0x3FA4] =	sst s1  }
0xa: {  	[smem:$0x3FA5] =	sst s2  }
0xb: {  	[smem:$0x3FA6] =	sst s3  }
0xc: {  	[smem:$0x3FA7] =	sst s4  }
0xd: {  	[smem:$0x3FA8] =	sst s5  }
0xe: {  	[smem:$0x3FA9] =	sst s6  }
0xf: {  	[smem:$0x3FAA] =	sst s7  }
0x10: {  	[smem:$0x3FAB] =	sst s8  }
0x11: {  	[smem:$0x3FAC] =	sst s9;
	s0 =	simm.s32 @!p0 $0x0  }
0x12: {  	s1 =	sld [smem:$0x3F92];
	s0 =	simm.s32 @p0 $0x1  }
0x13: {  	[smem:$0x3FAD] =	sst s0;
	s0 =	simm.s32 @!p1 $0x0  }
0x14: {  	s2 =	sld [smem:$0x3F91];
	s0 =	simm.s32 @p1 $0x1  }
0x15: {  	[smem:$0x3FAE] =	sst s0;
	s0 =	simm.s32 @!p2 $0x0  }
0x16: {  	s3 =	sld [smem:$0x3FDB];
	s0 =	simm.s32 @p2 $0x1  }
0x17: {  	s4 =	simm.s32 $0x1BF5;
	[smem:$0x3FB0] =	sst s0  }
0x18: {  	s0 =	sld [smem:$0x3F93];
	_ =	swait.ge [sflag:s4], $0x0  }
0x19: {  	s7 =	sld [smem:$0x3F94]  }
0x1a: {  	s8 =	sadd.s32 $0xFFFFE003, lr  }
0x1b: {  	s9 =	sadd.s32 $0xFFFFFEF7, lr;
	s5 =	simm.s32 $0xFFFFFFFF;
	p2 =	slt.u32 s8, $0xFFFFF086  }
0x1c: {  	p1 =	slt.u32 s9, $0xF7A;
	s5 =	simm.s32 @!p2 $0x0  }
0x1d: {  	s5 =	simm.s32 @p1 $0x1;
	p0 =	seq.s32 s7, s2  }
0x1e: {  	s7 =	smul.u32 @!p0 $0xF7A, s2;
	p2 =	seq.s32 @!p0 s5, $0x0  }
0x1f: {  	s9 =	smul.u32 $0xF7A, s1;
	s8 =	simm.s32 @!p0 $0x1BF5;
	p2 =	por !p2, p0  }
0x20: {  	[sflag:s8] =	ssyncset.s32 @!p0 $0xFFFFF086;
	s6 =	sadd.s32 @!p0 s3, s7;
	s7 =	simm.s32 @!p0 $0x108  }
0x21: {  	s3 =	sadd.s32 s3, s9;
	s6 =	sadd.s32 @!p0 $0x88, s6;
	s7 =	simm.s32 @p2 $0x1082  }
0x22: {  	[simem:s7], [sflag:s8] =	dma.local @!p0 [hbm:s6], $0xF7A  }
0x23: {  	s9 =	sor.u32 $0xD0000000, s2;
	s6 =	simm.s32 $0x108;
	_ =	swait.ge @!p0 [sflag:s8], $0x0  }
0x24: {  	s3 =	sadd.s32 $0x88, s3;
	s6 =	simm.s32 @!p1 $0x1082;
	[sflag:s4] =	ssyncset.s32 $0xFFFFF086  }
0x25: {  	[simem:s6], [sflag:s4] =	dma.local [hbm:s3], $0xF7A  }
0x26: {  	[smem:$0x3F94] =	sst s1;
	(tag) =	ssettag s2;
	_ =	strace s9  }
0x27: {  	s1 =	sld [smem:$0x3FA4]  }
0x28: {  	s2 =	sld [smem:$0x3FA5]  }
0x29: {  	s4 =	sld [smem:$0x3FA7]  }
0x2a: {  	p0 =	seq.s32 s5, $0x0;
	s5 =	sld [smem:$0x3FA8]  }
0x2b: {  	s6 =	sld [smem:$0x3FA9]  }
0x2c: {  	s7 =	sld [smem:$0x3FAA]  }
0x2d: {  	s3 =	simm.s32 $0x108;
	s8 =	sld [smem:$0x3FAB]  }
0x2e: {  	s3 =	simm.s32 @!p0 $0x1082;
	s9 =	sld [smem:$0x3FAC]  }
0x2f: {  	lr =	sadd.s32 s0, s3;
	s0 =	sld [smem:$0x3FA3]  }
0x30: {  	s3 =	sld [smem:$0x3FA6]  }
0x31: {  	[smem:$0x3FAF] =	sst s10  }
0x32: {  	s10 =	sld [smem:$0x3FAD];
	_ =	sdelay $0x3  }
0x33: {  	p0 =	seq.s32 s10, $0x1;
	s10 =	sld [smem:$0x3FAF];
	_ =	sdelay $0x3  }
0x34: {  	[smem:$0x3FAF] =	sst s10  }
0x35: {  	s10 =	sld [smem:$0x3FAE];
	_ =	sdelay $0x3  }
0x36: {  	p1 =	seq.s32 s10, $0x1;
	s10 =	sld [smem:$0x3FAF];
	_ =	sdelay $0x3  }
0x37: {  	[smem:$0x3FAF] =	sst s10  }
0x38: {  	s10 =	sld [smem:$0x3FB0]  }
0x39: {  	_ = 	snop;
	(pc) =	sbr.ind lr, $3  }
0x3a: {  	_ = 	snop  }
0x3b: {  	_ = 	snop  }
0x3c: {  	p2 =	seq.s32 s10, $0x1;
	s10 =	sld [smem:$0x3FAF]  }
0x3d: {  	_ =	shalt  }
0x3e: {  	_ =	shalt  }
0x3f: {  	_ =	shalt  }
0x40: {  	_ =	shalt  }
0x41: {  	_ =	shalt  }
0x42: {  	_ =	shalt  }
0x43: {  	_ =	shalt  }
0x44: {  	_ =	shalt  }
0x45: {  	_ =	shalt  }
0x46: {  	_ =	shalt  }
0x47: {  	_ =	shalt  }
0x48: {  	_ =	shalt  }
0x49: {  	_ =	shalt  }
0x4a: {  	_ =	shalt  }
0x4b: {  	_ =	shalt  }
0x4c: {  	_ =	shalt  }
0x4d: {  	_ =	shalt  }
0x4e: {  	_ =	shalt  }
0x4f: {  	_ =	shalt  }
0x50: {  	_ =	shalt  }
0x51: {  	_ =	shalt  }
0x52: {  	_ =	shalt  }
0x53: {  	_ =	shalt  }
0x54: {  	_ =	shalt  }
0x55: {  	_ =	shalt  }
0x56: {  	_ =	shalt  }
0x57: {  	_ =	shalt  }
0x58: {  	_ =	shalt  }
0x59: {  	_ =	shalt  }
0x5a: {  	_ =	shalt  }
0x5b: {  	_ =	shalt  }
0x5c: {  	_ =	shalt  }
0x5d: {  	_ =	shalt  }
0x5e: {  	_ =	shalt  }
0x5f: {  	_ =	shalt  }
0x60: {  	_ =	shalt  }
0x61: {  	_ =	shalt  }
0x62: {  	_ =	shalt  }
0x63: {  	_ =	shalt  }
0x64: {  	_ =	shalt  }
0x65: {  	_ =	shalt  }
0x66: {  	_ =	shalt  }
0x67: {  	_ =	shalt  }
0x68: {  	_ =	shalt  }
0x69: {  	_ =	shalt  }
0x6a: {  	_ =	shalt  }
0x6b: {  	_ =	shalt  }
0x6c: {  	_ =	shalt  }
0x6d: {  	_ =	shalt  }
0x6e: {  	_ =	shalt  }
0x6f: {  	_ =	shalt  }
0x70: {  	_ =	shalt  }
0x71: {  	_ =	shalt  }
0x72: {  	_ =	shalt  }
0x73: {  	_ =	shalt  }
0x74: {  	_ =	shalt  }
0x75: {  	_ =	shalt  }
0x76: {  	_ =	shalt  }
0x77: {  	_ =	shalt  }
0x78: {  	_ =	shalt  }
0x79: {  	_ =	shalt  }
0x7a: {  	_ =	shalt  }
0x7b: {  	_ =	shalt  }
0x7c: {  	_ =	shalt  }
0x7d: {  	_ =	shalt  }
0x7e: {  	_ =	shalt  }
0x7f: {  	_ =	shalt  }
0x80: {  	_ =	shalt  }
0x81: {  	_ =	shalt  }
0x82: {  	_ =	shalt  }
0x83: {  	_ =	shalt  }
0x84: {  	_ =	shalt  }
0x85: {  	_ =	shalt  }
0x86: {  	_ =	shalt  }
0x87: {  	_ =	shalt  }
.Lfunc_end0:
.L_simem_size_0:
called_computation.1_lowered:
.L_overlay_start_0:
0x88: {  	s2 =	sld [smem:$0x3FD9]  }
0x89: {  	s3 =	sld [smem:$0x3FFE];
	_ =	sdelay $0x1  }
0x8a: {  	s1 =	srdreg.scid  }
0x8b: {  	s0 =	sand.u32 $0x1, s1  }
0x8c: {  	s17 =	sshll.u32 s0, $0xA;
	s2 =	sadd.s32 s3, s2  }
0x8d: {  	s2 =	sadd.s32 s2, s17  }
0x8e: {  	[smem:$0x3FBB] =	sst s2  }
0x8f: {  	_ = 	snop  }
0x90: {  	(tm) =	ssettm $0x1  }
0x91: {  	s18 =	sld [smem:$0x3FFB];
	_ =	sdelay $0x3  }
0x92: {  	_ =	strace s18  }
0x93: {  	s2 =	sld [smem:$0x3FFC];
	_ =	sdelay $0x3  }
0x94: {  	_ =	strace s2  }
0x95: {  	s2 =	sld [smem:$0x3FFD];
	_ =	sdelay $0x3  }
0x96: {  	_ =	strace s2  }
0x97: {  	_ =	strace $0x8FFFFFFF  }
0x98: {  	s19 =	sld [smem:$0x3FDB];
	_ =	sdelay $0x1  }
0x99: {  	s20 =	simm.s32 $_scs_section_size  }
0x9a: {  	s4 =	simm.s32 $_size__tile_overlayer_lowered;
	s5 =	simm.s32 $_tile_overlayer_lowered  }
0x9b: {  	s6 =	simm.s32 $0x1BFF;
	s21 =	sshll.u32 s5, $0x1;
	s3 =	sadd.s32 s20, s19  }
0x9c: {  	s22 =	simm.s32 $0x0;
	s4 =	sshll.u32 s4, $0x1;
	s5 =	sadd.s32 s21, s3  }
0x9d: {  	[timem:s22], [sflag:s6] =	dma.local [hbm:s5], s4  }
0x9e: {  	_ =	swait.ge [sflag:s6], s4  }
0x9f: {  	s4 =	ssub.s32 $0x0, s4;
	[sflag:s6] =	ssyncset.done $0x0  }
0xa0: {  	[sflag:s6] =	ssyncadd.s32 s4;
	_ =	sdelay $0x1  }
0xa1: {  	s23 =	simm.s32 $0x1B8B  }
0xa2: {  	_ =	swait.ge [sflag:s23], $0x1  }
0xa3: {  	[sflag:s23] =	ssyncset.done $0x0  }
0xa4: {  	[sflag:s23] =	ssyncadd.s32 $0xFFFFFFFF  }
0xa5: {  	s4 =	sld [smem:$0x0]  }
0xa6: {  	s5 =	sand.u32 $0xFFFFFFFE, s1  }
0xa7: {  	p0 =	sne.s32 s1, s5  }
0xa8: {  	s5 =	sshll.u32 @p0 s5, $0xE  }
0xa9: {  	s5 =	sadd.s32 @p0 $0x11B8D, s5;
	s6 =	sshll.u32 @p0 s4, $0x11  }
0xaa: {  	s5 =	sor.u32 @p0 s6, s5  }
0xab: {  	[sflag:s5] =	ssyncadd.remote.s32 @p0 $0x1;
	_ =	sdelay $0x1  }
0xac: {  	s5 =	simm.s32 @p0 $0x1B8D  }
0xad: {  	_ =	swait.eq @p0 [sflag:s5], $0x1  }
0xae: {  	[sflag:s5] =	ssyncadd.s32 @p0 $0xFFFFFFFF  }
0xaf: {  	s6 =	sshll.u32 @!p0 s1, $0xE  }
0xb0: {  	s6 =	sor.u32 @!p0 $0x4000, s6;
	s5 =	simm.s32 @!p0 $0x1B8D  }
0xb1: {  	s4 =	sshll.u32 @!p0 s4, $0x11;
	s6 =	sadd.s32 @!p0 $0x11B8D, s6;
	_ =	swait.eq @!p0 [sflag:s5], $0x1  }
0xb2: {  	s4 =	sor.u32 @!p0 s4, s6;
	[sflag:s5] =	ssyncadd.s32 @!p0 $0xFFFFFFFF  }
0xb3: {  	s25 =	simm.s32 $0x1B8E;
	s24 =	sld [smem:$0x3FFE];
	[sflag:s4] =	ssyncadd.remote.s32 @!p0 $0x1  }
0xb4: {  	s26 =	simm.s32 $execute0_lowered;
	[smem:$0x3FD2] =	sst s25  }
0xb5: {  	s5 =	sshll.u32 s26, $0x1;
	_ =	strace $0x80000049;
	[dreg:$0x1] =	wrdreg $0xFFFFFFFF  }
0xb6: {  	s28 =	simm.s32 $_size_execute0_lowered;
	s3 =	sadd.s32 s3, s5;
	[dreg:$0x0] =	wrdreg $0x0  }
0xb7: {  	s5 =	sshll.u32 s28, $0x1;
	[dreg:$0x2] =	wrdreg s3  }
0xb8: {  	[dreg:$0x3] =	wrdreg s5  }
0xb9: {  	[dreg:$0x4] =	wrdreg $0xC0  }
0xba: {  	_ =	task [dreg:s22], $0x5FFFF  }
0xbb: {  	[dreg:$0x1] =	wrdreg $0xFFFFFFFF  }
0xbc: {  	[dreg:$0x0] =	wrdreg $0x60  }
0xbd: {  	[dreg:$0x2] =	wrdreg s24  }
0xbe: {  	[dreg:$0x3] =	wrdreg $0xA  }
0xbf: {  	_ =	task.clear_ibuf [dreg:s22], $0x4FFFF;
	_ =	strace $0x90000049  }
0xc0: {  	s29 =	simm.s32 $0xA;
	_ =	strace $0x8000004B  }
0xc1: {  	_ =	swait.ge [sflag:s29], $0x1  }
0xc2: {  	[sflag:s29] =	ssyncadd.s32 $0xFFFFFFFF  }
0xc3: {  	_ =	strace $0x9000004B  }
0xc4: {  	_ =	sfence  }
0xc5: {  	s30 =	sld [smem:$0x0];
	_ =	sdelay $0x2  }
0xc6: {  	s31 =	sshll.u32 s1, $0xD;
	s1 =	sshrl.u32 s1, $0x2  }
0xc7: {  	s4 =	sand.u32 $0x4000, s31;
	s1 =	sadd.s32 s1, s30  }
0xc8: {  	s0 =	sor.u32 s4, s0;
	s1 =	sshll.u32 s1, $0x11  }
0xc9: {  	s0 =	sor.u32 s1, s0  }
0xca: {  	s0 =	sadd.s32 $0x8F2B, s0  }
0xcb: {  	[sflag:s0] =	ssyncadd.remote.s32 $0x1  }
0xcc: {  	_ =	sfence.sel $0xFFFF  }
0xcd: {  	[dreg:$0x0] =	wrdreg $0xFFFFFFFF;
	(pc) =	sbr.abs _section_cstart, $3  }
0xce: {  	[dreg:$0x1] =	wrdreg $0xFFFFFFFF  }
0xcf: {  	_ =	task.clear_ibuf [dreg:s22], $0x2FFFF;
	_ =	strace $0x9FFFFFFF  }
0xd0: {  	(tm) =	ssettm $0x7FFFFFFF  }
0xd1: {  	_ =	shalt  }
tec
execute0_lowered:
.L_overlay_start_1:
0x0: {  	(tag) =	ssettag $0x1  }
0x1: {  	s1 =	srdreg.scid;
	s0 =	stileid.u32  }
0x2: {  	s11 =	sand.u32 $0x1, s1;
	s26 =	sshll.u32 s0, $0x1  }
0x3: {  	s9 =	sor.u32 s11, s26  }
0x4: {  	s10 =	rddreg [dreg:$0x0];
	s12 =	smul.u32 $0x7D0, s9  }
0x5: {  	s2 =	simm.s32 $0x0;
	s1 =	rddreg [dreg:$0x1]  }
0x6: {  	[smem:$0x7FF] =	sst s2;
	s13 =	sadd.s32 $0x82000, s10;
	s3 =	sshrl.u32 s12, $0x3  }
0x7: {  	_ =	strace $0x8000004A;
	s4 =	sadd.s32 s13, s3;
	s3 =	simm.s32 $0x2  }
0x8: {  	[tilespmem:s2], [sflag:$0x2] =	stream.linear.gather [hbm4b:s4+s2], $0x3E8, $0x38;
	[tilespmem:$0x1F800] =	vst v63  }
0x9: {  	_ =	swait.ge [sflag:s3], $0x3E8  }
0xa: {  	s6 =	simm.s32 $0x3E8;
	s7 =	simm.s32 $0x400;
	[sflag:s3] =	ssyncset.done $0x0  }
0xb: {  	s8 =	simm.s32 $0x1;
	s5 =	sadd.s32 $0xC8600, s10;
	[sflag:s3] =	ssyncadd.s32 $0xFFFFFC18  }
0xc: {  	[tilespmem:s7], [sflag:$0x1] =	stream.indirect.gather [hbm4b:s5+s6], $0x80, s2, s6, $0xb8;
	[tilespmem:$0x1F800] =	vst v63  }
0xd: {  	s9 =	smul.u32 $0x7D00, s9;
	_ =	swait.ge [sflag:s8], $0x1F400  }
0xe: {  	s14 =	sadd.s32 $0x18BC00, s10;
	[sflag:s8] =	ssyncset.done $0x0  }
0xf: {  	s9 =	sadd.s32 s14, s9;
	[sflag:s8] =	ssyncadd.s32 $0xFFFE0C00  }
0x10: {  	[hbm4b:s9+s2] =	stream.linear.scatter [tilespmem:s7], [sflag:$0x2], $0x1F400, $0x38;
	[tilespmem:$0x1F800] =	vst v63  }
0x11: {  	s12 =	sadd.s32 $0x3E8, s12;
	_ =	swait.ge [sflag:s3], $0x1F400  }
0x12: {  	s28 =	sshrl.u32 s12, $0x3;
	[sflag:s3] =	ssyncset.done $0x0  }
0x13: {  	s11 =	ssub.s32 $0x2, s11;
	s10 =	sadd.s32 s13, s28;
	[sflag:s3] =	ssyncadd.s32 $0xFFFE0C00  }
0x14: {  	[tilespmem:s2], [sflag:$0x2] =	stream.linear.gather [hbm4b:s10+s2], $0x3E8, $0x38;
	[tilespmem:$0x1F800] =	vst v63  }
0x15: {  	s29 =	sshrl.u32 s11, $0x1;
	_ =	swait.ge [sflag:s3], $0x3E8  }
0x16: {  	s13 =	ssub.s32 s11, s29;
	[sflag:s3] =	ssyncset.done $0x0  }
0x17: {  	s31 =	smax.u32 s13, $0x1;
	[sflag:s3] =	ssyncadd.s32 $0xFFFFFC18  }
0x18: {  	[tilespmem:s7], [sflag:$0x1] =	stream.indirect.gather [hbm4b:s5+s6], $0x80, s2, s6, $0xb8;
	[tilespmem:$0x1F800] =	vst v63  }
0x19: {  	p0 =	sne.s32 s31, $0x1;
	_ =	swait.ge [sflag:s8], $0x1F400  }
.Ltmp0:
0x1a: {  	s30 =	sshll.u32 s12, $0x4;
	[sflag:s8] =	ssyncset.done $0x0;
	(pc) =	sbr.rel @!p0 .LBB2_2-.Ltmp0, $4  }
0x1b: {  	s11 =	sadd.s32 s14, s30;
	[sflag:s8] =	ssyncadd.s32 $0xFFFE0C00  }
0x1c: {  	[hbm4b:s11+s2] =	stream.linear.scatter [tilespmem:s7], [sflag:$0x2], $0x1F400, $0x38;
	[tilespmem:$0x1F800] =	vst v63  }
0x1d: {  	_ =	swait.ge [sflag:s3], $0x1F400  }
0x1e: {  	s12 =	sadd.s32 $0xFFFFFFFF, s31;
	[sflag:s3] =	ssyncset.done $0x0  }
.LBB2_1:
0x1f: {  	p0 =	sne.s32 s12, $0x1;
	s12 =	sadd.s32 $0xFFFFFFFF, s12;
	[sflag:s3] =	ssyncadd.s32 $0xFFFE0C00  }
0x20: {  	[tilespmem:s2], [sflag:$0x2] =	stream.linear.gather [hbm4b:s4+s2], $0x3E8, $0x38;
	[tilespmem:$0x1F800] =	vst v63  }
0x21: {  	_ =	swait.ge [sflag:s3], $0x3E8  }
0x22: {  	[sflag:s3] =	ssyncset.done $0x0  }
0x23: {  	[sflag:s3] =	ssyncadd.s32 $0xFFFFFC18  }
0x24: {  	[tilespmem:s7], [sflag:$0x1] =	stream.indirect.gather [hbm4b:s5+s6], $0x80, s2, s6, $0xb8;
	[tilespmem:$0x1F800] =	vst v63  }
0x25: {  	_ =	swait.ge [sflag:s8], $0x1F400  }
0x26: {  	[sflag:s8] =	ssyncset.done $0x0  }
0x27: {  	[sflag:s8] =	ssyncadd.s32 $0xFFFE0C00  }
0x28: {  	[hbm4b:s9+s2] =	stream.linear.scatter [tilespmem:s7], [sflag:$0x2], $0x1F400, $0x38;
	[tilespmem:$0x1F800] =	vst v63  }
0x29: {  	_ =	swait.ge [sflag:s3], $0x1F400  }
0x2a: {  	[sflag:s3] =	ssyncset.done $0x0  }
0x2b: {  	[sflag:s3] =	ssyncadd.s32 $0xFFFE0C00  }
0x2c: {  	[tilespmem:s2], [sflag:$0x2] =	stream.linear.gather [hbm4b:s10+s2], $0x3E8, $0x38;
	[tilespmem:$0x1F800] =	vst v63  }
0x2d: {  	_ =	swait.ge [sflag:s3], $0x3E8  }
0x2e: {  	[sflag:s3] =	ssyncset.done $0x0  }
0x2f: {  	[sflag:s3] =	ssyncadd.s32 $0xFFFFFC18  }
0x30: {  	[tilespmem:s7], [sflag:$0x1] =	stream.indirect.gather [hbm4b:s5+s6], $0x80, s2, s6, $0xb8;
	[tilespmem:$0x1F800] =	vst v63  }
0x31: {  	_ =	swait.ge [sflag:s8], $0x1F400  }
.Ltmp1:
0x32: {  	[sflag:s8] =	ssyncset.done $0x0;
	(pc) =	sbr.rel @p0 .LBB2_1-.Ltmp1, $4  }
0x33: {  	[sflag:s8] =	ssyncadd.s32 $0xFFFE0C00  }
0x34: {  	[hbm4b:s11+s2] =	stream.linear.scatter [tilespmem:s7], [sflag:$0x2], $0x1F400, $0x38;
	[tilespmem:$0x1F800] =	vst v63  }
0x35: {  	_ =	swait.ge [sflag:s3], $0x1F400  }
0x36: {  	[sflag:s3] =	ssyncset.done $0x0  }
.LBB2_2:
0x37: {  	[sflag:s3] =	ssyncadd.s32 $0xFFFE0C00  }
0x38: {  	_ =	sfence.sel $0x180000  }
0x39: {  	[bflag:$0x0] =	sbarrier.arrive $0xFFFF  }
0x3a: {  	p0 =	sne.s32 s0, $0x0;
	_ =	strace $0x9000004A  }
0x3b: {  	s0 =	sadd.s32 @!p0 $0x100000, s1;
	[bflag:$0x2] =	sbarrier.arrive $0xFFFF  }
0x3c: {  	[sflag:s0] =	ssyncadd.tile.s32 @!p0 $0x1;
	_ =	shalt  }
.Lfunc_end2:
_tile_overlayer_lowered:
.L_overlay_start_2:
0x3d: {  	(tag) =	ssettag $0x2  }
0x3e: {  	s0 =	rddreg [dreg:$0x0];
	s2 =	stileid.u32  }
0x3f: {  	s1 =	rddreg [dreg:$0x1];
	p0 =	sne.s32 s2, $0x0  }
0x40: {  	s3 =	rddreg [dreg:$0x2];
	[bflag:$0x3] =	sbarrier.arrive $0xFFFF;
	s2 =	simm.s32 @!p0 $0x1C02  }
0x41: {  	[timem:s3], [sflag:s2] =	dma.local @!p0 [hbm:s0], s1  }
0x42: {  	s0 =	simm.s32 @!p0 $0x2  }
0x43: {  	_ =	swait.ge @!p0 [sflag:s0], s1  }
0x44: {  	s1 =	ssub.s32 @!p0 $0x0, s1;
	[sflag:s0] =	ssyncset.done @!p0 $0x0  }
0x45: {  	[sflag:s0] =	ssyncadd.s32 @!p0 s1  }
0x46: {  	[bflag:$0x3] =	sbarrier.arrive $0xFFFF  }
0x47: {  	_ =	shalt  }

// kernel: kernel.18.cloned.1.call-start
scs
__scs_entry_jumppad:
0x0: {  	(pc) =	sbr.rel $0x88, $3  }
0x1: {  	(tag) =	ssettag $0x0;
	lr =	simm.s32 $0x1  }
0x2: {  	[smem:$0x3F94] =	sst lr;
	_ =	strace $0xD0000000  }
0x3: {  	_ = 	snop  }
0x4: {  	_ = 	snop  }
0x5: {  	_ = 	snop  }
0x6: {  	_ = 	snop  }
0x7: {  	_ = 	snop  }
__scs_overlays_trampoline_lowered:
0x8: {  	[smem:$0x3FA3] =	sst s0  }
0x9: {  	[smem:$0x3FA4] =	sst s1  }
0xa: {  	[smem:$0x3FA5] =	sst s2  }
0xb: {  	[smem:$0x3FA6] =	sst s3  }
0xc: {  	[smem:$0x3FA7] =	sst s4  }
0xd: {  	[smem:$0x3FA8] =	sst s5  }
0xe: {  	[smem:$0x3FA9] =	sst s6  }
0xf: {  	[smem:$0x3FAA] =	sst s7  }
0x10: {  	[smem:$0x3FAB] =	sst s8  }
0x11: {  	[smem:$0x3FAC] =	sst s9;
	s0 =	simm.s32 @!p0 $0x0  }
0x12: {  	s1 =	sld [smem:$0x3F92];
	s0 =	simm.s32 @p0 $0x1  }
0x13: {  	[smem:$0x3FAD] =	sst s0;
	s0 =	simm.s32 @!p1 $0x0  }
0x14: {  	s2 =	sld [smem:$0x3F91];
	s0 =	simm.s32 @p1 $0x1  }
0x15: {  	[smem:$0x3FAE] =	sst s0;
	s0 =	simm.s32 @!p2 $0x0  }
0x16: {  	s3 =	sld [smem:$0x3FDB];
	s0 =	simm.s32 @p2 $0x1  }
0x17: {  	s4 =	simm.s32 $0x1BF5;
	[smem:$0x3FB0] =	sst s0  }
0x18: {  	s0 =	sld [smem:$0x3F93];
	_ =	swait.ge [sflag:s4], $0x0  }
0x19: {  	s7 =	sld [smem:$0x3F94]  }
0x1a: {  	s8 =	sadd.s32 $0xFFFFE003, lr  }
0x1b: {  	s9 =	sadd.s32 $0xFFFFFEF7, lr;
	s5 =	simm.s32 $0xFFFFFFFF;
	p2 =	slt.u32 s8, $0xFFFFF086  }
0x1c: {  	p1 =	slt.u32 s9, $0xF7A;
	s5 =	simm.s32 @!p2 $0x0  }
0x1d: {  	s5 =	simm.s32 @p1 $0x1;
	p0 =	seq.s32 s7, s2  }
0x1e: {  	s7 =	smul.u32 @!p0 $0xF7A, s2;
	p2 =	seq.s32 @!p0 s5, $0x0  }
0x1f: {  	s9 =	smul.u32 $0xF7A, s1;
	s8 =	simm.s32 @!p0 $0x1BF5;
	p2 =	por !p2, p0  }
0x20: {  	[sflag:s8] =	ssyncset.s32 @!p0 $0xFFFFF086;
	s6 =	sadd.s32 @!p0 s3, s7;
	s7 =	simm.s32 @!p0 $0x108  }
0x21: {  	s3 =	sadd.s32 s3, s9;
	s6 =	sadd.s32 @!p0 $0x88, s6;
	s7 =	simm.s32 @p2 $0x1082  }
0x22: {  	[simem:s7], [sflag:s8] =	dma.local @!p0 [hbm:s6], $0xF7A  }
0x23: {  	s9 =	sor.u32 $0xD0000000, s2;
	s6 =	simm.s32 $0x108;
	_ =	swait.ge @!p0 [sflag:s8], $0x0  }
0x24: {  	s3 =	sadd.s32 $0x88, s3;
	s6 =	simm.s32 @!p1 $0x1082;
	[sflag:s4] =	ssyncset.s32 $0xFFFFF086  }
0x25: {  	[simem:s6], [sflag:s4] =	dma.local [hbm:s3], $0xF7A  }
0x26: {  	[smem:$0x3F94] =	sst s1;
	(tag) =	ssettag s2;
	_ =	strace s9  }
0x27: {  	s1 =	sld [smem:$0x3FA4]  }
0x28: {  	s2 =	sld [smem:$0x3FA5]  }
0x29: {  	s4 =	sld [smem:$0x3FA7]  }
0x2a: {  	p0 =	seq.s32 s5, $0x0;
	s5 =	sld [smem:$0x3FA8]  }
0x2b: {  	s6 =	sld [smem:$0x3FA9]  }
0x2c: {  	s7 =	sld [smem:$0x3FAA]  }
0x2d: {  	s3 =	simm.s32 $0x108;
	s8 =	sld [smem:$0x3FAB]  }
0x2e: {  	s3 =	simm.s32 @!p0 $0x1082;
	s9 =	sld [smem:$0x3FAC]  }
0x2f: {  	lr =	sadd.s32 s0, s3;
	s0 =	sld [smem:$0x3FA3]  }
0x30: {  	s3 =	sld [smem:$0x3FA6]  }
0x31: {  	[smem:$0x3FAF] =	sst s10  }
0x32: {  	s10 =	sld [smem:$0x3FAD];
	_ =	sdelay $0x3  }
0x33: {  	p0 =	seq.s32 s10, $0x1;
	s10 =	sld [smem:$0x3FAF];
	_ =	sdelay $0x3  }
0x34: {  	[smem:$0x3FAF] =	sst s10  }
0x35: {  	s10 =	sld [smem:$0x3FAE];
	_ =	sdelay $0x3  }
0x36: {  	p1 =	seq.s32 s10, $0x1;
	s10 =	sld [smem:$0x3FAF];
	_ =	sdelay $0x3  }
0x37: {  	[smem:$0x3FAF] =	sst s10  }
0x38: {  	s10 =	sld [smem:$0x3FB0]  }
0x39: {  	_ = 	snop;
	(pc) =	sbr.ind lr, $3  }
0x3a: {  	_ = 	snop  }
0x3b: {  	_ = 	snop  }
0x3c: {  	p2 =	seq.s32 s10, $0x1;
	s10 =	sld [smem:$0x3FAF]  }
0x3d: {  	_ =	shalt  }
0x3e: {  	_ =	shalt  }
0x3f: {  	_ =	shalt  }
0x40: {  	_ =	shalt  }
0x41: {  	_ =	shalt  }
0x42: {  	_ =	shalt  }
0x43: {  	_ =	shalt  }
0x44: {  	_ =	shalt  }
0x45: {  	_ =	shalt  }
0x46: {  	_ =	shalt  }
0x47: {  	_ =	shalt  }
0x48: {  	_ =	shalt  }
0x49: {  	_ =	shalt  }
0x4a: {  	_ =	shalt  }
0x4b: {  	_ =	shalt  }
0x4c: {  	_ =	shalt  }
0x4d: {  	_ =	shalt  }
0x4e: {  	_ =	shalt  }
0x4f: {  	_ =	shalt  }
0x50: {  	_ =	shalt  }
0x51: {  	_ =	shalt  }
0x52: {  	_ =	shalt  }
0x53: {  	_ =	shalt  }
0x54: {  	_ =	shalt  }
0x55: {  	_ =	shalt  }
0x56: {  	_ =	shalt  }
0x57: {  	_ =	shalt  }
0x58: {  	_ =	shalt  }
0x59: {  	_ =	shalt  }
0x5a: {  	_ =	shalt  }
0x5b: {  	_ =	shalt  }
0x5c: {  	_ =	shalt  }
0x5d: {  	_ =	shalt  }
0x5e: {  	_ =	shalt  }
0x5f: {  	_ =	shalt  }
0x60: {  	_ =	shalt  }
0x61: {  	_ =	shalt  }
0x62: {  	_ =	shalt  }
0x63: {  	_ =	shalt  }
0x64: {  	_ =	shalt  }
0x65: {  	_ =	shalt  }
0x66: {  	_ =	shalt  }
0x67: {  	_ =	shalt  }
0x68: {  	_ =	shalt  }
0x69: {  	_ =	shalt  }
0x6a: {  	_ =	shalt  }
0x6b: {  	_ =	shalt  }
0x6c: {  	_ =	shalt  }
0x6d: {  	_ =	shalt  }
0x6e: {  	_ =	shalt  }
0x6f: {  	_ =	shalt  }
0x70: {  	_ =	shalt  }
0x71: {  	_ =	shalt  }
0x72: {  	_ =	shalt  }
0x73: {  	_ =	shalt  }
0x74: {  	_ =	shalt  }
0x75: {  	_ =	shalt  }
0x76: {  	_ =	shalt  }
0x77: {  	_ =	shalt  }
0x78: {  	_ =	shalt  }
0x79: {  	_ =	shalt  }
0x7a: {  	_ =	shalt  }
0x7b: {  	_ =	shalt  }
0x7c: {  	_ =	shalt  }
0x7d: {  	_ =	shalt  }
0x7e: {  	_ =	shalt  }
0x7f: {  	_ =	shalt  }
0x80: {  	_ =	shalt  }
0x81: {  	_ =	shalt  }
0x82: {  	_ =	shalt  }
0x83: {  	_ =	shalt  }
0x84: {  	_ =	shalt  }
0x85: {  	_ =	shalt  }
0x86: {  	_ =	shalt  }
0x87: {  	_ =	shalt  }
.Lfunc_end0:
.L_simem_size_0:
called_computation.2_lowered:
.L_overlay_start_0:
0x88: {  	s2 =	sld [smem:$0x3FD9]  }
0x89: {  	s3 =	sld [smem:$0x3FFE];
	_ =	sdelay $0x1  }
0x8a: {  	s1 =	srdreg.scid  }
0x8b: {  	s0 =	sand.u32 $0x1, s1  }
0x8c: {  	s15 =	sshll.u32 s0, $0xA;
	s2 =	sadd.s32 s3, s2  }
0x8d: {  	s2 =	sadd.s32 s2, s15  }
0x8e: {  	[smem:$0x3FBB] =	sst s2  }
0x8f: {  	_ = 	snop  }
0x90: {  	s2 =	sld [smem:$0x3FD0];
	_ =	sdelay $0x2  }
0x91: {  	s16 =	simm.s32 $0xE;
	s4 =	simm.s32 $0x10  }
0x92: {  	[smem:s4], [sflag:s16] =	dma.local [hbm:s2], $0x1  }
0x93: {  	_ =	swait.eq [sflag:s16], $0x1  }
0x94: {  	[sflag:s16] =	ssyncset.done $0x0  }
0x95: {  	[sflag:s16] =	ssyncadd.s32 $0xFFFFFFFF  }
0x96: {  	s17 =	sld [smem:$0x11];
	(tm) =	ssettm $0x1  }
0x97: {  	s18 =	sld [smem:$0x3FFB];
	_ =	sdelay $0x3  }
0x98: {  	_ =	strace s18  }
0x99: {  	s2 =	sld [smem:$0x3FFC];
	_ =	sdelay $0x3  }
0x9a: {  	_ =	strace s2  }
0x9b: {  	s2 =	sld [smem:$0x3FFD];
	_ =	sdelay $0x3  }
0x9c: {  	_ =	strace s2  }
0x9d: {  	_ =	strace $0x8FFFFFFF  }
0x9e: {  	s19 =	sld [smem:$0x3FDB];
	_ =	sdelay $0x1  }
0x9f: {  	s20 =	simm.s32 $_scs_section_size  }
0xa0: {  	s5 =	simm.s32 $_size__tile_overlayer_lowered;
	s6 =	simm.s32 $_tile_overlayer_lowered  }
0xa1: {  	s7 =	simm.s32 $0x1BFF;
	s21 =	sshll.u32 s6, $0x1;
	s4 =	sadd.s32 s20, s19  }
0xa2: {  	s22 =	simm.s32 $0x0;
	s5 =	sshll.u32 s5, $0x1;
	s6 =	sadd.s32 s21, s4  }
0xa3: {  	[timem:s22], [sflag:s7] =	dma.local [hbm:s6], s5  }
0xa4: {  	_ =	swait.ge [sflag:s7], s5  }
0xa5: {  	s5 =	ssub.s32 $0x0, s5;
	[sflag:s7] =	ssyncset.done $0x0  }
0xa6: {  	[sflag:s7] =	ssyncadd.s32 s5;
	_ =	sdelay $0x1  }
0xa7: {  	s23 =	simm.s32 $0x1B8B  }
0xa8: {  	_ =	swait.ge [sflag:s23], $0x1  }
0xa9: {  	[sflag:s23] =	ssyncset.done $0x0  }
0xaa: {  	[sflag:s23] =	ssyncadd.s32 $0xFFFFFFFF  }
0xab: {  	s5 =	sld [smem:$0x0]  }
0xac: {  	s6 =	sand.u32 $0xFFFFFFFE, s1  }
0xad: {  	p0 =	sne.s32 s1, s6  }
0xae: {  	s6 =	sshll.u32 @p0 s6, $0xE  }
0xaf: {  	s6 =	sadd.s32 @p0 $0x11B8D, s6;
	s7 =	sshll.u32 @p0 s5, $0x11  }
0xb0: {  	s6 =	sor.u32 @p0 s7, s6  }
0xb1: {  	[sflag:s6] =	ssyncadd.remote.s32 @p0 $0x1;
	_ =	sdelay $0x1  }
0xb2: {  	s6 =	simm.s32 @p0 $0x1B8D  }
0xb3: {  	_ =	swait.eq @p0 [sflag:s6], $0x1  }
0xb4: {  	[sflag:s6] =	ssyncadd.s32 @p0 $0xFFFFFFFF  }
0xb5: {  	s7 =	sshll.u32 @!p0 s1, $0xE  }
0xb6: {  	s7 =	sor.u32 @!p0 $0x4000, s7;
	s6 =	simm.s32 @!p0 $0x1B8D  }
0xb7: {  	s5 =	sshll.u32 @!p0 s5, $0x11;
	s7 =	sadd.s32 @!p0 $0x11B8D, s7;
	_ =	swait.eq @!p0 [sflag:s6], $0x1  }
0xb8: {  	s5 =	sor.u32 @!p0 s5, s7;
	[sflag:s6] =	ssyncadd.s32 @!p0 $0xFFFFFFFF  }
0xb9: {  	s25 =	simm.s32 $0x1B8E;
	s24 =	sld [smem:$0x3FFE];
	[sflag:s5] =	ssyncadd.remote.s32 @!p0 $0x1  }
0xba: {  	s26 =	simm.s32 $execute0_lowered;
	[smem:$0x3FD2] =	sst s25  }
0xbb: {  	s6 =	sshll.u32 s26, $0x1;
	_ =	strace $0x8000004C;
	[dreg:$0x1] =	wrdreg $0xFFFFFFFF  }
0xbc: {  	s28 =	simm.s32 $_size_execute0_lowered;
	s4 =	sadd.s32 s4, s6;
	[dreg:$0x0] =	wrdreg $0x0  }
0xbd: {  	s6 =	sshll.u32 s28, $0x1;
	[dreg:$0x2] =	wrdreg s4  }
0xbe: {  	[dreg:$0x3] =	wrdreg s6  }
0xbf: {  	[dreg:$0x4] =	wrdreg $0xC0  }
0xc0: {  	_ =	task [dreg:s22], $0x5FFFF  }
0xc1: {  	[dreg:$0x1] =	wrdreg $0xFFFFFFFF  }
0xc2: {  	[dreg:$0x0] =	wrdreg $0x60  }
0xc3: {  	[dreg:$0x2] =	wrdreg s24  }
0xc4: {  	[dreg:$0x3] =	wrdreg s17  }
0xc5: {  	[dreg:$0x4] =	wrdreg $0xB  }
0xc6: {  	_ =	task.clear_ibuf [dreg:s22], $0x5FFFF;
	_ =	strace $0x9000004C  }
0xc7: {  	s29 =	simm.s32 $0xB;
	_ =	strace $0x8000004E  }
0xc8: {  	_ =	swait.ge [sflag:s29], $0x1  }
0xc9: {  	[sflag:s29] =	ssyncadd.s32 $0xFFFFFFFF  }
0xca: {  	_ =	strace $0x9000004E  }
0xcb: {  	_ =	sfence  }
0xcc: {  	s30 =	sld [smem:$0x0];
	_ =	sdelay $0x2  }
0xcd: {  	s31 =	sshll.u32 s1, $0xD;
	s1 =	sshrl.u32 s1, $0x2  }
0xce: {  	s4 =	sand.u32 $0x4000, s31;
	s1 =	sadd.s32 s1, s30  }
0xcf: {  	s0 =	sor.u32 s4, s0;
	s1 =	sshll.u32 s1, $0x11  }
0xd0: {  	s0 =	sor.u32 s1, s0  }
0xd1: {  	s0 =	sadd.s32 $0x8F2B, s0  }
0xd2: {  	[sflag:s0] =	ssyncadd.remote.s32 $0x1  }
0xd3: {  	_ =	sfence.sel $0xFFFF  }
0xd4: {  	[dreg:$0x0] =	wrdreg $0xFFFFFFFF;
	(pc) =	sbr.abs _section_cstart, $3  }
0xd5: {  	[dreg:$0x1] =	wrdreg $0xFFFFFFFF  }
0xd6: {  	_ =	task.clear_ibuf [dreg:s22], $0x2FFFF;
	_ =	strace $0x9FFFFFFF  }
0xd7: {  	(tm) =	ssettm $0x7FFFFFFF  }
tec
execute0_lowered:
.L_overlay_start_1:
0x0: {  	(tag) =	ssettag $0x1  }
0x1: {  	s1 =	srdreg.scid;
	s0 =	stileid.u32  }
0x2: {  	s15 =	sand.u32 $0x1, s1;
	s26 =	sshll.u32 s0, $0x1  }
0x3: {  	s9 =	rddreg [dreg:$0x0];
	s10 =	sor.u32 s15, s26  }
0x4: {  	s14 =	rddreg [dreg:$0x1];
	s16 =	smul.u32 $0xFA0, s10  }
0x5: {  	s2 =	simm.s32 $0x0;
	s1 =	rddreg [dreg:$0x2]  }
0x6: {  	[smem:$0x7FF] =	sst s2;
	s3 =	sshrl.u32 s16, $0x3  }
0x7: {  	_ =	strace $0x8000004D;
	s4 =	sadd.s32 s14, s3;
	s3 =	simm.s32 $0x2  }
0x8: {  	[tilespmem:s2], [sflag:$0x2] =	stream.linear.gather [hbm4b:s4+s2], $0x3E8, $0x38;
	[tilespmem:$0x1F800] =	vst v63  }
0x9: {  	_ =	swait.ge [sflag:s3], $0x3E8  }
0xa: {  	s6 =	simm.s32 $0x3E8;
	s7 =	simm.s32 $0x400;
	[sflag:s3] =	ssyncset.done $0x0  }
0xb: {  	s8 =	simm.s32 $0x1;
	s5 =	sadd.s32 $0xC8600, s9;
	[sflag:s3] =	ssyncadd.s32 $0xFFFFFC18  }
0xc: {  	[tilespmem:s7], [sflag:$0x1] =	stream.indirect.gather [hbm4b:s5+s6], $0x80, s2, s6, $0xb8;
	[tilespmem:$0x1F800] =	vst v63  }
0xd: {  	s10 =	smul.u32 $0xFA00, s10;
	_ =	swait.ge [sflag:s8], $0x1F400  }
0xe: {  	s17 =	sadd.s32 $0x285C00, s9;
	[sflag:s8] =	ssyncset.done $0x0  }
0xf: {  	s9 =	sadd.s32 s17, s10;
	[sflag:s8] =	ssyncadd.s32 $0xFFFE0C00  }
0x10: {  	[hbm4b:s9+s2] =	stream.linear.scatter [tilespmem:s7], [sflag:$0x2], $0x1F400, $0x38;
	[tilespmem:$0x1F800] =	vst v63  }
0x11: {  	s11 =	sadd.s32 $0x3E8, s16;
	_ =	swait.ge [sflag:s3], $0x1F400  }
0x12: {  	s28 =	sshrl.u32 s11, $0x3;
	[sflag:s3] =	ssyncset.done $0x0  }
0x13: {  	s10 =	sadd.s32 s14, s28;
	[sflag:s3] =	ssyncadd.s32 $0xFFFE0C00  }
0x14: {  	[tilespmem:s2], [sflag:$0x2] =	stream.linear.gather [hbm4b:s10+s2], $0x3E8, $0x38;
	[tilespmem:$0x1F800] =	vst v63  }
0x15: {  	_ =	swait.ge [sflag:s3], $0x3E8  }
0x16: {  	[sflag:s3] =	ssyncset.done $0x0  }
0x17: {  	[sflag:s3] =	ssyncadd.s32 $0xFFFFFC18  }
0x18: {  	[tilespmem:s7], [sflag:$0x1] =	stream.indirect.gather [hbm4b:s5+s6], $0x80, s2, s6, $0xb8;
	[tilespmem:$0x1F800] =	vst v63  }
0x19: {  	_ =	swait.ge [sflag:s8], $0x1F400  }
0x1a: {  	s11 =	sshll.u32 s11, $0x4;
	[sflag:s8] =	ssyncset.done $0x0  }
0x1b: {  	s11 =	sadd.s32 s17, s11;
	[sflag:s8] =	ssyncadd.s32 $0xFFFE0C00  }
0x1c: {  	[hbm4b:s11+s2] =	stream.linear.scatter [tilespmem:s7], [sflag:$0x2], $0x1F400, $0x38;
	[tilespmem:$0x1F800] =	vst v63  }
0x1d: {  	s13 =	sadd.s32 $0x7D0, s16;
	_ =	swait.ge [sflag:s3], $0x1F400  }
0x1e: {  	s12 =	sshrl.u32 s13, $0x3;
	[sflag:s3] =	ssyncset.done $0x0  }
0x1f: {  	s12 =	sadd.s32 s14, s12;
	[sflag:s3] =	ssyncadd.s32 $0xFFFE0C00  }
0x20: {  	[tilespmem:s2], [sflag:$0x2] =	stream.linear.gather [hbm4b:s12+s2], $0x3E8, $0x38;
	[tilespmem:$0x1F800] =	vst v63  }
0x21: {  	_ =	swait.ge [sflag:s3], $0x3E8  }
0x22: {  	[sflag:s3] =	ssyncset.done $0x0  }
0x23: {  	[sflag:s3] =	ssyncadd.s32 $0xFFFFFC18  }
0x24: {  	[tilespmem:s7], [sflag:$0x1] =	stream.indirect.gather [hbm4b:s5+s6], $0x80, s2, s6, $0xb8;
	[tilespmem:$0x1F800] =	vst v63  }
0x25: {  	_ =	swait.ge [sflag:s8], $0x1F400  }
0x26: {  	s13 =	sshll.u32 s13, $0x4;
	[sflag:s8] =	ssyncset.done $0x0  }
0x27: {  	s13 =	sadd.s32 s17, s13;
	[sflag:s8] =	ssyncadd.s32 $0xFFFE0C00  }
0x28: {  	[hbm4b:s13+s2] =	stream.linear.scatter [tilespmem:s7], [sflag:$0x2], $0x1F400, $0x38;
	[tilespmem:$0x1F800] =	vst v63  }
0x29: {  	s16 =	sadd.s32 $0xBB8, s16;
	_ =	swait.ge [sflag:s3], $0x1F400  }
0x2a: {  	s18 =	sshrl.u32 s16, $0x3;
	[sflag:s3] =	ssyncset.done $0x0  }
0x2b: {  	s15 =	ssub.s32 $0x2, s15;
	s14 =	sadd.s32 s14, s18;
	[sflag:s3] =	ssyncadd.s32 $0xFFFE0C00  }
0x2c: {  	[tilespmem:s2], [sflag:$0x2] =	stream.linear.gather [hbm4b:s14+s2], $0x3E8, $0x38;
	[tilespmem:$0x1F800] =	vst v63  }
0x2d: {  	s29 =	sshrl.u32 s15, $0x1;
	_ =	swait.ge [sflag:s3], $0x3E8  }
0x2e: {  	s18 =	ssub.s32 s15, s29;
	[sflag:s3] =	ssyncset.done $0x0  }
0x2f: {  	s31 =	smax.u32 s18, $0x1;
	[sflag:s3] =	ssyncadd.s32 $0xFFFFFC18  }
0x30: {  	[tilespmem:s7], [sflag:$0x1] =	stream.indirect.gather [hbm4b:s5+s6], $0x80, s2, s6, $0xb8;
	[tilespmem:$0x1F800] =	vst v63  }
0x31: {  	p0 =	sne.s32 s31, $0x1;
	_ =	swait.ge [sflag:s8], $0x1F400  }
.Ltmp0:
0x32: {  	s30 =	sshll.u32 s16, $0x4;
	[sflag:s8] =	ssyncset.done $0x0;
	(pc) =	sbr.rel @!p0 .LBB2_2-.Ltmp0, $4  }
0x33: {  	s15 =	sadd.s32 s17, s30;
	[sflag:s8] =	ssyncadd.s32 $0xFFFE0C00  }
0x34: {  	[hbm4b:s15+s2] =	stream.linear.scatter [tilespmem:s7], [sflag:$0x2], $0x1F400, $0x38;
	[tilespmem:$0x1F800] =	vst v63  }
0x35: {  	_ =	swait.ge [sflag:s3], $0x1F400  }
0x36: {  	s16 =	sadd.s32 $0xFFFFFFFF, s31;
	[sflag:s3] =	ssyncset.done $0x0  }
.LBB2_1:
0x37: {  	p0 =	sne.s32 s16, $0x1;
	s16 =	sadd.s32 $0xFFFFFFFF, s16;
	[sflag:s3] =	ssyncadd.s32 $0xFFFE0C00  }
0x38: {  	[tilespmem:s2], [sflag:$0x2] =	stream.linear.gather [hbm4b:s4+s2], $0x3E8, $0x38;
	[tilespmem:$0x1F800] =	vst v63  }
0x39: {  	_ =	swait.ge [sflag:s3], $0x3E8  }
0x3a: {  	[sflag:s3] =	ssyncset.done $0x0  }
0x3b: {  	[sflag:s3] =	ssyncadd.s32 $0xFFFFFC18  }
0x3c: {  	[tilespmem:s7], [sflag:$0x1] =	stream.indirect.gather [hbm4b:s5+s6], $0x80, s2, s6, $0xb8;
	[tilespmem:$0x1F800] =	vst v63  }
0x3d: {  	_ =	swait.ge [sflag:s8], $0x1F400  }
0x3e: {  	[sflag:s8] =	ssyncset.done $0x0  }
0x3f: {  	[sflag:s8] =	ssyncadd.s32 $0xFFFE0C00  }
0x40: {  	[hbm4b:s9+s2] =	stream.linear.scatter [tilespmem:s7], [sflag:$0x2], $0x1F400, $0x38;
	[tilespmem:$0x1F800] =	vst v63  }
0x41: {  	_ =	swait.ge [sflag:s3], $0x1F400  }
0x42: {  	[sflag:s3] =	ssyncset.done $0x0  }
0x43: {  	[sflag:s3] =	ssyncadd.s32 $0xFFFE0C00  }
0x44: {  	[tilespmem:s2], [sflag:$0x2] =	stream.linear.gather [hbm4b:s10+s2], $0x3E8, $0x38;
	[tilespmem:$0x1F800] =	vst v63  }
0x45: {  	_ =	swait.ge [sflag:s3], $0x3E8  }
0x46: {  	[sflag:s3] =	ssyncset.done $0x0  }
0x47: {  	[sflag:s3] =	ssyncadd.s32 $0xFFFFFC18  }
0x48: {  	[tilespmem:s7], [sflag:$0x1] =	stream.indirect.gather [hbm4b:s5+s6], $0x80, s2, s6, $0xb8;
	[tilespmem:$0x1F800] =	vst v63  }
0x49: {  	_ =	swait.ge [sflag:s8], $0x1F400  }
0x4a: {  	[sflag:s8] =	ssyncset.done $0x0  }
0x4b: {  	[sflag:s8] =	ssyncadd.s32 $0xFFFE0C00  }
0x4c: {  	[hbm4b:s11+s2] =	stream.linear.scatter [tilespmem:s7], [sflag:$0x2], $0x1F400, $0x38;
	[tilespmem:$0x1F800] =	vst v63  }
0x4d: {  	_ =	swait.ge [sflag:s3], $0x1F400  }
0x4e: {  	[sflag:s3] =	ssyncset.done $0x0  }
0x4f: {  	[sflag:s3] =	ssyncadd.s32 $0xFFFE0C00  }
0x50: {  	[tilespmem:s2], [sflag:$0x2] =	stream.linear.gather [hbm4b:s12+s2], $0x3E8, $0x38;
	[tilespmem:$0x1F800] =	vst v63  }
0x51: {  	_ =	swait.ge [sflag:s3], $0x3E8  }
0x52: {  	[sflag:s3] =	ssyncset.done $0x0  }
0x53: {  	[sflag:s3] =	ssyncadd.s32 $0xFFFFFC18  }
0x54: {  	[tilespmem:s7], [sflag:$0x1] =	stream.indirect.gather [hbm4b:s5+s6], $0x80, s2, s6, $0xb8;
	[tilespmem:$0x1F800] =	vst v63  }
0x55: {  	_ =	swait.ge [sflag:s8], $0x1F400  }
0x56: {  	[sflag:s8] =	ssyncset.done $0x0  }
0x57: {  	[sflag:s8] =	ssyncadd.s32 $0xFFFE0C00  }
0x58: {  	[hbm4b:s13+s2] =	stream.linear.scatter [tilespmem:s7], [sflag:$0x2], $0x1F400, $0x38;
	[tilespmem:$0x1F800] =	vst v63  }
0x59: {  	_ =	swait.ge [sflag:s3], $0x1F400  }
0x5a: {  	[sflag:s3] =	ssyncset.done $0x0  }
0x5b: {  	[sflag:s3] =	ssyncadd.s32 $0xFFFE0C00  }
0x5c: {  	[tilespmem:s2], [sflag:$0x2] =	stream.linear.gather [hbm4b:s14+s2], $0x3E8, $0x38;
	[tilespmem:$0x1F800] =	vst v63  }
0x5d: {  	_ =	swait.ge [sflag:s3], $0x3E8  }
0x5e: {  	[sflag:s3] =	ssyncset.done $0x0  }
0x5f: {  	[sflag:s3] =	ssyncadd.s32 $0xFFFFFC18  }
0x60: {  	[tilespmem:s7], [sflag:$0x1] =	stream.indirect.gather [hbm4b:s5+s6], $0x80, s2, s6, $0xb8;
	[tilespmem:$0x1F800] =	vst v63  }
0x61: {  	_ =	swait.ge [sflag:s8], $0x1F400  }
.Ltmp1:
0x62: {  	[sflag:s8] =	ssyncset.done $0x0;
	(pc) =	sbr.rel @p0 .LBB2_1-.Ltmp1, $4  }
0x63: {  	[sflag:s8] =	ssyncadd.s32 $0xFFFE0C00  }
0x64: {  	[hbm4b:s15+s2] =	stream.linear.scatter [tilespmem:s7], [sflag:$0x2], $0x1F400, $0x38;
	[tilespmem:$0x1F800] =	vst v63  }
0x65: {  	_ =	swait.ge [sflag:s3], $0x1F400  }
0x66: {  	[sflag:s3] =	ssyncset.done $0x0  }
.LBB2_2:
0x67: {  	[sflag:s3] =	ssyncadd.s32 $0xFFFE0C00  }
0x68: {  	_ =	sfence.sel $0x180000  }
0x69: {  	[bflag:$0x0] =	sbarrier.arrive $0xFFFF  }
0x6a: {  	p0 =	sne.s32 s0, $0x0;
	_ =	strace $0x9000004D  }
0x6b: {  	s0 =	sadd.s32 @!p0 $0x100000, s1;
	[bflag:$0x2] =	sbarrier.arrive $0xFFFF  }
0x6c: {  	[sflag:s0] =	ssyncadd.tile.s32 @!p0 $0x1;
	_ =	shalt  }
.Lfunc_end2:
_tile_overlayer_lowered:
.L_overlay_start_2:
0x6d: {  	(tag) =	ssettag $0x2  }
0x6e: {  	s0 =	rddreg [dreg:$0x0];
	s2 =	stileid.u32  }
0x6f: {  	s1 =	rddreg [dreg:$0x1];
	p0 =	sne.s32 s2, $0x0  }
0x70: {  	s3 =	rddreg [dreg:$0x2];
	[bflag:$0x3] =	sbarrier.arrive $0xFFFF;
	s2 =	simm.s32 @!p0 $0x1C02  }
0x71: {  	[timem:s3], [sflag:s2] =	dma.local @!p0 [hbm:s0], s1  }
0x72: {  	s0 =	simm.s32 @!p0 $0x2  }
0x73: {  	_ =	swait.ge @!p0 [sflag:s0], s1  }
0x74: {  	s1 =	ssub.s32 @!p0 $0x0, s1;
	[sflag:s0] =	ssyncset.done @!p0 $0x0  }
0x75: {  	[sflag:s0] =	ssyncadd.s32 @!p0 s1  }
0x76: {  	[bflag:$0x3] =	sbarrier.arrive $0xFFFF  }
0x77: {  	_ =	shalt  }

// kernel: kernel.21.cloned.1.call-start
scs
__scs_entry_jumppad:
0x0: {  	(pc) =	sbr.rel $0x88, $3  }
0x1: {  	(tag) =	ssettag $0x0;
	lr =	simm.s32 $0x1  }
0x2: {  	[smem:$0x3F94] =	sst lr;
	_ =	strace $0xD0000000  }
0x3: {  	_ = 	snop  }
0x4: {  	_ = 	snop  }
0x5: {  	_ = 	snop  }
0x6: {  	_ = 	snop  }
0x7: {  	_ = 	snop  }
__scs_overlays_trampoline_lowered:
0x8: {  	[smem:$0x3FA3] =	sst s0  }
0x9: {  	[smem:$0x3FA4] =	sst s1  }
0xa: {  	[smem:$0x3FA5] =	sst s2  }
0xb: {  	[smem:$0x3FA6] =	sst s3  }
0xc: {  	[smem:$0x3FA7] =	sst s4  }
0xd: {  	[smem:$0x3FA8] =	sst s5  }
0xe: {  	[smem:$0x3FA9] =	sst s6  }
0xf: {  	[smem:$0x3FAA] =	sst s7  }
0x10: {  	[smem:$0x3FAB] =	sst s8  }
0x11: {  	[smem:$0x3FAC] =	sst s9;
	s0 =	simm.s32 @!p0 $0x0  }
0x12: {  	s1 =	sld [smem:$0x3F92];
	s0 =	simm.s32 @p0 $0x1  }
0x13: {  	[smem:$0x3FAD] =	sst s0;
	s0 =	simm.s32 @!p1 $0x0  }
0x14: {  	s2 =	sld [smem:$0x3F91];
	s0 =	simm.s32 @p1 $0x1  }
0x15: {  	[smem:$0x3FAE] =	sst s0;
	s0 =	simm.s32 @!p2 $0x0  }
0x16: {  	s3 =	sld [smem:$0x3FDB];
	s0 =	simm.s32 @p2 $0x1  }
0x17: {  	s4 =	simm.s32 $0x1BF5;
	[smem:$0x3FB0] =	sst s0  }
0x18: {  	s0 =	sld [smem:$0x3F93];
	_ =	swait.ge [sflag:s4], $0x0  }
0x19: {  	s7 =	sld [smem:$0x3F94]  }
0x1a: {  	s8 =	sadd.s32 $0xFFFFE003, lr  }
0x1b: {  	s9 =	sadd.s32 $0xFFFFFEF7, lr;
	s5 =	simm.s32 $0xFFFFFFFF;
	p2 =	slt.u32 s8, $0xFFFFF086  }
0x1c: {  	p1 =	slt.u32 s9, $0xF7A;
	s5 =	simm.s32 @!p2 $0x0  }
0x1d: {  	s5 =	simm.s32 @p1 $0x1;
	p0 =	seq.s32 s7, s2  }
0x1e: {  	s7 =	smul.u32 @!p0 $0xF7A, s2;
	p2 =	seq.s32 @!p0 s5, $0x0  }
0x1f: {  	s9 =	smul.u32 $0xF7A, s1;
	s8 =	simm.s32 @!p0 $0x1BF5;
	p2 =	por !p2, p0  }
0x20: {  	[sflag:s8] =	ssyncset.s32 @!p0 $0xFFFFF086;
	s6 =	sadd.s32 @!p0 s3, s7;
	s7 =	simm.s32 @!p0 $0x108  }
0x21: {  	s3 =	sadd.s32 s3, s9;
	s6 =	sadd.s32 @!p0 $0x88, s6;
	s7 =	simm.s32 @p2 $0x1082  }
0x22: {  	[simem:s7], [sflag:s8] =	dma.local @!p0 [hbm:s6], $0xF7A  }
0x23: {  	s9 =	sor.u32 $0xD0000000, s2;
	s6 =	simm.s32 $0x108;
	_ =	swait.ge @!p0 [sflag:s8], $0x0  }
0x24: {  	s3 =	sadd.s32 $0x88, s3;
	s6 =	simm.s32 @!p1 $0x1082;
	[sflag:s4] =	ssyncset.s32 $0xFFFFF086  }
0x25: {  	[simem:s6], [sflag:s4] =	dma.local [hbm:s3], $0xF7A  }
0x26: {  	[smem:$0x3F94] =	sst s1;
	(tag) =	ssettag s2;
	_ =	strace s9  }
0x27: {  	s1 =	sld [smem:$0x3FA4]  }
0x28: {  	s2 =	sld [smem:$0x3FA5]  }
0x29: {  	s4 =	sld [smem:$0x3FA7]  }
0x2a: {  	p0 =	seq.s32 s5, $0x0;
	s5 =	sld [smem:$0x3FA8]  }
0x2b: {  	s6 =	sld [smem:$0x3FA9]  }
0x2c: {  	s7 =	sld [smem:$0x3FAA]  }
0x2d: {  	s3 =	simm.s32 $0x108;
	s8 =	sld [smem:$0x3FAB]  }
0x2e: {  	s3 =	simm.s32 @!p0 $0x1082;
	s9 =	sld [smem:$0x3FAC]  }
0x2f: {  	lr =	sadd.s32 s0, s3;
	s0 =	sld [smem:$0x3FA3]  }
0x30: {  	s3 =	sld [smem:$0x3FA6]  }
0x31: {  	[smem:$0x3FAF] =	sst s10  }
0x32: {  	s10 =	sld [smem:$0x3FAD];
	_ =	sdelay $0x3  }
0x33: {  	p0 =	seq.s32 s10, $0x1;
	s10 =	sld [smem:$0x3FAF];
	_ =	sdelay $0x3  }
0x34: {  	[smem:$0x3FAF] =	sst s10  }
0x35: {  	s10 =	sld [smem:$0x3FAE];
	_ =	sdelay $0x3  }
0x36: {  	p1 =	seq.s32 s10, $0x1;
	s10 =	sld [smem:$0x3FAF];
	_ =	sdelay $0x3  }
0x37: {  	[smem:$0x3FAF] =	sst s10  }
0x38: {  	s10 =	sld [smem:$0x3FB0]  }
0x39: {  	_ = 	snop;
	(pc) =	sbr.ind lr, $3  }
0x3a: {  	_ = 	snop  }
0x3b: {  	_ = 	snop  }
0x3c: {  	p2 =	seq.s32 s10, $0x1;
	s10 =	sld [smem:$0x3FAF]  }
0x3d: {  	_ =	shalt  }
0x3e: {  	_ =	shalt  }
0x3f: {  	_ =	shalt  }
0x40: {  	_ =	shalt  }
0x41: {  	_ =	shalt  }
0x42: {  	_ =	shalt  }
0x43: {  	_ =	shalt  }
0x44: {  	_ =	shalt  }
0x45: {  	_ =	shalt  }
0x46: {  	_ =	shalt  }
0x47: {  	_ =	shalt  }
0x48: {  	_ =	shalt  }
0x49: {  	_ =	shalt  }
0x4a: {  	_ =	shalt  }
0x4b: {  	_ =	shalt  }
0x4c: {  	_ =	shalt  }
0x4d: {  	_ =	shalt  }
0x4e: {  	_ =	shalt  }
0x4f: {  	_ =	shalt  }
0x50: {  	_ =	shalt  }
0x51: {  	_ =	shalt  }
0x52: {  	_ =	shalt  }
0x53: {  	_ =	shalt  }
0x54: {  	_ =	shalt  }
0x55: {  	_ =	shalt  }
0x56: {  	_ =	shalt  }
0x57: {  	_ =	shalt  }
0x58: {  	_ =	shalt  }
0x59: {  	_ =	shalt  }
0x5a: {  	_ =	shalt  }
0x5b: {  	_ =	shalt  }
0x5c: {  	_ =	shalt  }
0x5d: {  	_ =	shalt  }
0x5e: {  	_ =	shalt  }
0x5f: {  	_ =	shalt  }
0x60: {  	_ =	shalt  }
0x61: {  	_ =	shalt  }
0x62: {  	_ =	shalt  }
0x63: {  	_ =	shalt  }
0x64: {  	_ =	shalt  }
0x65: {  	_ =	shalt  }
0x66: {  	_ =	shalt  }
0x67: {  	_ =	shalt  }
0x68: {  	_ =	shalt  }
0x69: {  	_ =	shalt  }
0x6a: {  	_ =	shalt  }
0x6b: {  	_ =	shalt  }
0x6c: {  	_ =	shalt  }
0x6d: {  	_ =	shalt  }
0x6e: {  	_ =	shalt  }
0x6f: {  	_ =	shalt  }
0x70: {  	_ =	shalt  }
0x71: {  	_ =	shalt  }
0x72: {  	_ =	shalt  }
0x73: {  	_ =	shalt  }
0x74: {  	_ =	shalt  }
0x75: {  	_ =	shalt  }
0x76: {  	_ =	shalt  }
0x77: {  	_ =	shalt  }
0x78: {  	_ =	shalt  }
0x79: {  	_ =	shalt  }
0x7a: {  	_ =	shalt  }
0x7b: {  	_ =	shalt  }
0x7c: {  	_ =	shalt  }
0x7d: {  	_ =	shalt  }
0x7e: {  	_ =	shalt  }
0x7f: {  	_ =	shalt  }
0x80: {  	_ =	shalt  }
0x81: {  	_ =	shalt  }
0x82: {  	_ =	shalt  }
0x83: {  	_ =	shalt  }
0x84: {  	_ =	shalt  }
0x85: {  	_ =	shalt  }
0x86: {  	_ =	shalt  }
0x87: {  	_ =	shalt  }
.Lfunc_end0:
.L_simem_size_0:
called_computation.3_lowered:
.L_overlay_start_0:
0x88: {  	s2 =	sld [smem:$0x3FD9]  }
0x89: {  	s3 =	sld [smem:$0x3FFE];
	_ =	sdelay $0x1  }
0x8a: {  	s1 =	srdreg.scid  }
0x8b: {  	s0 =	sand.u32 $0x1, s1  }
0x8c: {  	s17 =	sshll.u32 s0, $0xA;
	s2 =	sadd.s32 s3, s2  }
0x8d: {  	s2 =	sadd.s32 s2, s17  }
0x8e: {  	[smem:$0x3FBB] =	sst s2  }
0x8f: {  	_ = 	snop  }
0x90: {  	(tm) =	ssettm $0x1  }
0x91: {  	s18 =	sld [smem:$0x3FFB];
	_ =	sdelay $0x3  }
0x92: {  	_ =	strace s18  }
0x93: {  	s2 =	sld [smem:$0x3FFC];
	_ =	sdelay $0x3  }
0x94: {  	_ =	strace s2  }
0x95: {  	s2 =	sld [smem:$0x3FFD];
	_ =	sdelay $0x3  }
0x96: {  	_ =	strace s2  }
0x97: {  	_ =	strace $0x8FFFFFFF  }
0x98: {  	s19 =	sld [smem:$0x3FDB];
	_ =	sdelay $0x1  }
0x99: {  	s20 =	simm.s32 $_scs_section_size  }
0x9a: {  	s4 =	simm.s32 $_size__tile_overlayer_lowered;
	s5 =	simm.s32 $_tile_overlayer_lowered  }
0x9b: {  	s6 =	simm.s32 $0x1BFF;
	s21 =	sshll.u32 s5, $0x1;
	s3 =	sadd.s32 s20, s19  }
0x9c: {  	s22 =	simm.s32 $0x0;
	s4 =	sshll.u32 s4, $0x1;
	s5 =	sadd.s32 s21, s3  }
0x9d: {  	[timem:s22], [sflag:s6] =	dma.local [hbm:s5], s4  }
0x9e: {  	_ =	swait.ge [sflag:s6], s4  }
0x9f: {  	s4 =	ssub.s32 $0x0, s4;
	[sflag:s6] =	ssyncset.done $0x0  }
0xa0: {  	[sflag:s6] =	ssyncadd.s32 s4;
	_ =	sdelay $0x1  }
0xa1: {  	s23 =	simm.s32 $0x1B8B  }
0xa2: {  	_ =	swait.ge [sflag:s23], $0x1  }
0xa3: {  	[sflag:s23] =	ssyncset.done $0x0  }
0xa4: {  	[sflag:s23] =	ssyncadd.s32 $0xFFFFFFFF  }
0xa5: {  	s4 =	sld [smem:$0x0]  }
0xa6: {  	s5 =	sand.u32 $0xFFFFFFFE, s1  }
0xa7: {  	p0 =	sne.s32 s1, s5  }
0xa8: {  	s5 =	sshll.u32 @p0 s5, $0xE  }
0xa9: {  	s5 =	sadd.s32 @p0 $0x11B8D, s5;
	s6 =	sshll.u32 @p0 s4, $0x11  }
0xaa: {  	s5 =	sor.u32 @p0 s6, s5  }
0xab: {  	[sflag:s5] =	ssyncadd.remote.s32 @p0 $0x1;
	_ =	sdelay $0x1  }
0xac: {  	s5 =	simm.s32 @p0 $0x1B8D  }
0xad: {  	_ =	swait.eq @p0 [sflag:s5], $0x1  }
0xae: {  	[sflag:s5] =	ssyncadd.s32 @p0 $0xFFFFFFFF  }
0xaf: {  	s6 =	sshll.u32 @!p0 s1, $0xE  }
0xb0: {  	s6 =	sor.u32 @!p0 $0x4000, s6;
	s5 =	simm.s32 @!p0 $0x1B8D  }
0xb1: {  	s4 =	sshll.u32 @!p0 s4, $0x11;
	s6 =	sadd.s32 @!p0 $0x11B8D, s6;
	_ =	swait.eq @!p0 [sflag:s5], $0x1  }
0xb2: {  	s4 =	sor.u32 @!p0 s4, s6;
	[sflag:s5] =	ssyncadd.s32 @!p0 $0xFFFFFFFF  }
0xb3: {  	s25 =	simm.s32 $0x1B8E;
	s24 =	sld [smem:$0x3FFE];
	[sflag:s4] =	ssyncadd.remote.s32 @!p0 $0x1  }
0xb4: {  	s26 =	simm.s32 $execute0_lowered;
	[smem:$0x3FD2] =	sst s25  }
0xb5: {  	s5 =	sshll.u32 s26, $0x1;
	_ =	strace $0x8000004F;
	[dreg:$0x1] =	wrdreg $0xFFFFFFFF  }
0xb6: {  	s28 =	simm.s32 $_size_execute0_lowered;
	s3 =	sadd.s32 s3, s5;
	[dreg:$0x0] =	wrdreg $0x0  }
0xb7: {  	s5 =	sshll.u32 s28, $0x1;
	[dreg:$0x2] =	wrdreg s3  }
0xb8: {  	[dreg:$0x3] =	wrdreg s5  }
0xb9: {  	[dreg:$0x4] =	wrdreg $0xC0  }
0xba: {  	_ =	task [dreg:s22], $0x5FFFF  }
0xbb: {  	[dreg:$0x1] =	wrdreg $0xFFFFFFFF  }
0xbc: {  	[dreg:$0x0] =	wrdreg $0x60  }
0xbd: {  	[dreg:$0x2] =	wrdreg s24  }
0xbe: {  	[dreg:$0x3] =	wrdreg $0xC  }
0xbf: {  	_ =	task.clear_ibuf [dreg:s22], $0x4FFFF;
	_ =	strace $0x9000004F  }
0xc0: {  	s29 =	simm.s32 $0xC;
	_ =	strace $0x80000051  }
0xc1: {  	_ =	swait.ge [sflag:s29], $0x1  }
0xc2: {  	[sflag:s29] =	ssyncadd.s32 $0xFFFFFFFF  }
0xc3: {  	_ =	strace $0x90000051  }
0xc4: {  	_ =	sfence  }
0xc5: {  	s30 =	sld [smem:$0x0];
	_ =	sdelay $0x2  }
0xc6: {  	s31 =	sshll.u32 s1, $0xD;
	s1 =	sshrl.u32 s1, $0x2  }
0xc7: {  	s4 =	sand.u32 $0x4000, s31;
	s1 =	sadd.s32 s1, s30  }
0xc8: {  	s0 =	sor.u32 s4, s0;
	s1 =	sshll.u32 s1, $0x11  }
0xc9: {  	s0 =	sor.u32 s1, s0  }
0xca: {  	s0 =	sadd.s32 $0x8F2B, s0  }
0xcb: {  	[sflag:s0] =	ssyncadd.remote.s32 $0x1  }
0xcc: {  	_ =	sfence.sel $0xFFFF  }
0xcd: {  	[dreg:$0x0] =	wrdreg $0xFFFFFFFF;
	(pc) =	sbr.abs _section_cstart, $3  }
0xce: {  	[dreg:$0x1] =	wrdreg $0xFFFFFFFF  }
0xcf: {  	_ =	task.clear_ibuf [dreg:s22], $0x2FFFF;
	_ =	strace $0x9FFFFFFF  }
0xd0: {  	(tm) =	ssettm $0x7FFFFFFF  }
0xd1: {  	_ =	shalt  }
tec
execute0_lowered:
.L_overlay_start_1:
0x0: {  	(tag) =	ssettag $0x1  }
0x1: {  	s4 =	rddreg [dreg:$0x0]  }
0x2: {  	s0 =	rddreg [dreg:$0x1]  }
0x3: {  	s3 =	srdreg.scid;
	s1 =	stileid.u32;
	s2 =	simm.s32 $0x0  }
0x4: {  	s10 =	simm.s32 $0x1;
	s11 =	simm.s32 $0x0;
	s6 =	smul.u32 $0x3E80, s1  }
0x5: {  	s5 =	sand.u32 $0x1, s3;
	[smem:$0x7FF] =	sst s2;
	s8 =	smul.u32 $0x3E800, s1  }
0x6: {  	s3 =	sadd.s32 $0xC8600, s4;
	s7 =	smul.u32 $0x1F40, s5;
	s9 =	ssub.s32 $0x2, s5  }
0x7: {  	_ =	strace $0x80000050;
	s5 =	smul.u32 $0x1F400, s5;
	s31 =	sshrl.u32 s9, $0x1  }
0x8: {  	s30 =	sadd.s32 s8, s4;
	s6 =	sadd.s32 s7, s6;
	s8 =	ssub.s32 s9, s31  }
0x9: {  	s5 =	sadd.s32 s5, s30;
	s7 =	simm.s32 $0x2;
	s6 =	sshrl.u32 s6, $0x3  }
0xa: {  	s9 =	simm.s32 $0x400;
	s5 =	sadd.s32 $0x479C00, s5;
	s6 =	sadd.s32 s6, s4  }
0xb: {  	s4 =	smax.u32 s8, $0x1;
	s8 =	simm.s32 $0x3E8;
	s6 =	sadd.s32 $0x84000, s6  }
.LBB2_1:
0xc: {  	s12 =	sadd.s32 $0x0, s6  }
0xd: {  	[tilespmem:s2], [sflag:$0x2] =	stream.linear.gather [hbm4b:s12+s2], $0x3E8, $0x38;
	[tilespmem:$0x1F800] =	vst v63  }
0xe: {  	_ =	swait.ge [sflag:s7], $0x3E8  }
0xf: {  	[sflag:s7] =	ssyncset.done $0x0  }
0x10: {  	[sflag:s7] =	ssyncadd.s32 $0xFFFFFC18  }
0x11: {  	[tilespmem:s9], [sflag:$0x1] =	stream.indirect.gather [hbm4b:s3+s8], $0x80, s2, s8, $0xb8;
	[tilespmem:$0x1F800] =	vst v63  }
0x12: {  	_ =	swait.ge [sflag:s10], $0x1F400  }
0x13: {  	[sflag:s10] =	ssyncset.done $0x0  }
0x14: {  	[sflag:s10] =	ssyncadd.s32 $0xFFFE0C00  }
0x15: {  	[hbm4b:s5+s2] =	stream.linear.scatter [tilespmem:s9], [sflag:$0x2], $0x1F400, $0x38;
	[tilespmem:$0x1F800] =	vst v63  }
0x16: {  	s13 =	simm.s32 $0x7D;
	_ =	swait.ge [sflag:s7], $0x1F400  }
0x17: {  	s14 =	simm.s32 $0xFA;
	s12 =	sadd.s32 $0x3E80, s5;
	[sflag:s7] =	ssyncset.done $0x0  }
.LBB2_2:
0x18: {  	s15 =	sadd.s32 s13, s6  }
0x19: {  	[sflag:s7] =	ssyncadd.s32 $0xFFFE0C00;
	s13 =	smov.u32 s14;
	s16 =	sadd.s32 $0x7D, s14  }
0x1a: {  	[tilespmem:s2], [sflag:$0x2] =	stream.linear.gather [hbm4b:s15+s2], $0x3E8, $0x38;
	[tilespmem:$0x1F800] =	vst v63  }
0x1b: {  	p0 =	sne.s32 s14, $0x36B;
	_ =	swait.ge [sflag:s7], $0x3E8  }
0x1c: {  	[sflag:s7] =	ssyncset.done $0x0  }
0x1d: {  	[sflag:s7] =	ssyncadd.s32 $0xFFFFFC18  }
0x1e: {  	[tilespmem:s9], [sflag:$0x1] =	stream.indirect.gather [hbm4b:s3+s8], $0x80, s2, s8, $0xb8;
	[tilespmem:$0x1F800] =	vst v63  }
0x1f: {  	_ =	swait.ge [sflag:s10], $0x1F400  }
.Ltmp0:
0x20: {  	[sflag:s10] =	ssyncset.done $0x0;
	(pc) =	sbr.rel @p0 .LBB2_2-.Ltmp0, $4  }
0x21: {  	[sflag:s10] =	ssyncadd.s32 $0xFFFE0C00  }
0x22: {  	[hbm4b:s12+s2] =	stream.linear.scatter [tilespmem:s9], [sflag:$0x2], $0x1F400, $0x38;
	[tilespmem:$0x1F800] =	vst v63  }
0x23: {  	_ =	swait.ge [sflag:s7], $0x1F400  }
0x24: {  	s14 =	smov.u32 s16;
	s12 =	sadd.s32 $0x3E80, s12;
	[sflag:s7] =	ssyncset.done $0x0  }
0x25: {  	s13 =	sadd.s32 s13, s6;
	[sflag:s7] =	ssyncadd.s32 $0xFFFE0C00  }
0x26: {  	[tilespmem:s2], [sflag:$0x2] =	stream.linear.gather [hbm4b:s13+s2], $0x3E8, $0x38;
	[tilespmem:$0x1F800] =	vst v63  }
0x27: {  	_ =	swait.ge [sflag:s7], $0x3E8  }
0x28: {  	[sflag:s7] =	ssyncset.done $0x0  }
0x29: {  	[sflag:s7] =	ssyncadd.s32 $0xFFFFFC18  }
0x2a: {  	[tilespmem:s9], [sflag:$0x1] =	stream.indirect.gather [hbm4b:s3+s8], $0x80, s2, s8, $0xb8;
	[tilespmem:$0x1F800] =	vst v63  }
0x2b: {  	s11 =	sadd.s32 $0x1, s11;
	_ =	swait.ge [sflag:s10], $0x1F400  }
0x2c: {  	p0 =	sne.s32 s11, s4;
	[sflag:s10] =	ssyncset.done $0x0  }
.Ltmp1:
0x2d: {  	[sflag:s10] =	ssyncadd.s32 $0xFFFE0C00;
	(pc) =	sbr.rel @p0 .LBB2_1-.Ltmp1, $4  }
0x2e: {  	[hbm4b:s12+s2] =	stream.linear.scatter [tilespmem:s9], [sflag:$0x2], $0x1F400, $0x38;
	[tilespmem:$0x1F800] =	vst v63  }
0x2f: {  	_ =	swait.ge [sflag:s7], $0x1F400  }
0x30: {  	[sflag:s7] =	ssyncset.done $0x0  }
0x31: {  	[sflag:s7] =	ssyncadd.s32 $0xFFFE0C00  }
0x32: {  	_ =	sfence.sel $0x180000  }
0x33: {  	[bflag:$0x0] =	sbarrier.arrive $0xFFFF  }
0x34: {  	p0 =	sne.s32 s1, $0x0;
	_ =	strace $0x90000050  }
0x35: {  	s0 =	sadd.s32 @!p0 $0x100000, s0;
	[bflag:$0x2] =	sbarrier.arrive $0xFFFF  }
0x36: {  	[sflag:s0] =	ssyncadd.tile.s32 @!p0 $0x1;
	_ =	shalt  }
.Lfunc_end2:
_tile_overlayer_lowered:
.L_overlay_start_2:
0x37: {  	(tag) =	ssettag $0x2  }
0x38: {  	s0 =	rddreg [dreg:$0x0];
	s2 =	stileid.u32  }
0x39: {  	s1 =	rddreg [dreg:$0x1];
	p0 =	sne.s32 s2, $0x0  }
0x3a: {  	s3 =	rddreg [dreg:$0x2];
	[bflag:$0x3] =	sbarrier.arrive $0xFFFF;
	s2 =	simm.s32 @!p0 $0x1C02  }
0x3b: {  	[timem:s3], [sflag:s2] =	dma.local @!p0 [hbm:s0], s1  }
0x3c: {  	s0 =	simm.s32 @!p0 $0x2  }
0x3d: {  	_ =	swait.ge @!p0 [sflag:s0], s1  }
0x3e: {  	s1 =	ssub.s32 @!p0 $0x0, s1;
	[sflag:s0] =	ssyncset.done @!p0 $0x0  }
0x3f: {  	[sflag:s0] =	ssyncadd.s32 @!p0 s1  }
0x40: {  	[bflag:$0x3] =	sbarrier.arrive $0xFFFF  }
0x41: {  	_ =	shalt  }

// kernel: kernel.24.cloned.1.call-start
scs
__scs_entry_jumppad:
0x0: {  	(pc) =	sbr.rel $0x88, $3  }
0x1: {  	(tag) =	ssettag $0x0;
	lr =	simm.s32 $0x1  }
0x2: {  	[smem:$0x3F94] =	sst lr;
	_ =	strace $0xD0000000  }
0x3: {  	_ = 	snop  }
0x4: {  	_ = 	snop  }
0x5: {  	_ = 	snop  }
0x6: {  	_ = 	snop  }
0x7: {  	_ = 	snop  }
__scs_overlays_trampoline_lowered:
0x8: {  	[smem:$0x3FA3] =	sst s0  }
0x9: {  	[smem:$0x3FA4] =	sst s1  }
0xa: {  	[smem:$0x3FA5] =	sst s2  }
0xb: {  	[smem:$0x3FA6] =	sst s3  }
0xc: {  	[smem:$0x3FA7] =	sst s4  }
0xd: {  	[smem:$0x3FA8] =	sst s5  }
0xe: {  	[smem:$0x3FA9] =	sst s6  }
0xf: {  	[smem:$0x3FAA] =	sst s7  }
0x10: {  	[smem:$0x3FAB] =	sst s8  }
0x11: {  	[smem:$0x3FAC] =	sst s9;
	s0 =	simm.s32 @!p0 $0x0  }
0x12: {  	s1 =	sld [smem:$0x3F92];
	s0 =	simm.s32 @p0 $0x1  }
0x13: {  	[smem:$0x3FAD] =	sst s0;
	s0 =	simm.s32 @!p1 $0x0  }
0x14: {  	s2 =	sld [smem:$0x3F91];
	s0 =	simm.s32 @p1 $0x1  }
0x15: {  	[smem:$0x3FAE] =	sst s0;
	s0 =	simm.s32 @!p2 $0x0  }
0x16: {  	s3 =	sld [smem:$0x3FDB];
	s0 =	simm.s32 @p2 $0x1  }
0x17: {  	s4 =	simm.s32 $0x1BF5;
	[smem:$0x3FB0] =	sst s0  }
0x18: {  	s0 =	sld [smem:$0x3F93];
	_ =	swait.ge [sflag:s4], $0x0  }
0x19: {  	s7 =	sld [smem:$0x3F94]  }
0x1a: {  	s8 =	sadd.s32 $0xFFFFE003, lr  }
0x1b: {  	s9 =	sadd.s32 $0xFFFFFEF7, lr;
	s5 =	simm.s32 $0xFFFFFFFF;
	p2 =	slt.u32 s8, $0xFFFFF086  }
0x1c: {  	p1 =	slt.u32 s9, $0xF7A;
	s5 =	simm.s32 @!p2 $0x0  }
0x1d: {  	s5 =	simm.s32 @p1 $0x1;
	p0 =	seq.s32 s7, s2  }
0x1e: {  	s7 =	smul.u32 @!p0 $0xF7A, s2;
	p2 =	seq.s32 @!p0 s5, $0x0  }
0x1f: {  	s9 =	smul.u32 $0xF7A, s1;
	s8 =	simm.s32 @!p0 $0x1BF5;
	p2 =	por !p2, p0  }
0x20: {  	[sflag:s8] =	ssyncset.s32 @!p0 $0xFFFFF086;
	s6 =	sadd.s32 @!p0 s3, s7;
	s7 =	simm.s32 @!p0 $0x108  }
0x21: {  	s3 =	sadd.s32 s3, s9;
	s6 =	sadd.s32 @!p0 $0x88, s6;
	s7 =	simm.s32 @p2 $0x1082  }
0x22: {  	[simem:s7], [sflag:s8] =	dma.local @!p0 [hbm:s6], $0xF7A  }
0x23: {  	s9 =	sor.u32 $0xD0000000, s2;
	s6 =	simm.s32 $0x108;
	_ =	swait.ge @!p0 [sflag:s8], $0x0  }
0x24: {  	s3 =	sadd.s32 $0x88, s3;
	s6 =	simm.s32 @!p1 $0x1082;
	[sflag:s4] =	ssyncset.s32 $0xFFFFF086  }
0x25: {  	[simem:s6], [sflag:s4] =	dma.local [hbm:s3], $0xF7A  }
0x26: {  	[smem:$0x3F94] =	sst s1;
	(tag) =	ssettag s2;
	_ =	strace s9  }
0x27: {  	s1 =	sld [smem:$0x3FA4]  }
0x28: {  	s2 =	sld [smem:$0x3FA5]  }
0x29: {  	s4 =	sld [smem:$0x3FA7]  }
0x2a: {  	p0 =	seq.s32 s5, $0x0;
	s5 =	sld [smem:$0x3FA8]  }
0x2b: {  	s6 =	sld [smem:$0x3FA9]  }
0x2c: {  	s7 =	sld [smem:$0x3FAA]  }
0x2d: {  	s3 =	simm.s32 $0x108;
	s8 =	sld [smem:$0x3FAB]  }
0x2e: {  	s3 =	simm.s32 @!p0 $0x1082;
	s9 =	sld [smem:$0x3FAC]  }
0x2f: {  	lr =	sadd.s32 s0, s3;
	s0 =	sld [smem:$0x3FA3]  }
0x30: {  	s3 =	sld [smem:$0x3FA6]  }
0x31: {  	[smem:$0x3FAF] =	sst s10  }
0x32: {  	s10 =	sld [smem:$0x3FAD];
	_ =	sdelay $0x3  }
0x33: {  	p0 =	seq.s32 s10, $0x1;
	s10 =	sld [smem:$0x3FAF];
	_ =	sdelay $0x3  }
0x34: {  	[smem:$0x3FAF] =	sst s10  }
0x35: {  	s10 =	sld [smem:$0x3FAE];
	_ =	sdelay $0x3  }
0x36: {  	p1 =	seq.s32 s10, $0x1;
	s10 =	sld [smem:$0x3FAF];
	_ =	sdelay $0x3  }
0x37: {  	[smem:$0x3FAF] =	sst s10  }
0x38: {  	s10 =	sld [smem:$0x3FB0]  }
0x39: {  	_ = 	snop;
	(pc) =	sbr.ind lr, $3  }
0x3a: {  	_ = 	snop  }
0x3b: {  	_ = 	snop  }
0x3c: {  	p2 =	seq.s32 s10, $0x1;
	s10 =	sld [smem:$0x3FAF]  }
0x3d: {  	_ =	shalt  }
0x3e: {  	_ =	shalt  }
0x3f: {  	_ =	shalt  }
0x40: {  	_ =	shalt  }
0x41: {  	_ =	shalt  }
0x42: {  	_ =	shalt  }
0x43: {  	_ =	shalt  }
0x44: {  	_ =	shalt  }
0x45: {  	_ =	shalt  }
0x46: {  	_ =	shalt  }
0x47: {  	_ =	shalt  }
0x48: {  	_ =	shalt  }
0x49: {  	_ =	shalt  }
0x4a: {  	_ =	shalt  }
0x4b: {  	_ =	shalt  }
0x4c: {  	_ =	shalt  }
0x4d: {  	_ =	shalt  }
0x4e: {  	_ =	shalt  }
0x4f: {  	_ =	shalt  }
0x50: {  	_ =	shalt  }
0x51: {  	_ =	shalt  }
0x52: {  	_ =	shalt  }
0x53: {  	_ =	shalt  }
0x54: {  	_ =	shalt  }
0x55: {  	_ =	shalt  }
0x56: {  	_ =	shalt  }
0x57: {  	_ =	shalt  }
0x58: {  	_ =	shalt  }
0x59: {  	_ =	shalt  }
0x5a: {  	_ =	shalt  }
0x5b: {  	_ =	shalt  }
0x5c: {  	_ =	shalt  }
0x5d: {  	_ =	shalt  }
0x5e: {  	_ =	shalt  }
0x5f: {  	_ =	shalt  }
0x60: {  	_ =	shalt  }
0x61: {  	_ =	shalt  }
0x62: {  	_ =	shalt  }
0x63: {  	_ =	shalt  }
0x64: {  	_ =	shalt  }
0x65: {  	_ =	shalt  }
0x66: {  	_ =	shalt  }
0x67: {  	_ =	shalt  }
0x68: {  	_ =	shalt  }
0x69: {  	_ =	shalt  }
0x6a: {  	_ =	shalt  }
0x6b: {  	_ =	shalt  }
0x6c: {  	_ =	shalt  }
0x6d: {  	_ =	shalt  }
0x6e: {  	_ =	shalt  }
0x6f: {  	_ =	shalt  }
0x70: {  	_ =	shalt  }
0x71: {  	_ =	shalt  }
0x72: {  	_ =	shalt  }
0x73: {  	_ =	shalt  }
0x74: {  	_ =	shalt  }
0x75: {  	_ =	shalt  }
0x76: {  	_ =	shalt  }
0x77: {  	_ =	shalt  }
0x78: {  	_ =	shalt  }
0x79: {  	_ =	shalt  }
0x7a: {  	_ =	shalt  }
0x7b: {  	_ =	shalt  }
0x7c: {  	_ =	shalt  }
0x7d: {  	_ =	shalt  }
0x7e: {  	_ =	shalt  }
0x7f: {  	_ =	shalt  }
0x80: {  	_ =	shalt  }
0x81: {  	_ =	shalt  }
0x82: {  	_ =	shalt  }
0x83: {  	_ =	shalt  }
0x84: {  	_ =	shalt  }
0x85: {  	_ =	shalt  }
0x86: {  	_ =	shalt  }
0x87: {  	_ =	shalt  }
.Lfunc_end0:
.L_simem_size_0:
called_computation.4_lowered:
.L_overlay_start_0:
0x88: {  	s2 =	sld [smem:$0x3FD9]  }
0x89: {  	s3 =	sld [smem:$0x3FFE];
	_ =	sdelay $0x1  }
0x8a: {  	s1 =	srdreg.scid  }
0x8b: {  	s0 =	sand.u32 $0x1, s1  }
0x8c: {  	s17 =	sshll.u32 s0, $0xA;
	s2 =	sadd.s32 s3, s2  }
0x8d: {  	s2 =	sadd.s32 s2, s17  }
0x8e: {  	[smem:$0x3FBB] =	sst s2  }
0x8f: {  	_ = 	snop  }
0x90: {  	(tm) =	ssettm $0x1  }
0x91: {  	s18 =	sld [smem:$0x3FFB];
	_ =	sdelay $0x3  }
0x92: {  	_ =	strace s18  }
0x93: {  	s2 =	sld [smem:$0x3FFC];
	_ =	sdelay $0x3  }
0x94: {  	_ =	strace s2  }
0x95: {  	s2 =	sld [smem:$0x3FFD];
	_ =	sdelay $0x3  }
0x96: {  	_ =	strace s2  }
0x97: {  	_ =	strace $0x8FFFFFFF  }
0x98: {  	s19 =	sld [smem:$0x3FDB];
	_ =	sdelay $0x1  }
0x99: {  	s20 =	simm.s32 $_scs_section_size  }
0x9a: {  	s4 =	simm.s32 $_size__tile_overlayer_lowered;
	s5 =	simm.s32 $_tile_overlayer_lowered  }
0x9b: {  	s6 =	simm.s32 $0x1BFF;
	s21 =	sshll.u32 s5, $0x1;
	s3 =	sadd.s32 s20, s19  }
0x9c: {  	s22 =	simm.s32 $0x0;
	s4 =	sshll.u32 s4, $0x1;
	s5 =	sadd.s32 s21, s3  }
0x9d: {  	[timem:s22], [sflag:s6] =	dma.local [hbm:s5], s4  }
0x9e: {  	_ =	swait.ge [sflag:s6], s4  }
0x9f: {  	s4 =	ssub.s32 $0x0, s4;
	[sflag:s6] =	ssyncset.done $0x0  }
0xa0: {  	[sflag:s6] =	ssyncadd.s32 s4;
	_ =	sdelay $0x1  }
0xa1: {  	s23 =	simm.s32 $0x1B8B  }
0xa2: {  	_ =	swait.ge [sflag:s23], $0x1  }
0xa3: {  	[sflag:s23] =	ssyncset.done $0x0  }
0xa4: {  	[sflag:s23] =	ssyncadd.s32 $0xFFFFFFFF  }
0xa5: {  	s4 =	sld [smem:$0x0]  }
0xa6: {  	s5 =	sand.u32 $0xFFFFFFFE, s1  }
0xa7: {  	p0 =	sne.s32 s1, s5  }
0xa8: {  	s5 =	sshll.u32 @p0 s5, $0xE  }
0xa9: {  	s5 =	sadd.s32 @p0 $0x11B8D, s5;
	s6 =	sshll.u32 @p0 s4, $0x11  }
0xaa: {  	s5 =	sor.u32 @p0 s6, s5  }
0xab: {  	[sflag:s5] =	ssyncadd.remote.s32 @p0 $0x1;
	_ =	sdelay $0x1  }
0xac: {  	s5 =	simm.s32 @p0 $0x1B8D  }
0xad: {  	_ =	swait.eq @p0 [sflag:s5], $0x1  }
0xae: {  	[sflag:s5] =	ssyncadd.s32 @p0 $0xFFFFFFFF  }
0xaf: {  	s6 =	sshll.u32 @!p0 s1, $0xE  }
0xb0: {  	s6 =	sor.u32 @!p0 $0x4000, s6;
	s5 =	simm.s32 @!p0 $0x1B8D  }
0xb1: {  	s4 =	sshll.u32 @!p0 s4, $0x11;
	s6 =	sadd.s32 @!p0 $0x11B8D, s6;
	_ =	swait.eq @!p0 [sflag:s5], $0x1  }
0xb2: {  	s4 =	sor.u32 @!p0 s4, s6;
	[sflag:s5] =	ssyncadd.s32 @!p0 $0xFFFFFFFF  }
0xb3: {  	s25 =	simm.s32 $0x1B8E;
	s24 =	sld [smem:$0x3FFE];
	[sflag:s4] =	ssyncadd.remote.s32 @!p0 $0x1  }
0xb4: {  	s26 =	simm.s32 $execute0_lowered;
	[smem:$0x3FD2] =	sst s25  }
0xb5: {  	s5 =	sshll.u32 s26, $0x1;
	_ =	strace $0x80000052;
	[dreg:$0x1] =	wrdreg $0xFFFFFFFF  }
0xb6: {  	s28 =	simm.s32 $_size_execute0_lowered;
	s3 =	sadd.s32 s3, s5;
	[dreg:$0x0] =	wrdreg $0x0  }
0xb7: {  	s5 =	sshll.u32 s28, $0x1;
	[dreg:$0x2] =	wrdreg s3  }
0xb8: {  	[dreg:$0x3] =	wrdreg s5  }
0xb9: {  	[dreg:$0x4] =	wrdreg $0xC0  }
0xba: {  	_ =	task [dreg:s22], $0x5FFFF  }
0xbb: {  	[dreg:$0x1] =	wrdreg $0xFFFFFFFF  }
0xbc: {  	[dreg:$0x0] =	wrdreg $0x60  }
0xbd: {  	[dreg:$0x2] =	wrdreg s24  }
0xbe: {  	[dreg:$0x3] =	wrdreg $0xD  }
0xbf: {  	_ =	task.clear_ibuf [dreg:s22], $0x4FFFF;
	_ =	strace $0x90000052  }
0xc0: {  	s29 =	simm.s32 $0xD;
	_ =	strace $0x80000054  }
0xc1: {  	_ =	swait.ge [sflag:s29], $0x1  }
0xc2: {  	[sflag:s29] =	ssyncadd.s32 $0xFFFFFFFF  }
0xc3: {  	_ =	strace $0x90000054  }
0xc4: {  	_ =	sfence  }
0xc5: {  	s30 =	sld [smem:$0x0];
	_ =	sdelay $0x2  }
0xc6: {  	s31 =	sshll.u32 s1, $0xD;
	s1 =	sshrl.u32 s1, $0x2  }
0xc7: {  	s4 =	sand.u32 $0x4000, s31;
	s1 =	sadd.s32 s1, s30  }
0xc8: {  	s0 =	sor.u32 s4, s0;
	s1 =	sshll.u32 s1, $0x11  }
0xc9: {  	s0 =	sor.u32 s1, s0  }
0xca: {  	s0 =	sadd.s32 $0x8F2B, s0  }
0xcb: {  	[sflag:s0] =	ssyncadd.remote.s32 $0x1  }
0xcc: {  	_ =	sfence.sel $0xFFFF  }
0xcd: {  	[dreg:$0x0] =	wrdreg $0xFFFFFFFF;
	(pc) =	sbr.abs _section_cstart, $3  }
0xce: {  	[dreg:$0x1] =	wrdreg $0xFFFFFFFF  }
0xcf: {  	_ =	task.clear_ibuf [dreg:s22], $0x2FFFF;
	_ =	strace $0x9FFFFFFF  }
0xd0: {  	(tm) =	ssettm $0x7FFFFFFF  }
0xd1: {  	_ =	shalt  }
tec
execute0_lowered:
.L_overlay_start_1:
0x0: {  	(tag) =	ssettag $0x1  }
0x1: {  	s4 =	rddreg [dreg:$0x0]  }
0x2: {  	s0 =	rddreg [dreg:$0x1]  }
0x3: {  	s3 =	srdreg.scid;
	s1 =	stileid.u32;
	s2 =	simm.s32 $0x0  }
0x4: {  	s10 =	simm.s32 $0x1;
	s11 =	simm.s32 $0x0;
	s6 =	smul.u32 $0x4E20, s1  }
0x5: {  	s5 =	sand.u32 $0x1, s3;
	[smem:$0x7FF] =	sst s2;
	s8 =	smul.u32 $0x4E200, s1  }
0x6: {  	s3 =	sadd.s32 $0xC8600, s4;
	s7 =	smul.u32 $0x2710, s5;
	s9 =	ssub.s32 $0x2, s5  }
0x7: {  	_ =	strace $0x80000053;
	s5 =	smul.u32 $0x27100, s5;
	s31 =	sshrl.u32 s9, $0x1  }
0x8: {  	s30 =	sadd.s32 s8, s4;
	s6 =	sadd.s32 s7, s6;
	s8 =	ssub.s32 s9, s31  }
0x9: {  	s5 =	sadd.s32 s5, s30;
	s7 =	simm.s32 $0x2;
	s6 =	sshrl.u32 s6, $0x3  }
0xa: {  	s9 =	simm.s32 $0x400;
	s5 =	sadd.s32 $0x861C00, s5;
	s6 =	sadd.s32 s6, s4  }
0xb: {  	s4 =	smax.u32 s8, $0x1;
	s8 =	simm.s32 $0x3E8;
	s6 =	sadd.s32 $0x8BE00, s6  }
.LBB2_1:
0xc: {  	s12 =	sadd.s32 $0x0, s6  }
0xd: {  	[tilespmem:s2], [sflag:$0x2] =	stream.linear.gather [hbm4b:s12+s2], $0x3E8, $0x38;
	[tilespmem:$0x1F800] =	vst v63  }
0xe: {  	_ =	swait.ge [sflag:s7], $0x3E8  }
0xf: {  	[sflag:s7] =	ssyncset.done $0x0  }
0x10: {  	[sflag:s7] =	ssyncadd.s32 $0xFFFFFC18  }
0x11: {  	[tilespmem:s9], [sflag:$0x1] =	stream.indirect.gather [hbm4b:s3+s8], $0x80, s2, s8, $0xb8;
	[tilespmem:$0x1F800] =	vst v63  }
0x12: {  	_ =	swait.ge [sflag:s10], $0x1F400  }
0x13: {  	[sflag:s10] =	ssyncset.done $0x0  }
0x14: {  	[sflag:s10] =	ssyncadd.s32 $0xFFFE0C00  }
0x15: {  	[hbm4b:s5+s2] =	stream.linear.scatter [tilespmem:s9], [sflag:$0x2], $0x1F400, $0x38;
	[tilespmem:$0x1F800] =	vst v63  }
0x16: {  	s13 =	simm.s32 $0x7D;
	_ =	swait.ge [sflag:s7], $0x1F400  }
0x17: {  	s14 =	simm.s32 $0xFA;
	s12 =	sadd.s32 $0x3E80, s5;
	[sflag:s7] =	ssyncset.done $0x0  }
.LBB2_2:
0x18: {  	s15 =	sadd.s32 s13, s6  }
0x19: {  	[sflag:s7] =	ssyncadd.s32 $0xFFFE0C00;
	s13 =	smov.u32 s14;
	s16 =	sadd.s32 $0x7D, s14  }
0x1a: {  	[tilespmem:s2], [sflag:$0x2] =	stream.linear.gather [hbm4b:s15+s2], $0x3E8, $0x38;
	[tilespmem:$0x1F800] =	vst v63  }
0x1b: {  	p0 =	sne.s32 s14, $0x465;
	_ =	swait.ge [sflag:s7], $0x3E8  }
0x1c: {  	[sflag:s7] =	ssyncset.done $0x0  }
0x1d: {  	[sflag:s7] =	ssyncadd.s32 $0xFFFFFC18  }
0x1e: {  	[tilespmem:s9], [sflag:$0x1] =	stream.indirect.gather [hbm4b:s3+s8], $0x80, s2, s8, $0xb8;
	[tilespmem:$0x1F800] =	vst v63  }
0x1f: {  	_ =	swait.ge [sflag:s10], $0x1F400  }
.Ltmp0:
0x20: {  	[sflag:s10] =	ssyncset.done $0x0;
	(pc) =	sbr.rel @p0 .LBB2_2-.Ltmp0, $4  }
0x21: {  	[sflag:s10] =	ssyncadd.s32 $0xFFFE0C00  }
0x22: {  	[hbm4b:s12+s2] =	stream.linear.scatter [tilespmem:s9], [sflag:$0x2], $0x1F400, $0x38;
	[tilespmem:$0x1F800] =	vst v63  }
0x23: {  	_ =	swait.ge [sflag:s7], $0x1F400  }
0x24: {  	s14 =	smov.u32 s16;
	s12 =	sadd.s32 $0x3E80, s12;
	[sflag:s7] =	ssyncset.done $0x0  }
0x25: {  	s13 =	sadd.s32 s13, s6;
	[sflag:s7] =	ssyncadd.s32 $0xFFFE0C00  }
0x26: {  	[tilespmem:s2], [sflag:$0x2] =	stream.linear.gather [hbm4b:s13+s2], $0x3E8, $0x38;
	[tilespmem:$0x1F800] =	vst v63  }
0x27: {  	_ =	swait.ge [sflag:s7], $0x3E8  }
0x28: {  	[sflag:s7] =	ssyncset.done $0x0  }
0x29: {  	[sflag:s7] =	ssyncadd.s32 $0xFFFFFC18  }
0x2a: {  	[tilespmem:s9], [sflag:$0x1] =	stream.indirect.gather [hbm4b:s3+s8], $0x80, s2, s8, $0xb8;
	[tilespmem:$0x1F800] =	vst v63  }
0x2b: {  	s11 =	sadd.s32 $0x1, s11;
	_ =	swait.ge [sflag:s10], $0x1F400  }
0x2c: {  	p0 =	sne.s32 s11, s4;
	[sflag:s10] =	ssyncset.done $0x0  }
.Ltmp1:
0x2d: {  	[sflag:s10] =	ssyncadd.s32 $0xFFFE0C00;
	(pc) =	sbr.rel @p0 .LBB2_1-.Ltmp1, $4  }
0x2e: {  	[hbm4b:s12+s2] =	stream.linear.scatter [tilespmem:s9], [sflag:$0x2], $0x1F400, $0x38;
	[tilespmem:$0x1F800] =	vst v63  }
0x2f: {  	_ =	swait.ge [sflag:s7], $0x1F400  }
0x30: {  	[sflag:s7] =	ssyncset.done $0x0  }
0x31: {  	[sflag:s7] =	ssyncadd.s32 $0xFFFE0C00  }
0x32: {  	_ =	sfence.sel $0x180000  }
0x33: {  	[bflag:$0x0] =	sbarrier.arrive $0xFFFF  }
0x34: {  	p0 =	sne.s32 s1, $0x0;
	_ =	strace $0x90000053  }
0x35: {  	s0 =	sadd.s32 @!p0 $0x100000, s0;
	[bflag:$0x2] =	sbarrier.arrive $0xFFFF  }
0x36: {  	[sflag:s0] =	ssyncadd.tile.s32 @!p0 $0x1;
	_ =	shalt  }
.Lfunc_end2:
_tile_overlayer_lowered:
.L_overlay_start_2:
0x37: {  	(tag) =	ssettag $0x2  }
0x38: {  	s0 =	rddreg [dreg:$0x0];
	s2 =	stileid.u32  }
0x39: {  	s1 =	rddreg [dreg:$0x1];
	p0 =	sne.s32 s2, $0x0  }
0x3a: {  	s3 =	rddreg [dreg:$0x2];
	[bflag:$0x3] =	sbarrier.arrive $0xFFFF;
	s2 =	simm.s32 @!p0 $0x1C02  }
0x3b: {  	[timem:s3], [sflag:s2] =	dma.local @!p0 [hbm:s0], s1  }
0x3c: {  	s0 =	simm.s32 @!p0 $0x2  }
0x3d: {  	_ =	swait.ge @!p0 [sflag:s0], s1  }
0x3e: {  	s1 =	ssub.s32 @!p0 $0x0, s1;
	[sflag:s0] =	ssyncset.done @!p0 $0x0  }
0x3f: {  	[sflag:s0] =	ssyncadd.s32 @!p0 s1  }
0x40: {  	[bflag:$0x3] =	sbarrier.arrive $0xFFFF  }
0x41: {  	_ =	shalt  }

</sc_bundles>
